<compile_context>
chip_gen: v7x
topology: tpu7x:2x2x1
jax: 0.10.2.dev20260603
libtpu: 0.0.44.dev20260713+nightly
codegen_flags: <defaults>
</compile_context>

<pallas_src>
import functools

import jax
import jax.numpy as jnp
from jax import lax
from jax.experimental import pallas as pl
from jax.experimental.pallas import tpu as pltpu
from jax.experimental.pallas import tpu_sc as plsc

_C = 128
_NW = 32

_BCAST_DNUMS = lax.GatherDimensionNumbers(
    offset_dims=(), collapsed_slice_dims=(0,), start_index_map=(0,))


def _lane_bcast(vec, lane):
    idx = jnp.full((16, 1), lane, jnp.int32)
    return lax.gather(vec, idx, _BCAST_DNUMS, (1,),
                      mode=lax.GatherScatterMode.PROMISE_IN_BOUNDS)


def _sc_aggregate(n_nodes, n_chunks, n_acc, n_accd, y, edata, zidx):
    mesh = plsc.VectorSubcoreMesh(core_axis_name="c", subcore_axis_name="s")
    zero_chunks = n_acc // (16 * _C)

    @functools.partial(
        pl.kernel,
        out_type=[
            jax.ShapeDtypeStruct((2, n_acc, 128), jnp.float32),
            jax.ShapeDtypeStruct((2, n_accd, 128), jnp.float32),
        ],
        mesh=mesh,
        scratch_types=[
            pltpu.VMEM((4, _C), jnp.int32),
            pltpu.VMEM((6, _C), jnp.int32),
            pltpu.VMEM((_C, 128), jnp.float32),
            pltpu.VMEM((_C, 128), jnp.float32),
            pltpu.VMEM_SHARED((10240, 128), jnp.float32),
            pltpu.VMEM_SHARED((1280, 128), jnp.float32),
            pltpu.SemaphoreType.DMA,
        ],
        compiler_params=pltpu.CompilerParams(needs_layout_passes=False),
    )
    def sc_kernel(y_hbm, edata_hbm, zidx_hbm, outg_hbm, outd_hbm,
                  idx_v, zidx_v, rows_v, wtile_v, accg_sh, accd_sh, sem):
        c = lax.axis_index("c")
        s = lax.axis_index("s")
        wid = c * 16 + s

        pltpu.sync_copy(zidx_hbm.at[s], zidx_v)

        @pl.loop(0, _C)
        def _(e):
            z16 = jnp.zeros((16,), jnp.float32)
            for g in range(8):
                rows_v[e, pl.ds(g * 16, 16)] = z16
                wtile_v[e, pl.ds(g * 16, 16)] = z16

        for z in range(zero_chunks):
            pltpu.sync_copy(rows_v, accg_sh.at[zidx_v.at[z]])
        pltpu.sync_copy(wtile_v, accd_sh.at[zidx_v.at[zero_chunks]])
        plsc.subcore_barrier()

        @pl.loop(0, n_chunks)
        def _(j):
            pltpu.sync_copy(edata_hbm.at[wid, j], idx_v)
            pltpu.async_copy(y_hbm.at[idx_v.at[0]], rows_v, sem).wait()

            @pl.loop(0, _C // 16)
            def _(q):
                sl16 = pl.ds(q * 16, 16)
                wv = plsc.bitcast(idx_v[3, sl16], jnp.float32)
                dmod = jnp.bitwise_and(idx_v[1, sl16], 7)
                for l in range(16):
                    wb = _lane_bcast(wv, l)
                    db = _lane_bcast(dmod, l)
                    e = q * 16 + l
                    for g in range(8):
                        sl = pl.ds(g * 16, 16)
                        rows_v[e, sl] = rows_v[e, sl] * wb
                        wtile_v[e, sl] = jnp.where(db == g, wb, 0.0)

            pltpu.sync_copy(rows_v, accg_sh.at[idx_v.at[1]], add=True)
            pltpu.sync_copy(wtile_v, accd_sh.at[idx_v.at[2]], add=True)

        plsc.subcore_barrier()

        for z in range(zero_chunks):
            base = s * (zero_chunks * _C) + z * _C
            pltpu.async_copy(accg_sh.at[zidx_v.at[z]], rows_v, sem).wait()
            pltpu.sync_copy(rows_v, outg_hbm.at[c, pl.ds(base, _C)])
        pltpu.async_copy(accd_sh.at[zidx_v.at[zero_chunks]], wtile_v, sem).wait()
        rpsd = n_accd // 16
        pltpu.sync_copy(wtile_v.at[pl.ds(0, rpsd)],
                        outd_hbm.at[c, pl.ds(s * rpsd, rpsd)])

    return sc_kernel(y, edata, zidx)


def _tc_body(y_ref, g2_ref, d2_ref, W1_ref, b1_ref, W2_ref, W3_ref, b3_ref,
             gamma_ref, beta_ref, ms_ref, Wr_ref, br_ref, out_ref):
    y = y_ref[...]
    n = y_ref.shape[0]
    g = g2_ref[0, :n] + g2_ref[1, :n]
    deg = d2_ref[0, :, 0:1] + d2_ref[1, :, 0:1]
    h = jnp.dot(g, W1_ref[...], preferred_element_type=jnp.float32)
    h = h + deg * b1_ref[...]
    t = jnp.dot(y, W2_ref[...], preferred_element_type=jnp.float32)
    h = h - deg * t
    h = h + jnp.dot(y, W3_ref[...], preferred_element_type=jnp.float32) + b3_ref[...]
    mean = jnp.mean(h, axis=0, keepdims=True)
    out = h - mean * ms_ref[...]
    var = jnp.mean(out * out, axis=0, keepdims=True)
    h = out * lax.rsqrt(var + 1e-5) * gamma_ref[...] + beta_ref[...]
    h = jnp.maximum(h, 0.0)
    res = jnp.dot(y, Wr_ref[...], preferred_element_type=jnp.float32) + br_ref[...]
    out_ref[...] = res + h


def kernel(y, edge_index, edge_weight, W1, b1, W2, W3, b3, gamma, beta,
           mean_scale, Wr, br):
    n, d = y.shape
    e = edge_weight.shape[0]

    per_w = -(-e // _NW)
    n_chunks = -(-per_w // _C)
    ep = _NW * n_chunks * _C
    pad = ep - e
    n_acc = 16 * _C * (-(-(n + 1) // (16 * _C)))
    n_accd = 1280

    src = edge_index[0]
    dst = edge_index[1]
    w = edge_weight
    if pad:
        src = jnp.concatenate([src, jnp.zeros((pad,), jnp.int32)])
        dst = jnp.concatenate([dst, jnp.full((pad,), n, jnp.int32)])
        w = jnp.concatenate([w, jnp.zeros((pad,), jnp.float32)])
    order = jnp.argsort(dst)
    src, dst, w = src[order], dst[order], w[order]
    tot = _NW * n_chunks

    def deal(x):
        return x.reshape(_C, tot).T.reshape(_NW, n_chunks, _C)

    edata = jnp.stack(
        [deal(src), deal(dst), deal(dst >> 3), deal(w.view(jnp.int32))], axis=2)

    zc = n_acc // (16 * _C)
    zidx_acc = (jnp.arange(16, dtype=jnp.int32)[:, None, None] * (zc * _C)
                + jnp.arange(zc, dtype=jnp.int32)[None, :, None] * _C
                + jnp.arange(_C, dtype=jnp.int32)[None, None, :])
    zidx_accd = jnp.clip(
        jnp.arange(16, dtype=jnp.int32)[:, None, None] * (n_accd // 16)
        + jnp.arange(_C, dtype=jnp.int32)[None, None, :], 0, n_accd - 1)
    zidx = jnp.concatenate([zidx_acc, zidx_accd], axis=1)

    outg, outd = _sc_aggregate(n, n_chunks, n_acc, n_accd, y, edata, zidx)
    degp = outd.reshape(2, n_accd * 8, 16)[:, :n]

    out = pl.pallas_call(
        _tc_body,
        out_shape=jax.ShapeDtypeStruct((n, d), jnp.float32),
    )(y, outg, degp, W1, b1.reshape(1, d), W2, W3, b3.reshape(1, d),
      gamma.reshape(1, d), beta.reshape(1, d), mean_scale.reshape(1, d),
      Wr, br.reshape(1, d))
    return out

# --- scband reference (transcript-rebuilt; emitter-appended) ---
"""Pipeline reference for scband-res-graph-conv-block-28329604284661 (READ-ONLY COPY).

The authoritative reference and input builder live on the scoring server;
editing this copy changes nothing except your own understanding.
"""

import jax, jax.numpy as jnp
import numpy as np

N = 10000
E = 320000
D = 128


def setup_inputs(seed: int = 0) -> dict:
    key = jax.random.key(seed)
    ks = jax.random.split(key, 16)
    y = jax.random.normal(ks[0], (N, D), dtype=jnp.float32)
    edge_index = jax.random.randint(ks[1], (2, E), 0, N, dtype=jnp.int32)
    edge_weight = jax.random.uniform(ks[2], (E,), dtype=jnp.float32)
    s = 1.0 / np.sqrt(D)
    # LEConv params: lin1 (src, bias), lin2 (dst, no bias), lin3 (self, bias)
    W1 = jax.random.normal(ks[3], (D, D), dtype=jnp.float32) * s
    b1 = jnp.zeros((D,), dtype=jnp.float32)
    W2 = jax.random.normal(ks[4], (D, D), dtype=jnp.float32) * s
    W3 = jax.random.normal(ks[5], (D, D), dtype=jnp.float32) * s
    b3 = jnp.zeros((D,), dtype=jnp.float32)
    # GraphNorm params
    gamma = jnp.ones((D,), dtype=jnp.float32)
    beta = jnp.zeros((D,), dtype=jnp.float32)
    mean_scale = jnp.ones((D,), dtype=jnp.float32)
    # Residual Linear params
    Wr = jax.random.normal(ks[6], (D, D), dtype=jnp.float32) * s
    br = jnp.zeros((D,), dtype=jnp.float32)
    return {
        "y": y, "edge_index": edge_index, "edge_weight": edge_weight,
        "W1": W1, "b1": b1, "W2": W2, "W3": W3, "b3": b3,
        "gamma": gamma, "beta": beta, "mean_scale": mean_scale,
        "Wr": Wr, "br": br,
    }


def reference(y, edge_index, edge_weight, W1, b1, W2, W3, b3, gamma, beta, mean_scale, Wr, br):
    src = edge_index[0]
    dst = edge_index[1]
    # LEConv: out_i = sum_{j->i} w_ij * (lin1(x_j) - lin2(x_i)) + lin3(x_i)
    a = y @ W1 + b1
    b = y @ W2
    msg = (jnp.take(a, src, axis=0) - jnp.take(b, dst, axis=0)) * edge_weight[:, None]
    agg = jax.ops.segment_sum(msg, dst, num_segments=N)
    h = agg + y @ W3 + b3
    # GraphNorm with batch=None (single graph)
    mean = jnp.mean(h, axis=0, keepdims=True)
    out = h - mean * mean_scale
    var = jnp.mean(out * out, axis=0, keepdims=True)
    h = out / jnp.sqrt(var + 1e-5) * gamma + beta
    # activation
    h = jax.nn.relu(h)
    # dropout: eval mode -> identity
    # residual connection
    res = y @ Wr + br
    return res + h

if __name__ == "__main__":
    import jax
    _d = setup_inputs()
    print(jax.jit(kernel)(*tuple(_d.values())))

</pallas_src>

<mosaic_0001>
#map = affine_map<(d0, d1) -> (0, 0)>
#map1 = affine_map<(d0, d1) -> (0, 0, 0, 0)>
#map2 = affine_map<(d0, d1) -> (0, 0, 0)>
module attributes {stable_mosaic.version = 14 : i64} {
  func.func @sc_kernel(%arg0: i32, %arg1: i32, %arg2: memref<10000x128xf32, #tpu.memory_space<hbm>>, %arg3: memref<32x79x4x128xi32, #tpu.memory_space<hbm>>, %arg4: memref<16x6x128xi32, #tpu.memory_space<hbm>>, %arg5: memref<2x10240x128xf32, #tpu.memory_space<hbm>>, %arg6: memref<2x1280x128xf32, #tpu.memory_space<hbm>>, %arg7: memref<4x128xi32, #tpu.memory_space<vmem>>, %arg8: memref<6x128xi32, #tpu.memory_space<vmem>>, %arg9: memref<128x128xf32, #tpu.memory_space<vmem>>, %arg10: memref<128x128xf32, #tpu.memory_space<vmem>>, %arg11: memref<10240x128xf32, #tpu.memory_space<vmem_shared>>, %arg12: memref<1280x128xf32, #tpu.memory_space<vmem_shared>>, %arg13: memref<!tpu.dma_semaphore, #tpu.memory_space<semaphore_mem>>) attributes {dimension_semantics = [#tpu.dimension_semantics<core_parallel>, #tpu.dimension_semantics<subcore_parallel>], iteration_bounds = array<i64: 2, 16>, scalar_prefetch = 0 : i64, scratch_operands = 7 : i64, tpu.core_type = #tpu.core_type<sc_vector_subcore>, window_params = [{transform_indices = #map}, {transform_indices = #map1}, {transform_indices = #map2}, {transform_indices = #map2}, {transform_indices = #map2}]} {
    %mul3A = arith.constant 16 : i32
    %mul3A_0 = arith.muli %arg0, %mul3A : i32
    %add3A = arith.addi %mul3A_0, %arg1 : i32
    "tpu.region"() ({
      %run_scoped3A_120 = tpu.sem_alloc : memref<!tpu.dma_semaphore, #tpu.memory_space<semaphore_mem>>
      %dma_start3A_121 = arith.constant 0 : i32
      %dma_start3A_122 = arith.constant 0 : i32
      %dma_start3A_123 = tpu.memref_slice %arg4[%arg1, %dma_start3A_121, %dma_start3A_122] : memref<16x6x128xi32, #tpu.memory_space<hbm>> -> memref<1x6x128xi32, #tpu.memory_space<hbm>>
      %dma_start3A_124 = tpu.memref_squeeze %dma_start3A_123 : memref<1x6x128xi32, #tpu.memory_space<hbm>> -> memref<6x128xi32, #tpu.memory_space<hbm>>
      %dma_start3A_125 = arith.constant 0 : i32
      %dma_start3A_126 = arith.constant 0 : i32
      %dma_start3A_127 = tpu.memref_slice %arg4[%arg1, %dma_start3A_125, %dma_start3A_126] : memref<16x6x128xi32, #tpu.memory_space<hbm>> -> memref<1x6x128xi32, #tpu.memory_space<hbm>>
      %dma_start3A_128 = tpu.memref_squeeze %dma_start3A_127 : memref<1x6x128xi32, #tpu.memory_space<hbm>> -> memref<6x128xi32, #tpu.memory_space<hbm>>
      tpu.enqueue_dma source(%dma_start3A_128 : memref<6x128xi32, #tpu.memory_space<hbm>>) target(%arg8 : memref<6x128xi32, #tpu.memory_space<vmem>>) target_semaphore(%run_scoped3A_120 : memref<!tpu.dma_semaphore, #tpu.memory_space<semaphore_mem>>)
      %dma_wait3A_129 = arith.constant 0 : i32
      %dma_wait3A_130 = arith.constant 0 : i32
      %dma_wait3A_131 = tpu.memref_slice %arg4[%arg1, %dma_wait3A_129, %dma_wait3A_130] : memref<16x6x128xi32, #tpu.memory_space<hbm>> -> memref<1x6x128xi32, #tpu.memory_space<hbm>>
      %dma_wait3A_132 = tpu.memref_squeeze %dma_wait3A_131 : memref<1x6x128xi32, #tpu.memory_space<hbm>> -> memref<6x128xi32, #tpu.memory_space<hbm>>
      %dma_wait3A_133 = arith.constant 0 : i32
      %dma_wait3A_134 = arith.constant 0 : i32
      %dma_wait3A_135 = tpu.memref_slice %arg4[%arg1, %dma_wait3A_133, %dma_wait3A_134] : memref<16x6x128xi32, #tpu.memory_space<hbm>> -> memref<1x6x128xi32, #tpu.memory_space<hbm>>
      %dma_wait3A_136 = tpu.memref_squeeze %dma_wait3A_135 : memref<1x6x128xi32, #tpu.memory_space<hbm>> -> memref<6x128xi32, #tpu.memory_space<hbm>>
      tpu.wait_dma2 semaphore(%run_scoped3A_120 : memref<!tpu.dma_semaphore, #tpu.memory_space<semaphore_mem>>) src(%dma_wait3A_136 : memref<6x128xi32, #tpu.memory_space<hbm>>) dst(%arg8 : memref<6x128xi32, #tpu.memory_space<vmem>>)
      tpu.yield
    }) : () -> ()
    %scan3A = arith.constant 0 : i32
    %scan3A_1 = arith.constant 128 : i32
    %scan3A_2 = arith.addi %scan3A, %scan3A_1 : i32
    %scan3A_3 = arith.constant 1 : i32
    scf.for %scan3A_120 = %scan3A to %scan3A_2 step %scan3A_3  : i32 {
      %mul3A_121 = arith.constant 1 : i32
      %mul3A_122 = arith.muli %scan3A_120, %mul3A_121 : i32
      %add3A_123 = arith.constant 0 : i32
      %add3A_124 = arith.addi %add3A_123, %mul3A_122 : i32
      %broadcast_in_dim3A = arith.constant 0.000000e+00 : f32
      %broadcast_in_dim3A_125 = vector.broadcast %broadcast_in_dim3A : f32 to vector<16xf32>
      %swap3A = arith.index_cast %add3A_124 : i32 to index
      %swap3A_126 = arith.constant 0 : index
      %swap3A_127 = tpu.vector_load %arg9[%swap3A, %swap3A_126] {strides = array<i32>} : memref<128x128xf32, #tpu.memory_space<vmem>>, vector<16xf32>,
      tpu.vector_store %arg9[%swap3A, %swap3A_126], %broadcast_in_dim3A_125 {strides = array<i32>} : memref<128x128xf32, #tpu.memory_space<vmem>>, vector<16xf32>,
      %swap3A_128 = arith.index_cast %add3A_124 : i32 to index
      %swap3A_129 = arith.constant 0 : index
      %swap3A_130 = tpu.vector_load %arg10[%swap3A_128, %swap3A_129] {strides = array<i32>} : memref<128x128xf32, #tpu.memory_space<vmem>>, vector<16xf32>,
      tpu.vector_store %arg10[%swap3A_128, %swap3A_129], %broadcast_in_dim3A_125 {strides = array<i32>} : memref<128x128xf32, #tpu.memory_space<vmem>>, vector<16xf32>,
      %swap3A_131 = arith.index_cast %add3A_124 : i32 to index
      %swap3A_132 = arith.constant 16 : index
      %swap3A_133 = tpu.vector_load %arg9[%swap3A_131, %swap3A_132] {strides = array<i32>} : memref<128x128xf32, #tpu.memory_space<vmem>>, vector<16xf32>,
      tpu.vector_store %arg9[%swap3A_131, %swap3A_132], %broadcast_in_dim3A_125 {strides = array<i32>} : memref<128x128xf32, #tpu.memory_space<vmem>>, vector<16xf32>,
      %swap3A_134 = arith.index_cast %add3A_124 : i32 to index
      %swap3A_135 = arith.constant 16 : index
      %swap3A_136 = tpu.vector_load %arg10[%swap3A_134, %swap3A_135] {strides = array<i32>} : memref<128x128xf32, #tpu.memory_space<vmem>>, vector<16xf32>,
      tpu.vector_store %arg10[%swap3A_134, %swap3A_135], %broadcast_in_dim3A_125 {strides = array<i32>} : memref<128x128xf32, #tpu.memory_space<vmem>>, vector<16xf32>,
      %swap3A_137 = arith.index_cast %add3A_124 : i32 to index
      %swap3A_138 = arith.constant 32 : index
      %swap3A_139 = tpu.vector_load %arg9[%swap3A_137, %swap3A_138] {strides = array<i32>} : memref<128x128xf32, #tpu.memory_space<vmem>>, vector<16xf32>,
      tpu.vector_store %arg9[%swap3A_137, %swap3A_138], %broadcast_in_dim3A_125 {strides = array<i32>} : memref<128x128xf32, #tpu.memory_space<vmem>>, vector<16xf32>,
      %swap3A_140 = arith.index_cast %add3A_124 : i32 to index
      %swap3A_141 = arith.constant 32 : index
      %swap3A_142 = tpu.vector_load %arg10[%swap3A_140, %swap3A_141] {strides = array<i32>} : memref<128x128xf32, #tpu.memory_space<vmem>>, vector<16xf32>,
      tpu.vector_store %arg10[%swap3A_140, %swap3A_141], %broadcast_in_dim3A_125 {strides = array<i32>} : memref<128x128xf32, #tpu.memory_space<vmem>>, vector<16xf32>,
      %swap3A_143 = arith.index_cast %add3A_124 : i32 to index
      %swap3A_144 = arith.constant 48 : index
      %swap3A_145 = tpu.vector_load %arg9[%swap3A_143, %swap3A_144] {strides = array<i32>} : memref<128x128xf32, #tpu.memory_space<vmem>>, vector<16xf32>,
      tpu.vector_store %arg9[%swap3A_143, %swap3A_144], %broadcast_in_dim3A_125 {strides = array<i32>} : memref<128x128xf32, #tpu.memory_space<vmem>>, vector<16xf32>,
      %swap3A_146 = arith.index_cast %add3A_124 : i32 to index
      %swap3A_147 = arith.constant 48 : index
      %swap3A_148 = tpu.vector_load %arg10[%swap3A_146, %swap3A_147] {strides = array<i32>} : memref<128x128xf32, #tpu.memory_space<vmem>>, vector<16xf32>,
      tpu.vector_store %arg10[%swap3A_146, %swap3A_147], %broadcast_in_dim3A_125 {strides = array<i32>} : memref<128x128xf32, #tpu.memory_space<vmem>>, vector<16xf32>,
      %swap3A_149 = arith.index_cast %add3A_124 : i32 to index
      %swap3A_150 = arith.constant 64 : index
      %swap3A_151 = tpu.vector_load %arg9[%swap3A_149, %swap3A_150] {strides = array<i32>} : memref<128x128xf32, #tpu.memory_space<vmem>>, vector<16xf32>,
      tpu.vector_store %arg9[%swap3A_149, %swap3A_150], %broadcast_in_dim3A_125 {strides = array<i32>} : memref<128x128xf32, #tpu.memory_space<vmem>>, vector<16xf32>,
      %swap3A_152 = arith.index_cast %add3A_124 : i32 to index
      %swap3A_153 = arith.constant 64 : index
      %swap3A_154 = tpu.vector_load %arg10[%swap3A_152, %swap3A_153] {strides = array<i32>} : memref<128x128xf32, #tpu.memory_space<vmem>>, vector<16xf32>,
      tpu.vector_store %arg10[%swap3A_152, %swap3A_153], %broadcast_in_dim3A_125 {strides = array<i32>} : memref<128x128xf32, #tpu.memory_space<vmem>>, vector<16xf32>,
      %swap3A_155 = arith.index_cast %add3A_124 : i32 to index
      %swap3A_156 = arith.constant 80 : index
      %swap3A_157 = tpu.vector_load %arg9[%swap3A_155, %swap3A_156] {strides = array<i32>} : memref<128x128xf32, #tpu.memory_space<vmem>>, vector<16xf32>,
      tpu.vector_store %arg9[%swap3A_155, %swap3A_156], %broadcast_in_dim3A_125 {strides = array<i32>} : memref<128x128xf32, #tpu.memory_space<vmem>>, vector<16xf32>,
      %swap3A_158 = arith.index_cast %add3A_124 : i32 to index
      %swap3A_159 = arith.constant 80 : index
      %swap3A_160 = tpu.vector_load %arg10[%swap3A_158, %swap3A_159] {strides = array<i32>} : memref<128x128xf32, #tpu.memory_space<vmem>>, vector<16xf32>,
      tpu.vector_store %arg10[%swap3A_158, %swap3A_159], %broadcast_in_dim3A_125 {strides = array<i32>} : memref<128x128xf32, #tpu.memory_space<vmem>>, vector<16xf32>,
      %swap3A_161 = arith.index_cast %add3A_124 : i32 to index
      %swap3A_162 = arith.constant 96 : index
      %swap3A_163 = tpu.vector_load %arg9[%swap3A_161, %swap3A_162] {strides = array<i32>} : memref<128x128xf32, #tpu.memory_space<vmem>>, vector<16xf32>,
      tpu.vector_store %arg9[%swap3A_161, %swap3A_162], %broadcast_in_dim3A_125 {strides = array<i32>} : memref<128x128xf32, #tpu.memory_space<vmem>>, vector<16xf32>,
      %swap3A_164 = arith.index_cast %add3A_124 : i32 to index
      %swap3A_165 = arith.constant 96 : index
      %swap3A_166 = tpu.vector_load %arg10[%swap3A_164, %swap3A_165] {strides = array<i32>} : memref<128x128xf32, #tpu.memory_space<vmem>>, vector<16xf32>,
      tpu.vector_store %arg10[%swap3A_164, %swap3A_165], %broadcast_in_dim3A_125 {strides = array<i32>} : memref<128x128xf32, #tpu.memory_space<vmem>>, vector<16xf32>,
      %swap3A_167 = arith.index_cast %add3A_124 : i32 to index
      %swap3A_168 = arith.constant 112 : index
      %swap3A_169 = tpu.vector_load %arg9[%swap3A_167, %swap3A_168] {strides = array<i32>} : memref<128x128xf32, #tpu.memory_space<vmem>>, vector<16xf32>,
      tpu.vector_store %arg9[%swap3A_167, %swap3A_168], %broadcast_in_dim3A_125 {strides = array<i32>} : memref<128x128xf32, #tpu.memory_space<vmem>>, vector<16xf32>,
      %swap3A_170 = arith.index_cast %add3A_124 : i32 to index
      %swap3A_171 = arith.constant 112 : index
      %swap3A_172 = tpu.vector_load %arg10[%swap3A_170, %swap3A_171] {strides = array<i32>} : memref<128x128xf32, #tpu.memory_space<vmem>>, vector<16xf32>,
      tpu.vector_store %arg10[%swap3A_170, %swap3A_171], %broadcast_in_dim3A_125 {strides = array<i32>} : memref<128x128xf32, #tpu.memory_space<vmem>>, vector<16xf32>,
    }
    %scan3A_4 = arith.constant 128 : i32
    %run_scoped3A = arith.constant 0 : i32
    "tpu.region"() ({
      %run_scoped3A_120 = tpu.sem_alloc : memref<!tpu.dma_semaphore, #tpu.memory_space<semaphore_mem>>
      %dma_start3A_121 = arith.constant 0 : i32
      %dma_start3A_122 = tpu.memref_slice %arg8[%run_scoped3A, %dma_start3A_121] : memref<6x128xi32, #tpu.memory_space<vmem>> -> memref<1x128xi32, #tpu.memory_space<vmem>>
      %dma_start3A_123 = tpu.memref_squeeze %dma_start3A_122 : memref<1x128xi32, #tpu.memory_space<vmem>> -> memref<128xi32, #tpu.memory_space<vmem>>
      %dma_start3A_124 = arith.constant 0 : i32
      %dma_start3A_125 = arith.constant 0 : i32
      %dma_start3A_126 = tpu.memref_slice %arg11[%dma_start3A_124, %dma_start3A_125] : memref<10240x128xf32, #tpu.memory_space<vmem_shared>> -> memref<10240x128xf32, #tpu.memory_space<vmem_shared>>
      tpu.enqueue_indirect_dma source(%arg9 : memref<128x128xf32, #tpu.memory_space<vmem>>) target(%dma_start3A_126 : memref<10240x128xf32, #tpu.memory_space<vmem_shared>>) offsets(%dma_start3A_123 : memref<128xi32, #tpu.memory_space<vmem>>) semaphore(%run_scoped3A_120 : memref<!tpu.dma_semaphore, #tpu.memory_space<semaphore_mem>>)
      %dma_wait3A_127 = arith.constant 0 : i32
      %dma_wait3A_128 = tpu.memref_slice %arg8[%run_scoped3A, %dma_wait3A_127] : memref<6x128xi32, #tpu.memory_space<vmem>> -> memref<1x128xi32, #tpu.memory_space<vmem>>
      %dma_wait3A_129 = tpu.memref_squeeze %dma_wait3A_128 : memref<1x128xi32, #tpu.memory_space<vmem>> -> memref<128xi32, #tpu.memory_space<vmem>>
      %dma_wait3A_130 = arith.constant 0 : i32
      %dma_wait3A_131 = arith.constant 0 : i32
      %dma_wait3A_132 = tpu.memref_slice %arg11[%dma_wait3A_130, %dma_wait3A_131] : memref<10240x128xf32, #tpu.memory_space<vmem_shared>> -> memref<10240x128xf32, #tpu.memory_space<vmem_shared>>
      tpu.wait_indirect_dma semaphore(%run_scoped3A_120 : memref<!tpu.dma_semaphore, #tpu.memory_space<semaphore_mem>>) src(%arg9 : memref<128x128xf32, #tpu.memory_space<vmem>>) dst(%dma_wait3A_132 : memref<10240x128xf32, #tpu.memory_space<vmem_shared>>)
      tpu.yield
    }) : () -> ()
    %run_scoped3A_5 = arith.constant 1 : i32
    "tpu.region"() ({
      %run_scoped3A_120 = tpu.sem_alloc : memref<!tpu.dma_semaphore, #tpu.memory_space<semaphore_mem>>
      %dma_start3A_121 = arith.constant 0 : i32
      %dma_start3A_122 = tpu.memref_slice %arg8[%run_scoped3A_5, %dma_start3A_121] : memref<6x128xi32, #tpu.memory_space<vmem>> -> memref<1x128xi32, #tpu.memory_space<vmem>>
      %dma_start3A_123 = tpu.memref_squeeze %dma_start3A_122 : memref<1x128xi32, #tpu.memory_space<vmem>> -> memref<128xi32, #tpu.memory_space<vmem>>
      %dma_start3A_124 = arith.constant 0 : i32
      %dma_start3A_125 = arith.constant 0 : i32
      %dma_start3A_126 = tpu.memref_slice %arg11[%dma_start3A_124, %dma_start3A_125] : memref<10240x128xf32, #tpu.memory_space<vmem_shared>> -> memref<10240x128xf32, #tpu.memory_space<vmem_shared>>
      tpu.enqueue_indirect_dma source(%arg9 : memref<128x128xf32, #tpu.memory_space<vmem>>) target(%dma_start3A_126 : memref<10240x128xf32, #tpu.memory_space<vmem_shared>>) offsets(%dma_start3A_123 : memref<128xi32, #tpu.memory_space<vmem>>) semaphore(%run_scoped3A_120 : memref<!tpu.dma_semaphore, #tpu.memory_space<semaphore_mem>>)
      %dma_wait3A_127 = arith.constant 0 : i32
      %dma_wait3A_128 = tpu.memref_slice %arg8[%run_scoped3A_5, %dma_wait3A_127] : memref<6x128xi32, #tpu.memory_space<vmem>> -> memref<1x128xi32, #tpu.memory_space<vmem>>
      %dma_wait3A_129 = tpu.memref_squeeze %dma_wait3A_128 : memref<1x128xi32, #tpu.memory_space<vmem>> -> memref<128xi32, #tpu.memory_space<vmem>>
      %dma_wait3A_130 = arith.constant 0 : i32
      %dma_wait3A_131 = arith.constant 0 : i32
      %dma_wait3A_132 = tpu.memref_slice %arg11[%dma_wait3A_130, %dma_wait3A_131] : memref<10240x128xf32, #tpu.memory_space<vmem_shared>> -> memref<10240x128xf32, #tpu.memory_space<vmem_shared>>
      tpu.wait_indirect_dma semaphore(%run_scoped3A_120 : memref<!tpu.dma_semaphore, #tpu.memory_space<semaphore_mem>>) src(%arg9 : memref<128x128xf32, #tpu.memory_space<vmem>>) dst(%dma_wait3A_132 : memref<10240x128xf32, #tpu.memory_space<vmem_shared>>)
      tpu.yield
    }) : () -> ()
    %run_scoped3A_6 = arith.constant 2 : i32
    "tpu.region"() ({
      %run_scoped3A_120 = tpu.sem_alloc : memref<!tpu.dma_semaphore, #tpu.memory_space<semaphore_mem>>
      %dma_start3A_121 = arith.constant 0 : i32
      %dma_start3A_122 = tpu.memref_slice %arg8[%run_scoped3A_6, %dma_start3A_121] : memref<6x128xi32, #tpu.memory_space<vmem>> -> memref<1x128xi32, #tpu.memory_space<vmem>>
      %dma_start3A_123 = tpu.memref_squeeze %dma_start3A_122 : memref<1x128xi32, #tpu.memory_space<vmem>> -> memref<128xi32, #tpu.memory_space<vmem>>
      %dma_start3A_124 = arith.constant 0 : i32
      %dma_start3A_125 = arith.constant 0 : i32
      %dma_start3A_126 = tpu.memref_slice %arg11[%dma_start3A_124, %dma_start3A_125] : memref<10240x128xf32, #tpu.memory_space<vmem_shared>> -> memref<10240x128xf32, #tpu.memory_space<vmem_shared>>
      tpu.enqueue_indirect_dma source(%arg9 : memref<128x128xf32, #tpu.memory_space<vmem>>) target(%dma_start3A_126 : memref<10240x128xf32, #tpu.memory_space<vmem_shared>>) offsets(%dma_start3A_123 : memref<128xi32, #tpu.memory_space<vmem>>) semaphore(%run_scoped3A_120 : memref<!tpu.dma_semaphore, #tpu.memory_space<semaphore_mem>>)
      %dma_wait3A_127 = arith.constant 0 : i32
      %dma_wait3A_128 = tpu.memref_slice %arg8[%run_scoped3A_6, %dma_wait3A_127] : memref<6x128xi32, #tpu.memory_space<vmem>> -> memref<1x128xi32, #tpu.memory_space<vmem>>
      %dma_wait3A_129 = tpu.memref_squeeze %dma_wait3A_128 : memref<1x128xi32, #tpu.memory_space<vmem>> -> memref<128xi32, #tpu.memory_space<vmem>>
      %dma_wait3A_130 = arith.constant 0 : i32
      %dma_wait3A_131 = arith.constant 0 : i32
      %dma_wait3A_132 = tpu.memref_slice %arg11[%dma_wait3A_130, %dma_wait3A_131] : memref<10240x128xf32, #tpu.memory_space<vmem_shared>> -> memref<10240x128xf32, #tpu.memory_space<vmem_shared>>
      tpu.wait_indirect_dma semaphore(%run_scoped3A_120 : memref<!tpu.dma_semaphore, #tpu.memory_space<semaphore_mem>>) src(%arg9 : memref<128x128xf32, #tpu.memory_space<vmem>>) dst(%dma_wait3A_132 : memref<10240x128xf32, #tpu.memory_space<vmem_shared>>)
      tpu.yield
    }) : () -> ()
    %run_scoped3A_7 = arith.constant 3 : i32
    "tpu.region"() ({
      %run_scoped3A_120 = tpu.sem_alloc : memref<!tpu.dma_semaphore, #tpu.memory_space<semaphore_mem>>
      %dma_start3A_121 = arith.constant 0 : i32
      %dma_start3A_122 = tpu.memref_slice %arg8[%run_scoped3A_7, %dma_start3A_121] : memref<6x128xi32, #tpu.memory_space<vmem>> -> memref<1x128xi32, #tpu.memory_space<vmem>>
      %dma_start3A_123 = tpu.memref_squeeze %dma_start3A_122 : memref<1x128xi32, #tpu.memory_space<vmem>> -> memref<128xi32, #tpu.memory_space<vmem>>
      %dma_start3A_124 = arith.constant 0 : i32
      %dma_start3A_125 = arith.constant 0 : i32
      %dma_start3A_126 = tpu.memref_slice %arg11[%dma_start3A_124, %dma_start3A_125] : memref<10240x128xf32, #tpu.memory_space<vmem_shared>> -> memref<10240x128xf32, #tpu.memory_space<vmem_shared>>
      tpu.enqueue_indirect_dma source(%arg9 : memref<128x128xf32, #tpu.memory_space<vmem>>) target(%dma_start3A_126 : memref<10240x128xf32, #tpu.memory_space<vmem_shared>>) offsets(%dma_start3A_123 : memref<128xi32, #tpu.memory_space<vmem>>) semaphore(%run_scoped3A_120 : memref<!tpu.dma_semaphore, #tpu.memory_space<semaphore_mem>>)
      %dma_wait3A_127 = arith.constant 0 : i32
      %dma_wait3A_128 = tpu.memref_slice %arg8[%run_scoped3A_7, %dma_wait3A_127] : memref<6x128xi32, #tpu.memory_space<vmem>> -> memref<1x128xi32, #tpu.memory_space<vmem>>
      %dma_wait3A_129 = tpu.memref_squeeze %dma_wait3A_128 : memref<1x128xi32, #tpu.memory_space<vmem>> -> memref<128xi32, #tpu.memory_space<vmem>>
      %dma_wait3A_130 = arith.constant 0 : i32
      %dma_wait3A_131 = arith.constant 0 : i32
      %dma_wait3A_132 = tpu.memref_slice %arg11[%dma_wait3A_130, %dma_wait3A_131] : memref<10240x128xf32, #tpu.memory_space<vmem_shared>> -> memref<10240x128xf32, #tpu.memory_space<vmem_shared>>
      tpu.wait_indirect_dma semaphore(%run_scoped3A_120 : memref<!tpu.dma_semaphore, #tpu.memory_space<semaphore_mem>>) src(%arg9 : memref<128x128xf32, #tpu.memory_space<vmem>>) dst(%dma_wait3A_132 : memref<10240x128xf32, #tpu.memory_space<vmem_shared>>)
      tpu.yield
    }) : () -> ()
    %run_scoped3A_8 = arith.constant 4 : i32
    "tpu.region"() ({
      %run_scoped3A_120 = tpu.sem_alloc : memref<!tpu.dma_semaphore, #tpu.memory_space<semaphore_mem>>
      %dma_start3A_121 = arith.constant 0 : i32
      %dma_start3A_122 = tpu.memref_slice %arg8[%run_scoped3A_8, %dma_start3A_121] : memref<6x128xi32, #tpu.memory_space<vmem>> -> memref<1x128xi32, #tpu.memory_space<vmem>>
      %dma_start3A_123 = tpu.memref_squeeze %dma_start3A_122 : memref<1x128xi32, #tpu.memory_space<vmem>> -> memref<128xi32, #tpu.memory_space<vmem>>
      %dma_start3A_124 = arith.constant 0 : i32
      %dma_start3A_125 = arith.constant 0 : i32
      %dma_start3A_126 = tpu.memref_slice %arg11[%dma_start3A_124, %dma_start3A_125] : memref<10240x128xf32, #tpu.memory_space<vmem_shared>> -> memref<10240x128xf32, #tpu.memory_space<vmem_shared>>
      tpu.enqueue_indirect_dma source(%arg9 : memref<128x128xf32, #tpu.memory_space<vmem>>) target(%dma_start3A_126 : memref<10240x128xf32, #tpu.memory_space<vmem_shared>>) offsets(%dma_start3A_123 : memref<128xi32, #tpu.memory_space<vmem>>) semaphore(%run_scoped3A_120 : memref<!tpu.dma_semaphore, #tpu.memory_space<semaphore_mem>>)
      %dma_wait3A_127 = arith.constant 0 : i32
      %dma_wait3A_128 = tpu.memref_slice %arg8[%run_scoped3A_8, %dma_wait3A_127] : memref<6x128xi32, #tpu.memory_space<vmem>> -> memref<1x128xi32, #tpu.memory_space<vmem>>
      %dma_wait3A_129 = tpu.memref_squeeze %dma_wait3A_128 : memref<1x128xi32, #tpu.memory_space<vmem>> -> memref<128xi32, #tpu.memory_space<vmem>>
      %dma_wait3A_130 = arith.constant 0 : i32
      %dma_wait3A_131 = arith.constant 0 : i32
      %dma_wait3A_132 = tpu.memref_slice %arg11[%dma_wait3A_130, %dma_wait3A_131] : memref<10240x128xf32, #tpu.memory_space<vmem_shared>> -> memref<10240x128xf32, #tpu.memory_space<vmem_shared>>
      tpu.wait_indirect_dma semaphore(%run_scoped3A_120 : memref<!tpu.dma_semaphore, #tpu.memory_space<semaphore_mem>>) src(%arg9 : memref<128x128xf32, #tpu.memory_space<vmem>>) dst(%dma_wait3A_132 : memref<10240x128xf32, #tpu.memory_space<vmem_shared>>)
      tpu.yield
    }) : () -> ()
    %run_scoped3A_9 = arith.constant 5 : i32
    "tpu.region"() ({
      %run_scoped3A_120 = tpu.sem_alloc : memref<!tpu.dma_semaphore, #tpu.memory_space<semaphore_mem>>
      %dma_start3A_121 = arith.constant 0 : i32
      %dma_start3A_122 = tpu.memref_slice %arg8[%run_scoped3A_9, %dma_start3A_121] : memref<6x128xi32, #tpu.memory_space<vmem>> -> memref<1x128xi32, #tpu.memory_space<vmem>>
      %dma_start3A_123 = tpu.memref_squeeze %dma_start3A_122 : memref<1x128xi32, #tpu.memory_space<vmem>> -> memref<128xi32, #tpu.memory_space<vmem>>
      %dma_start3A_124 = arith.constant 0 : i32
      %dma_start3A_125 = arith.constant 0 : i32
      %dma_start3A_126 = tpu.memref_slice %arg12[%dma_start3A_124, %dma_start3A_125] : memref<1280x128xf32, #tpu.memory_space<vmem_shared>> -> memref<1280x128xf32, #tpu.memory_space<vmem_shared>>
      tpu.enqueue_indirect_dma source(%arg10 : memref<128x128xf32, #tpu.memory_space<vmem>>) target(%dma_start3A_126 : memref<1280x128xf32, #tpu.memory_space<vmem_shared>>) offsets(%dma_start3A_123 : memref<128xi32, #tpu.memory_space<vmem>>) semaphore(%run_scoped3A_120 : memref<!tpu.dma_semaphore, #tpu.memory_space<semaphore_mem>>)
      %dma_wait3A_127 = arith.constant 0 : i32
      %dma_wait3A_128 = tpu.memref_slice %arg8[%run_scoped3A_9, %dma_wait3A_127] : memref<6x128xi32, #tpu.memory_space<vmem>> -> memref<1x128xi32, #tpu.memory_space<vmem>>
      %dma_wait3A_129 = tpu.memref_squeeze %dma_wait3A_128 : memref<1x128xi32, #tpu.memory_space<vmem>> -> memref<128xi32, #tpu.memory_space<vmem>>
      %dma_wait3A_130 = arith.constant 0 : i32
      %dma_wait3A_131 = arith.constant 0 : i32
      %dma_wait3A_132 = tpu.memref_slice %arg12[%dma_wait3A_130, %dma_wait3A_131] : memref<1280x128xf32, #tpu.memory_space<vmem_shared>> -> memref<1280x128xf32, #tpu.memory_space<vmem_shared>>
      tpu.wait_indirect_dma semaphore(%run_scoped3A_120 : memref<!tpu.dma_semaphore, #tpu.memory_space<semaphore_mem>>) src(%arg10 : memref<128x128xf32, #tpu.memory_space<vmem>>) dst(%dma_wait3A_132 : memref<1280x128xf32, #tpu.memory_space<vmem_shared>>)
      tpu.yield
    }) : () -> ()
    %barrier3A = arith.constant 0 : index
    tpu.barrier barrier_id(%barrier3A)
    %scan3A_10 = arith.constant 0 : i32
    %scan3A_11 = arith.constant 79 : i32
    %scan3A_12 = arith.addi %scan3A_10, %scan3A_11 : i32
    %scan3A_13 = arith.constant 1 : i32
    scf.for %scan3A_120 = %scan3A_10 to %scan3A_12 step %scan3A_13  : i32 {
      %mul3A_121 = arith.constant 1 : i32
      %mul3A_122 = arith.muli %scan3A_120, %mul3A_121 : i32
      %add3A_123 = arith.constant 0 : i32
      %add3A_124 = arith.addi %add3A_123, %mul3A_122 : i32
      "tpu.region"() ({
        %run_scoped3A_146 = tpu.sem_alloc : memref<!tpu.dma_semaphore, #tpu.memory_space<semaphore_mem>>
        %dma_start3A_147 = arith.constant 0 : i32
        %dma_start3A_148 = arith.constant 0 : i32
        %dma_start3A_149 = tpu.memref_slice %arg3[%add3A, %add3A_124, %dma_start3A_147, %dma_start3A_148] : memref<32x79x4x128xi32, #tpu.memory_space<hbm>> -> memref<1x1x4x128xi32, #tpu.memory_space<hbm>>
        %dma_start3A_150 = tpu.memref_squeeze %dma_start3A_149 : memref<1x1x4x128xi32, #tpu.memory_space<hbm>> -> memref<4x128xi32, #tpu.memory_space<hbm>>
        %dma_start3A_151 = arith.constant 0 : i32
        %dma_start3A_152 = arith.constant 0 : i32
        %dma_start3A_153 = tpu.memref_slice %arg3[%add3A, %add3A_124, %dma_start3A_151, %dma_start3A_152] : memref<32x79x4x128xi32, #tpu.memory_space<hbm>> -> memref<1x1x4x128xi32, #tpu.memory_space<hbm>>
        %dma_start3A_154 = tpu.memref_squeeze %dma_start3A_153 : memref<1x1x4x128xi32, #tpu.memory_space<hbm>> -> memref<4x128xi32, #tpu.memory_space<hbm>>
        tpu.enqueue_dma source(%dma_start3A_154 : memref<4x128xi32, #tpu.memory_space<hbm>>) target(%arg7 : memref<4x128xi32, #tpu.memory_space<vmem>>) target_semaphore(%run_scoped3A_146 : memref<!tpu.dma_semaphore, #tpu.memory_space<semaphore_mem>>)
        %dma_wait3A_155 = arith.constant 0 : i32
        %dma_wait3A_156 = arith.constant 0 : i32
        %dma_wait3A_157 = tpu.memref_slice %arg3[%add3A, %add3A_124, %dma_wait3A_155, %dma_wait3A_156] : memref<32x79x4x128xi32, #tpu.memory_space<hbm>> -> memref<1x1x4x128xi32, #tpu.memory_space<hbm>>
        %dma_wait3A_158 = tpu.memref_squeeze %dma_wait3A_157 : memref<1x1x4x128xi32, #tpu.memory_space<hbm>> -> memref<4x128xi32, #tpu.memory_space<hbm>>
        %dma_wait3A_159 = arith.constant 0 : i32
        %dma_wait3A_160 = arith.constant 0 : i32
        %dma_wait3A_161 = tpu.memref_slice %arg3[%add3A, %add3A_124, %dma_wait3A_159, %dma_wait3A_160] : memref<32x79x4x128xi32, #tpu.memory_space<hbm>> -> memref<1x1x4x128xi32, #tpu.memory_space<hbm>>
        %dma_wait3A_162 = tpu.memref_squeeze %dma_wait3A_161 : memref<1x1x4x128xi32, #tpu.memory_space<hbm>> -> memref<4x128xi32, #tpu.memory_space<hbm>>
        tpu.wait_dma2 semaphore(%run_scoped3A_146 : memref<!tpu.dma_semaphore, #tpu.memory_space<semaphore_mem>>) src(%dma_wait3A_162 : memref<4x128xi32, #tpu.memory_space<hbm>>) dst(%arg7 : memref<4x128xi32, #tpu.memory_space<vmem>>)
        tpu.yield
      }) : () -> ()
      %dma_start3A_125 = arith.constant 0 : i32
      %dma_start3A_126 = arith.constant 0 : i32
      %dma_start3A_127 = tpu.memref_slice %arg7[%dma_start3A_125, %dma_start3A_126] : memref<4x128xi32, #tpu.memory_space<vmem>> -> memref<1x128xi32, #tpu.memory_space<vmem>>
      %dma_start3A_128 = tpu.memref_squeeze %dma_start3A_127 : memref<1x128xi32, #tpu.memory_space<vmem>> -> memref<128xi32, #tpu.memory_space<vmem>>
      %dma_start3A_129 = arith.constant 0 : i32
      %dma_start3A_130 = arith.constant 0 : i32
      %dma_start3A_131 = tpu.memref_slice %arg2[%dma_start3A_129, %dma_start3A_130] : memref<10000x128xf32, #tpu.memory_space<hbm>> -> memref<10000x128xf32, #tpu.memory_space<hbm>>
      tpu.enqueue_indirect_dma source(%dma_start3A_131 : memref<10000x128xf32, #tpu.memory_space<hbm>>) target(%arg9 : memref<128x128xf32, #tpu.memory_space<vmem>>) offsets(%dma_start3A_128 : memref<128xi32, #tpu.memory_space<vmem>>) semaphore(%arg13 : memref<!tpu.dma_semaphore, #tpu.memory_space<semaphore_mem>>)
      %dma_wait3A_132 = arith.constant 0 : i32
      %dma_wait3A_133 = arith.constant 0 : i32
      %dma_wait3A_134 = tpu.memref_slice %arg7[%dma_wait3A_132, %dma_wait3A_133] : memref<4x128xi32, #tpu.memory_space<vmem>> -> memref<1x128xi32, #tpu.memory_space<vmem>>
      %dma_wait3A_135 = tpu.memref_squeeze %dma_wait3A_134 : memref<1x128xi32, #tpu.memory_space<vmem>> -> memref<128xi32, #tpu.memory_space<vmem>>
      %dma_wait3A_136 = arith.constant 0 : i32
      %dma_wait3A_137 = arith.constant 0 : i32
      %dma_wait3A_138 = tpu.memref_slice %arg2[%dma_wait3A_136, %dma_wait3A_137] : memref<10000x128xf32, #tpu.memory_space<hbm>> -> memref<10000x128xf32, #tpu.memory_space<hbm>>
      tpu.wait_indirect_dma semaphore(%arg13 : memref<!tpu.dma_semaphore, #tpu.memory_space<semaphore_mem>>) src(%dma_wait3A_138 : memref<10000x128xf32, #tpu.memory_space<hbm>>) dst(%arg9 : memref<128x128xf32, #tpu.memory_space<vmem>>)
      %scan3A_139 = arith.constant 0 : i32
      %scan3A_140 = arith.constant 8 : i32
      %scan3A_141 = arith.addi %scan3A_139, %scan3A_140 : i32
      %scan3A_142 = arith.constant 1 : i32
      scf.for %scan3A_146 = %scan3A_139 to %scan3A_141 step %scan3A_142  : i32 {
        %mul3A_147 = arith.constant 1 : i32
        %mul3A_148 = arith.muli %scan3A_146, %mul3A_147 : i32
        %add3A_149 = arith.constant 0 : i32
        %add3A_150 = arith.addi %add3A_149, %mul3A_148 : i32
        %mul3A_151 = arith.constant 16 : i32
        %mul3A_152 = arith.muli %add3A_150, %mul3A_151 : i32
        %get3A = arith.constant 3 : i32
        %get3A_153 = arith.index_cast %get3A : i32 to index
        %get3A_154 = arith.index_cast %mul3A_152 : i32 to index
        %get3A_155 = tpu.vector_load %arg7[%get3A_153, %get3A_154] {strides = array<i32>} : memref<4x128xi32, #tpu.memory_space<vmem>>, vector<16xi32>,
        %bitcast3A = vector.bitcast %get3A_155 : vector<16xi32> to vector<16xf32>
        %get3A_156 = arith.constant 1 : i32
        %get3A_157 = arith.index_cast %get3A_156 : i32 to index
        %get3A_158 = arith.index_cast %mul3A_152 : i32 to index
        %get3A_159 = tpu.vector_load %arg7[%get3A_157, %get3A_158] {strides = array<i32>} : memref<4x128xi32, #tpu.memory_space<vmem>>, vector<16xi32>,
        %and3A = arith.constant 7 : i32
        %and3A_160 = vector.broadcast %and3A : i32 to vector<16xi32>
        %and3A_161 = arith.andi %get3A_159, %and3A_160 : vector<16xi32>
        %broadcast_in_dim3A = arith.constant 0 : i32
        %broadcast_in_dim3A_162 = vector.broadcast %broadcast_in_dim3A : i32 to vector<16x1xi32>
        %gather3A = vector.shape_cast %broadcast_in_dim3A_162 : vector<16x1xi32> to vector<16xi32>
        %gather3A_163 = tpu.dynamic_gather %bitcast3A[%gather3A] in [0] : vector<16xf32>, vector<16xi32> -> vector<16xf32>
        %broadcast_in_dim3A_164 = arith.constant 0 : i32
        %broadcast_in_dim3A_165 = vector.broadcast %broadcast_in_dim3A_164 : i32 to vector<16x1xi32>
        %gather3A_166 = vector.shape_cast %broadcast_in_dim3A_165 : vector<16x1xi32> to vector<16xi32>
        %gather3A_167 = tpu.dynamic_gather %and3A_161[%gather3A_166] in [0] : vector<16xi32>, vector<16xi32> -> vector<16xi32>
        %mul3A_168 = arith.constant 16 : i32
        %mul3A_169 = arith.muli %add3A_150, %mul3A_168 : i32
        %add3A_170 = arith.constant 0 : i32
        %add3A_171 = arith.addi %mul3A_169, %add3A_170 : i32
        %get3A_172 = arith.index_cast %add3A_171 : i32 to index
        %get3A_173 = arith.constant 0 : index
        %get3A_174 = tpu.vector_load %arg9[%get3A_172, %get3A_173] {strides = array<i32>} : memref<128x128xf32, #tpu.memory_space<vmem>>, vector<16xf32>,
        %mul3A_175 = arith.mulf %get3A_174, %gather3A_163 : vector<16xf32>
        %swap3A = arith.index_cast %add3A_171 : i32 to index
        %swap3A_176 = arith.constant 0 : index
        %swap3A_177 = tpu.vector_load %arg9[%swap3A, %swap3A_176] {strides = array<i32>} : memref<128x128xf32, #tpu.memory_space<vmem>>, vector<16xf32>,
        tpu.vector_store %arg9[%swap3A, %swap3A_176], %mul3A_175 {strides = array<i32>} : memref<128x128xf32, #tpu.memory_space<vmem>>, vector<16xf32>,
        %eq3A = arith.constant 0 : i32
        %eq3A_178 = vector.broadcast %eq3A : i32 to vector<16xi32>
        %eq3A_179 = arith.cmpi eq, %gather3A_167, %eq3A_178 : vector<16xi32>
        %jit3A = arith.constant 0.000000e+00 : f32
        %broadcast_in_dim3A_180 = vector.broadcast %jit3A : f32 to vector<16xf32>
        %select_n3A = arith.select %eq3A_179, %gather3A_163, %broadcast_in_dim3A_180 : vector<16xi1>, vector<16xf32>
        %swap3A_181 = arith.index_cast %add3A_171 : i32 to index
        %swap3A_182 = arith.constant 0 : index
        %swap3A_183 = tpu.vector_load %arg10[%swap3A_181, %swap3A_182] {strides = array<i32>} : memref<128x128xf32, #tpu.memory_space<vmem>>, vector<16xf32>,
        tpu.vector_store %arg10[%swap3A_181, %swap3A_182], %select_n3A {strides = array<i32>} : memref<128x128xf32, #tpu.memory_space<vmem>>, vector<16xf32>,
        %get3A_184 = arith.index_cast %add3A_171 : i32 to index
        %get3A_185 = arith.constant 16 : index
        %get3A_186 = tpu.vector_load %arg9[%get3A_184, %get3A_185] {strides = array<i32>} : memref<128x128xf32, #tpu.memory_space<vmem>>, vector<16xf32>,
        %mul3A_187 = arith.mulf %get3A_186, %gather3A_163 : vector<16xf32>
        %swap3A_188 = arith.index_cast %add3A_171 : i32 to index
        %swap3A_189 = arith.constant 16 : index
        %swap3A_190 = tpu.vector_load %arg9[%swap3A_188, %swap3A_189] {strides = array<i32>} : memref<128x128xf32, #tpu.memory_space<vmem>>, vector<16xf32>,
        tpu.vector_store %arg9[%swap3A_188, %swap3A_189], %mul3A_187 {strides = array<i32>} : memref<128x128xf32, #tpu.memory_space<vmem>>, vector<16xf32>,
        %eq3A_191 = arith.constant 1 : i32
        %eq3A_192 = vector.broadcast %eq3A_191 : i32 to vector<16xi32>
        %eq3A_193 = arith.cmpi eq, %gather3A_167, %eq3A_192 : vector<16xi32>
        %jit3A_194 = arith.constant 0.000000e+00 : f32
        %broadcast_in_dim3A_195 = vector.broadcast %jit3A_194 : f32 to vector<16xf32>
        %select_n3A_196 = arith.select %eq3A_193, %gather3A_163, %broadcast_in_dim3A_195 : vector<16xi1>, vector<16xf32>
        %swap3A_197 = arith.index_cast %add3A_171 : i32 to index
        %swap3A_198 = arith.constant 16 : index
        %swap3A_199 = tpu.vector_load %arg10[%swap3A_197, %swap3A_198] {strides = array<i32>} : memref<128x128xf32, #tpu.memory_space<vmem>>, vector<16xf32>,
        tpu.vector_store %arg10[%swap3A_197, %swap3A_198], %select_n3A_196 {strides = array<i32>} : memref<128x128xf32, #tpu.memory_space<vmem>>, vector<16xf32>,
        %get3A_200 = arith.index_cast %add3A_171 : i32 to index
        %get3A_201 = arith.constant 32 : index
        %get3A_202 = tpu.vector_load %arg9[%get3A_200, %get3A_201] {strides = array<i32>} : memref<128x128xf32, #tpu.memory_space<vmem>>, vector<16xf32>,
        %mul3A_203 = arith.mulf %get3A_202, %gather3A_163 : vector<16xf32>
        %swap3A_204 = arith.index_cast %add3A_171 : i32 to index
        %swap3A_205 = arith.constant 32 : index
        %swap3A_206 = tpu.vector_load %arg9[%swap3A_204, %swap3A_205] {strides = array<i32>} : memref<128x128xf32, #tpu.memory_space<vmem>>, vector<16xf32>,
        tpu.vector_store %arg9[%swap3A_204, %swap3A_205], %mul3A_203 {strides = array<i32>} : memref<128x128xf32, #tpu.memory_space<vmem>>, vector<16xf32>,
        %eq3A_207 = arith.constant 2 : i32
        %eq3A_208 = vector.broadcast %eq3A_207 : i32 to vector<16xi32>
        %eq3A_209 = arith.cmpi eq, %gather3A_167, %eq3A_208 : vector<16xi32>
        %jit3A_210 = arith.constant 0.000000e+00 : f32
        %broadcast_in_dim3A_211 = vector.broadcast %jit3A_210 : f32 to vector<16xf32>
        %select_n3A_212 = arith.select %eq3A_209, %gather3A_163, %broadcast_in_dim3A_211 : vector<16xi1>, vector<16xf32>
        %swap3A_213 = arith.index_cast %add3A_171 : i32 to index
        %swap3A_214 = arith.constant 32 : index
        %swap3A_215 = tpu.vector_load %arg10[%swap3A_213, %swap3A_214] {strides = array<i32>} : memref<128x128xf32, #tpu.memory_space<vmem>>, vector<16xf32>,
        tpu.vector_store %arg10[%swap3A_213, %swap3A_214], %select_n3A_212 {strides = array<i32>} : memref<128x128xf32, #tpu.memory_space<vmem>>, vector<16xf32>,
        %get3A_216 = arith.index_cast %add3A_171 : i32 to index
        %get3A_217 = arith.constant 48 : index
        %get3A_218 = tpu.vector_load %arg9[%get3A_216, %get3A_217] {strides = array<i32>} : memref<128x128xf32, #tpu.memory_space<vmem>>, vector<16xf32>,
        %mul3A_219 = arith.mulf %get3A_218, %gather3A_163 : vector<16xf32>
        %swap3A_220 = arith.index_cast %add3A_171 : i32 to index
        %swap3A_221 = arith.constant 48 : index
        %swap3A_222 = tpu.vector_load %arg9[%swap3A_220, %swap3A_221] {strides = array<i32>} : memref<128x128xf32, #tpu.memory_space<vmem>>, vector<16xf32>,
        tpu.vector_store %arg9[%swap3A_220, %swap3A_221], %mul3A_219 {strides = array<i32>} : memref<128x128xf32, #tpu.memory_space<vmem>>, vector<16xf32>,
        %eq3A_223 = arith.constant 3 : i32
        %eq3A_224 = vector.broadcast %eq3A_223 : i32 to vector<16xi32>
        %eq3A_225 = arith.cmpi eq, %gather3A_167, %eq3A_224 : vector<16xi32>
        %jit3A_226 = arith.constant 0.000000e+00 : f32
        %broadcast_in_dim3A_227 = vector.broadcast %jit3A_226 : f32 to vector<16xf32>
        %select_n3A_228 = arith.select %eq3A_225, %gather3A_163, %broadcast_in_dim3A_227 : vector<16xi1>, vector<16xf32>
        %swap3A_229 = arith.index_cast %add3A_171 : i32 to index
        %swap3A_230 = arith.constant 48 : index
        %swap3A_231 = tpu.vector_load %arg10[%swap3A_229, %swap3A_230] {strides = array<i32>} : memref<128x128xf32, #tpu.memory_space<vmem>>, vector<16xf32>,
        tpu.vector_store %arg10[%swap3A_229, %swap3A_230], %select_n3A_228 {strides = array<i32>} : memref<128x128xf32, #tpu.memory_space<vmem>>, vector<16xf32>,
        %get3A_232 = arith.index_cast %add3A_171 : i32 to index
        %get3A_233 = arith.constant 64 : index
        %get3A_234 = tpu.vector_load %arg9[%get3A_232, %get3A_233] {strides = array<i32>} : memref<128x128xf32, #tpu.memory_space<vmem>>, vector<16xf32>,
        %mul3A_235 = arith.mulf %get3A_234, %gather3A_163 : vector<16xf32>
        %swap3A_236 = arith.index_cast %add3A_171 : i32 to index
        %swap3A_237 = arith.constant 64 : index
        %swap3A_238 = tpu.vector_load %arg9[%swap3A_236, %swap3A_237] {strides = array<i32>} : memref<128x128xf32, #tpu.memory_space<vmem>>, vector<16xf32>,
        tpu.vector_store %arg9[%swap3A_236, %swap3A_237], %mul3A_235 {strides = array<i32>} : memref<128x128xf32, #tpu.memory_space<vmem>>, vector<16xf32>,
        %eq3A_239 = arith.constant 4 : i32
        %eq3A_240 = vector.broadcast %eq3A_239 : i32 to vector<16xi32>
        %eq3A_241 = arith.cmpi eq, %gather3A_167, %eq3A_240 : vector<16xi32>
        %jit3A_242 = arith.constant 0.000000e+00 : f32
        %broadcast_in_dim3A_243 = vector.broadcast %jit3A_242 : f32 to vector<16xf32>
        %select_n3A_244 = arith.select %eq3A_241, %gather3A_163, %broadcast_in_dim3A_243 : vector<16xi1>, vector<16xf32>
        %swap3A_245 = arith.index_cast %add3A_171 : i32 to index
        %swap3A_246 = arith.constant 64 : index
        %swap3A_247 = tpu.vector_load %arg10[%swap3A_245, %swap3A_246] {strides = array<i32>} : memref<128x128xf32, #tpu.memory_space<vmem>>, vector<16xf32>,
        tpu.vector_store %arg10[%swap3A_245, %swap3A_246], %select_n3A_244 {strides = array<i32>} : memref<128x128xf32, #tpu.memory_space<vmem>>, vector<16xf32>,
        %get3A_248 = arith.index_cast %add3A_171 : i32 to index
        %get3A_249 = arith.constant 80 : index
        %get3A_250 = tpu.vector_load %arg9[%get3A_248, %get3A_249] {strides = array<i32>} : memref<128x128xf32, #tpu.memory_space<vmem>>, vector<16xf32>,
        %mul3A_251 = arith.mulf %get3A_250, %gather3A_163 : vector<16xf32>
        %swap3A_252 = arith.index_cast %add3A_171 : i32 to index
        %swap3A_253 = arith.constant 80 : index
        %swap3A_254 = tpu.vector_load %arg9[%swap3A_252, %swap3A_253] {strides = array<i32>} : memref<128x128xf32, #tpu.memory_space<vmem>>, vector<16xf32>,
        tpu.vector_store %arg9[%swap3A_252, %swap3A_253], %mul3A_251 {strides = array<i32>} : memref<128x128xf32, #tpu.memory_space<vmem>>, vector<16xf32>,
        %eq3A_255 = arith.constant 5 : i32
        %eq3A_256 = vector.broadcast %eq3A_255 : i32 to vector<16xi32>
        %eq3A_257 = arith.cmpi eq, %gather3A_167, %eq3A_256 : vector<16xi32>
        %jit3A_258 = arith.constant 0.000000e+00 : f32
        %broadcast_in_dim3A_259 = vector.broadcast %jit3A_258 : f32 to vector<16xf32>
        %select_n3A_260 = arith.select %eq3A_257, %gather3A_163, %broadcast_in_dim3A_259 : vector<16xi1>, vector<16xf32>
        %swap3A_261 = arith.index_cast %add3A_171 : i32 to index
        %swap3A_262 = arith.constant 80 : index
        %swap3A_263 = tpu.vector_load %arg10[%swap3A_261, %swap3A_262] {strides = array<i32>} : memref<128x128xf32, #tpu.memory_space<vmem>>, vector<16xf32>,
        tpu.vector_store %arg10[%swap3A_261, %swap3A_262], %select_n3A_260 {strides = array<i32>} : memref<128x128xf32, #tpu.memory_space<vmem>>, vector<16xf32>,
        %get3A_264 = arith.index_cast %add3A_171 : i32 to index
        %get3A_265 = arith.constant 96 : index
        %get3A_266 = tpu.vector_load %arg9[%get3A_264, %get3A_265] {strides = array<i32>} : memref<128x128xf32, #tpu.memory_space<vmem>>, vector<16xf32>,
        %mul3A_267 = arith.mulf %get3A_266, %gather3A_163 : vector<16xf32>
        %swap3A_268 = arith.index_cast %add3A_171 : i32 to index
        %swap3A_269 = arith.constant 96 : index
        %swap3A_270 = tpu.vector_load %arg9[%swap3A_268, %swap3A_269] {strides = array<i32>} : memref<128x128xf32, #tpu.memory_space<vmem>>, vector<16xf32>,
        tpu.vector_store %arg9[%swap3A_268, %swap3A_269], %mul3A_267 {strides = array<i32>} : memref<128x128xf32, #tpu.memory_space<vmem>>, vector<16xf32>,
        %eq3A_271 = arith.constant 6 : i32
        %eq3A_272 = vector.broadcast %eq3A_271 : i32 to vector<16xi32>
        %eq3A_273 = arith.cmpi eq, %gather3A_167, %eq3A_272 : vector<16xi32>
        %jit3A_274 = arith.constant 0.000000e+00 : f32
        %broadcast_in_dim3A_275 = vector.broadcast %jit3A_274 : f32 to vector<16xf32>
        %select_n3A_276 = arith.select %eq3A_273, %gather3A_163, %broadcast_in_dim3A_275 : vector<16xi1>, vector<16xf32>
        %swap3A_277 = arith.index_cast %add3A_171 : i32 to index
        %swap3A_278 = arith.constant 96 : index
        %swap3A_279 = tpu.vector_load %arg10[%swap3A_277, %swap3A_278] {strides = array<i32>} : memref<128x128xf32, #tpu.memory_space<vmem>>, vector<16xf32>,
        tpu.vector_store %arg10[%swap3A_277, %swap3A_278], %select_n3A_276 {strides = array<i32>} : memref<128x128xf32, #tpu.memory_space<vmem>>, vector<16xf32>,
        %get3A_280 = arith.index_cast %add3A_171 : i32 to index
        %get3A_281 = arith.constant 112 : index
        %get3A_282 = tpu.vector_load %arg9[%get3A_280, %get3A_281] {strides = array<i32>} : memref<128x128xf32, #tpu.memory_space<vmem>>, vector<16xf32>,
        %mul3A_283 = arith.mulf %get3A_282, %gather3A_163 : vector<16xf32>
        %swap3A_284 = arith.index_cast %add3A_171 : i32 to index
        %swap3A_285 = arith.constant 112 : index
        %swap3A_286 = tpu.vector_load %arg9[%swap3A_284, %swap3A_285] {strides = array<i32>} : memref<128x128xf32, #tpu.memory_space<vmem>>, vector<16xf32>,
        tpu.vector_store %arg9[%swap3A_284, %swap3A_285], %mul3A_283 {strides = array<i32>} : memref<128x128xf32, #tpu.memory_space<vmem>>, vector<16xf32>,
        %eq3A_287 = arith.constant 7 : i32
        %eq3A_288 = vector.broadcast %eq3A_287 : i32 to vector<16xi32>
        %eq3A_289 = arith.cmpi eq, %gather3A_167, %eq3A_288 : vector<16xi32>
        %jit3A_290 = arith.constant 0.000000e+00 : f32
        %broadcast_in_dim3A_291 = vector.broadcast %jit3A_290 : f32 to vector<16xf32>
        %select_n3A_292 = arith.select %eq3A_289, %gather3A_163, %broadcast_in_dim3A_291 : vector<16xi1>, vector<16xf32>
        %swap3A_293 = arith.index_cast %add3A_171 : i32 to index
        %swap3A_294 = arith.constant 112 : index
        %swap3A_295 = tpu.vector_load %arg10[%swap3A_293, %swap3A_294] {strides = array<i32>} : memref<128x128xf32, #tpu.memory_space<vmem>>, vector<16xf32>,
        tpu.vector_store %arg10[%swap3A_293, %swap3A_294], %select_n3A_292 {strides = array<i32>} : memref<128x128xf32, #tpu.memory_space<vmem>>, vector<16xf32>,
        %broadcast_in_dim3A_296 = arith.constant 1 : i32
        %broadcast_in_dim3A_297 = vector.broadcast %broadcast_in_dim3A_296 : i32 to vector<16x1xi32>
        %gather3A_298 = vector.shape_cast %broadcast_in_dim3A_297 : vector<16x1xi32> to vector<16xi32>
        %gather3A_299 = tpu.dynamic_gather %bitcast3A[%gather3A_298] in [0] : vector<16xf32>, vector<16xi32> -> vector<16xf32>
        %broadcast_in_dim3A_300 = arith.constant 1 : i32
        %broadcast_in_dim3A_301 = vector.broadcast %broadcast_in_dim3A_300 : i32 to vector<16x1xi32>
        %gather3A_302 = vector.shape_cast %broadcast_in_dim3A_301 : vector<16x1xi32> to vector<16xi32>
        %gather3A_303 = tpu.dynamic_gather %and3A_161[%gather3A_302] in [0] : vector<16xi32>, vector<16xi32> -> vector<16xi32>
        %mul3A_304 = arith.constant 16 : i32
        %mul3A_305 = arith.muli %add3A_150, %mul3A_304 : i32
        %add3A_306 = arith.constant 1 : i32
        %add3A_307 = arith.addi %mul3A_305, %add3A_306 : i32
        %get3A_308 = arith.index_cast %add3A_307 : i32 to index
        %get3A_309 = arith.constant 0 : index
        %get3A_310 = tpu.vector_load %arg9[%get3A_308, %get3A_309] {strides = array<i32>} : memref<128x128xf32, #tpu.memory_space<vmem>>, vector<16xf32>,
        %mul3A_311 = arith.mulf %get3A_310, %gather3A_299 : vector<16xf32>
        %swap3A_312 = arith.index_cast %add3A_307 : i32 to index
        %swap3A_313 = arith.constant 0 : index
        %swap3A_314 = tpu.vector_load %arg9[%swap3A_312, %swap3A_313] {strides = array<i32>} : memref<128x128xf32, #tpu.memory_space<vmem>>, vector<16xf32>,
        tpu.vector_store %arg9[%swap3A_312, %swap3A_313], %mul3A_311 {strides = array<i32>} : memref<128x128xf32, #tpu.memory_space<vmem>>, vector<16xf32>,
        %eq3A_315 = arith.constant 0 : i32
        %eq3A_316 = vector.broadcast %eq3A_315 : i32 to vector<16xi32>
        %eq3A_317 = arith.cmpi eq, %gather3A_303, %eq3A_316 : vector<16xi32>
        %jit3A_318 = arith.constant 0.000000e+00 : f32
        %broadcast_in_dim3A_319 = vector.broadcast %jit3A_318 : f32 to vector<16xf32>
        %select_n3A_320 = arith.select %eq3A_317, %gather3A_299, %broadcast_in_dim3A_319 : vector<16xi1>, vector<16xf32>
        %swap3A_321 = arith.index_cast %add3A_307 : i32 to index
        %swap3A_322 = arith.constant 0 : index
        %swap3A_323 = tpu.vector_load %arg10[%swap3A_321, %swap3A_322] {strides = array<i32>} : memref<128x128xf32, #tpu.memory_space<vmem>>, vector<16xf32>,
        tpu.vector_store %arg10[%swap3A_321, %swap3A_322], %select_n3A_320 {strides = array<i32>} : memref<128x128xf32, #tpu.memory_space<vmem>>, vector<16xf32>,
        %get3A_324 = arith.index_cast %add3A_307 : i32 to index
        %get3A_325 = arith.constant 16 : index
        %get3A_326 = tpu.vector_load %arg9[%get3A_324, %get3A_325] {strides = array<i32>} : memref<128x128xf32, #tpu.memory_space<vmem>>, vector<16xf32>,
        %mul3A_327 = arith.mulf %get3A_326, %gather3A_299 : vector<16xf32>
        %swap3A_328 = arith.index_cast %add3A_307 : i32 to index
        %swap3A_329 = arith.constant 16 : index
        %swap3A_330 = tpu.vector_load %arg9[%swap3A_328, %swap3A_329] {strides = array<i32>} : memref<128x128xf32, #tpu.memory_space<vmem>>, vector<16xf32>,
        tpu.vector_store %arg9[%swap3A_328, %swap3A_329], %mul3A_327 {strides = array<i32>} : memref<128x128xf32, #tpu.memory_space<vmem>>, vector<16xf32>,
        %eq3A_331 = arith.constant 1 : i32
        %eq3A_332 = vector.broadcast %eq3A_331 : i32 to vector<16xi32>
        %eq3A_333 = arith.cmpi eq, %gather3A_303, %eq3A_332 : vector<16xi32>
        %jit3A_334 = arith.constant 0.000000e+00 : f32
        %broadcast_in_dim3A_335 = vector.broadcast %jit3A_334 : f32 to vector<16xf32>
        %select_n3A_336 = arith.select %eq3A_333, %gather3A_299, %broadcast_in_dim3A_335 : vector<16xi1>, vector<16xf32>
        %swap3A_337 = arith.index_cast %add3A_307 : i32 to index
        %swap3A_338 = arith.constant 16 : index
        %swap3A_339 = tpu.vector_load %arg10[%swap3A_337, %swap3A_338] {strides = array<i32>} : memref<128x128xf32, #tpu.memory_space<vmem>>, vector<16xf32>,
        tpu.vector_store %arg10[%swap3A_337, %swap3A_338], %select_n3A_336 {strides = array<i32>} : memref<128x128xf32, #tpu.memory_space<vmem>>, vector<16xf32>,
        %get3A_340 = arith.index_cast %add3A_307 : i32 to index
        %get3A_341 = arith.constant 32 : index
        %get3A_342 = tpu.vector_load %arg9[%get3A_340, %get3A_341] {strides = array<i32>} : memref<128x128xf32, #tpu.memory_space<vmem>>, vector<16xf32>,
        %mul3A_343 = arith.mulf %get3A_342, %gather3A_299 : vector<16xf32>
        %swap3A_344 = arith.index_cast %add3A_307 : i32 to index
        %swap3A_345 = arith.constant 32 : index
        %swap3A_346 = tpu.vector_load %arg9[%swap3A_344, %swap3A_345] {strides = array<i32>} : memref<128x128xf32, #tpu.memory_space<vmem>>, vector<16xf32>,
        tpu.vector_store %arg9[%swap3A_344, %swap3A_345], %mul3A_343 {strides = array<i32>} : memref<128x128xf32, #tpu.memory_space<vmem>>, vector<16xf32>,
        %eq3A_347 = arith.constant 2 : i32
        %eq3A_348 = vector.broadcast %eq3A_347 : i32 to vector<16xi32>
        %eq3A_349 = arith.cmpi eq, %gather3A_303, %eq3A_348 : vector<16xi32>
        %jit3A_350 = arith.constant 0.000000e+00 : f32
        %broadcast_in_dim3A_351 = vector.broadcast %jit3A_350 : f32 to vector<16xf32>
        %select_n3A_352 = arith.select %eq3A_349, %gather3A_299, %broadcast_in_dim3A_351 : vector<16xi1>, vector<16xf32>
        %swap3A_353 = arith.index_cast %add3A_307 : i32 to index
        %swap3A_354 = arith.constant 32 : index
        %swap3A_355 = tpu.vector_load %arg10[%swap3A_353, %swap3A_354] {strides = array<i32>} : memref<128x128xf32, #tpu.memory_space<vmem>>, vector<16xf32>,
        tpu.vector_store %arg10[%swap3A_353, %swap3A_354], %select_n3A_352 {strides = array<i32>} : memref<128x128xf32, #tpu.memory_space<vmem>>, vector<16xf32>,
        %get3A_356 = arith.index_cast %add3A_307 : i32 to index
        %get3A_357 = arith.constant 48 : index
        %get3A_358 = tpu.vector_load %arg9[%get3A_356, %get3A_357] {strides = array<i32>} : memref<128x128xf32, #tpu.memory_space<vmem>>, vector<16xf32>,
        %mul3A_359 = arith.mulf %get3A_358, %gather3A_299 : vector<16xf32>
        %swap3A_360 = arith.index_cast %add3A_307 : i32 to index
        %swap3A_361 = arith.constant 48 : index
        %swap3A_362 = tpu.vector_load %arg9[%swap3A_360, %swap3A_361] {strides = array<i32>} : memref<128x128xf32, #tpu.memory_space<vmem>>, vector<16xf32>,
        tpu.vector_store %arg9[%swap3A_360, %swap3A_361], %mul3A_359 {strides = array<i32>} : memref<128x128xf32, #tpu.memory_space<vmem>>, vector<16xf32>,
        %eq3A_363 = arith.constant 3 : i32
        %eq3A_364 = vector.broadcast %eq3A_363 : i32 to vector<16xi32>
        %eq3A_365 = arith.cmpi eq, %gather3A_303, %eq3A_364 : vector<16xi32>
        %jit3A_366 = arith.constant 0.000000e+00 : f32
        %broadcast_in_dim3A_367 = vector.broadcast %jit3A_366 : f32 to vector<16xf32>
        %select_n3A_368 = arith.select %eq3A_365, %gather3A_299, %broadcast_in_dim3A_367 : vector<16xi1>, vector<16xf32>
        %swap3A_369 = arith.index_cast %add3A_307 : i32 to index
        %swap3A_370 = arith.constant 48 : index
        %swap3A_371 = tpu.vector_load %arg10[%swap3A_369, %swap3A_370] {strides = array<i32>} : memref<128x128xf32, #tpu.memory_space<vmem>>, vector<16xf32>,
        tpu.vector_store %arg10[%swap3A_369, %swap3A_370], %select_n3A_368 {strides = array<i32>} : memref<128x128xf32, #tpu.memory_space<vmem>>, vector<16xf32>,
        %get3A_372 = arith.index_cast %add3A_307 : i32 to index
        %get3A_373 = arith.constant 64 : index
        %get3A_374 = tpu.vector_load %arg9[%get3A_372, %get3A_373] {strides = array<i32>} : memref<128x128xf32, #tpu.memory_space<vmem>>, vector<16xf32>,
        %mul3A_375 = arith.mulf %get3A_374, %gather3A_299 : vector<16xf32>
        %swap3A_376 = arith.index_cast %add3A_307 : i32 to index
        %swap3A_377 = arith.constant 64 : index
        %swap3A_378 = tpu.vector_load %arg9[%swap3A_376, %swap3A_377] {strides = array<i32>} : memref<128x128xf32, #tpu.memory_space<vmem>>, vector<16xf32>,
        tpu.vector_store %arg9[%swap3A_376, %swap3A_377], %mul3A_375 {strides = array<i32>} : memref<128x128xf32, #tpu.memory_space<vmem>>, vector<16xf32>,
        %eq3A_379 = arith.constant 4 : i32
        %eq3A_380 = vector.broadcast %eq3A_379 : i32 to vector<16xi32>
        %eq3A_381 = arith.cmpi eq, %gather3A_303, %eq3A_380 : vector<16xi32>
        %jit3A_382 = arith.constant 0.000000e+00 : f32
        %broadcast_in_dim3A_383 = vector.broadcast %jit3A_382 : f32 to vector<16xf32>
        %select_n3A_384 = arith.select %eq3A_381, %gather3A_299, %broadcast_in_dim3A_383 : vector<16xi1>, vector<16xf32>
        %swap3A_385 = arith.index_cast %add3A_307 : i32 to index
        %swap3A_386 = arith.constant 64 : index
        %swap3A_387 = tpu.vector_load %arg10[%swap3A_385, %swap3A_386] {strides = array<i32>} : memref<128x128xf32, #tpu.memory_space<vmem>>, vector<16xf32>,
        tpu.vector_store %arg10[%swap3A_385, %swap3A_386], %select_n3A_384 {strides = array<i32>} : memref<128x128xf32, #tpu.memory_space<vmem>>, vector<16xf32>,
        %get3A_388 = arith.index_cast %add3A_307 : i32 to index
        %get3A_389 = arith.constant 80 : index
        %get3A_390 = tpu.vector_load %arg9[%get3A_388, %get3A_389] {strides = array<i32>} : memref<128x128xf32, #tpu.memory_space<vmem>>, vector<16xf32>,
        %mul3A_391 = arith.mulf %get3A_390, %gather3A_299 : vector<16xf32>
        %swap3A_392 = arith.index_cast %add3A_307 : i32 to index
        %swap3A_393 = arith.constant 80 : index
        %swap3A_394 = tpu.vector_load %arg9[%swap3A_392, %swap3A_393] {strides = array<i32>} : memref<128x128xf32, #tpu.memory_space<vmem>>, vector<16xf32>,
        tpu.vector_store %arg9[%swap3A_392, %swap3A_393], %mul3A_391 {strides = array<i32>} : memref<128x128xf32, #tpu.memory_space<vmem>>, vector<16xf32>,
        %eq3A_395 = arith.constant 5 : i32
        %eq3A_396 = vector.broadcast %eq3A_395 : i32 to vector<16xi32>
        %eq3A_397 = arith.cmpi eq, %gather3A_303, %eq3A_396 : vector<16xi32>
        %jit3A_398 = arith.constant 0.000000e+00 : f32
        %broadcast_in_dim3A_399 = vector.broadcast %jit3A_398 : f32 to vector<16xf32>
        %select_n3A_400 = arith.select %eq3A_397, %gather3A_299, %broadcast_in_dim3A_399 : vector<16xi1>, vector<16xf32>
        %swap3A_401 = arith.index_cast %add3A_307 : i32 to index
        %swap3A_402 = arith.constant 80 : index
        %swap3A_403 = tpu.vector_load %arg10[%swap3A_401, %swap3A_402] {strides = array<i32>} : memref<128x128xf32, #tpu.memory_space<vmem>>, vector<16xf32>,
        tpu.vector_store %arg10[%swap3A_401, %swap3A_402], %select_n3A_400 {strides = array<i32>} : memref<128x128xf32, #tpu.memory_space<vmem>>, vector<16xf32>,
        %get3A_404 = arith.index_cast %add3A_307 : i32 to index
        %get3A_405 = arith.constant 96 : index
        %get3A_406 = tpu.vector_load %arg9[%get3A_404, %get3A_405] {strides = array<i32>} : memref<128x128xf32, #tpu.memory_space<vmem>>, vector<16xf32>,
        %mul3A_407 = arith.mulf %get3A_406, %gather3A_299 : vector<16xf32>
        %swap3A_408 = arith.index_cast %add3A_307 : i32 to index
        %swap3A_409 = arith.constant 96 : index
        %swap3A_410 = tpu.vector_load %arg9[%swap3A_408, %swap3A_409] {strides = array<i32>} : memref<128x128xf32, #tpu.memory_space<vmem>>, vector<16xf32>,
        tpu.vector_store %arg9[%swap3A_408, %swap3A_409], %mul3A_407 {strides = array<i32>} : memref<128x128xf32, #tpu.memory_space<vmem>>, vector<16xf32>,
        %eq3A_411 = arith.constant 6 : i32
        %eq3A_412 = vector.broadcast %eq3A_411 : i32 to vector<16xi32>
        %eq3A_413 = arith.cmpi eq, %gather3A_303, %eq3A_412 : vector<16xi32>
        %jit3A_414 = arith.constant 0.000000e+00 : f32
        %broadcast_in_dim3A_415 = vector.broadcast %jit3A_414 : f32 to vector<16xf32>
        %select_n3A_416 = arith.select %eq3A_413, %gather3A_299, %broadcast_in_dim3A_415 : vector<16xi1>, vector<16xf32>
        %swap3A_417 = arith.index_cast %add3A_307 : i32 to index
        %swap3A_418 = arith.constant 96 : index
        %swap3A_419 = tpu.vector_load %arg10[%swap3A_417, %swap3A_418] {strides = array<i32>} : memref<128x128xf32, #tpu.memory_space<vmem>>, vector<16xf32>,
        tpu.vector_store %arg10[%swap3A_417, %swap3A_418], %select_n3A_416 {strides = array<i32>} : memref<128x128xf32, #tpu.memory_space<vmem>>, vector<16xf32>,
        %get3A_420 = arith.index_cast %add3A_307 : i32 to index
        %get3A_421 = arith.constant 112 : index
        %get3A_422 = tpu.vector_load %arg9[%get3A_420, %get3A_421] {strides = array<i32>} : memref<128x128xf32, #tpu.memory_space<vmem>>, vector<16xf32>,
        %mul3A_423 = arith.mulf %get3A_422, %gather3A_299 : vector<16xf32>
        %swap3A_424 = arith.index_cast %add3A_307 : i32 to index
        %swap3A_425 = arith.constant 112 : index
        %swap3A_426 = tpu.vector_load %arg9[%swap3A_424, %swap3A_425] {strides = array<i32>} : memref<128x128xf32, #tpu.memory_space<vmem>>, vector<16xf32>,
        tpu.vector_store %arg9[%swap3A_424, %swap3A_425], %mul3A_423 {strides = array<i32>} : memref<128x128xf32, #tpu.memory_space<vmem>>, vector<16xf32>,
        %eq3A_427 = arith.constant 7 : i32
        %eq3A_428 = vector.broadcast %eq3A_427 : i32 to vector<16xi32>
        %eq3A_429 = arith.cmpi eq, %gather3A_303, %eq3A_428 : vector<16xi32>
        %jit3A_430 = arith.constant 0.000000e+00 : f32
        %broadcast_in_dim3A_431 = vector.broadcast %jit3A_430 : f32 to vector<16xf32>
        %select_n3A_432 = arith.select %eq3A_429, %gather3A_299, %broadcast_in_dim3A_431 : vector<16xi1>, vector<16xf32>
        %swap3A_433 = arith.index_cast %add3A_307 : i32 to index
        %swap3A_434 = arith.constant 112 : index
        %swap3A_435 = tpu.vector_load %arg10[%swap3A_433, %swap3A_434] {strides = array<i32>} : memref<128x128xf32, #tpu.memory_space<vmem>>, vector<16xf32>,
        tpu.vector_store %arg10[%swap3A_433, %swap3A_434], %select_n3A_432 {strides = array<i32>} : memref<128x128xf32, #tpu.memory_space<vmem>>, vector<16xf32>,
        %broadcast_in_dim3A_436 = arith.constant 2 : i32
        %broadcast_in_dim3A_437 = vector.broadcast %broadcast_in_dim3A_436 : i32 to vector<16x1xi32>
        %gather3A_438 = vector.shape_cast %broadcast_in_dim3A_437 : vector<16x1xi32> to vector<16xi32>
        %gather3A_439 = tpu.dynamic_gather %bitcast3A[%gather3A_438] in [0] : vector<16xf32>, vector<16xi32> -> vector<16xf32>
        %broadcast_in_dim3A_440 = arith.constant 2 : i32
        %broadcast_in_dim3A_441 = vector.broadcast %broadcast_in_dim3A_440 : i32 to vector<16x1xi32>
        %gather3A_442 = vector.shape_cast %broadcast_in_dim3A_441 : vector<16x1xi32> to vector<16xi32>
        %gather3A_443 = tpu.dynamic_gather %and3A_161[%gather3A_442] in [0] : vector<16xi32>, vector<16xi32> -> vector<16xi32>
        %mul3A_444 = arith.constant 16 : i32
        %mul3A_445 = arith.muli %add3A_150, %mul3A_444 : i32
        %add3A_446 = arith.constant 2 : i32
        %add3A_447 = arith.addi %mul3A_445, %add3A_446 : i32
        %get3A_448 = arith.index_cast %add3A_447 : i32 to index
        %get3A_449 = arith.constant 0 : index
        %get3A_450 = tpu.vector_load %arg9[%get3A_448, %get3A_449] {strides = array<i32>} : memref<128x128xf32, #tpu.memory_space<vmem>>, vector<16xf32>,
        %mul3A_451 = arith.mulf %get3A_450, %gather3A_439 : vector<16xf32>
        %swap3A_452 = arith.index_cast %add3A_447 : i32 to index
        %swap3A_453 = arith.constant 0 : index
        %swap3A_454 = tpu.vector_load %arg9[%swap3A_452, %swap3A_453] {strides = array<i32>} : memref<128x128xf32, #tpu.memory_space<vmem>>, vector<16xf32>,
        tpu.vector_store %arg9[%swap3A_452, %swap3A_453], %mul3A_451 {strides = array<i32>} : memref<128x128xf32, #tpu.memory_space<vmem>>, vector<16xf32>,
        %eq3A_455 = arith.constant 0 : i32
        %eq3A_456 = vector.broadcast %eq3A_455 : i32 to vector<16xi32>
        %eq3A_457 = arith.cmpi eq, %gather3A_443, %eq3A_456 : vector<16xi32>
        %jit3A_458 = arith.constant 0.000000e+00 : f32
        %broadcast_in_dim3A_459 = vector.broadcast %jit3A_458 : f32 to vector<16xf32>
        %select_n3A_460 = arith.select %eq3A_457, %gather3A_439, %broadcast_in_dim3A_459 : vector<16xi1>, vector<16xf32>
        %swap3A_461 = arith.index_cast %add3A_447 : i32 to index
        %swap3A_462 = arith.constant 0 : index
        %swap3A_463 = tpu.vector_load %arg10[%swap3A_461, %swap3A_462] {strides = array<i32>} : memref<128x128xf32, #tpu.memory_space<vmem>>, vector<16xf32>,
        tpu.vector_store %arg10[%swap3A_461, %swap3A_462], %select_n3A_460 {strides = array<i32>} : memref<128x128xf32, #tpu.memory_space<vmem>>, vector<16xf32>,
        %get3A_464 = arith.index_cast %add3A_447 : i32 to index
        %get3A_465 = arith.constant 16 : index
        %get3A_466 = tpu.vector_load %arg9[%get3A_464, %get3A_465] {strides = array<i32>} : memref<128x128xf32, #tpu.memory_space<vmem>>, vector<16xf32>,
        %mul3A_467 = arith.mulf %get3A_466, %gather3A_439 : vector<16xf32>
        %swap3A_468 = arith.index_cast %add3A_447 : i32 to index
        %swap3A_469 = arith.constant 16 : index
        %swap3A_470 = tpu.vector_load %arg9[%swap3A_468, %swap3A_469] {strides = array<i32>} : memref<128x128xf32, #tpu.memory_space<vmem>>, vector<16xf32>,
        tpu.vector_store %arg9[%swap3A_468, %swap3A_469], %mul3A_467 {strides = array<i32>} : memref<128x128xf32, #tpu.memory_space<vmem>>, vector<16xf32>,
        %eq3A_471 = arith.constant 1 : i32
        %eq3A_472 = vector.broadcast %eq3A_471 : i32 to vector<16xi32>
        %eq3A_473 = arith.cmpi eq, %gather3A_443, %eq3A_472 : vector<16xi32>
        %jit3A_474 = arith.constant 0.000000e+00 : f32
        %broadcast_in_dim3A_475 = vector.broadcast %jit3A_474 : f32 to vector<16xf32>
        %select_n3A_476 = arith.select %eq3A_473, %gather3A_439, %broadcast_in_dim3A_475 : vector<16xi1>, vector<16xf32>
        %swap3A_477 = arith.index_cast %add3A_447 : i32 to index
        %swap3A_478 = arith.constant 16 : index
        %swap3A_479 = tpu.vector_load %arg10[%swap3A_477, %swap3A_478] {strides = array<i32>} : memref<128x128xf32, #tpu.memory_space<vmem>>, vector<16xf32>,
        tpu.vector_store %arg10[%swap3A_477, %swap3A_478], %select_n3A_476 {strides = array<i32>} : memref<128x128xf32, #tpu.memory_space<vmem>>, vector<16xf32>,
        %get3A_480 = arith.index_cast %add3A_447 : i32 to index
        %get3A_481 = arith.constant 32 : index
        %get3A_482 = tpu.vector_load %arg9[%get3A_480, %get3A_481] {strides = array<i32>} : memref<128x128xf32, #tpu.memory_space<vmem>>, vector<16xf32>,
        %mul3A_483 = arith.mulf %get3A_482, %gather3A_439 : vector<16xf32>
        %swap3A_484 = arith.index_cast %add3A_447 : i32 to index
        %swap3A_485 = arith.constant 32 : index
        %swap3A_486 = tpu.vector_load %arg9[%swap3A_484, %swap3A_485] {strides = array<i32>} : memref<128x128xf32, #tpu.memory_space<vmem>>, vector<16xf32>,
        tpu.vector_store %arg9[%swap3A_484, %swap3A_485], %mul3A_483 {strides = array<i32>} : memref<128x128xf32, #tpu.memory_space<vmem>>, vector<16xf32>,
        %eq3A_487 = arith.constant 2 : i32
        %eq3A_488 = vector.broadcast %eq3A_487 : i32 to vector<16xi32>
        %eq3A_489 = arith.cmpi eq, %gather3A_443, %eq3A_488 : vector<16xi32>
        %jit3A_490 = arith.constant 0.000000e+00 : f32
        %broadcast_in_dim3A_491 = vector.broadcast %jit3A_490 : f32 to vector<16xf32>
        %select_n3A_492 = arith.select %eq3A_489, %gather3A_439, %broadcast_in_dim3A_491 : vector<16xi1>, vector<16xf32>
        %swap3A_493 = arith.index_cast %add3A_447 : i32 to index
        %swap3A_494 = arith.constant 32 : index
        %swap3A_495 = tpu.vector_load %arg10[%swap3A_493, %swap3A_494] {strides = array<i32>} : memref<128x128xf32, #tpu.memory_space<vmem>>, vector<16xf32>,
        tpu.vector_store %arg10[%swap3A_493, %swap3A_494], %select_n3A_492 {strides = array<i32>} : memref<128x128xf32, #tpu.memory_space<vmem>>, vector<16xf32>,
        %get3A_496 = arith.index_cast %add3A_447 : i32 to index
        %get3A_497 = arith.constant 48 : index
        %get3A_498 = tpu.vector_load %arg9[%get3A_496, %get3A_497] {strides = array<i32>} : memref<128x128xf32, #tpu.memory_space<vmem>>, vector<16xf32>,
        %mul3A_499 = arith.mulf %get3A_498, %gather3A_439 : vector<16xf32>
        %swap3A_500 = arith.index_cast %add3A_447 : i32 to index
        %swap3A_501 = arith.constant 48 : index
        %swap3A_502 = tpu.vector_load %arg9[%swap3A_500, %swap3A_501] {strides = array<i32>} : memref<128x128xf32, #tpu.memory_space<vmem>>, vector<16xf32>,
        tpu.vector_store %arg9[%swap3A_500, %swap3A_501], %mul3A_499 {strides = array<i32>} : memref<128x128xf32, #tpu.memory_space<vmem>>, vector<16xf32>,
        %eq3A_503 = arith.constant 3 : i32
        %eq3A_504 = vector.broadcast %eq3A_503 : i32 to vector<16xi32>
        %eq3A_505 = arith.cmpi eq, %gather3A_443, %eq3A_504 : vector<16xi32>
        %jit3A_506 = arith.constant 0.000000e+00 : f32
        %broadcast_in_dim3A_507 = vector.broadcast %jit3A_506 : f32 to vector<16xf32>
        %select_n3A_508 = arith.select %eq3A_505, %gather3A_439, %broadcast_in_dim3A_507 : vector<16xi1>, vector<16xf32>
        %swap3A_509 = arith.index_cast %add3A_447 : i32 to index
        %swap3A_510 = arith.constant 48 : index
        %swap3A_511 = tpu.vector_load %arg10[%swap3A_509, %swap3A_510] {strides = array<i32>} : memref<128x128xf32, #tpu.memory_space<vmem>>, vector<16xf32>,
        tpu.vector_store %arg10[%swap3A_509, %swap3A_510], %select_n3A_508 {strides = array<i32>} : memref<128x128xf32, #tpu.memory_space<vmem>>, vector<16xf32>,
        %get3A_512 = arith.index_cast %add3A_447 : i32 to index
        %get3A_513 = arith.constant 64 : index
        %get3A_514 = tpu.vector_load %arg9[%get3A_512, %get3A_513] {strides = array<i32>} : memref<128x128xf32, #tpu.memory_space<vmem>>, vector<16xf32>,
        %mul3A_515 = arith.mulf %get3A_514, %gather3A_439 : vector<16xf32>
        %swap3A_516 = arith.index_cast %add3A_447 : i32 to index
        %swap3A_517 = arith.constant 64 : index
        %swap3A_518 = tpu.vector_load %arg9[%swap3A_516, %swap3A_517] {strides = array<i32>} : memref<128x128xf32, #tpu.memory_space<vmem>>, vector<16xf32>,
        tpu.vector_store %arg9[%swap3A_516, %swap3A_517], %mul3A_515 {strides = array<i32>} : memref<128x128xf32, #tpu.memory_space<vmem>>, vector<16xf32>,
        %eq3A_519 = arith.constant 4 : i32
        %eq3A_520 = vector.broadcast %eq3A_519 : i32 to vector<16xi32>
        %eq3A_521 = arith.cmpi eq, %gather3A_443, %eq3A_520 : vector<16xi32>
        %jit3A_522 = arith.constant 0.000000e+00 : f32
        %broadcast_in_dim3A_523 = vector.broadcast %jit3A_522 : f32 to vector<16xf32>
        %select_n3A_524 = arith.select %eq3A_521, %gather3A_439, %broadcast_in_dim3A_523 : vector<16xi1>, vector<16xf32>
        %swap3A_525 = arith.index_cast %add3A_447 : i32 to index
        %swap3A_526 = arith.constant 64 : index
        %swap3A_527 = tpu.vector_load %arg10[%swap3A_525, %swap3A_526] {strides = array<i32>} : memref<128x128xf32, #tpu.memory_space<vmem>>, vector<16xf32>,
        tpu.vector_store %arg10[%swap3A_525, %swap3A_526], %select_n3A_524 {strides = array<i32>} : memref<128x128xf32, #tpu.memory_space<vmem>>, vector<16xf32>,
        %get3A_528 = arith.index_cast %add3A_447 : i32 to index
        %get3A_529 = arith.constant 80 : index
        %get3A_530 = tpu.vector_load %arg9[%get3A_528, %get3A_529] {strides = array<i32>} : memref<128x128xf32, #tpu.memory_space<vmem>>, vector<16xf32>,
        %mul3A_531 = arith.mulf %get3A_530, %gather3A_439 : vector<16xf32>
        %swap3A_532 = arith.index_cast %add3A_447 : i32 to index
        %swap3A_533 = arith.constant 80 : index
        %swap3A_534 = tpu.vector_load %arg9[%swap3A_532, %swap3A_533] {strides = array<i32>} : memref<128x128xf32, #tpu.memory_space<vmem>>, vector<16xf32>,
        tpu.vector_store %arg9[%swap3A_532, %swap3A_533], %mul3A_531 {strides = array<i32>} : memref<128x128xf32, #tpu.memory_space<vmem>>, vector<16xf32>,
        %eq3A_535 = arith.constant 5 : i32
        %eq3A_536 = vector.broadcast %eq3A_535 : i32 to vector<16xi32>
        %eq3A_537 = arith.cmpi eq, %gather3A_443, %eq3A_536 : vector<16xi32>
        %jit3A_538 = arith.constant 0.000000e+00 : f32
        %broadcast_in_dim3A_539 = vector.broadcast %jit3A_538 : f32 to vector<16xf32>
        %select_n3A_540 = arith.select %eq3A_537, %gather3A_439, %broadcast_in_dim3A_539 : vector<16xi1>, vector<16xf32>
        %swap3A_541 = arith.index_cast %add3A_447 : i32 to index
        %swap3A_542 = arith.constant 80 : index
        %swap3A_543 = tpu.vector_load %arg10[%swap3A_541, %swap3A_542] {strides = array<i32>} : memref<128x128xf32, #tpu.memory_space<vmem>>, vector<16xf32>,
        tpu.vector_store %arg10[%swap3A_541, %swap3A_542], %select_n3A_540 {strides = array<i32>} : memref<128x128xf32, #tpu.memory_space<vmem>>, vector<16xf32>,
        %get3A_544 = arith.index_cast %add3A_447 : i32 to index
        %get3A_545 = arith.constant 96 : index
        %get3A_546 = tpu.vector_load %arg9[%get3A_544, %get3A_545] {strides = array<i32>} : memref<128x128xf32, #tpu.memory_space<vmem>>, vector<16xf32>,
        %mul3A_547 = arith.mulf %get3A_546, %gather3A_439 : vector<16xf32>
        %swap3A_548 = arith.index_cast %add3A_447 : i32 to index
        %swap3A_549 = arith.constant 96 : index
        %swap3A_550 = tpu.vector_load %arg9[%swap3A_548, %swap3A_549] {strides = array<i32>} : memref<128x128xf32, #tpu.memory_space<vmem>>, vector<16xf32>,
        tpu.vector_store %arg9[%swap3A_548, %swap3A_549], %mul3A_547 {strides = array<i32>} : memref<128x128xf32, #tpu.memory_space<vmem>>, vector<16xf32>,
        %eq3A_551 = arith.constant 6 : i32
        %eq3A_552 = vector.broadcast %eq3A_551 : i32 to vector<16xi32>
        %eq3A_553 = arith.cmpi eq, %gather3A_443, %eq3A_552 : vector<16xi32>
        %jit3A_554 = arith.constant 0.000000e+00 : f32
        %broadcast_in_dim3A_555 = vector.broadcast %jit3A_554 : f32 to vector<16xf32>
        %select_n3A_556 = arith.select %eq3A_553, %gather3A_439, %broadcast_in_dim3A_555 : vector<16xi1>, vector<16xf32>
        %swap3A_557 = arith.index_cast %add3A_447 : i32 to index
        %swap3A_558 = arith.constant 96 : index
        %swap3A_559 = tpu.vector_load %arg10[%swap3A_557, %swap3A_558] {strides = array<i32>} : memref<128x128xf32, #tpu.memory_space<vmem>>, vector<16xf32>,
        tpu.vector_store %arg10[%swap3A_557, %swap3A_558], %select_n3A_556 {strides = array<i32>} : memref<128x128xf32, #tpu.memory_space<vmem>>, vector<16xf32>,
        %get3A_560 = arith.index_cast %add3A_447 : i32 to index
        %get3A_561 = arith.constant 112 : index
        %get3A_562 = tpu.vector_load %arg9[%get3A_560, %get3A_561] {strides = array<i32>} : memref<128x128xf32, #tpu.memory_space<vmem>>, vector<16xf32>,
        %mul3A_563 = arith.mulf %get3A_562, %gather3A_439 : vector<16xf32>
        %swap3A_564 = arith.index_cast %add3A_447 : i32 to index
        %swap3A_565 = arith.constant 112 : index
        %swap3A_566 = tpu.vector_load %arg9[%swap3A_564, %swap3A_565] {strides = array<i32>} : memref<128x128xf32, #tpu.memory_space<vmem>>, vector<16xf32>,
        tpu.vector_store %arg9[%swap3A_564, %swap3A_565], %mul3A_563 {strides = array<i32>} : memref<128x128xf32, #tpu.memory_space<vmem>>, vector<16xf32>,
        %eq3A_567 = arith.constant 7 : i32
        %eq3A_568 = vector.broadcast %eq3A_567 : i32 to vector<16xi32>
        %eq3A_569 = arith.cmpi eq, %gather3A_443, %eq3A_568 : vector<16xi32>
        %jit3A_570 = arith.constant 0.000000e+00 : f32
        %broadcast_in_dim3A_571 = vector.broadcast %jit3A_570 : f32 to vector<16xf32>
        %select_n3A_572 = arith.select %eq3A_569, %gather3A_439, %broadcast_in_dim3A_571 : vector<16xi1>, vector<16xf32>
        %swap3A_573 = arith.index_cast %add3A_447 : i32 to index
        %swap3A_574 = arith.constant 112 : index
        %swap3A_575 = tpu.vector_load %arg10[%swap3A_573, %swap3A_574] {strides = array<i32>} : memref<128x128xf32, #tpu.memory_space<vmem>>, vector<16xf32>,
        tpu.vector_store %arg10[%swap3A_573, %swap3A_574], %select_n3A_572 {strides = array<i32>} : memref<128x128xf32, #tpu.memory_space<vmem>>, vector<16xf32>,
        %broadcast_in_dim3A_576 = arith.constant 3 : i32
        %broadcast_in_dim3A_577 = vector.broadcast %broadcast_in_dim3A_576 : i32 to vector<16x1xi32>
        %gather3A_578 = vector.shape_cast %broadcast_in_dim3A_577 : vector<16x1xi32> to vector<16xi32>
        %gather3A_579 = tpu.dynamic_gather %bitcast3A[%gather3A_578] in [0] : vector<16xf32>, vector<16xi32> -> vector<16xf32>
        %broadcast_in_dim3A_580 = arith.constant 3 : i32
        %broadcast_in_dim3A_581 = vector.broadcast %broadcast_in_dim3A_580 : i32 to vector<16x1xi32>
        %gather3A_582 = vector.shape_cast %broadcast_in_dim3A_581 : vector<16x1xi32> to vector<16xi32>
        %gather3A_583 = tpu.dynamic_gather %and3A_161[%gather3A_582] in [0] : vector<16xi32>, vector<16xi32> -> vector<16xi32>
        %mul3A_584 = arith.constant 16 : i32
        %mul3A_585 = arith.muli %add3A_150, %mul3A_584 : i32
        %add3A_586 = arith.constant 3 : i32
        %add3A_587 = arith.addi %mul3A_585, %add3A_586 : i32
        %get3A_588 = arith.index_cast %add3A_587 : i32 to index
        %get3A_589 = arith.constant 0 : index
        %get3A_590 = tpu.vector_load %arg9[%get3A_588, %get3A_589] {strides = array<i32>} : memref<128x128xf32, #tpu.memory_space<vmem>>, vector<16xf32>,
        %mul3A_591 = arith.mulf %get3A_590, %gather3A_579 : vector<16xf32>
        %swap3A_592 = arith.index_cast %add3A_587 : i32 to index
        %swap3A_593 = arith.constant 0 : index
        %swap3A_594 = tpu.vector_load %arg9[%swap3A_592, %swap3A_593] {strides = array<i32>} : memref<128x128xf32, #tpu.memory_space<vmem>>, vector<16xf32>,
        tpu.vector_store %arg9[%swap3A_592, %swap3A_593], %mul3A_591 {strides = array<i32>} : memref<128x128xf32, #tpu.memory_space<vmem>>, vector<16xf32>,
        %eq3A_595 = arith.constant 0 : i32
        %eq3A_596 = vector.broadcast %eq3A_595 : i32 to vector<16xi32>
        %eq3A_597 = arith.cmpi eq, %gather3A_583, %eq3A_596 : vector<16xi32>
        %jit3A_598 = arith.constant 0.000000e+00 : f32
        %broadcast_in_dim3A_599 = vector.broadcast %jit3A_598 : f32 to vector<16xf32>
        %select_n3A_600 = arith.select %eq3A_597, %gather3A_579, %broadcast_in_dim3A_599 : vector<16xi1>, vector<16xf32>
        %swap3A_601 = arith.index_cast %add3A_587 : i32 to index
        %swap3A_602 = arith.constant 0 : index
        %swap3A_603 = tpu.vector_load %arg10[%swap3A_601, %swap3A_602] {strides = array<i32>} : memref<128x128xf32, #tpu.memory_space<vmem>>, vector<16xf32>,
        tpu.vector_store %arg10[%swap3A_601, %swap3A_602], %select_n3A_600 {strides = array<i32>} : memref<128x128xf32, #tpu.memory_space<vmem>>, vector<16xf32>,
        %get3A_604 = arith.index_cast %add3A_587 : i32 to index
        %get3A_605 = arith.constant 16 : index
        %get3A_606 = tpu.vector_load %arg9[%get3A_604, %get3A_605] {strides = array<i32>} : memref<128x128xf32, #tpu.memory_space<vmem>>, vector<16xf32>,
        %mul3A_607 = arith.mulf %get3A_606, %gather3A_579 : vector<16xf32>
        %swap3A_608 = arith.index_cast %add3A_587 : i32 to index
        %swap3A_609 = arith.constant 16 : index
        %swap3A_610 = tpu.vector_load %arg9[%swap3A_608, %swap3A_609] {strides = array<i32>} : memref<128x128xf32, #tpu.memory_space<vmem>>, vector<16xf32>,
        tpu.vector_store %arg9[%swap3A_608, %swap3A_609], %mul3A_607 {strides = array<i32>} : memref<128x128xf32, #tpu.memory_space<vmem>>, vector<16xf32>,
        %eq3A_611 = arith.constant 1 : i32
        %eq3A_612 = vector.broadcast %eq3A_611 : i32 to vector<16xi32>
        %eq3A_613 = arith.cmpi eq, %gather3A_583, %eq3A_612 : vector<16xi32>
        %jit3A_614 = arith.constant 0.000000e+00 : f32
        %broadcast_in_dim3A_615 = vector.broadcast %jit3A_614 : f32 to vector<16xf32>
        %select_n3A_616 = arith.select %eq3A_613, %gather3A_579, %broadcast_in_dim3A_615 : vector<16xi1>, vector<16xf32>
        %swap3A_617 = arith.index_cast %add3A_587 : i32 to index
        %swap3A_618 = arith.constant 16 : index
        %swap3A_619 = tpu.vector_load %arg10[%swap3A_617, %swap3A_618] {strides = array<i32>} : memref<128x128xf32, #tpu.memory_space<vmem>>, vector<16xf32>,
        tpu.vector_store %arg10[%swap3A_617, %swap3A_618], %select_n3A_616 {strides = array<i32>} : memref<128x128xf32, #tpu.memory_space<vmem>>, vector<16xf32>,
        %get3A_620 = arith.index_cast %add3A_587 : i32 to index
        %get3A_621 = arith.constant 32 : index
        %get3A_622 = tpu.vector_load %arg9[%get3A_620, %get3A_621] {strides = array<i32>} : memref<128x128xf32, #tpu.memory_space<vmem>>, vector<16xf32>,
        %mul3A_623 = arith.mulf %get3A_622, %gather3A_579 : vector<16xf32>
        %swap3A_624 = arith.index_cast %add3A_587 : i32 to index
        %swap3A_625 = arith.constant 32 : index
        %swap3A_626 = tpu.vector_load %arg9[%swap3A_624, %swap3A_625] {strides = array<i32>} : memref<128x128xf32, #tpu.memory_space<vmem>>, vector<16xf32>,
        tpu.vector_store %arg9[%swap3A_624, %swap3A_625], %mul3A_623 {strides = array<i32>} : memref<128x128xf32, #tpu.memory_space<vmem>>, vector<16xf32>,
        %eq3A_627 = arith.constant 2 : i32
        %eq3A_628 = vector.broadcast %eq3A_627 : i32 to vector<16xi32>
        %eq3A_629 = arith.cmpi eq, %gather3A_583, %eq3A_628 : vector<16xi32>
        %jit3A_630 = arith.constant 0.000000e+00 : f32
        %broadcast_in_dim3A_631 = vector.broadcast %jit3A_630 : f32 to vector<16xf32>
        %select_n3A_632 = arith.select %eq3A_629, %gather3A_579, %broadcast_in_dim3A_631 : vector<16xi1>, vector<16xf32>
        %swap3A_633 = arith.index_cast %add3A_587 : i32 to index
        %swap3A_634 = arith.constant 32 : index
        %swap3A_635 = tpu.vector_load %arg10[%swap3A_633, %swap3A_634] {strides = array<i32>} : memref<128x128xf32, #tpu.memory_space<vmem>>, vector<16xf32>,
        tpu.vector_store %arg10[%swap3A_633, %swap3A_634], %select_n3A_632 {strides = array<i32>} : memref<128x128xf32, #tpu.memory_space<vmem>>, vector<16xf32>,
        %get3A_636 = arith.index_cast %add3A_587 : i32 to index
        %get3A_637 = arith.constant 48 : index
        %get3A_638 = tpu.vector_load %arg9[%get3A_636, %get3A_637] {strides = array<i32>} : memref<128x128xf32, #tpu.memory_space<vmem>>, vector<16xf32>,
        %mul3A_639 = arith.mulf %get3A_638, %gather3A_579 : vector<16xf32>
        %swap3A_640 = arith.index_cast %add3A_587 : i32 to index
        %swap3A_641 = arith.constant 48 : index
        %swap3A_642 = tpu.vector_load %arg9[%swap3A_640, %swap3A_641] {strides = array<i32>} : memref<128x128xf32, #tpu.memory_space<vmem>>, vector<16xf32>,
        tpu.vector_store %arg9[%swap3A_640, %swap3A_641], %mul3A_639 {strides = array<i32>} : memref<128x128xf32, #tpu.memory_space<vmem>>, vector<16xf32>,
        %eq3A_643 = arith.constant 3 : i32
        %eq3A_644 = vector.broadcast %eq3A_643 : i32 to vector<16xi32>
        %eq3A_645 = arith.cmpi eq, %gather3A_583, %eq3A_644 : vector<16xi32>
        %jit3A_646 = arith.constant 0.000000e+00 : f32
        %broadcast_in_dim3A_647 = vector.broadcast %jit3A_646 : f32 to vector<16xf32>
        %select_n3A_648 = arith.select %eq3A_645, %gather3A_579, %broadcast_in_dim3A_647 : vector<16xi1>, vector<16xf32>
        %swap3A_649 = arith.index_cast %add3A_587 : i32 to index
        %swap3A_650 = arith.constant 48 : index
        %swap3A_651 = tpu.vector_load %arg10[%swap3A_649, %swap3A_650] {strides = array<i32>} : memref<128x128xf32, #tpu.memory_space<vmem>>, vector<16xf32>,
        tpu.vector_store %arg10[%swap3A_649, %swap3A_650], %select_n3A_648 {strides = array<i32>} : memref<128x128xf32, #tpu.memory_space<vmem>>, vector<16xf32>,
        %get3A_652 = arith.index_cast %add3A_587 : i32 to index
        %get3A_653 = arith.constant 64 : index
        %get3A_654 = tpu.vector_load %arg9[%get3A_652, %get3A_653] {strides = array<i32>} : memref<128x128xf32, #tpu.memory_space<vmem>>, vector<16xf32>,
        %mul3A_655 = arith.mulf %get3A_654, %gather3A_579 : vector<16xf32>
        %swap3A_656 = arith.index_cast %add3A_587 : i32 to index
        %swap3A_657 = arith.constant 64 : index
        %swap3A_658 = tpu.vector_load %arg9[%swap3A_656, %swap3A_657] {strides = array<i32>} : memref<128x128xf32, #tpu.memory_space<vmem>>, vector<16xf32>,
        tpu.vector_store %arg9[%swap3A_656, %swap3A_657], %mul3A_655 {strides = array<i32>} : memref<128x128xf32, #tpu.memory_space<vmem>>, vector<16xf32>,
        %eq3A_659 = arith.constant 4 : i32
        %eq3A_660 = vector.broadcast %eq3A_659 : i32 to vector<16xi32>
        %eq3A_661 = arith.cmpi eq, %gather3A_583, %eq3A_660 : vector<16xi32>
        %jit3A_662 = arith.constant 0.000000e+00 : f32
        %broadcast_in_dim3A_663 = vector.broadcast %jit3A_662 : f32 to vector<16xf32>
        %select_n3A_664 = arith.select %eq3A_661, %gather3A_579, %broadcast_in_dim3A_663 : vector<16xi1>, vector<16xf32>
        %swap3A_665 = arith.index_cast %add3A_587 : i32 to index
        %swap3A_666 = arith.constant 64 : index
        %swap3A_667 = tpu.vector_load %arg10[%swap3A_665, %swap3A_666] {strides = array<i32>} : memref<128x128xf32, #tpu.memory_space<vmem>>, vector<16xf32>,
        tpu.vector_store %arg10[%swap3A_665, %swap3A_666], %select_n3A_664 {strides = array<i32>} : memref<128x128xf32, #tpu.memory_space<vmem>>, vector<16xf32>,
        %get3A_668 = arith.index_cast %add3A_587 : i32 to index
        %get3A_669 = arith.constant 80 : index
        %get3A_670 = tpu.vector_load %arg9[%get3A_668, %get3A_669] {strides = array<i32>} : memref<128x128xf32, #tpu.memory_space<vmem>>, vector<16xf32>,
        %mul3A_671 = arith.mulf %get3A_670, %gather3A_579 : vector<16xf32>
        %swap3A_672 = arith.index_cast %add3A_587 : i32 to index
        %swap3A_673 = arith.constant 80 : index
        %swap3A_674 = tpu.vector_load %arg9[%swap3A_672, %swap3A_673] {strides = array<i32>} : memref<128x128xf32, #tpu.memory_space<vmem>>, vector<16xf32>,
        tpu.vector_store %arg9[%swap3A_672, %swap3A_673], %mul3A_671 {strides = array<i32>} : memref<128x128xf32, #tpu.memory_space<vmem>>, vector<16xf32>,
        %eq3A_675 = arith.constant 5 : i32
        %eq3A_676 = vector.broadcast %eq3A_675 : i32 to vector<16xi32>
        %eq3A_677 = arith.cmpi eq, %gather3A_583, %eq3A_676 : vector<16xi32>
        %jit3A_678 = arith.constant 0.000000e+00 : f32
        %broadcast_in_dim3A_679 = vector.broadcast %jit3A_678 : f32 to vector<16xf32>
        %select_n3A_680 = arith.select %eq3A_677, %gather3A_579, %broadcast_in_dim3A_679 : vector<16xi1>, vector<16xf32>
        %swap3A_681 = arith.index_cast %add3A_587 : i32 to index
        %swap3A_682 = arith.constant 80 : index
        %swap3A_683 = tpu.vector_load %arg10[%swap3A_681, %swap3A_682] {strides = array<i32>} : memref<128x128xf32, #tpu.memory_space<vmem>>, vector<16xf32>,
        tpu.vector_store %arg10[%swap3A_681, %swap3A_682], %select_n3A_680 {strides = array<i32>} : memref<128x128xf32, #tpu.memory_space<vmem>>, vector<16xf32>,
        %get3A_684 = arith.index_cast %add3A_587 : i32 to index
        %get3A_685 = arith.constant 96 : index
        %get3A_686 = tpu.vector_load %arg9[%get3A_684, %get3A_685] {strides = array<i32>} : memref<128x128xf32, #tpu.memory_space<vmem>>, vector<16xf32>,
        %mul3A_687 = arith.mulf %get3A_686, %gather3A_579 : vector<16xf32>
        %swap3A_688 = arith.index_cast %add3A_587 : i32 to index
        %swap3A_689 = arith.constant 96 : index
        %swap3A_690 = tpu.vector_load %arg9[%swap3A_688, %swap3A_689] {strides = array<i32>} : memref<128x128xf32, #tpu.memory_space<vmem>>, vector<16xf32>,
        tpu.vector_store %arg9[%swap3A_688, %swap3A_689], %mul3A_687 {strides = array<i32>} : memref<128x128xf32, #tpu.memory_space<vmem>>, vector<16xf32>,
        %eq3A_691 = arith.constant 6 : i32
        %eq3A_692 = vector.broadcast %eq3A_691 : i32 to vector<16xi32>
        %eq3A_693 = arith.cmpi eq, %gather3A_583, %eq3A_692 : vector<16xi32>
        %jit3A_694 = arith.constant 0.000000e+00 : f32
        %broadcast_in_dim3A_695 = vector.broadcast %jit3A_694 : f32 to vector<16xf32>
        %select_n3A_696 = arith.select %eq3A_693, %gather3A_579, %broadcast_in_dim3A_695 : vector<16xi1>, vector<16xf32>
        %swap3A_697 = arith.index_cast %add3A_587 : i32 to index
        %swap3A_698 = arith.constant 96 : index
        %swap3A_699 = tpu.vector_load %arg10[%swap3A_697, %swap3A_698] {strides = array<i32>} : memref<128x128xf32, #tpu.memory_space<vmem>>, vector<16xf32>,
        tpu.vector_store %arg10[%swap3A_697, %swap3A_698], %select_n3A_696 {strides = array<i32>} : memref<128x128xf32, #tpu.memory_space<vmem>>, vector<16xf32>,
        %get3A_700 = arith.index_cast %add3A_587 : i32 to index
        %get3A_701 = arith.constant 112 : index
        %get3A_702 = tpu.vector_load %arg9[%get3A_700, %get3A_701] {strides = array<i32>} : memref<128x128xf32, #tpu.memory_space<vmem>>, vector<16xf32>,
        %mul3A_703 = arith.mulf %get3A_702, %gather3A_579 : vector<16xf32>
        %swap3A_704 = arith.index_cast %add3A_587 : i32 to index
        %swap3A_705 = arith.constant 112 : index
        %swap3A_706 = tpu.vector_load %arg9[%swap3A_704, %swap3A_705] {strides = array<i32>} : memref<128x128xf32, #tpu.memory_space<vmem>>, vector<16xf32>,
        tpu.vector_store %arg9[%swap3A_704, %swap3A_705], %mul3A_703 {strides = array<i32>} : memref<128x128xf32, #tpu.memory_space<vmem>>, vector<16xf32>,
        %eq3A_707 = arith.constant 7 : i32
        %eq3A_708 = vector.broadcast %eq3A_707 : i32 to vector<16xi32>
        %eq3A_709 = arith.cmpi eq, %gather3A_583, %eq3A_708 : vector<16xi32>
        %jit3A_710 = arith.constant 0.000000e+00 : f32
        %broadcast_in_dim3A_711 = vector.broadcast %jit3A_710 : f32 to vector<16xf32>
        %select_n3A_712 = arith.select %eq3A_709, %gather3A_579, %broadcast_in_dim3A_711 : vector<16xi1>, vector<16xf32>
        %swap3A_713 = arith.index_cast %add3A_587 : i32 to index
        %swap3A_714 = arith.constant 112 : index
        %swap3A_715 = tpu.vector_load %arg10[%swap3A_713, %swap3A_714] {strides = array<i32>} : memref<128x128xf32, #tpu.memory_space<vmem>>, vector<16xf32>,
        tpu.vector_store %arg10[%swap3A_713, %swap3A_714], %select_n3A_712 {strides = array<i32>} : memref<128x128xf32, #tpu.memory_space<vmem>>, vector<16xf32>,
        %broadcast_in_dim3A_716 = arith.constant 4 : i32
        %broadcast_in_dim3A_717 = vector.broadcast %broadcast_in_dim3A_716 : i32 to vector<16x1xi32>
        %gather3A_718 = vector.shape_cast %broadcast_in_dim3A_717 : vector<16x1xi32> to vector<16xi32>
        %gather3A_719 = tpu.dynamic_gather %bitcast3A[%gather3A_718] in [0] : vector<16xf32>, vector<16xi32> -> vector<16xf32>
        %broadcast_in_dim3A_720 = arith.constant 4 : i32
        %broadcast_in_dim3A_721 = vector.broadcast %broadcast_in_dim3A_720 : i32 to vector<16x1xi32>
        %gather3A_722 = vector.shape_cast %broadcast_in_dim3A_721 : vector<16x1xi32> to vector<16xi32>
        %gather3A_723 = tpu.dynamic_gather %and3A_161[%gather3A_722] in [0] : vector<16xi32>, vector<16xi32> -> vector<16xi32>
        %mul3A_724 = arith.constant 16 : i32
        %mul3A_725 = arith.muli %add3A_150, %mul3A_724 : i32
        %add3A_726 = arith.constant 4 : i32
        %add3A_727 = arith.addi %mul3A_725, %add3A_726 : i32
        %get3A_728 = arith.index_cast %add3A_727 : i32 to index
        %get3A_729 = arith.constant 0 : index
        %get3A_730 = tpu.vector_load %arg9[%get3A_728, %get3A_729] {strides = array<i32>} : memref<128x128xf32, #tpu.memory_space<vmem>>, vector<16xf32>,
        %mul3A_731 = arith.mulf %get3A_730, %gather3A_719 : vector<16xf32>
        %swap3A_732 = arith.index_cast %add3A_727 : i32 to index
        %swap3A_733 = arith.constant 0 : index
        %swap3A_734 = tpu.vector_load %arg9[%swap3A_732, %swap3A_733] {strides = array<i32>} : memref<128x128xf32, #tpu.memory_space<vmem>>, vector<16xf32>,
        tpu.vector_store %arg9[%swap3A_732, %swap3A_733], %mul3A_731 {strides = array<i32>} : memref<128x128xf32, #tpu.memory_space<vmem>>, vector<16xf32>,
        %eq3A_735 = arith.constant 0 : i32
        %eq3A_736 = vector.broadcast %eq3A_735 : i32 to vector<16xi32>
        %eq3A_737 = arith.cmpi eq, %gather3A_723, %eq3A_736 : vector<16xi32>
        %jit3A_738 = arith.constant 0.000000e+00 : f32
        %broadcast_in_dim3A_739 = vector.broadcast %jit3A_738 : f32 to vector<16xf32>
        %select_n3A_740 = arith.select %eq3A_737, %gather3A_719, %broadcast_in_dim3A_739 : vector<16xi1>, vector<16xf32>
        %swap3A_741 = arith.index_cast %add3A_727 : i32 to index
        %swap3A_742 = arith.constant 0 : index
        %swap3A_743 = tpu.vector_load %arg10[%swap3A_741, %swap3A_742] {strides = array<i32>} : memref<128x128xf32, #tpu.memory_space<vmem>>, vector<16xf32>,
        tpu.vector_store %arg10[%swap3A_741, %swap3A_742], %select_n3A_740 {strides = array<i32>} : memref<128x128xf32, #tpu.memory_space<vmem>>, vector<16xf32>,
        %get3A_744 = arith.index_cast %add3A_727 : i32 to index
        %get3A_745 = arith.constant 16 : index
        %get3A_746 = tpu.vector_load %arg9[%get3A_744, %get3A_745] {strides = array<i32>} : memref<128x128xf32, #tpu.memory_space<vmem>>, vector<16xf32>,
        %mul3A_747 = arith.mulf %get3A_746, %gather3A_719 : vector<16xf32>
        %swap3A_748 = arith.index_cast %add3A_727 : i32 to index
        %swap3A_749 = arith.constant 16 : index
        %swap3A_750 = tpu.vector_load %arg9[%swap3A_748, %swap3A_749] {strides = array<i32>} : memref<128x128xf32, #tpu.memory_space<vmem>>, vector<16xf32>,
        tpu.vector_store %arg9[%swap3A_748, %swap3A_749], %mul3A_747 {strides = array<i32>} : memref<128x128xf32, #tpu.memory_space<vmem>>, vector<16xf32>,
        %eq3A_751 = arith.constant 1 : i32
        %eq3A_752 = vector.broadcast %eq3A_751 : i32 to vector<16xi32>
        %eq3A_753 = arith.cmpi eq, %gather3A_723, %eq3A_752 : vector<16xi32>
        %jit3A_754 = arith.constant 0.000000e+00 : f32
        %broadcast_in_dim3A_755 = vector.broadcast %jit3A_754 : f32 to vector<16xf32>
        %select_n3A_756 = arith.select %eq3A_753, %gather3A_719, %broadcast_in_dim3A_755 : vector<16xi1>, vector<16xf32>
        %swap3A_757 = arith.index_cast %add3A_727 : i32 to index
        %swap3A_758 = arith.constant 16 : index
        %swap3A_759 = tpu.vector_load %arg10[%swap3A_757, %swap3A_758] {strides = array<i32>} : memref<128x128xf32, #tpu.memory_space<vmem>>, vector<16xf32>,
        tpu.vector_store %arg10[%swap3A_757, %swap3A_758], %select_n3A_756 {strides = array<i32>} : memref<128x128xf32, #tpu.memory_space<vmem>>, vector<16xf32>,
        %get3A_760 = arith.index_cast %add3A_727 : i32 to index
        %get3A_761 = arith.constant 32 : index
        %get3A_762 = tpu.vector_load %arg9[%get3A_760, %get3A_761] {strides = array<i32>} : memref<128x128xf32, #tpu.memory_space<vmem>>, vector<16xf32>,
        %mul3A_763 = arith.mulf %get3A_762, %gather3A_719 : vector<16xf32>
        %swap3A_764 = arith.index_cast %add3A_727 : i32 to index
        %swap3A_765 = arith.constant 32 : index
        %swap3A_766 = tpu.vector_load %arg9[%swap3A_764, %swap3A_765] {strides = array<i32>} : memref<128x128xf32, #tpu.memory_space<vmem>>, vector<16xf32>,
        tpu.vector_store %arg9[%swap3A_764, %swap3A_765], %mul3A_763 {strides = array<i32>} : memref<128x128xf32, #tpu.memory_space<vmem>>, vector<16xf32>,
        %eq3A_767 = arith.constant 2 : i32
        %eq3A_768 = vector.broadcast %eq3A_767 : i32 to vector<16xi32>
        %eq3A_769 = arith.cmpi eq, %gather3A_723, %eq3A_768 : vector<16xi32>
        %jit3A_770 = arith.constant 0.000000e+00 : f32
        %broadcast_in_dim3A_771 = vector.broadcast %jit3A_770 : f32 to vector<16xf32>
        %select_n3A_772 = arith.select %eq3A_769, %gather3A_719, %broadcast_in_dim3A_771 : vector<16xi1>, vector<16xf32>
        %swap3A_773 = arith.index_cast %add3A_727 : i32 to index
        %swap3A_774 = arith.constant 32 : index
        %swap3A_775 = tpu.vector_load %arg10[%swap3A_773, %swap3A_774] {strides = array<i32>} : memref<128x128xf32, #tpu.memory_space<vmem>>, vector<16xf32>,
        tpu.vector_store %arg10[%swap3A_773, %swap3A_774], %select_n3A_772 {strides = array<i32>} : memref<128x128xf32, #tpu.memory_space<vmem>>, vector<16xf32>,
        %get3A_776 = arith.index_cast %add3A_727 : i32 to index
        %get3A_777 = arith.constant 48 : index
        %get3A_778 = tpu.vector_load %arg9[%get3A_776, %get3A_777] {strides = array<i32>} : memref<128x128xf32, #tpu.memory_space<vmem>>, vector<16xf32>,
        %mul3A_779 = arith.mulf %get3A_778, %gather3A_719 : vector<16xf32>
        %swap3A_780 = arith.index_cast %add3A_727 : i32 to index
        %swap3A_781 = arith.constant 48 : index
        %swap3A_782 = tpu.vector_load %arg9[%swap3A_780, %swap3A_781] {strides = array<i32>} : memref<128x128xf32, #tpu.memory_space<vmem>>, vector<16xf32>,
        tpu.vector_store %arg9[%swap3A_780, %swap3A_781], %mul3A_779 {strides = array<i32>} : memref<128x128xf32, #tpu.memory_space<vmem>>, vector<16xf32>,
        %eq3A_783 = arith.constant 3 : i32
        %eq3A_784 = vector.broadcast %eq3A_783 : i32 to vector<16xi32>
        %eq3A_785 = arith.cmpi eq, %gather3A_723, %eq3A_784 : vector<16xi32>
        %jit3A_786 = arith.constant 0.000000e+00 : f32
        %broadcast_in_dim3A_787 = vector.broadcast %jit3A_786 : f32 to vector<16xf32>
        %select_n3A_788 = arith.select %eq3A_785, %gather3A_719, %broadcast_in_dim3A_787 : vector<16xi1>, vector<16xf32>
        %swap3A_789 = arith.index_cast %add3A_727 : i32 to index
        %swap3A_790 = arith.constant 48 : index
        %swap3A_791 = tpu.vector_load %arg10[%swap3A_789, %swap3A_790] {strides = array<i32>} : memref<128x128xf32, #tpu.memory_space<vmem>>, vector<16xf32>,
        tpu.vector_store %arg10[%swap3A_789, %swap3A_790], %select_n3A_788 {strides = array<i32>} : memref<128x128xf32, #tpu.memory_space<vmem>>, vector<16xf32>,
        %get3A_792 = arith.index_cast %add3A_727 : i32 to index
        %get3A_793 = arith.constant 64 : index
        %get3A_794 = tpu.vector_load %arg9[%get3A_792, %get3A_793] {strides = array<i32>} : memref<128x128xf32, #tpu.memory_space<vmem>>, vector<16xf32>,
        %mul3A_795 = arith.mulf %get3A_794, %gather3A_719 : vector<16xf32>
        %swap3A_796 = arith.index_cast %add3A_727 : i32 to index
        %swap3A_797 = arith.constant 64 : index
        %swap3A_798 = tpu.vector_load %arg9[%swap3A_796, %swap3A_797] {strides = array<i32>} : memref<128x128xf32, #tpu.memory_space<vmem>>, vector<16xf32>,
        tpu.vector_store %arg9[%swap3A_796, %swap3A_797], %mul3A_795 {strides = array<i32>} : memref<128x128xf32, #tpu.memory_space<vmem>>, vector<16xf32>,
        %eq3A_799 = arith.constant 4 : i32
        %eq3A_800 = vector.broadcast %eq3A_799 : i32 to vector<16xi32>
        %eq3A_801 = arith.cmpi eq, %gather3A_723, %eq3A_800 : vector<16xi32>
        %jit3A_802 = arith.constant 0.000000e+00 : f32
        %broadcast_in_dim3A_803 = vector.broadcast %jit3A_802 : f32 to vector<16xf32>
        %select_n3A_804 = arith.select %eq3A_801, %gather3A_719, %broadcast_in_dim3A_803 : vector<16xi1>, vector<16xf32>
        %swap3A_805 = arith.index_cast %add3A_727 : i32 to index
        %swap3A_806 = arith.constant 64 : index
        %swap3A_807 = tpu.vector_load %arg10[%swap3A_805, %swap3A_806] {strides = array<i32>} : memref<128x128xf32, #tpu.memory_space<vmem>>, vector<16xf32>,
        tpu.vector_store %arg10[%swap3A_805, %swap3A_806], %select_n3A_804 {strides = array<i32>} : memref<128x128xf32, #tpu.memory_space<vmem>>, vector<16xf32>,
        %get3A_808 = arith.index_cast %add3A_727 : i32 to index
        %get3A_809 = arith.constant 80 : index
        %get3A_810 = tpu.vector_load %arg9[%get3A_808, %get3A_809] {strides = array<i32>} : memref<128x128xf32, #tpu.memory_space<vmem>>, vector<16xf32>,
        %mul3A_811 = arith.mulf %get3A_810, %gather3A_719 : vector<16xf32>
        %swap3A_812 = arith.index_cast %add3A_727 : i32 to index
        %swap3A_813 = arith.constant 80 : index
        %swap3A_814 = tpu.vector_load %arg9[%swap3A_812, %swap3A_813] {strides = array<i32>} : memref<128x128xf32, #tpu.memory_space<vmem>>, vector<16xf32>,
        tpu.vector_store %arg9[%swap3A_812, %swap3A_813], %mul3A_811 {strides = array<i32>} : memref<128x128xf32, #tpu.memory_space<vmem>>, vector<16xf32>,
        %eq3A_815 = arith.constant 5 : i32
        %eq3A_816 = vector.broadcast %eq3A_815 : i32 to vector<16xi32>
        %eq3A_817 = arith.cmpi eq, %gather3A_723, %eq3A_816 : vector<16xi32>
        %jit3A_818 = arith.constant 0.000000e+00 : f32
        %broadcast_in_dim3A_819 = vector.broadcast %jit3A_818 : f32 to vector<16xf32>
        %select_n3A_820 = arith.select %eq3A_817, %gather3A_719, %broadcast_in_dim3A_819 : vector<16xi1>, vector<16xf32>
        %swap3A_821 = arith.index_cast %add3A_727 : i32 to index
        %swap3A_822 = arith.constant 80 : index
        %swap3A_823 = tpu.vector_load %arg10[%swap3A_821, %swap3A_822] {strides = array<i32>} : memref<128x128xf32, #tpu.memory_space<vmem>>, vector<16xf32>,
        tpu.vector_store %arg10[%swap3A_821, %swap3A_822], %select_n3A_820 {strides = array<i32>} : memref<128x128xf32, #tpu.memory_space<vmem>>, vector<16xf32>,
        %get3A_824 = arith.index_cast %add3A_727 : i32 to index
        %get3A_825 = arith.constant 96 : index
        %get3A_826 = tpu.vector_load %arg9[%get3A_824, %get3A_825] {strides = array<i32>} : memref<128x128xf32, #tpu.memory_space<vmem>>, vector<16xf32>,
        %mul3A_827 = arith.mulf %get3A_826, %gather3A_719 : vector<16xf32>
        %swap3A_828 = arith.index_cast %add3A_727 : i32 to index
        %swap3A_829 = arith.constant 96 : index
        %swap3A_830 = tpu.vector_load %arg9[%swap3A_828, %swap3A_829] {strides = array<i32>} : memref<128x128xf32, #tpu.memory_space<vmem>>, vector<16xf32>,
        tpu.vector_store %arg9[%swap3A_828, %swap3A_829], %mul3A_827 {strides = array<i32>} : memref<128x128xf32, #tpu.memory_space<vmem>>, vector<16xf32>,
        %eq3A_831 = arith.constant 6 : i32
        %eq3A_832 = vector.broadcast %eq3A_831 : i32 to vector<16xi32>
        %eq3A_833 = arith.cmpi eq, %gather3A_723, %eq3A_832 : vector<16xi32>
        %jit3A_834 = arith.constant 0.000000e+00 : f32
        %broadcast_in_dim3A_835 = vector.broadcast %jit3A_834 : f32 to vector<16xf32>
        %select_n3A_836 = arith.select %eq3A_833, %gather3A_719, %broadcast_in_dim3A_835 : vector<16xi1>, vector<16xf32>
        %swap3A_837 = arith.index_cast %add3A_727 : i32 to index
        %swap3A_838 = arith.constant 96 : index
        %swap3A_839 = tpu.vector_load %arg10[%swap3A_837, %swap3A_838] {strides = array<i32>} : memref<128x128xf32, #tpu.memory_space<vmem>>, vector<16xf32>,
        tpu.vector_store %arg10[%swap3A_837, %swap3A_838], %select_n3A_836 {strides = array<i32>} : memref<128x128xf32, #tpu.memory_space<vmem>>, vector<16xf32>,
        %get3A_840 = arith.index_cast %add3A_727 : i32 to index
        %get3A_841 = arith.constant 112 : index
        %get3A_842 = tpu.vector_load %arg9[%get3A_840, %get3A_841] {strides = array<i32>} : memref<128x128xf32, #tpu.memory_space<vmem>>, vector<16xf32>,
        %mul3A_843 = arith.mulf %get3A_842, %gather3A_719 : vector<16xf32>
        %swap3A_844 = arith.index_cast %add3A_727 : i32 to index
        %swap3A_845 = arith.constant 112 : index
        %swap3A_846 = tpu.vector_load %arg9[%swap3A_844, %swap3A_845] {strides = array<i32>} : memref<128x128xf32, #tpu.memory_space<vmem>>, vector<16xf32>,
        tpu.vector_store %arg9[%swap3A_844, %swap3A_845], %mul3A_843 {strides = array<i32>} : memref<128x128xf32, #tpu.memory_space<vmem>>, vector<16xf32>,
        %eq3A_847 = arith.constant 7 : i32
        %eq3A_848 = vector.broadcast %eq3A_847 : i32 to vector<16xi32>
        %eq3A_849 = arith.cmpi eq, %gather3A_723, %eq3A_848 : vector<16xi32>
        %jit3A_850 = arith.constant 0.000000e+00 : f32
        %broadcast_in_dim3A_851 = vector.broadcast %jit3A_850 : f32 to vector<16xf32>
        %select_n3A_852 = arith.select %eq3A_849, %gather3A_719, %broadcast_in_dim3A_851 : vector<16xi1>, vector<16xf32>
        %swap3A_853 = arith.index_cast %add3A_727 : i32 to index
        %swap3A_854 = arith.constant 112 : index
        %swap3A_855 = tpu.vector_load %arg10[%swap3A_853, %swap3A_854] {strides = array<i32>} : memref<128x128xf32, #tpu.memory_space<vmem>>, vector<16xf32>,
        tpu.vector_store %arg10[%swap3A_853, %swap3A_854], %select_n3A_852 {strides = array<i32>} : memref<128x128xf32, #tpu.memory_space<vmem>>, vector<16xf32>,
        %broadcast_in_dim3A_856 = arith.constant 5 : i32
        %broadcast_in_dim3A_857 = vector.broadcast %broadcast_in_dim3A_856 : i32 to vector<16x1xi32>
        %gather3A_858 = vector.shape_cast %broadcast_in_dim3A_857 : vector<16x1xi32> to vector<16xi32>
        %gather3A_859 = tpu.dynamic_gather %bitcast3A[%gather3A_858] in [0] : vector<16xf32>, vector<16xi32> -> vector<16xf32>
        %broadcast_in_dim3A_860 = arith.constant 5 : i32
        %broadcast_in_dim3A_861 = vector.broadcast %broadcast_in_dim3A_860 : i32 to vector<16x1xi32>
        %gather3A_862 = vector.shape_cast %broadcast_in_dim3A_861 : vector<16x1xi32> to vector<16xi32>
        %gather3A_863 = tpu.dynamic_gather %and3A_161[%gather3A_862] in [0] : vector<16xi32>, vector<16xi32> -> vector<16xi32>
        %mul3A_864 = arith.constant 16 : i32
        %mul3A_865 = arith.muli %add3A_150, %mul3A_864 : i32
        %add3A_866 = arith.constant 5 : i32
        %add3A_867 = arith.addi %mul3A_865, %add3A_866 : i32
        %get3A_868 = arith.index_cast %add3A_867 : i32 to index
        %get3A_869 = arith.constant 0 : index
        %get3A_870 = tpu.vector_load %arg9[%get3A_868, %get3A_869] {strides = array<i32>} : memref<128x128xf32, #tpu.memory_space<vmem>>, vector<16xf32>,
        %mul3A_871 = arith.mulf %get3A_870, %gather3A_859 : vector<16xf32>
        %swap3A_872 = arith.index_cast %add3A_867 : i32 to index
        %swap3A_873 = arith.constant 0 : index
        %swap3A_874 = tpu.vector_load %arg9[%swap3A_872, %swap3A_873] {strides = array<i32>} : memref<128x128xf32, #tpu.memory_space<vmem>>, vector<16xf32>,
        tpu.vector_store %arg9[%swap3A_872, %swap3A_873], %mul3A_871 {strides = array<i32>} : memref<128x128xf32, #tpu.memory_space<vmem>>, vector<16xf32>,
        %eq3A_875 = arith.constant 0 : i32
        %eq3A_876 = vector.broadcast %eq3A_875 : i32 to vector<16xi32>
        %eq3A_877 = arith.cmpi eq, %gather3A_863, %eq3A_876 : vector<16xi32>
        %jit3A_878 = arith.constant 0.000000e+00 : f32
        %broadcast_in_dim3A_879 = vector.broadcast %jit3A_878 : f32 to vector<16xf32>
        %select_n3A_880 = arith.select %eq3A_877, %gather3A_859, %broadcast_in_dim3A_879 : vector<16xi1>, vector<16xf32>
        %swap3A_881 = arith.index_cast %add3A_867 : i32 to index
        %swap3A_882 = arith.constant 0 : index
        %swap3A_883 = tpu.vector_load %arg10[%swap3A_881, %swap3A_882] {strides = array<i32>} : memref<128x128xf32, #tpu.memory_space<vmem>>, vector<16xf32>,
        tpu.vector_store %arg10[%swap3A_881, %swap3A_882], %select_n3A_880 {strides = array<i32>} : memref<128x128xf32, #tpu.memory_space<vmem>>, vector<16xf32>,
        %get3A_884 = arith.index_cast %add3A_867 : i32 to index
        %get3A_885 = arith.constant 16 : index
        %get3A_886 = tpu.vector_load %arg9[%get3A_884, %get3A_885] {strides = array<i32>} : memref<128x128xf32, #tpu.memory_space<vmem>>, vector<16xf32>,
        %mul3A_887 = arith.mulf %get3A_886, %gather3A_859 : vector<16xf32>
        %swap3A_888 = arith.index_cast %add3A_867 : i32 to index
        %swap3A_889 = arith.constant 16 : index
        %swap3A_890 = tpu.vector_load %arg9[%swap3A_888, %swap3A_889] {strides = array<i32>} : memref<128x128xf32, #tpu.memory_space<vmem>>, vector<16xf32>,
        tpu.vector_store %arg9[%swap3A_888, %swap3A_889], %mul3A_887 {strides = array<i32>} : memref<128x128xf32, #tpu.memory_space<vmem>>, vector<16xf32>,
        %eq3A_891 = arith.constant 1 : i32
        %eq3A_892 = vector.broadcast %eq3A_891 : i32 to vector<16xi32>
        %eq3A_893 = arith.cmpi eq, %gather3A_863, %eq3A_892 : vector<16xi32>
        %jit3A_894 = arith.constant 0.000000e+00 : f32
        %broadcast_in_dim3A_895 = vector.broadcast %jit3A_894 : f32 to vector<16xf32>
        %select_n3A_896 = arith.select %eq3A_893, %gather3A_859, %broadcast_in_dim3A_895 : vector<16xi1>, vector<16xf32>
        %swap3A_897 = arith.index_cast %add3A_867 : i32 to index
        %swap3A_898 = arith.constant 16 : index
        %swap3A_899 = tpu.vector_load %arg10[%swap3A_897, %swap3A_898] {strides = array<i32>} : memref<128x128xf32, #tpu.memory_space<vmem>>, vector<16xf32>,
        tpu.vector_store %arg10[%swap3A_897, %swap3A_898], %select_n3A_896 {strides = array<i32>} : memref<128x128xf32, #tpu.memory_space<vmem>>, vector<16xf32>,
        %get3A_900 = arith.index_cast %add3A_867 : i32 to index
        %get3A_901 = arith.constant 32 : index
        %get3A_902 = tpu.vector_load %arg9[%get3A_900, %get3A_901] {strides = array<i32>} : memref<128x128xf32, #tpu.memory_space<vmem>>, vector<16xf32>,
        %mul3A_903 = arith.mulf %get3A_902, %gather3A_859 : vector<16xf32>
        %swap3A_904 = arith.index_cast %add3A_867 : i32 to index
        %swap3A_905 = arith.constant 32 : index
        %swap3A_906 = tpu.vector_load %arg9[%swap3A_904, %swap3A_905] {strides = array<i32>} : memref<128x128xf32, #tpu.memory_space<vmem>>, vector<16xf32>,
        tpu.vector_store %arg9[%swap3A_904, %swap3A_905], %mul3A_903 {strides = array<i32>} : memref<128x128xf32, #tpu.memory_space<vmem>>, vector<16xf32>,
        %eq3A_907 = arith.constant 2 : i32
        %eq3A_908 = vector.broadcast %eq3A_907 : i32 to vector<16xi32>
        %eq3A_909 = arith.cmpi eq, %gather3A_863, %eq3A_908 : vector<16xi32>
        %jit3A_910 = arith.constant 0.000000e+00 : f32
        %broadcast_in_dim3A_911 = vector.broadcast %jit3A_910 : f32 to vector<16xf32>
        %select_n3A_912 = arith.select %eq3A_909, %gather3A_859, %broadcast_in_dim3A_911 : vector<16xi1>, vector<16xf32>
        %swap3A_913 = arith.index_cast %add3A_867 : i32 to index
        %swap3A_914 = arith.constant 32 : index
        %swap3A_915 = tpu.vector_load %arg10[%swap3A_913, %swap3A_914] {strides = array<i32>} : memref<128x128xf32, #tpu.memory_space<vmem>>, vector<16xf32>,
        tpu.vector_store %arg10[%swap3A_913, %swap3A_914], %select_n3A_912 {strides = array<i32>} : memref<128x128xf32, #tpu.memory_space<vmem>>, vector<16xf32>,
        %get3A_916 = arith.index_cast %add3A_867 : i32 to index
        %get3A_917 = arith.constant 48 : index
        %get3A_918 = tpu.vector_load %arg9[%get3A_916, %get3A_917] {strides = array<i32>} : memref<128x128xf32, #tpu.memory_space<vmem>>, vector<16xf32>,
        %mul3A_919 = arith.mulf %get3A_918, %gather3A_859 : vector<16xf32>
        %swap3A_920 = arith.index_cast %add3A_867 : i32 to index
        %swap3A_921 = arith.constant 48 : index
        %swap3A_922 = tpu.vector_load %arg9[%swap3A_920, %swap3A_921] {strides = array<i32>} : memref<128x128xf32, #tpu.memory_space<vmem>>, vector<16xf32>,
        tpu.vector_store %arg9[%swap3A_920, %swap3A_921], %mul3A_919 {strides = array<i32>} : memref<128x128xf32, #tpu.memory_space<vmem>>, vector<16xf32>,
        %eq3A_923 = arith.constant 3 : i32
        %eq3A_924 = vector.broadcast %eq3A_923 : i32 to vector<16xi32>
        %eq3A_925 = arith.cmpi eq, %gather3A_863, %eq3A_924 : vector<16xi32>
        %jit3A_926 = arith.constant 0.000000e+00 : f32
        %broadcast_in_dim3A_927 = vector.broadcast %jit3A_926 : f32 to vector<16xf32>
        %select_n3A_928 = arith.select %eq3A_925, %gather3A_859, %broadcast_in_dim3A_927 : vector<16xi1>, vector<16xf32>
        %swap3A_929 = arith.index_cast %add3A_867 : i32 to index
        %swap3A_930 = arith.constant 48 : index
        %swap3A_931 = tpu.vector_load %arg10[%swap3A_929, %swap3A_930] {strides = array<i32>} : memref<128x128xf32, #tpu.memory_space<vmem>>, vector<16xf32>,
        tpu.vector_store %arg10[%swap3A_929, %swap3A_930], %select_n3A_928 {strides = array<i32>} : memref<128x128xf32, #tpu.memory_space<vmem>>, vector<16xf32>,
        %get3A_932 = arith.index_cast %add3A_867 : i32 to index
        %get3A_933 = arith.constant 64 : index
        %get3A_934 = tpu.vector_load %arg9[%get3A_932, %get3A_933] {strides = array<i32>} : memref<128x128xf32, #tpu.memory_space<vmem>>, vector<16xf32>,
        %mul3A_935 = arith.mulf %get3A_934, %gather3A_859 : vector<16xf32>
        %swap3A_936 = arith.index_cast %add3A_867 : i32 to index
        %swap3A_937 = arith.constant 64 : index
        %swap3A_938 = tpu.vector_load %arg9[%swap3A_936, %swap3A_937] {strides = array<i32>} : memref<128x128xf32, #tpu.memory_space<vmem>>, vector<16xf32>,
        tpu.vector_store %arg9[%swap3A_936, %swap3A_937], %mul3A_935 {strides = array<i32>} : memref<128x128xf32, #tpu.memory_space<vmem>>, vector<16xf32>,
        %eq3A_939 = arith.constant 4 : i32
        %eq3A_940 = vector.broadcast %eq3A_939 : i32 to vector<16xi32>
        %eq3A_941 = arith.cmpi eq, %gather3A_863, %eq3A_940 : vector<16xi32>
        %jit3A_942 = arith.constant 0.000000e+00 : f32
        %broadcast_in_dim3A_943 = vector.broadcast %jit3A_942 : f32 to vector<16xf32>
        %select_n3A_944 = arith.select %eq3A_941, %gather3A_859, %broadcast_in_dim3A_943 : vector<16xi1>, vector<16xf32>
        %swap3A_945 = arith.index_cast %add3A_867 : i32 to index
        %swap3A_946 = arith.constant 64 : index
        %swap3A_947 = tpu.vector_load %arg10[%swap3A_945, %swap3A_946] {strides = array<i32>} : memref<128x128xf32, #tpu.memory_space<vmem>>, vector<16xf32>,
        tpu.vector_store %arg10[%swap3A_945, %swap3A_946], %select_n3A_944 {strides = array<i32>} : memref<128x128xf32, #tpu.memory_space<vmem>>, vector<16xf32>,
        %get3A_948 = arith.index_cast %add3A_867 : i32 to index
        %get3A_949 = arith.constant 80 : index
        %get3A_950 = tpu.vector_load %arg9[%get3A_948, %get3A_949] {strides = array<i32>} : memref<128x128xf32, #tpu.memory_space<vmem>>, vector<16xf32>,
        %mul3A_951 = arith.mulf %get3A_950, %gather3A_859 : vector<16xf32>
        %swap3A_952 = arith.index_cast %add3A_867 : i32 to index
        %swap3A_953 = arith.constant 80 : index
        %swap3A_954 = tpu.vector_load %arg9[%swap3A_952, %swap3A_953] {strides = array<i32>} : memref<128x128xf32, #tpu.memory_space<vmem>>, vector<16xf32>,
        tpu.vector_store %arg9[%swap3A_952, %swap3A_953], %mul3A_951 {strides = array<i32>} : memref<128x128xf32, #tpu.memory_space<vmem>>, vector<16xf32>,
        %eq3A_955 = arith.constant 5 : i32
        %eq3A_956 = vector.broadcast %eq3A_955 : i32 to vector<16xi32>
        %eq3A_957 = arith.cmpi eq, %gather3A_863, %eq3A_956 : vector<16xi32>
        %jit3A_958 = arith.constant 0.000000e+00 : f32
        %broadcast_in_dim3A_959 = vector.broadcast %jit3A_958 : f32 to vector<16xf32>
        %select_n3A_960 = arith.select %eq3A_957, %gather3A_859, %broadcast_in_dim3A_959 : vector<16xi1>, vector<16xf32>
        %swap3A_961 = arith.index_cast %add3A_867 : i32 to index
        %swap3A_962 = arith.constant 80 : index
        %swap3A_963 = tpu.vector_load %arg10[%swap3A_961, %swap3A_962] {strides = array<i32>} : memref<128x128xf32, #tpu.memory_space<vmem>>, vector<16xf32>,
        tpu.vector_store %arg10[%swap3A_961, %swap3A_962], %select_n3A_960 {strides = array<i32>} : memref<128x128xf32, #tpu.memory_space<vmem>>, vector<16xf32>,
        %get3A_964 = arith.index_cast %add3A_867 : i32 to index
        %get3A_965 = arith.constant 96 : index
        %get3A_966 = tpu.vector_load %arg9[%get3A_964, %get3A_965] {strides = array<i32>} : memref<128x128xf32, #tpu.memory_space<vmem>>, vector<16xf32>,
        %mul3A_967 = arith.mulf %get3A_966, %gather3A_859 : vector<16xf32>
        %swap3A_968 = arith.index_cast %add3A_867 : i32 to index
        %swap3A_969 = arith.constant 96 : index
        %swap3A_970 = tpu.vector_load %arg9[%swap3A_968, %swap3A_969] {strides = array<i32>} : memref<128x128xf32, #tpu.memory_space<vmem>>, vector<16xf32>,
        tpu.vector_store %arg9[%swap3A_968, %swap3A_969], %mul3A_967 {strides = array<i32>} : memref<128x128xf32, #tpu.memory_space<vmem>>, vector<16xf32>,
        %eq3A_971 = arith.constant 6 : i32
        %eq3A_972 = vector.broadcast %eq3A_971 : i32 to vector<16xi32>
        %eq3A_973 = arith.cmpi eq, %gather3A_863, %eq3A_972 : vector<16xi32>
        %jit3A_974 = arith.constant 0.000000e+00 : f32
        %broadcast_in_dim3A_975 = vector.broadcast %jit3A_974 : f32 to vector<16xf32>
        %select_n3A_976 = arith.select %eq3A_973, %gather3A_859, %broadcast_in_dim3A_975 : vector<16xi1>, vector<16xf32>
        %swap3A_977 = arith.index_cast %add3A_867 : i32 to index
        %swap3A_978 = arith.constant 96 : index
        %swap3A_979 = tpu.vector_load %arg10[%swap3A_977, %swap3A_978] {strides = array<i32>} : memref<128x128xf32, #tpu.memory_space<vmem>>, vector<16xf32>,
        tpu.vector_store %arg10[%swap3A_977, %swap3A_978], %select_n3A_976 {strides = array<i32>} : memref<128x128xf32, #tpu.memory_space<vmem>>, vector<16xf32>,
        %get3A_980 = arith.index_cast %add3A_867 : i32 to index
        %get3A_981 = arith.constant 112 : index
        %get3A_982 = tpu.vector_load %arg9[%get3A_980, %get3A_981] {strides = array<i32>} : memref<128x128xf32, #tpu.memory_space<vmem>>, vector<16xf32>,
        %mul3A_983 = arith.mulf %get3A_982, %gather3A_859 : vector<16xf32>
        %swap3A_984 = arith.index_cast %add3A_867 : i32 to index
        %swap3A_985 = arith.constant 112 : index
        %swap3A_986 = tpu.vector_load %arg9[%swap3A_984, %swap3A_985] {strides = array<i32>} : memref<128x128xf32, #tpu.memory_space<vmem>>, vector<16xf32>,
        tpu.vector_store %arg9[%swap3A_984, %swap3A_985], %mul3A_983 {strides = array<i32>} : memref<128x128xf32, #tpu.memory_space<vmem>>, vector<16xf32>,
        %eq3A_987 = arith.constant 7 : i32
        %eq3A_988 = vector.broadcast %eq3A_987 : i32 to vector<16xi32>
        %eq3A_989 = arith.cmpi eq, %gather3A_863, %eq3A_988 : vector<16xi32>
        %jit3A_990 = arith.constant 0.000000e+00 : f32
        %broadcast_in_dim3A_991 = vector.broadcast %jit3A_990 : f32 to vector<16xf32>
        %select_n3A_992 = arith.select %eq3A_989, %gather3A_859, %broadcast_in_dim3A_991 : vector<16xi1>, vector<16xf32>
        %swap3A_993 = arith.index_cast %add3A_867 : i32 to index
        %swap3A_994 = arith.constant 112 : index
        %swap3A_995 = tpu.vector_load %arg10[%swap3A_993, %swap3A_994] {strides = array<i32>} : memref<128x128xf32, #tpu.memory_space<vmem>>, vector<16xf32>,
        tpu.vector_store %arg10[%swap3A_993, %swap3A_994], %select_n3A_992 {strides = array<i32>} : memref<128x128xf32, #tpu.memory_space<vmem>>, vector<16xf32>,
        %broadcast_in_dim3A_996 = arith.constant 6 : i32
        %broadcast_in_dim3A_997 = vector.broadcast %broadcast_in_dim3A_996 : i32 to vector<16x1xi32>
        %gather3A_998 = vector.shape_cast %broadcast_in_dim3A_997 : vector<16x1xi32> to vector<16xi32>
        %gather3A_999 = tpu.dynamic_gather %bitcast3A[%gather3A_998] in [0] : vector<16xf32>, vector<16xi32> -> vector<16xf32>
        %broadcast_in_dim3A_1000 = arith.constant 6 : i32
        %broadcast_in_dim3A_1001 = vector.broadcast %broadcast_in_dim3A_1000 : i32 to vector<16x1xi32>
        %gather3A_1002 = vector.shape_cast %broadcast_in_dim3A_1001 : vector<16x1xi32> to vector<16xi32>
        %gather3A_1003 = tpu.dynamic_gather %and3A_161[%gather3A_1002] in [0] : vector<16xi32>, vector<16xi32> -> vector<16xi32>
        %mul3A_1004 = arith.constant 16 : i32
        %mul3A_1005 = arith.muli %add3A_150, %mul3A_1004 : i32
        %add3A_1006 = arith.constant 6 : i32
        %add3A_1007 = arith.addi %mul3A_1005, %add3A_1006 : i32
        %get3A_1008 = arith.index_cast %add3A_1007 : i32 to index
        %get3A_1009 = arith.constant 0 : index
        %get3A_1010 = tpu.vector_load %arg9[%get3A_1008, %get3A_1009] {strides = array<i32>} : memref<128x128xf32, #tpu.memory_space<vmem>>, vector<16xf32>,
        %mul3A_1011 = arith.mulf %get3A_1010, %gather3A_999 : vector<16xf32>
        %swap3A_1012 = arith.index_cast %add3A_1007 : i32 to index
        %swap3A_1013 = arith.constant 0 : index
        %swap3A_1014 = tpu.vector_load %arg9[%swap3A_1012, %swap3A_1013] {strides = array<i32>} : memref<128x128xf32, #tpu.memory_space<vmem>>, vector<16xf32>,
        tpu.vector_store %arg9[%swap3A_1012, %swap3A_1013], %mul3A_1011 {strides = array<i32>} : memref<128x128xf32, #tpu.memory_space<vmem>>, vector<16xf32>,
        %eq3A_1015 = arith.constant 0 : i32
        %eq3A_1016 = vector.broadcast %eq3A_1015 : i32 to vector<16xi32>
        %eq3A_1017 = arith.cmpi eq, %gather3A_1003, %eq3A_1016 : vector<16xi32>
        %jit3A_1018 = arith.constant 0.000000e+00 : f32
        %broadcast_in_dim3A_1019 = vector.broadcast %jit3A_1018 : f32 to vector<16xf32>
        %select_n3A_1020 = arith.select %eq3A_1017, %gather3A_999, %broadcast_in_dim3A_1019 : vector<16xi1>, vector<16xf32>
        %swap3A_1021 = arith.index_cast %add3A_1007 : i32 to index
        %swap3A_1022 = arith.constant 0 : index
        %swap3A_1023 = tpu.vector_load %arg10[%swap3A_1021, %swap3A_1022] {strides = array<i32>} : memref<128x128xf32, #tpu.memory_space<vmem>>, vector<16xf32>,
        tpu.vector_store %arg10[%swap3A_1021, %swap3A_1022], %select_n3A_1020 {strides = array<i32>} : memref<128x128xf32, #tpu.memory_space<vmem>>, vector<16xf32>,
        %get3A_1024 = arith.index_cast %add3A_1007 : i32 to index
        %get3A_1025 = arith.constant 16 : index
        %get3A_1026 = tpu.vector_load %arg9[%get3A_1024, %get3A_1025] {strides = array<i32>} : memref<128x128xf32, #tpu.memory_space<vmem>>, vector<16xf32>,
        %mul3A_1027 = arith.mulf %get3A_1026, %gather3A_999 : vector<16xf32>
        %swap3A_1028 = arith.index_cast %add3A_1007 : i32 to index
        %swap3A_1029 = arith.constant 16 : index
        %swap3A_1030 = tpu.vector_load %arg9[%swap3A_1028, %swap3A_1029] {strides = array<i32>} : memref<128x128xf32, #tpu.memory_space<vmem>>, vector<16xf32>,
        tpu.vector_store %arg9[%swap3A_1028, %swap3A_1029], %mul3A_1027 {strides = array<i32>} : memref<128x128xf32, #tpu.memory_space<vmem>>, vector<16xf32>,
        %eq3A_1031 = arith.constant 1 : i32
        %eq3A_1032 = vector.broadcast %eq3A_1031 : i32 to vector<16xi32>
        %eq3A_1033 = arith.cmpi eq, %gather3A_1003, %eq3A_1032 : vector<16xi32>
        %jit3A_1034 = arith.constant 0.000000e+00 : f32
        %broadcast_in_dim3A_1035 = vector.broadcast %jit3A_1034 : f32 to vector<16xf32>
        %select_n3A_1036 = arith.select %eq3A_1033, %gather3A_999, %broadcast_in_dim3A_1035 : vector<16xi1>, vector<16xf32>
        %swap3A_1037 = arith.index_cast %add3A_1007 : i32 to index
        %swap3A_1038 = arith.constant 16 : index
        %swap3A_1039 = tpu.vector_load %arg10[%swap3A_1037, %swap3A_1038] {strides = array<i32>} : memref<128x128xf32, #tpu.memory_space<vmem>>, vector<16xf32>,
        tpu.vector_store %arg10[%swap3A_1037, %swap3A_1038], %select_n3A_1036 {strides = array<i32>} : memref<128x128xf32, #tpu.memory_space<vmem>>, vector<16xf32>,
        %get3A_1040 = arith.index_cast %add3A_1007 : i32 to index
        %get3A_1041 = arith.constant 32 : index
        %get3A_1042 = tpu.vector_load %arg9[%get3A_1040, %get3A_1041] {strides = array<i32>} : memref<128x128xf32, #tpu.memory_space<vmem>>, vector<16xf32>,
        %mul3A_1043 = arith.mulf %get3A_1042, %gather3A_999 : vector<16xf32>
        %swap3A_1044 = arith.index_cast %add3A_1007 : i32 to index
        %swap3A_1045 = arith.constant 32 : index
        %swap3A_1046 = tpu.vector_load %arg9[%swap3A_1044, %swap3A_1045] {strides = array<i32>} : memref<128x128xf32, #tpu.memory_space<vmem>>, vector<16xf32>,
        tpu.vector_store %arg9[%swap3A_1044, %swap3A_1045], %mul3A_1043 {strides = array<i32>} : memref<128x128xf32, #tpu.memory_space<vmem>>, vector<16xf32>,
        %eq3A_1047 = arith.constant 2 : i32
        %eq3A_1048 = vector.broadcast %eq3A_1047 : i32 to vector<16xi32>
        %eq3A_1049 = arith.cmpi eq, %gather3A_1003, %eq3A_1048 : vector<16xi32>
        %jit3A_1050 = arith.constant 0.000000e+00 : f32
        %broadcast_in_dim3A_1051 = vector.broadcast %jit3A_1050 : f32 to vector<16xf32>
        %select_n3A_1052 = arith.select %eq3A_1049, %gather3A_999, %broadcast_in_dim3A_1051 : vector<16xi1>, vector<16xf32>
        %swap3A_1053 = arith.index_cast %add3A_1007 : i32 to index
        %swap3A_1054 = arith.constant 32 : index
        %swap3A_1055 = tpu.vector_load %arg10[%swap3A_1053, %swap3A_1054] {strides = array<i32>} : memref<128x128xf32, #tpu.memory_space<vmem>>, vector<16xf32>,
        tpu.vector_store %arg10[%swap3A_1053, %swap3A_1054], %select_n3A_1052 {strides = array<i32>} : memref<128x128xf32, #tpu.memory_space<vmem>>, vector<16xf32>,
        %get3A_1056 = arith.index_cast %add3A_1007 : i32 to index
        %get3A_1057 = arith.constant 48 : index
        %get3A_1058 = tpu.vector_load %arg9[%get3A_1056, %get3A_1057] {strides = array<i32>} : memref<128x128xf32, #tpu.memory_space<vmem>>, vector<16xf32>,
        %mul3A_1059 = arith.mulf %get3A_1058, %gather3A_999 : vector<16xf32>
        %swap3A_1060 = arith.index_cast %add3A_1007 : i32 to index
        %swap3A_1061 = arith.constant 48 : index
        %swap3A_1062 = tpu.vector_load %arg9[%swap3A_1060, %swap3A_1061] {strides = array<i32>} : memref<128x128xf32, #tpu.memory_space<vmem>>, vector<16xf32>,
        tpu.vector_store %arg9[%swap3A_1060, %swap3A_1061], %mul3A_1059 {strides = array<i32>} : memref<128x128xf32, #tpu.memory_space<vmem>>, vector<16xf32>,
        %eq3A_1063 = arith.constant 3 : i32
        %eq3A_1064 = vector.broadcast %eq3A_1063 : i32 to vector<16xi32>
        %eq3A_1065 = arith.cmpi eq, %gather3A_1003, %eq3A_1064 : vector<16xi32>
        %jit3A_1066 = arith.constant 0.000000e+00 : f32
        %broadcast_in_dim3A_1067 = vector.broadcast %jit3A_1066 : f32 to vector<16xf32>
        %select_n3A_1068 = arith.select %eq3A_1065, %gather3A_999, %broadcast_in_dim3A_1067 : vector<16xi1>, vector<16xf32>
        %swap3A_1069 = arith.index_cast %add3A_1007 : i32 to index
        %swap3A_1070 = arith.constant 48 : index
        %swap3A_1071 = tpu.vector_load %arg10[%swap3A_1069, %swap3A_1070] {strides = array<i32>} : memref<128x128xf32, #tpu.memory_space<vmem>>, vector<16xf32>,
        tpu.vector_store %arg10[%swap3A_1069, %swap3A_1070], %select_n3A_1068 {strides = array<i32>} : memref<128x128xf32, #tpu.memory_space<vmem>>, vector<16xf32>,
        %get3A_1072 = arith.index_cast %add3A_1007 : i32 to index
        %get3A_1073 = arith.constant 64 : index
        %get3A_1074 = tpu.vector_load %arg9[%get3A_1072, %get3A_1073] {strides = array<i32>} : memref<128x128xf32, #tpu.memory_space<vmem>>, vector<16xf32>,
        %mul3A_1075 = arith.mulf %get3A_1074, %gather3A_999 : vector<16xf32>
        %swap3A_1076 = arith.index_cast %add3A_1007 : i32 to index
        %swap3A_1077 = arith.constant 64 : index
        %swap3A_1078 = tpu.vector_load %arg9[%swap3A_1076, %swap3A_1077] {strides = array<i32>} : memref<128x128xf32, #tpu.memory_space<vmem>>, vector<16xf32>,
        tpu.vector_store %arg9[%swap3A_1076, %swap3A_1077], %mul3A_1075 {strides = array<i32>} : memref<128x128xf32, #tpu.memory_space<vmem>>, vector<16xf32>,
        %eq3A_1079 = arith.constant 4 : i32
        %eq3A_1080 = vector.broadcast %eq3A_1079 : i32 to vector<16xi32>
        %eq3A_1081 = arith.cmpi eq, %gather3A_1003, %eq3A_1080 : vector<16xi32>
        %jit3A_1082 = arith.constant 0.000000e+00 : f32
        %broadcast_in_dim3A_1083 = vector.broadcast %jit3A_1082 : f32 to vector<16xf32>
        %select_n3A_1084 = arith.select %eq3A_1081, %gather3A_999, %broadcast_in_dim3A_1083 : vector<16xi1>, vector<16xf32>
        %swap3A_1085 = arith.index_cast %add3A_1007 : i32 to index
        %swap3A_1086 = arith.constant 64 : index
        %swap3A_1087 = tpu.vector_load %arg10[%swap3A_1085, %swap3A_1086] {strides = array<i32>} : memref<128x128xf32, #tpu.memory_space<vmem>>, vector<16xf32>,
        tpu.vector_store %arg10[%swap3A_1085, %swap3A_1086], %select_n3A_1084 {strides = array<i32>} : memref<128x128xf32, #tpu.memory_space<vmem>>, vector<16xf32>,
        %get3A_1088 = arith.index_cast %add3A_1007 : i32 to index
        %get3A_1089 = arith.constant 80 : index
        %get3A_1090 = tpu.vector_load %arg9[%get3A_1088, %get3A_1089] {strides = array<i32>} : memref<128x128xf32, #tpu.memory_space<vmem>>, vector<16xf32>,
        %mul3A_1091 = arith.mulf %get3A_1090, %gather3A_999 : vector<16xf32>
        %swap3A_1092 = arith.index_cast %add3A_1007 : i32 to index
        %swap3A_1093 = arith.constant 80 : index
        %swap3A_1094 = tpu.vector_load %arg9[%swap3A_1092, %swap3A_1093] {strides = array<i32>} : memref<128x128xf32, #tpu.memory_space<vmem>>, vector<16xf32>,
        tpu.vector_store %arg9[%swap3A_1092, %swap3A_1093], %mul3A_1091 {strides = array<i32>} : memref<128x128xf32, #tpu.memory_space<vmem>>, vector<16xf32>,
        %eq3A_1095 = arith.constant 5 : i32
        %eq3A_1096 = vector.broadcast %eq3A_1095 : i32 to vector<16xi32>
        %eq3A_1097 = arith.cmpi eq, %gather3A_1003, %eq3A_1096 : vector<16xi32>
        %jit3A_1098 = arith.constant 0.000000e+00 : f32
        %broadcast_in_dim3A_1099 = vector.broadcast %jit3A_1098 : f32 to vector<16xf32>
        %select_n3A_1100 = arith.select %eq3A_1097, %gather3A_999, %broadcast_in_dim3A_1099 : vector<16xi1>, vector<16xf32>
        %swap3A_1101 = arith.index_cast %add3A_1007 : i32 to index
        %swap3A_1102 = arith.constant 80 : index
        %swap3A_1103 = tpu.vector_load %arg10[%swap3A_1101, %swap3A_1102] {strides = array<i32>} : memref<128x128xf32, #tpu.memory_space<vmem>>, vector<16xf32>,
        tpu.vector_store %arg10[%swap3A_1101, %swap3A_1102], %select_n3A_1100 {strides = array<i32>} : memref<128x128xf32, #tpu.memory_space<vmem>>, vector<16xf32>,
        %get3A_1104 = arith.index_cast %add3A_1007 : i32 to index
        %get3A_1105 = arith.constant 96 : index
        %get3A_1106 = tpu.vector_load %arg9[%get3A_1104, %get3A_1105] {strides = array<i32>} : memref<128x128xf32, #tpu.memory_space<vmem>>, vector<16xf32>,
        %mul3A_1107 = arith.mulf %get3A_1106, %gather3A_999 : vector<16xf32>
        %swap3A_1108 = arith.index_cast %add3A_1007 : i32 to index
        %swap3A_1109 = arith.constant 96 : index
        %swap3A_1110 = tpu.vector_load %arg9[%swap3A_1108, %swap3A_1109] {strides = array<i32>} : memref<128x128xf32, #tpu.memory_space<vmem>>, vector<16xf32>,
        tpu.vector_store %arg9[%swap3A_1108, %swap3A_1109], %mul3A_1107 {strides = array<i32>} : memref<128x128xf32, #tpu.memory_space<vmem>>, vector<16xf32>,
        %eq3A_1111 = arith.constant 6 : i32
        %eq3A_1112 = vector.broadcast %eq3A_1111 : i32 to vector<16xi32>
        %eq3A_1113 = arith.cmpi eq, %gather3A_1003, %eq3A_1112 : vector<16xi32>
        %jit3A_1114 = arith.constant 0.000000e+00 : f32
        %broadcast_in_dim3A_1115 = vector.broadcast %jit3A_1114 : f32 to vector<16xf32>
        %select_n3A_1116 = arith.select %eq3A_1113, %gather3A_999, %broadcast_in_dim3A_1115 : vector<16xi1>, vector<16xf32>
        %swap3A_1117 = arith.index_cast %add3A_1007 : i32 to index
        %swap3A_1118 = arith.constant 96 : index
        %swap3A_1119 = tpu.vector_load %arg10[%swap3A_1117, %swap3A_1118] {strides = array<i32>} : memref<128x128xf32, #tpu.memory_space<vmem>>, vector<16xf32>,
        tpu.vector_store %arg10[%swap3A_1117, %swap3A_1118], %select_n3A_1116 {strides = array<i32>} : memref<128x128xf32, #tpu.memory_space<vmem>>, vector<16xf32>,
        %get3A_1120 = arith.index_cast %add3A_1007 : i32 to index
        %get3A_1121 = arith.constant 112 : index
        %get3A_1122 = tpu.vector_load %arg9[%get3A_1120, %get3A_1121] {strides = array<i32>} : memref<128x128xf32, #tpu.memory_space<vmem>>, vector<16xf32>,
        %mul3A_1123 = arith.mulf %get3A_1122, %gather3A_999 : vector<16xf32>
        %swap3A_1124 = arith.index_cast %add3A_1007 : i32 to index
        %swap3A_1125 = arith.constant 112 : index
        %swap3A_1126 = tpu.vector_load %arg9[%swap3A_1124, %swap3A_1125] {strides = array<i32>} : memref<128x128xf32, #tpu.memory_space<vmem>>, vector<16xf32>,
        tpu.vector_store %arg9[%swap3A_1124, %swap3A_1125], %mul3A_1123 {strides = array<i32>} : memref<128x128xf32, #tpu.memory_space<vmem>>, vector<16xf32>,
        %eq3A_1127 = arith.constant 7 : i32
        %eq3A_1128 = vector.broadcast %eq3A_1127 : i32 to vector<16xi32>
        %eq3A_1129 = arith.cmpi eq, %gather3A_1003, %eq3A_1128 : vector<16xi32>
        %jit3A_1130 = arith.constant 0.000000e+00 : f32
        %broadcast_in_dim3A_1131 = vector.broadcast %jit3A_1130 : f32 to vector<16xf32>
        %select_n3A_1132 = arith.select %eq3A_1129, %gather3A_999, %broadcast_in_dim3A_1131 : vector<16xi1>, vector<16xf32>
        %swap3A_1133 = arith.index_cast %add3A_1007 : i32 to index
        %swap3A_1134 = arith.constant 112 : index
        %swap3A_1135 = tpu.vector_load %arg10[%swap3A_1133, %swap3A_1134] {strides = array<i32>} : memref<128x128xf32, #tpu.memory_space<vmem>>, vector<16xf32>,
        tpu.vector_store %arg10[%swap3A_1133, %swap3A_1134], %select_n3A_1132 {strides = array<i32>} : memref<128x128xf32, #tpu.memory_space<vmem>>, vector<16xf32>,
        %broadcast_in_dim3A_1136 = arith.constant 7 : i32
        %broadcast_in_dim3A_1137 = vector.broadcast %broadcast_in_dim3A_1136 : i32 to vector<16x1xi32>
        %gather3A_1138 = vector.shape_cast %broadcast_in_dim3A_1137 : vector<16x1xi32> to vector<16xi32>
        %gather3A_1139 = tpu.dynamic_gather %bitcast3A[%gather3A_1138] in [0] : vector<16xf32>, vector<16xi32> -> vector<16xf32>
        %broadcast_in_dim3A_1140 = arith.constant 7 : i32
        %broadcast_in_dim3A_1141 = vector.broadcast %broadcast_in_dim3A_1140 : i32 to vector<16x1xi32>
        %gather3A_1142 = vector.shape_cast %broadcast_in_dim3A_1141 : vector<16x1xi32> to vector<16xi32>
        %gather3A_1143 = tpu.dynamic_gather %and3A_161[%gather3A_1142] in [0] : vector<16xi32>, vector<16xi32> -> vector<16xi32>
        %mul3A_1144 = arith.constant 16 : i32
        %mul3A_1145 = arith.muli %add3A_150, %mul3A_1144 : i32
        %add3A_1146 = arith.constant 7 : i32
        %add3A_1147 = arith.addi %mul3A_1145, %add3A_1146 : i32
        %get3A_1148 = arith.index_cast %add3A_1147 : i32 to index
        %get3A_1149 = arith.constant 0 : index
        %get3A_1150 = tpu.vector_load %arg9[%get3A_1148, %get3A_1149] {strides = array<i32>} : memref<128x128xf32, #tpu.memory_space<vmem>>, vector<16xf32>,
        %mul3A_1151 = arith.mulf %get3A_1150, %gather3A_1139 : vector<16xf32>
        %swap3A_1152 = arith.index_cast %add3A_1147 : i32 to index
        %swap3A_1153 = arith.constant 0 : index
        %swap3A_1154 = tpu.vector_load %arg9[%swap3A_1152, %swap3A_1153] {strides = array<i32>} : memref<128x128xf32, #tpu.memory_space<vmem>>, vector<16xf32>,
        tpu.vector_store %arg9[%swap3A_1152, %swap3A_1153], %mul3A_1151 {strides = array<i32>} : memref<128x128xf32, #tpu.memory_space<vmem>>, vector<16xf32>,
        %eq3A_1155 = arith.constant 0 : i32
        %eq3A_1156 = vector.broadcast %eq3A_1155 : i32 to vector<16xi32>
        %eq3A_1157 = arith.cmpi eq, %gather3A_1143, %eq3A_1156 : vector<16xi32>
        %jit3A_1158 = arith.constant 0.000000e+00 : f32
        %broadcast_in_dim3A_1159 = vector.broadcast %jit3A_1158 : f32 to vector<16xf32>
        %select_n3A_1160 = arith.select %eq3A_1157, %gather3A_1139, %broadcast_in_dim3A_1159 : vector<16xi1>, vector<16xf32>
        %swap3A_1161 = arith.index_cast %add3A_1147 : i32 to index
        %swap3A_1162 = arith.constant 0 : index
        %swap3A_1163 = tpu.vector_load %arg10[%swap3A_1161, %swap3A_1162] {strides = array<i32>} : memref<128x128xf32, #tpu.memory_space<vmem>>, vector<16xf32>,
        tpu.vector_store %arg10[%swap3A_1161, %swap3A_1162], %select_n3A_1160 {strides = array<i32>} : memref<128x128xf32, #tpu.memory_space<vmem>>, vector<16xf32>,
        %get3A_1164 = arith.index_cast %add3A_1147 : i32 to index
        %get3A_1165 = arith.constant 16 : index
        %get3A_1166 = tpu.vector_load %arg9[%get3A_1164, %get3A_1165] {strides = array<i32>} : memref<128x128xf32, #tpu.memory_space<vmem>>, vector<16xf32>,
        %mul3A_1167 = arith.mulf %get3A_1166, %gather3A_1139 : vector<16xf32>
        %swap3A_1168 = arith.index_cast %add3A_1147 : i32 to index
        %swap3A_1169 = arith.constant 16 : index
        %swap3A_1170 = tpu.vector_load %arg9[%swap3A_1168, %swap3A_1169] {strides = array<i32>} : memref<128x128xf32, #tpu.memory_space<vmem>>, vector<16xf32>,
        tpu.vector_store %arg9[%swap3A_1168, %swap3A_1169], %mul3A_1167 {strides = array<i32>} : memref<128x128xf32, #tpu.memory_space<vmem>>, vector<16xf32>,
        %eq3A_1171 = arith.constant 1 : i32
        %eq3A_1172 = vector.broadcast %eq3A_1171 : i32 to vector<16xi32>
        %eq3A_1173 = arith.cmpi eq, %gather3A_1143, %eq3A_1172 : vector<16xi32>
        %jit3A_1174 = arith.constant 0.000000e+00 : f32
        %broadcast_in_dim3A_1175 = vector.broadcast %jit3A_1174 : f32 to vector<16xf32>
        %select_n3A_1176 = arith.select %eq3A_1173, %gather3A_1139, %broadcast_in_dim3A_1175 : vector<16xi1>, vector<16xf32>
        %swap3A_1177 = arith.index_cast %add3A_1147 : i32 to index
        %swap3A_1178 = arith.constant 16 : index
        %swap3A_1179 = tpu.vector_load %arg10[%swap3A_1177, %swap3A_1178] {strides = array<i32>} : memref<128x128xf32, #tpu.memory_space<vmem>>, vector<16xf32>,
        tpu.vector_store %arg10[%swap3A_1177, %swap3A_1178], %select_n3A_1176 {strides = array<i32>} : memref<128x128xf32, #tpu.memory_space<vmem>>, vector<16xf32>,
        %get3A_1180 = arith.index_cast %add3A_1147 : i32 to index
        %get3A_1181 = arith.constant 32 : index
        %get3A_1182 = tpu.vector_load %arg9[%get3A_1180, %get3A_1181] {strides = array<i32>} : memref<128x128xf32, #tpu.memory_space<vmem>>, vector<16xf32>,
        %mul3A_1183 = arith.mulf %get3A_1182, %gather3A_1139 : vector<16xf32>
        %swap3A_1184 = arith.index_cast %add3A_1147 : i32 to index
        %swap3A_1185 = arith.constant 32 : index
        %swap3A_1186 = tpu.vector_load %arg9[%swap3A_1184, %swap3A_1185] {strides = array<i32>} : memref<128x128xf32, #tpu.memory_space<vmem>>, vector<16xf32>,
        tpu.vector_store %arg9[%swap3A_1184, %swap3A_1185], %mul3A_1183 {strides = array<i32>} : memref<128x128xf32, #tpu.memory_space<vmem>>, vector<16xf32>,
        %eq3A_1187 = arith.constant 2 : i32
        %eq3A_1188 = vector.broadcast %eq3A_1187 : i32 to vector<16xi32>
        %eq3A_1189 = arith.cmpi eq, %gather3A_1143, %eq3A_1188 : vector<16xi32>
        %jit3A_1190 = arith.constant 0.000000e+00 : f32
        %broadcast_in_dim3A_1191 = vector.broadcast %jit3A_1190 : f32 to vector<16xf32>
        %select_n3A_1192 = arith.select %eq3A_1189, %gather3A_1139, %broadcast_in_dim3A_1191 : vector<16xi1>, vector<16xf32>
        %swap3A_1193 = arith.index_cast %add3A_1147 : i32 to index
        %swap3A_1194 = arith.constant 32 : index
        %swap3A_1195 = tpu.vector_load %arg10[%swap3A_1193, %swap3A_1194] {strides = array<i32>} : memref<128x128xf32, #tpu.memory_space<vmem>>, vector<16xf32>,
        tpu.vector_store %arg10[%swap3A_1193, %swap3A_1194], %select_n3A_1192 {strides = array<i32>} : memref<128x128xf32, #tpu.memory_space<vmem>>, vector<16xf32>,
        %get3A_1196 = arith.index_cast %add3A_1147 : i32 to index
        %get3A_1197 = arith.constant 48 : index
        %get3A_1198 = tpu.vector_load %arg9[%get3A_1196, %get3A_1197] {strides = array<i32>} : memref<128x128xf32, #tpu.memory_space<vmem>>, vector<16xf32>,
        %mul3A_1199 = arith.mulf %get3A_1198, %gather3A_1139 : vector<16xf32>
        %swap3A_1200 = arith.index_cast %add3A_1147 : i32 to index
        %swap3A_1201 = arith.constant 48 : index
        %swap3A_1202 = tpu.vector_load %arg9[%swap3A_1200, %swap3A_1201] {strides = array<i32>} : memref<128x128xf32, #tpu.memory_space<vmem>>, vector<16xf32>,
        tpu.vector_store %arg9[%swap3A_1200, %swap3A_1201], %mul3A_1199 {strides = array<i32>} : memref<128x128xf32, #tpu.memory_space<vmem>>, vector<16xf32>,
        %eq3A_1203 = arith.constant 3 : i32
        %eq3A_1204 = vector.broadcast %eq3A_1203 : i32 to vector<16xi32>
        %eq3A_1205 = arith.cmpi eq, %gather3A_1143, %eq3A_1204 : vector<16xi32>
        %jit3A_1206 = arith.constant 0.000000e+00 : f32
        %broadcast_in_dim3A_1207 = vector.broadcast %jit3A_1206 : f32 to vector<16xf32>
        %select_n3A_1208 = arith.select %eq3A_1205, %gather3A_1139, %broadcast_in_dim3A_1207 : vector<16xi1>, vector<16xf32>
        %swap3A_1209 = arith.index_cast %add3A_1147 : i32 to index
        %swap3A_1210 = arith.constant 48 : index
        %swap3A_1211 = tpu.vector_load %arg10[%swap3A_1209, %swap3A_1210] {strides = array<i32>} : memref<128x128xf32, #tpu.memory_space<vmem>>, vector<16xf32>,
        tpu.vector_store %arg10[%swap3A_1209, %swap3A_1210], %select_n3A_1208 {strides = array<i32>} : memref<128x128xf32, #tpu.memory_space<vmem>>, vector<16xf32>,
        %get3A_1212 = arith.index_cast %add3A_1147 : i32 to index
        %get3A_1213 = arith.constant 64 : index
        %get3A_1214 = tpu.vector_load %arg9[%get3A_1212, %get3A_1213] {strides = array<i32>} : memref<128x128xf32, #tpu.memory_space<vmem>>, vector<16xf32>,
        %mul3A_1215 = arith.mulf %get3A_1214, %gather3A_1139 : vector<16xf32>
        %swap3A_1216 = arith.index_cast %add3A_1147 : i32 to index
        %swap3A_1217 = arith.constant 64 : index
        %swap3A_1218 = tpu.vector_load %arg9[%swap3A_1216, %swap3A_1217] {strides = array<i32>} : memref<128x128xf32, #tpu.memory_space<vmem>>, vector<16xf32>,
        tpu.vector_store %arg9[%swap3A_1216, %swap3A_1217], %mul3A_1215 {strides = array<i32>} : memref<128x128xf32, #tpu.memory_space<vmem>>, vector<16xf32>,
        %eq3A_1219 = arith.constant 4 : i32
        %eq3A_1220 = vector.broadcast %eq3A_1219 : i32 to vector<16xi32>
        %eq3A_1221 = arith.cmpi eq, %gather3A_1143, %eq3A_1220 : vector<16xi32>
        %jit3A_1222 = arith.constant 0.000000e+00 : f32
        %broadcast_in_dim3A_1223 = vector.broadcast %jit3A_1222 : f32 to vector<16xf32>
        %select_n3A_1224 = arith.select %eq3A_1221, %gather3A_1139, %broadcast_in_dim3A_1223 : vector<16xi1>, vector<16xf32>
        %swap3A_1225 = arith.index_cast %add3A_1147 : i32 to index
        %swap3A_1226 = arith.constant 64 : index
        %swap3A_1227 = tpu.vector_load %arg10[%swap3A_1225, %swap3A_1226] {strides = array<i32>} : memref<128x128xf32, #tpu.memory_space<vmem>>, vector<16xf32>,
        tpu.vector_store %arg10[%swap3A_1225, %swap3A_1226], %select_n3A_1224 {strides = array<i32>} : memref<128x128xf32, #tpu.memory_space<vmem>>, vector<16xf32>,
        %get3A_1228 = arith.index_cast %add3A_1147 : i32 to index
        %get3A_1229 = arith.constant 80 : index
        %get3A_1230 = tpu.vector_load %arg9[%get3A_1228, %get3A_1229] {strides = array<i32>} : memref<128x128xf32, #tpu.memory_space<vmem>>, vector<16xf32>,
        %mul3A_1231 = arith.mulf %get3A_1230, %gather3A_1139 : vector<16xf32>
        %swap3A_1232 = arith.index_cast %add3A_1147 : i32 to index
        %swap3A_1233 = arith.constant 80 : index
        %swap3A_1234 = tpu.vector_load %arg9[%swap3A_1232, %swap3A_1233] {strides = array<i32>} : memref<128x128xf32, #tpu.memory_space<vmem>>, vector<16xf32>,
        tpu.vector_store %arg9[%swap3A_1232, %swap3A_1233], %mul3A_1231 {strides = array<i32>} : memref<128x128xf32, #tpu.memory_space<vmem>>, vector<16xf32>,
        %eq3A_1235 = arith.constant 5 : i32
        %eq3A_1236 = vector.broadcast %eq3A_1235 : i32 to vector<16xi32>
        %eq3A_1237 = arith.cmpi eq, %gather3A_1143, %eq3A_1236 : vector<16xi32>
        %jit3A_1238 = arith.constant 0.000000e+00 : f32
        %broadcast_in_dim3A_1239 = vector.broadcast %jit3A_1238 : f32 to vector<16xf32>
        %select_n3A_1240 = arith.select %eq3A_1237, %gather3A_1139, %broadcast_in_dim3A_1239 : vector<16xi1>, vector<16xf32>
        %swap3A_1241 = arith.index_cast %add3A_1147 : i32 to index
        %swap3A_1242 = arith.constant 80 : index
        %swap3A_1243 = tpu.vector_load %arg10[%swap3A_1241, %swap3A_1242] {strides = array<i32>} : memref<128x128xf32, #tpu.memory_space<vmem>>, vector<16xf32>,
        tpu.vector_store %arg10[%swap3A_1241, %swap3A_1242], %select_n3A_1240 {strides = array<i32>} : memref<128x128xf32, #tpu.memory_space<vmem>>, vector<16xf32>,
        %get3A_1244 = arith.index_cast %add3A_1147 : i32 to index
        %get3A_1245 = arith.constant 96 : index
        %get3A_1246 = tpu.vector_load %arg9[%get3A_1244, %get3A_1245] {strides = array<i32>} : memref<128x128xf32, #tpu.memory_space<vmem>>, vector<16xf32>,
        %mul3A_1247 = arith.mulf %get3A_1246, %gather3A_1139 : vector<16xf32>
        %swap3A_1248 = arith.index_cast %add3A_1147 : i32 to index
        %swap3A_1249 = arith.constant 96 : index
        %swap3A_1250 = tpu.vector_load %arg9[%swap3A_1248, %swap3A_1249] {strides = array<i32>} : memref<128x128xf32, #tpu.memory_space<vmem>>, vector<16xf32>,
        tpu.vector_store %arg9[%swap3A_1248, %swap3A_1249], %mul3A_1247 {strides = array<i32>} : memref<128x128xf32, #tpu.memory_space<vmem>>, vector<16xf32>,
        %eq3A_1251 = arith.constant 6 : i32
        %eq3A_1252 = vector.broadcast %eq3A_1251 : i32 to vector<16xi32>
        %eq3A_1253 = arith.cmpi eq, %gather3A_1143, %eq3A_1252 : vector<16xi32>
        %jit3A_1254 = arith.constant 0.000000e+00 : f32
        %broadcast_in_dim3A_1255 = vector.broadcast %jit3A_1254 : f32 to vector<16xf32>
        %select_n3A_1256 = arith.select %eq3A_1253, %gather3A_1139, %broadcast_in_dim3A_1255 : vector<16xi1>, vector<16xf32>
        %swap3A_1257 = arith.index_cast %add3A_1147 : i32 to index
        %swap3A_1258 = arith.constant 96 : index
        %swap3A_1259 = tpu.vector_load %arg10[%swap3A_1257, %swap3A_1258] {strides = array<i32>} : memref<128x128xf32, #tpu.memory_space<vmem>>, vector<16xf32>,
        tpu.vector_store %arg10[%swap3A_1257, %swap3A_1258], %select_n3A_1256 {strides = array<i32>} : memref<128x128xf32, #tpu.memory_space<vmem>>, vector<16xf32>,
        %get3A_1260 = arith.index_cast %add3A_1147 : i32 to index
        %get3A_1261 = arith.constant 112 : index
        %get3A_1262 = tpu.vector_load %arg9[%get3A_1260, %get3A_1261] {strides = array<i32>} : memref<128x128xf32, #tpu.memory_space<vmem>>, vector<16xf32>,
        %mul3A_1263 = arith.mulf %get3A_1262, %gather3A_1139 : vector<16xf32>
        %swap3A_1264 = arith.index_cast %add3A_1147 : i32 to index
        %swap3A_1265 = arith.constant 112 : index
        %swap3A_1266 = tpu.vector_load %arg9[%swap3A_1264, %swap3A_1265] {strides = array<i32>} : memref<128x128xf32, #tpu.memory_space<vmem>>, vector<16xf32>,
        tpu.vector_store %arg9[%swap3A_1264, %swap3A_1265], %mul3A_1263 {strides = array<i32>} : memref<128x128xf32, #tpu.memory_space<vmem>>, vector<16xf32>,
        %eq3A_1267 = arith.constant 7 : i32
        %eq3A_1268 = vector.broadcast %eq3A_1267 : i32 to vector<16xi32>
        %eq3A_1269 = arith.cmpi eq, %gather3A_1143, %eq3A_1268 : vector<16xi32>
        %jit3A_1270 = arith.constant 0.000000e+00 : f32
        %broadcast_in_dim3A_1271 = vector.broadcast %jit3A_1270 : f32 to vector<16xf32>
        %select_n3A_1272 = arith.select %eq3A_1269, %gather3A_1139, %broadcast_in_dim3A_1271 : vector<16xi1>, vector<16xf32>
        %swap3A_1273 = arith.index_cast %add3A_1147 : i32 to index
        %swap3A_1274 = arith.constant 112 : index
        %swap3A_1275 = tpu.vector_load %arg10[%swap3A_1273, %swap3A_1274] {strides = array<i32>} : memref<128x128xf32, #tpu.memory_space<vmem>>, vector<16xf32>,
        tpu.vector_store %arg10[%swap3A_1273, %swap3A_1274], %select_n3A_1272 {strides = array<i32>} : memref<128x128xf32, #tpu.memory_space<vmem>>, vector<16xf32>,
        %broadcast_in_dim3A_1276 = arith.constant 8 : i32
        %broadcast_in_dim3A_1277 = vector.broadcast %broadcast_in_dim3A_1276 : i32 to vector<16x1xi32>
        %gather3A_1278 = vector.shape_cast %broadcast_in_dim3A_1277 : vector<16x1xi32> to vector<16xi32>
        %gather3A_1279 = tpu.dynamic_gather %bitcast3A[%gather3A_1278] in [0] : vector<16xf32>, vector<16xi32> -> vector<16xf32>
        %broadcast_in_dim3A_1280 = arith.constant 8 : i32
        %broadcast_in_dim3A_1281 = vector.broadcast %broadcast_in_dim3A_1280 : i32 to vector<16x1xi32>
        %gather3A_1282 = vector.shape_cast %broadcast_in_dim3A_1281 : vector<16x1xi32> to vector<16xi32>
        %gather3A_1283 = tpu.dynamic_gather %and3A_161[%gather3A_1282] in [0] : vector<16xi32>, vector<16xi32> -> vector<16xi32>
        %mul3A_1284 = arith.constant 16 : i32
        %mul3A_1285 = arith.muli %add3A_150, %mul3A_1284 : i32
        %add3A_1286 = arith.constant 8 : i32
        %add3A_1287 = arith.addi %mul3A_1285, %add3A_1286 : i32
        %get3A_1288 = arith.index_cast %add3A_1287 : i32 to index
        %get3A_1289 = arith.constant 0 : index
        %get3A_1290 = tpu.vector_load %arg9[%get3A_1288, %get3A_1289] {strides = array<i32>} : memref<128x128xf32, #tpu.memory_space<vmem>>, vector<16xf32>,
        %mul3A_1291 = arith.mulf %get3A_1290, %gather3A_1279 : vector<16xf32>
        %swap3A_1292 = arith.index_cast %add3A_1287 : i32 to index
        %swap3A_1293 = arith.constant 0 : index
        %swap3A_1294 = tpu.vector_load %arg9[%swap3A_1292, %swap3A_1293] {strides = array<i32>} : memref<128x128xf32, #tpu.memory_space<vmem>>, vector<16xf32>,
        tpu.vector_store %arg9[%swap3A_1292, %swap3A_1293], %mul3A_1291 {strides = array<i32>} : memref<128x128xf32, #tpu.memory_space<vmem>>, vector<16xf32>,
        %eq3A_1295 = arith.constant 0 : i32
        %eq3A_1296 = vector.broadcast %eq3A_1295 : i32 to vector<16xi32>
        %eq3A_1297 = arith.cmpi eq, %gather3A_1283, %eq3A_1296 : vector<16xi32>
        %jit3A_1298 = arith.constant 0.000000e+00 : f32
        %broadcast_in_dim3A_1299 = vector.broadcast %jit3A_1298 : f32 to vector<16xf32>
        %select_n3A_1300 = arith.select %eq3A_1297, %gather3A_1279, %broadcast_in_dim3A_1299 : vector<16xi1>, vector<16xf32>
        %swap3A_1301 = arith.index_cast %add3A_1287 : i32 to index
        %swap3A_1302 = arith.constant 0 : index
        %swap3A_1303 = tpu.vector_load %arg10[%swap3A_1301, %swap3A_1302] {strides = array<i32>} : memref<128x128xf32, #tpu.memory_space<vmem>>, vector<16xf32>,
        tpu.vector_store %arg10[%swap3A_1301, %swap3A_1302], %select_n3A_1300 {strides = array<i32>} : memref<128x128xf32, #tpu.memory_space<vmem>>, vector<16xf32>,
        %get3A_1304 = arith.index_cast %add3A_1287 : i32 to index
        %get3A_1305 = arith.constant 16 : index
        %get3A_1306 = tpu.vector_load %arg9[%get3A_1304, %get3A_1305] {strides = array<i32>} : memref<128x128xf32, #tpu.memory_space<vmem>>, vector<16xf32>,
        %mul3A_1307 = arith.mulf %get3A_1306, %gather3A_1279 : vector<16xf32>
        %swap3A_1308 = arith.index_cast %add3A_1287 : i32 to index
        %swap3A_1309 = arith.constant 16 : index
        %swap3A_1310 = tpu.vector_load %arg9[%swap3A_1308, %swap3A_1309] {strides = array<i32>} : memref<128x128xf32, #tpu.memory_space<vmem>>, vector<16xf32>,
        tpu.vector_store %arg9[%swap3A_1308, %swap3A_1309], %mul3A_1307 {strides = array<i32>} : memref<128x128xf32, #tpu.memory_space<vmem>>, vector<16xf32>,
        %eq3A_1311 = arith.constant 1 : i32
        %eq3A_1312 = vector.broadcast %eq3A_1311 : i32 to vector<16xi32>
        %eq3A_1313 = arith.cmpi eq, %gather3A_1283, %eq3A_1312 : vector<16xi32>
        %jit3A_1314 = arith.constant 0.000000e+00 : f32
        %broadcast_in_dim3A_1315 = vector.broadcast %jit3A_1314 : f32 to vector<16xf32>
        %select_n3A_1316 = arith.select %eq3A_1313, %gather3A_1279, %broadcast_in_dim3A_1315 : vector<16xi1>, vector<16xf32>
        %swap3A_1317 = arith.index_cast %add3A_1287 : i32 to index
        %swap3A_1318 = arith.constant 16 : index
        %swap3A_1319 = tpu.vector_load %arg10[%swap3A_1317, %swap3A_1318] {strides = array<i32>} : memref<128x128xf32, #tpu.memory_space<vmem>>, vector<16xf32>,
        tpu.vector_store %arg10[%swap3A_1317, %swap3A_1318], %select_n3A_1316 {strides = array<i32>} : memref<128x128xf32, #tpu.memory_space<vmem>>, vector<16xf32>,
        %get3A_1320 = arith.index_cast %add3A_1287 : i32 to index
        %get3A_1321 = arith.constant 32 : index
        %get3A_1322 = tpu.vector_load %arg9[%get3A_1320, %get3A_1321] {strides = array<i32>} : memref<128x128xf32, #tpu.memory_space<vmem>>, vector<16xf32>,
        %mul3A_1323 = arith.mulf %get3A_1322, %gather3A_1279 : vector<16xf32>
        %swap3A_1324 = arith.index_cast %add3A_1287 : i32 to index
        %swap3A_1325 = arith.constant 32 : index
        %swap3A_1326 = tpu.vector_load %arg9[%swap3A_1324, %swap3A_1325] {strides = array<i32>} : memref<128x128xf32, #tpu.memory_space<vmem>>, vector<16xf32>,
        tpu.vector_store %arg9[%swap3A_1324, %swap3A_1325], %mul3A_1323 {strides = array<i32>} : memref<128x128xf32, #tpu.memory_space<vmem>>, vector<16xf32>,
        %eq3A_1327 = arith.constant 2 : i32
        %eq3A_1328 = vector.broadcast %eq3A_1327 : i32 to vector<16xi32>
        %eq3A_1329 = arith.cmpi eq, %gather3A_1283, %eq3A_1328 : vector<16xi32>
        %jit3A_1330 = arith.constant 0.000000e+00 : f32
        %broadcast_in_dim3A_1331 = vector.broadcast %jit3A_1330 : f32 to vector<16xf32>
        %select_n3A_1332 = arith.select %eq3A_1329, %gather3A_1279, %broadcast_in_dim3A_1331 : vector<16xi1>, vector<16xf32>
        %swap3A_1333 = arith.index_cast %add3A_1287 : i32 to index
        %swap3A_1334 = arith.constant 32 : index
        %swap3A_1335 = tpu.vector_load %arg10[%swap3A_1333, %swap3A_1334] {strides = array<i32>} : memref<128x128xf32, #tpu.memory_space<vmem>>, vector<16xf32>,
        tpu.vector_store %arg10[%swap3A_1333, %swap3A_1334], %select_n3A_1332 {strides = array<i32>} : memref<128x128xf32, #tpu.memory_space<vmem>>, vector<16xf32>,
        %get3A_1336 = arith.index_cast %add3A_1287 : i32 to index
        %get3A_1337 = arith.constant 48 : index
        %get3A_1338 = tpu.vector_load %arg9[%get3A_1336, %get3A_1337] {strides = array<i32>} : memref<128x128xf32, #tpu.memory_space<vmem>>, vector<16xf32>,
        %mul3A_1339 = arith.mulf %get3A_1338, %gather3A_1279 : vector<16xf32>
        %swap3A_1340 = arith.index_cast %add3A_1287 : i32 to index
        %swap3A_1341 = arith.constant 48 : index
        %swap3A_1342 = tpu.vector_load %arg9[%swap3A_1340, %swap3A_1341] {strides = array<i32>} : memref<128x128xf32, #tpu.memory_space<vmem>>, vector<16xf32>,
        tpu.vector_store %arg9[%swap3A_1340, %swap3A_1341], %mul3A_1339 {strides = array<i32>} : memref<128x128xf32, #tpu.memory_space<vmem>>, vector<16xf32>,
        %eq3A_1343 = arith.constant 3 : i32
        %eq3A_1344 = vector.broadcast %eq3A_1343 : i32 to vector<16xi32>
        %eq3A_1345 = arith.cmpi eq, %gather3A_1283, %eq3A_1344 : vector<16xi32>
        %jit3A_1346 = arith.constant 0.000000e+00 : f32
        %broadcast_in_dim3A_1347 = vector.broadcast %jit3A_1346 : f32 to vector<16xf32>
        %select_n3A_1348 = arith.select %eq3A_1345, %gather3A_1279, %broadcast_in_dim3A_1347 : vector<16xi1>, vector<16xf32>
        %swap3A_1349 = arith.index_cast %add3A_1287 : i32 to index
        %swap3A_1350 = arith.constant 48 : index
        %swap3A_1351 = tpu.vector_load %arg10[%swap3A_1349, %swap3A_1350] {strides = array<i32>} : memref<128x128xf32, #tpu.memory_space<vmem>>, vector<16xf32>,
        tpu.vector_store %arg10[%swap3A_1349, %swap3A_1350], %select_n3A_1348 {strides = array<i32>} : memref<128x128xf32, #tpu.memory_space<vmem>>, vector<16xf32>,
        %get3A_1352 = arith.index_cast %add3A_1287 : i32 to index
        %get3A_1353 = arith.constant 64 : index
        %get3A_1354 = tpu.vector_load %arg9[%get3A_1352, %get3A_1353] {strides = array<i32>} : memref<128x128xf32, #tpu.memory_space<vmem>>, vector<16xf32>,
        %mul3A_1355 = arith.mulf %get3A_1354, %gather3A_1279 : vector<16xf32>
        %swap3A_1356 = arith.index_cast %add3A_1287 : i32 to index
        %swap3A_1357 = arith.constant 64 : index
        %swap3A_1358 = tpu.vector_load %arg9[%swap3A_1356, %swap3A_1357] {strides = array<i32>} : memref<128x128xf32, #tpu.memory_space<vmem>>, vector<16xf32>,
        tpu.vector_store %arg9[%swap3A_1356, %swap3A_1357], %mul3A_1355 {strides = array<i32>} : memref<128x128xf32, #tpu.memory_space<vmem>>, vector<16xf32>,
        %eq3A_1359 = arith.constant 4 : i32
        %eq3A_1360 = vector.broadcast %eq3A_1359 : i32 to vector<16xi32>
        %eq3A_1361 = arith.cmpi eq, %gather3A_1283, %eq3A_1360 : vector<16xi32>
        %jit3A_1362 = arith.constant 0.000000e+00 : f32
        %broadcast_in_dim3A_1363 = vector.broadcast %jit3A_1362 : f32 to vector<16xf32>
        %select_n3A_1364 = arith.select %eq3A_1361, %gather3A_1279, %broadcast_in_dim3A_1363 : vector<16xi1>, vector<16xf32>
        %swap3A_1365 = arith.index_cast %add3A_1287 : i32 to index
        %swap3A_1366 = arith.constant 64 : index
        %swap3A_1367 = tpu.vector_load %arg10[%swap3A_1365, %swap3A_1366] {strides = array<i32>} : memref<128x128xf32, #tpu.memory_space<vmem>>, vector<16xf32>,
        tpu.vector_store %arg10[%swap3A_1365, %swap3A_1366], %select_n3A_1364 {strides = array<i32>} : memref<128x128xf32, #tpu.memory_space<vmem>>, vector<16xf32>,
        %get3A_1368 = arith.index_cast %add3A_1287 : i32 to index
        %get3A_1369 = arith.constant 80 : index
        %get3A_1370 = tpu.vector_load %arg9[%get3A_1368, %get3A_1369] {strides = array<i32>} : memref<128x128xf32, #tpu.memory_space<vmem>>, vector<16xf32>,
        %mul3A_1371 = arith.mulf %get3A_1370, %gather3A_1279 : vector<16xf32>
        %swap3A_1372 = arith.index_cast %add3A_1287 : i32 to index
        %swap3A_1373 = arith.constant 80 : index
        %swap3A_1374 = tpu.vector_load %arg9[%swap3A_1372, %swap3A_1373] {strides = array<i32>} : memref<128x128xf32, #tpu.memory_space<vmem>>, vector<16xf32>,
        tpu.vector_store %arg9[%swap3A_1372, %swap3A_1373], %mul3A_1371 {strides = array<i32>} : memref<128x128xf32, #tpu.memory_space<vmem>>, vector<16xf32>,
        %eq3A_1375 = arith.constant 5 : i32
        %eq3A_1376 = vector.broadcast %eq3A_1375 : i32 to vector<16xi32>
        %eq3A_1377 = arith.cmpi eq, %gather3A_1283, %eq3A_1376 : vector<16xi32>
        %jit3A_1378 = arith.constant 0.000000e+00 : f32
        %broadcast_in_dim3A_1379 = vector.broadcast %jit3A_1378 : f32 to vector<16xf32>
        %select_n3A_1380 = arith.select %eq3A_1377, %gather3A_1279, %broadcast_in_dim3A_1379 : vector<16xi1>, vector<16xf32>
        %swap3A_1381 = arith.index_cast %add3A_1287 : i32 to index
        %swap3A_1382 = arith.constant 80 : index
        %swap3A_1383 = tpu.vector_load %arg10[%swap3A_1381, %swap3A_1382] {strides = array<i32>} : memref<128x128xf32, #tpu.memory_space<vmem>>, vector<16xf32>,
        tpu.vector_store %arg10[%swap3A_1381, %swap3A_1382], %select_n3A_1380 {strides = array<i32>} : memref<128x128xf32, #tpu.memory_space<vmem>>, vector<16xf32>,
        %get3A_1384 = arith.index_cast %add3A_1287 : i32 to index
        %get3A_1385 = arith.constant 96 : index
        %get3A_1386 = tpu.vector_load %arg9[%get3A_1384, %get3A_1385] {strides = array<i32>} : memref<128x128xf32, #tpu.memory_space<vmem>>, vector<16xf32>,
        %mul3A_1387 = arith.mulf %get3A_1386, %gather3A_1279 : vector<16xf32>
        %swap3A_1388 = arith.index_cast %add3A_1287 : i32 to index
        %swap3A_1389 = arith.constant 96 : index
        %swap3A_1390 = tpu.vector_load %arg9[%swap3A_1388, %swap3A_1389] {strides = array<i32>} : memref<128x128xf32, #tpu.memory_space<vmem>>, vector<16xf32>,
        tpu.vector_store %arg9[%swap3A_1388, %swap3A_1389], %mul3A_1387 {strides = array<i32>} : memref<128x128xf32, #tpu.memory_space<vmem>>, vector<16xf32>,
        %eq3A_1391 = arith.constant 6 : i32
        %eq3A_1392 = vector.broadcast %eq3A_1391 : i32 to vector<16xi32>
        %eq3A_1393 = arith.cmpi eq, %gather3A_1283, %eq3A_1392 : vector<16xi32>
        %jit3A_1394 = arith.constant 0.000000e+00 : f32
        %broadcast_in_dim3A_1395 = vector.broadcast %jit3A_1394 : f32 to vector<16xf32>
        %select_n3A_1396 = arith.select %eq3A_1393, %gather3A_1279, %broadcast_in_dim3A_1395 : vector<16xi1>, vector<16xf32>
        %swap3A_1397 = arith.index_cast %add3A_1287 : i32 to index
        %swap3A_1398 = arith.constant 96 : index
        %swap3A_1399 = tpu.vector_load %arg10[%swap3A_1397, %swap3A_1398] {strides = array<i32>} : memref<128x128xf32, #tpu.memory_space<vmem>>, vector<16xf32>,
        tpu.vector_store %arg10[%swap3A_1397, %swap3A_1398], %select_n3A_1396 {strides = array<i32>} : memref<128x128xf32, #tpu.memory_space<vmem>>, vector<16xf32>,
        %get3A_1400 = arith.index_cast %add3A_1287 : i32 to index
        %get3A_1401 = arith.constant 112 : index
        %get3A_1402 = tpu.vector_load %arg9[%get3A_1400, %get3A_1401] {strides = array<i32>} : memref<128x128xf32, #tpu.memory_space<vmem>>, vector<16xf32>,
        %mul3A_1403 = arith.mulf %get3A_1402, %gather3A_1279 : vector<16xf32>
        %swap3A_1404 = arith.index_cast %add3A_1287 : i32 to index
        %swap3A_1405 = arith.constant 112 : index
        %swap3A_1406 = tpu.vector_load %arg9[%swap3A_1404, %swap3A_1405] {strides = array<i32>} : memref<128x128xf32, #tpu.memory_space<vmem>>, vector<16xf32>,
        tpu.vector_store %arg9[%swap3A_1404, %swap3A_1405], %mul3A_1403 {strides = array<i32>} : memref<128x128xf32, #tpu.memory_space<vmem>>, vector<16xf32>,
        %eq3A_1407 = arith.constant 7 : i32
        %eq3A_1408 = vector.broadcast %eq3A_1407 : i32 to vector<16xi32>
        %eq3A_1409 = arith.cmpi eq, %gather3A_1283, %eq3A_1408 : vector<16xi32>
        %jit3A_1410 = arith.constant 0.000000e+00 : f32
        %broadcast_in_dim3A_1411 = vector.broadcast %jit3A_1410 : f32 to vector<16xf32>
        %select_n3A_1412 = arith.select %eq3A_1409, %gather3A_1279, %broadcast_in_dim3A_1411 : vector<16xi1>, vector<16xf32>
        %swap3A_1413 = arith.index_cast %add3A_1287 : i32 to index
        %swap3A_1414 = arith.constant 112 : index
        %swap3A_1415 = tpu.vector_load %arg10[%swap3A_1413, %swap3A_1414] {strides = array<i32>} : memref<128x128xf32, #tpu.memory_space<vmem>>, vector<16xf32>,
        tpu.vector_store %arg10[%swap3A_1413, %swap3A_1414], %select_n3A_1412 {strides = array<i32>} : memref<128x128xf32, #tpu.memory_space<vmem>>, vector<16xf32>,
        %broadcast_in_dim3A_1416 = arith.constant 9 : i32
        %broadcast_in_dim3A_1417 = vector.broadcast %broadcast_in_dim3A_1416 : i32 to vector<16x1xi32>
        %gather3A_1418 = vector.shape_cast %broadcast_in_dim3A_1417 : vector<16x1xi32> to vector<16xi32>
        %gather3A_1419 = tpu.dynamic_gather %bitcast3A[%gather3A_1418] in [0] : vector<16xf32>, vector<16xi32> -> vector<16xf32>
        %broadcast_in_dim3A_1420 = arith.constant 9 : i32
        %broadcast_in_dim3A_1421 = vector.broadcast %broadcast_in_dim3A_1420 : i32 to vector<16x1xi32>
        %gather3A_1422 = vector.shape_cast %broadcast_in_dim3A_1421 : vector<16x1xi32> to vector<16xi32>
        %gather3A_1423 = tpu.dynamic_gather %and3A_161[%gather3A_1422] in [0] : vector<16xi32>, vector<16xi32> -> vector<16xi32>
        %mul3A_1424 = arith.constant 16 : i32
        %mul3A_1425 = arith.muli %add3A_150, %mul3A_1424 : i32
        %add3A_1426 = arith.constant 9 : i32
        %add3A_1427 = arith.addi %mul3A_1425, %add3A_1426 : i32
        %get3A_1428 = arith.index_cast %add3A_1427 : i32 to index
        %get3A_1429 = arith.constant 0 : index
        %get3A_1430 = tpu.vector_load %arg9[%get3A_1428, %get3A_1429] {strides = array<i32>} : memref<128x128xf32, #tpu.memory_space<vmem>>, vector<16xf32>,
        %mul3A_1431 = arith.mulf %get3A_1430, %gather3A_1419 : vector<16xf32>
        %swap3A_1432 = arith.index_cast %add3A_1427 : i32 to index
        %swap3A_1433 = arith.constant 0 : index
        %swap3A_1434 = tpu.vector_load %arg9[%swap3A_1432, %swap3A_1433] {strides = array<i32>} : memref<128x128xf32, #tpu.memory_space<vmem>>, vector<16xf32>,
        tpu.vector_store %arg9[%swap3A_1432, %swap3A_1433], %mul3A_1431 {strides = array<i32>} : memref<128x128xf32, #tpu.memory_space<vmem>>, vector<16xf32>,
        %eq3A_1435 = arith.constant 0 : i32
        %eq3A_1436 = vector.broadcast %eq3A_1435 : i32 to vector<16xi32>
        %eq3A_1437 = arith.cmpi eq, %gather3A_1423, %eq3A_1436 : vector<16xi32>
        %jit3A_1438 = arith.constant 0.000000e+00 : f32
        %broadcast_in_dim3A_1439 = vector.broadcast %jit3A_1438 : f32 to vector<16xf32>
        %select_n3A_1440 = arith.select %eq3A_1437, %gather3A_1419, %broadcast_in_dim3A_1439 : vector<16xi1>, vector<16xf32>
        %swap3A_1441 = arith.index_cast %add3A_1427 : i32 to index
        %swap3A_1442 = arith.constant 0 : index
        %swap3A_1443 = tpu.vector_load %arg10[%swap3A_1441, %swap3A_1442] {strides = array<i32>} : memref<128x128xf32, #tpu.memory_space<vmem>>, vector<16xf32>,
        tpu.vector_store %arg10[%swap3A_1441, %swap3A_1442], %select_n3A_1440 {strides = array<i32>} : memref<128x128xf32, #tpu.memory_space<vmem>>, vector<16xf32>,
        %get3A_1444 = arith.index_cast %add3A_1427 : i32 to index
        %get3A_1445 = arith.constant 16 : index
        %get3A_1446 = tpu.vector_load %arg9[%get3A_1444, %get3A_1445] {strides = array<i32>} : memref<128x128xf32, #tpu.memory_space<vmem>>, vector<16xf32>,
        %mul3A_1447 = arith.mulf %get3A_1446, %gather3A_1419 : vector<16xf32>
        %swap3A_1448 = arith.index_cast %add3A_1427 : i32 to index
        %swap3A_1449 = arith.constant 16 : index
        %swap3A_1450 = tpu.vector_load %arg9[%swap3A_1448, %swap3A_1449] {strides = array<i32>} : memref<128x128xf32, #tpu.memory_space<vmem>>, vector<16xf32>,
        tpu.vector_store %arg9[%swap3A_1448, %swap3A_1449], %mul3A_1447 {strides = array<i32>} : memref<128x128xf32, #tpu.memory_space<vmem>>, vector<16xf32>,
        %eq3A_1451 = arith.constant 1 : i32
        %eq3A_1452 = vector.broadcast %eq3A_1451 : i32 to vector<16xi32>
        %eq3A_1453 = arith.cmpi eq, %gather3A_1423, %eq3A_1452 : vector<16xi32>
        %jit3A_1454 = arith.constant 0.000000e+00 : f32
        %broadcast_in_dim3A_1455 = vector.broadcast %jit3A_1454 : f32 to vector<16xf32>
        %select_n3A_1456 = arith.select %eq3A_1453, %gather3A_1419, %broadcast_in_dim3A_1455 : vector<16xi1>, vector<16xf32>
        %swap3A_1457 = arith.index_cast %add3A_1427 : i32 to index
        %swap3A_1458 = arith.constant 16 : index
        %swap3A_1459 = tpu.vector_load %arg10[%swap3A_1457, %swap3A_1458] {strides = array<i32>} : memref<128x128xf32, #tpu.memory_space<vmem>>, vector<16xf32>,
        tpu.vector_store %arg10[%swap3A_1457, %swap3A_1458], %select_n3A_1456 {strides = array<i32>} : memref<128x128xf32, #tpu.memory_space<vmem>>, vector<16xf32>,
        %get3A_1460 = arith.index_cast %add3A_1427 : i32 to index
        %get3A_1461 = arith.constant 32 : index
        %get3A_1462 = tpu.vector_load %arg9[%get3A_1460, %get3A_1461] {strides = array<i32>} : memref<128x128xf32, #tpu.memory_space<vmem>>, vector<16xf32>,
        %mul3A_1463 = arith.mulf %get3A_1462, %gather3A_1419 : vector<16xf32>
        %swap3A_1464 = arith.index_cast %add3A_1427 : i32 to index
        %swap3A_1465 = arith.constant 32 : index
        %swap3A_1466 = tpu.vector_load %arg9[%swap3A_1464, %swap3A_1465] {strides = array<i32>} : memref<128x128xf32, #tpu.memory_space<vmem>>, vector<16xf32>,
        tpu.vector_store %arg9[%swap3A_1464, %swap3A_1465], %mul3A_1463 {strides = array<i32>} : memref<128x128xf32, #tpu.memory_space<vmem>>, vector<16xf32>,
        %eq3A_1467 = arith.constant 2 : i32
        %eq3A_1468 = vector.broadcast %eq3A_1467 : i32 to vector<16xi32>
        %eq3A_1469 = arith.cmpi eq, %gather3A_1423, %eq3A_1468 : vector<16xi32>
        %jit3A_1470 = arith.constant 0.000000e+00 : f32
        %broadcast_in_dim3A_1471 = vector.broadcast %jit3A_1470 : f32 to vector<16xf32>
        %select_n3A_1472 = arith.select %eq3A_1469, %gather3A_1419, %broadcast_in_dim3A_1471 : vector<16xi1>, vector<16xf32>
        %swap3A_1473 = arith.index_cast %add3A_1427 : i32 to index
        %swap3A_1474 = arith.constant 32 : index
        %swap3A_1475 = tpu.vector_load %arg10[%swap3A_1473, %swap3A_1474] {strides = array<i32>} : memref<128x128xf32, #tpu.memory_space<vmem>>, vector<16xf32>,
        tpu.vector_store %arg10[%swap3A_1473, %swap3A_1474], %select_n3A_1472 {strides = array<i32>} : memref<128x128xf32, #tpu.memory_space<vmem>>, vector<16xf32>,
        %get3A_1476 = arith.index_cast %add3A_1427 : i32 to index
        %get3A_1477 = arith.constant 48 : index
        %get3A_1478 = tpu.vector_load %arg9[%get3A_1476, %get3A_1477] {strides = array<i32>} : memref<128x128xf32, #tpu.memory_space<vmem>>, vector<16xf32>,
        %mul3A_1479 = arith.mulf %get3A_1478, %gather3A_1419 : vector<16xf32>
        %swap3A_1480 = arith.index_cast %add3A_1427 : i32 to index
        %swap3A_1481 = arith.constant 48 : index
        %swap3A_1482 = tpu.vector_load %arg9[%swap3A_1480, %swap3A_1481] {strides = array<i32>} : memref<128x128xf32, #tpu.memory_space<vmem>>, vector<16xf32>,
        tpu.vector_store %arg9[%swap3A_1480, %swap3A_1481], %mul3A_1479 {strides = array<i32>} : memref<128x128xf32, #tpu.memory_space<vmem>>, vector<16xf32>,
        %eq3A_1483 = arith.constant 3 : i32
        %eq3A_1484 = vector.broadcast %eq3A_1483 : i32 to vector<16xi32>
        %eq3A_1485 = arith.cmpi eq, %gather3A_1423, %eq3A_1484 : vector<16xi32>
        %jit3A_1486 = arith.constant 0.000000e+00 : f32
        %broadcast_in_dim3A_1487 = vector.broadcast %jit3A_1486 : f32 to vector<16xf32>
        %select_n3A_1488 = arith.select %eq3A_1485, %gather3A_1419, %broadcast_in_dim3A_1487 : vector<16xi1>, vector<16xf32>
        %swap3A_1489 = arith.index_cast %add3A_1427 : i32 to index
        %swap3A_1490 = arith.constant 48 : index
        %swap3A_1491 = tpu.vector_load %arg10[%swap3A_1489, %swap3A_1490] {strides = array<i32>} : memref<128x128xf32, #tpu.memory_space<vmem>>, vector<16xf32>,
        tpu.vector_store %arg10[%swap3A_1489, %swap3A_1490], %select_n3A_1488 {strides = array<i32>} : memref<128x128xf32, #tpu.memory_space<vmem>>, vector<16xf32>,
        %get3A_1492 = arith.index_cast %add3A_1427 : i32 to index
        %get3A_1493 = arith.constant 64 : index
        %get3A_1494 = tpu.vector_load %arg9[%get3A_1492, %get3A_1493] {strides = array<i32>} : memref<128x128xf32, #tpu.memory_space<vmem>>, vector<16xf32>,
        %mul3A_1495 = arith.mulf %get3A_1494, %gather3A_1419 : vector<16xf32>
        %swap3A_1496 = arith.index_cast %add3A_1427 : i32 to index
        %swap3A_1497 = arith.constant 64 : index
        %swap3A_1498 = tpu.vector_load %arg9[%swap3A_1496, %swap3A_1497] {strides = array<i32>} : memref<128x128xf32, #tpu.memory_space<vmem>>, vector<16xf32>,
        tpu.vector_store %arg9[%swap3A_1496, %swap3A_1497], %mul3A_1495 {strides = array<i32>} : memref<128x128xf32, #tpu.memory_space<vmem>>, vector<16xf32>,
        %eq3A_1499 = arith.constant 4 : i32
        %eq3A_1500 = vector.broadcast %eq3A_1499 : i32 to vector<16xi32>
        %eq3A_1501 = arith.cmpi eq, %gather3A_1423, %eq3A_1500 : vector<16xi32>
        %jit3A_1502 = arith.constant 0.000000e+00 : f32
        %broadcast_in_dim3A_1503 = vector.broadcast %jit3A_1502 : f32 to vector<16xf32>
        %select_n3A_1504 = arith.select %eq3A_1501, %gather3A_1419, %broadcast_in_dim3A_1503 : vector<16xi1>, vector<16xf32>
        %swap3A_1505 = arith.index_cast %add3A_1427 : i32 to index
        %swap3A_1506 = arith.constant 64 : index
        %swap3A_1507 = tpu.vector_load %arg10[%swap3A_1505, %swap3A_1506] {strides = array<i32>} : memref<128x128xf32, #tpu.memory_space<vmem>>, vector<16xf32>,
        tpu.vector_store %arg10[%swap3A_1505, %swap3A_1506], %select_n3A_1504 {strides = array<i32>} : memref<128x128xf32, #tpu.memory_space<vmem>>, vector<16xf32>,
        %get3A_1508 = arith.index_cast %add3A_1427 : i32 to index
        %get3A_1509 = arith.constant 80 : index
        %get3A_1510 = tpu.vector_load %arg9[%get3A_1508, %get3A_1509] {strides = array<i32>} : memref<128x128xf32, #tpu.memory_space<vmem>>, vector<16xf32>,
        %mul3A_1511 = arith.mulf %get3A_1510, %gather3A_1419 : vector<16xf32>
        %swap3A_1512 = arith.index_cast %add3A_1427 : i32 to index
        %swap3A_1513 = arith.constant 80 : index
        %swap3A_1514 = tpu.vector_load %arg9[%swap3A_1512, %swap3A_1513] {strides = array<i32>} : memref<128x128xf32, #tpu.memory_space<vmem>>, vector<16xf32>,
        tpu.vector_store %arg9[%swap3A_1512, %swap3A_1513], %mul3A_1511 {strides = array<i32>} : memref<128x128xf32, #tpu.memory_space<vmem>>, vector<16xf32>,
        %eq3A_1515 = arith.constant 5 : i32
        %eq3A_1516 = vector.broadcast %eq3A_1515 : i32 to vector<16xi32>
        %eq3A_1517 = arith.cmpi eq, %gather3A_1423, %eq3A_1516 : vector<16xi32>
        %jit3A_1518 = arith.constant 0.000000e+00 : f32
        %broadcast_in_dim3A_1519 = vector.broadcast %jit3A_1518 : f32 to vector<16xf32>
        %select_n3A_1520 = arith.select %eq3A_1517, %gather3A_1419, %broadcast_in_dim3A_1519 : vector<16xi1>, vector<16xf32>
        %swap3A_1521 = arith.index_cast %add3A_1427 : i32 to index
        %swap3A_1522 = arith.constant 80 : index
        %swap3A_1523 = tpu.vector_load %arg10[%swap3A_1521, %swap3A_1522] {strides = array<i32>} : memref<128x128xf32, #tpu.memory_space<vmem>>, vector<16xf32>,
        tpu.vector_store %arg10[%swap3A_1521, %swap3A_1522], %select_n3A_1520 {strides = array<i32>} : memref<128x128xf32, #tpu.memory_space<vmem>>, vector<16xf32>,
        %get3A_1524 = arith.index_cast %add3A_1427 : i32 to index
        %get3A_1525 = arith.constant 96 : index
        %get3A_1526 = tpu.vector_load %arg9[%get3A_1524, %get3A_1525] {strides = array<i32>} : memref<128x128xf32, #tpu.memory_space<vmem>>, vector<16xf32>,
        %mul3A_1527 = arith.mulf %get3A_1526, %gather3A_1419 : vector<16xf32>
        %swap3A_1528 = arith.index_cast %add3A_1427 : i32 to index
        %swap3A_1529 = arith.constant 96 : index
        %swap3A_1530 = tpu.vector_load %arg9[%swap3A_1528, %swap3A_1529] {strides = array<i32>} : memref<128x128xf32, #tpu.memory_space<vmem>>, vector<16xf32>,
        tpu.vector_store %arg9[%swap3A_1528, %swap3A_1529], %mul3A_1527 {strides = array<i32>} : memref<128x128xf32, #tpu.memory_space<vmem>>, vector<16xf32>,
        %eq3A_1531 = arith.constant 6 : i32
        %eq3A_1532 = vector.broadcast %eq3A_1531 : i32 to vector<16xi32>
        %eq3A_1533 = arith.cmpi eq, %gather3A_1423, %eq3A_1532 : vector<16xi32>
        %jit3A_1534 = arith.constant 0.000000e+00 : f32
        %broadcast_in_dim3A_1535 = vector.broadcast %jit3A_1534 : f32 to vector<16xf32>
        %select_n3A_1536 = arith.select %eq3A_1533, %gather3A_1419, %broadcast_in_dim3A_1535 : vector<16xi1>, vector<16xf32>
        %swap3A_1537 = arith.index_cast %add3A_1427 : i32 to index
        %swap3A_1538 = arith.constant 96 : index
        %swap3A_1539 = tpu.vector_load %arg10[%swap3A_1537, %swap3A_1538] {strides = array<i32>} : memref<128x128xf32, #tpu.memory_space<vmem>>, vector<16xf32>,
        tpu.vector_store %arg10[%swap3A_1537, %swap3A_1538], %select_n3A_1536 {strides = array<i32>} : memref<128x128xf32, #tpu.memory_space<vmem>>, vector<16xf32>,
        %get3A_1540 = arith.index_cast %add3A_1427 : i32 to index
        %get3A_1541 = arith.constant 112 : index
        %get3A_1542 = tpu.vector_load %arg9[%get3A_1540, %get3A_1541] {strides = array<i32>} : memref<128x128xf32, #tpu.memory_space<vmem>>, vector<16xf32>,
        %mul3A_1543 = arith.mulf %get3A_1542, %gather3A_1419 : vector<16xf32>
        %swap3A_1544 = arith.index_cast %add3A_1427 : i32 to index
        %swap3A_1545 = arith.constant 112 : index
        %swap3A_1546 = tpu.vector_load %arg9[%swap3A_1544, %swap3A_1545] {strides = array<i32>} : memref<128x128xf32, #tpu.memory_space<vmem>>, vector<16xf32>,
        tpu.vector_store %arg9[%swap3A_1544, %swap3A_1545], %mul3A_1543 {strides = array<i32>} : memref<128x128xf32, #tpu.memory_space<vmem>>, vector<16xf32>,
        %eq3A_1547 = arith.constant 7 : i32
        %eq3A_1548 = vector.broadcast %eq3A_1547 : i32 to vector<16xi32>
        %eq3A_1549 = arith.cmpi eq, %gather3A_1423, %eq3A_1548 : vector<16xi32>
        %jit3A_1550 = arith.constant 0.000000e+00 : f32
        %broadcast_in_dim3A_1551 = vector.broadcast %jit3A_1550 : f32 to vector<16xf32>
        %select_n3A_1552 = arith.select %eq3A_1549, %gather3A_1419, %broadcast_in_dim3A_1551 : vector<16xi1>, vector<16xf32>
        %swap3A_1553 = arith.index_cast %add3A_1427 : i32 to index
        %swap3A_1554 = arith.constant 112 : index
        %swap3A_1555 = tpu.vector_load %arg10[%swap3A_1553, %swap3A_1554] {strides = array<i32>} : memref<128x128xf32, #tpu.memory_space<vmem>>, vector<16xf32>,
        tpu.vector_store %arg10[%swap3A_1553, %swap3A_1554], %select_n3A_1552 {strides = array<i32>} : memref<128x128xf32, #tpu.memory_space<vmem>>, vector<16xf32>,
        %broadcast_in_dim3A_1556 = arith.constant 10 : i32
        %broadcast_in_dim3A_1557 = vector.broadcast %broadcast_in_dim3A_1556 : i32 to vector<16x1xi32>
        %gather3A_1558 = vector.shape_cast %broadcast_in_dim3A_1557 : vector<16x1xi32> to vector<16xi32>
        %gather3A_1559 = tpu.dynamic_gather %bitcast3A[%gather3A_1558] in [0] : vector<16xf32>, vector<16xi32> -> vector<16xf32>
        %broadcast_in_dim3A_1560 = arith.constant 10 : i32
        %broadcast_in_dim3A_1561 = vector.broadcast %broadcast_in_dim3A_1560 : i32 to vector<16x1xi32>
        %gather3A_1562 = vector.shape_cast %broadcast_in_dim3A_1561 : vector<16x1xi32> to vector<16xi32>
        %gather3A_1563 = tpu.dynamic_gather %and3A_161[%gather3A_1562] in [0] : vector<16xi32>, vector<16xi32> -> vector<16xi32>
        %mul3A_1564 = arith.constant 16 : i32
        %mul3A_1565 = arith.muli %add3A_150, %mul3A_1564 : i32
        %add3A_1566 = arith.constant 10 : i32
        %add3A_1567 = arith.addi %mul3A_1565, %add3A_1566 : i32
        %get3A_1568 = arith.index_cast %add3A_1567 : i32 to index
        %get3A_1569 = arith.constant 0 : index
        %get3A_1570 = tpu.vector_load %arg9[%get3A_1568, %get3A_1569] {strides = array<i32>} : memref<128x128xf32, #tpu.memory_space<vmem>>, vector<16xf32>,
        %mul3A_1571 = arith.mulf %get3A_1570, %gather3A_1559 : vector<16xf32>
        %swap3A_1572 = arith.index_cast %add3A_1567 : i32 to index
        %swap3A_1573 = arith.constant 0 : index
        %swap3A_1574 = tpu.vector_load %arg9[%swap3A_1572, %swap3A_1573] {strides = array<i32>} : memref<128x128xf32, #tpu.memory_space<vmem>>, vector<16xf32>,
        tpu.vector_store %arg9[%swap3A_1572, %swap3A_1573], %mul3A_1571 {strides = array<i32>} : memref<128x128xf32, #tpu.memory_space<vmem>>, vector<16xf32>,
        %eq3A_1575 = arith.constant 0 : i32
        %eq3A_1576 = vector.broadcast %eq3A_1575 : i32 to vector<16xi32>
        %eq3A_1577 = arith.cmpi eq, %gather3A_1563, %eq3A_1576 : vector<16xi32>
        %jit3A_1578 = arith.constant 0.000000e+00 : f32
        %broadcast_in_dim3A_1579 = vector.broadcast %jit3A_1578 : f32 to vector<16xf32>
        %select_n3A_1580 = arith.select %eq3A_1577, %gather3A_1559, %broadcast_in_dim3A_1579 : vector<16xi1>, vector<16xf32>
        %swap3A_1581 = arith.index_cast %add3A_1567 : i32 to index
        %swap3A_1582 = arith.constant 0 : index
        %swap3A_1583 = tpu.vector_load %arg10[%swap3A_1581, %swap3A_1582] {strides = array<i32>} : memref<128x128xf32, #tpu.memory_space<vmem>>, vector<16xf32>,
        tpu.vector_store %arg10[%swap3A_1581, %swap3A_1582], %select_n3A_1580 {strides = array<i32>} : memref<128x128xf32, #tpu.memory_space<vmem>>, vector<16xf32>,
        %get3A_1584 = arith.index_cast %add3A_1567 : i32 to index
        %get3A_1585 = arith.constant 16 : index
        %get3A_1586 = tpu.vector_load %arg9[%get3A_1584, %get3A_1585] {strides = array<i32>} : memref<128x128xf32, #tpu.memory_space<vmem>>, vector<16xf32>,
        %mul3A_1587 = arith.mulf %get3A_1586, %gather3A_1559 : vector<16xf32>
        %swap3A_1588 = arith.index_cast %add3A_1567 : i32 to index
        %swap3A_1589 = arith.constant 16 : index
        %swap3A_1590 = tpu.vector_load %arg9[%swap3A_1588, %swap3A_1589] {strides = array<i32>} : memref<128x128xf32, #tpu.memory_space<vmem>>, vector<16xf32>,
        tpu.vector_store %arg9[%swap3A_1588, %swap3A_1589], %mul3A_1587 {strides = array<i32>} : memref<128x128xf32, #tpu.memory_space<vmem>>, vector<16xf32>,
        %eq3A_1591 = arith.constant 1 : i32
        %eq3A_1592 = vector.broadcast %eq3A_1591 : i32 to vector<16xi32>
        %eq3A_1593 = arith.cmpi eq, %gather3A_1563, %eq3A_1592 : vector<16xi32>
        %jit3A_1594 = arith.constant 0.000000e+00 : f32
        %broadcast_in_dim3A_1595 = vector.broadcast %jit3A_1594 : f32 to vector<16xf32>
        %select_n3A_1596 = arith.select %eq3A_1593, %gather3A_1559, %broadcast_in_dim3A_1595 : vector<16xi1>, vector<16xf32>
        %swap3A_1597 = arith.index_cast %add3A_1567 : i32 to index
        %swap3A_1598 = arith.constant 16 : index
        %swap3A_1599 = tpu.vector_load %arg10[%swap3A_1597, %swap3A_1598] {strides = array<i32>} : memref<128x128xf32, #tpu.memory_space<vmem>>, vector<16xf32>,
        tpu.vector_store %arg10[%swap3A_1597, %swap3A_1598], %select_n3A_1596 {strides = array<i32>} : memref<128x128xf32, #tpu.memory_space<vmem>>, vector<16xf32>,
        %get3A_1600 = arith.index_cast %add3A_1567 : i32 to index
        %get3A_1601 = arith.constant 32 : index
        %get3A_1602 = tpu.vector_load %arg9[%get3A_1600, %get3A_1601] {strides = array<i32>} : memref<128x128xf32, #tpu.memory_space<vmem>>, vector<16xf32>,
        %mul3A_1603 = arith.mulf %get3A_1602, %gather3A_1559 : vector<16xf32>
        %swap3A_1604 = arith.index_cast %add3A_1567 : i32 to index
        %swap3A_1605 = arith.constant 32 : index
        %swap3A_1606 = tpu.vector_load %arg9[%swap3A_1604, %swap3A_1605] {strides = array<i32>} : memref<128x128xf32, #tpu.memory_space<vmem>>, vector<16xf32>,
        tpu.vector_store %arg9[%swap3A_1604, %swap3A_1605], %mul3A_1603 {strides = array<i32>} : memref<128x128xf32, #tpu.memory_space<vmem>>, vector<16xf32>,
        %eq3A_1607 = arith.constant 2 : i32
        %eq3A_1608 = vector.broadcast %eq3A_1607 : i32 to vector<16xi32>
        %eq3A_1609 = arith.cmpi eq, %gather3A_1563, %eq3A_1608 : vector<16xi32>
        %jit3A_1610 = arith.constant 0.000000e+00 : f32
        %broadcast_in_dim3A_1611 = vector.broadcast %jit3A_1610 : f32 to vector<16xf32>
        %select_n3A_1612 = arith.select %eq3A_1609, %gather3A_1559, %broadcast_in_dim3A_1611 : vector<16xi1>, vector<16xf32>
        %swap3A_1613 = arith.index_cast %add3A_1567 : i32 to index
        %swap3A_1614 = arith.constant 32 : index
        %swap3A_1615 = tpu.vector_load %arg10[%swap3A_1613, %swap3A_1614] {strides = array<i32>} : memref<128x128xf32, #tpu.memory_space<vmem>>, vector<16xf32>,
        tpu.vector_store %arg10[%swap3A_1613, %swap3A_1614], %select_n3A_1612 {strides = array<i32>} : memref<128x128xf32, #tpu.memory_space<vmem>>, vector<16xf32>,
        %get3A_1616 = arith.index_cast %add3A_1567 : i32 to index
        %get3A_1617 = arith.constant 48 : index
        %get3A_1618 = tpu.vector_load %arg9[%get3A_1616, %get3A_1617] {strides = array<i32>} : memref<128x128xf32, #tpu.memory_space<vmem>>, vector<16xf32>,
        %mul3A_1619 = arith.mulf %get3A_1618, %gather3A_1559 : vector<16xf32>
        %swap3A_1620 = arith.index_cast %add3A_1567 : i32 to index
        %swap3A_1621 = arith.constant 48 : index
        %swap3A_1622 = tpu.vector_load %arg9[%swap3A_1620, %swap3A_1621] {strides = array<i32>} : memref<128x128xf32, #tpu.memory_space<vmem>>, vector<16xf32>,
        tpu.vector_store %arg9[%swap3A_1620, %swap3A_1621], %mul3A_1619 {strides = array<i32>} : memref<128x128xf32, #tpu.memory_space<vmem>>, vector<16xf32>,
        %eq3A_1623 = arith.constant 3 : i32
        %eq3A_1624 = vector.broadcast %eq3A_1623 : i32 to vector<16xi32>
        %eq3A_1625 = arith.cmpi eq, %gather3A_1563, %eq3A_1624 : vector<16xi32>
        %jit3A_1626 = arith.constant 0.000000e+00 : f32
        %broadcast_in_dim3A_1627 = vector.broadcast %jit3A_1626 : f32 to vector<16xf32>
        %select_n3A_1628 = arith.select %eq3A_1625, %gather3A_1559, %broadcast_in_dim3A_1627 : vector<16xi1>, vector<16xf32>
        %swap3A_1629 = arith.index_cast %add3A_1567 : i32 to index
        %swap3A_1630 = arith.constant 48 : index
        %swap3A_1631 = tpu.vector_load %arg10[%swap3A_1629, %swap3A_1630] {strides = array<i32>} : memref<128x128xf32, #tpu.memory_space<vmem>>, vector<16xf32>,
        tpu.vector_store %arg10[%swap3A_1629, %swap3A_1630], %select_n3A_1628 {strides = array<i32>} : memref<128x128xf32, #tpu.memory_space<vmem>>, vector<16xf32>,
        %get3A_1632 = arith.index_cast %add3A_1567 : i32 to index
        %get3A_1633 = arith.constant 64 : index
        %get3A_1634 = tpu.vector_load %arg9[%get3A_1632, %get3A_1633] {strides = array<i32>} : memref<128x128xf32, #tpu.memory_space<vmem>>, vector<16xf32>,
        %mul3A_1635 = arith.mulf %get3A_1634, %gather3A_1559 : vector<16xf32>
        %swap3A_1636 = arith.index_cast %add3A_1567 : i32 to index
        %swap3A_1637 = arith.constant 64 : index
        %swap3A_1638 = tpu.vector_load %arg9[%swap3A_1636, %swap3A_1637] {strides = array<i32>} : memref<128x128xf32, #tpu.memory_space<vmem>>, vector<16xf32>,
        tpu.vector_store %arg9[%swap3A_1636, %swap3A_1637], %mul3A_1635 {strides = array<i32>} : memref<128x128xf32, #tpu.memory_space<vmem>>, vector<16xf32>,
        %eq3A_1639 = arith.constant 4 : i32
        %eq3A_1640 = vector.broadcast %eq3A_1639 : i32 to vector<16xi32>
        %eq3A_1641 = arith.cmpi eq, %gather3A_1563, %eq3A_1640 : vector<16xi32>
        %jit3A_1642 = arith.constant 0.000000e+00 : f32
        %broadcast_in_dim3A_1643 = vector.broadcast %jit3A_1642 : f32 to vector<16xf32>
        %select_n3A_1644 = arith.select %eq3A_1641, %gather3A_1559, %broadcast_in_dim3A_1643 : vector<16xi1>, vector<16xf32>
        %swap3A_1645 = arith.index_cast %add3A_1567 : i32 to index
        %swap3A_1646 = arith.constant 64 : index
        %swap3A_1647 = tpu.vector_load %arg10[%swap3A_1645, %swap3A_1646] {strides = array<i32>} : memref<128x128xf32, #tpu.memory_space<vmem>>, vector<16xf32>,
        tpu.vector_store %arg10[%swap3A_1645, %swap3A_1646], %select_n3A_1644 {strides = array<i32>} : memref<128x128xf32, #tpu.memory_space<vmem>>, vector<16xf32>,
        %get3A_1648 = arith.index_cast %add3A_1567 : i32 to index
        %get3A_1649 = arith.constant 80 : index
        %get3A_1650 = tpu.vector_load %arg9[%get3A_1648, %get3A_1649] {strides = array<i32>} : memref<128x128xf32, #tpu.memory_space<vmem>>, vector<16xf32>,
        %mul3A_1651 = arith.mulf %get3A_1650, %gather3A_1559 : vector<16xf32>
        %swap3A_1652 = arith.index_cast %add3A_1567 : i32 to index
        %swap3A_1653 = arith.constant 80 : index
        %swap3A_1654 = tpu.vector_load %arg9[%swap3A_1652, %swap3A_1653] {strides = array<i32>} : memref<128x128xf32, #tpu.memory_space<vmem>>, vector<16xf32>,
        tpu.vector_store %arg9[%swap3A_1652, %swap3A_1653], %mul3A_1651 {strides = array<i32>} : memref<128x128xf32, #tpu.memory_space<vmem>>, vector<16xf32>,
        %eq3A_1655 = arith.constant 5 : i32
        %eq3A_1656 = vector.broadcast %eq3A_1655 : i32 to vector<16xi32>
        %eq3A_1657 = arith.cmpi eq, %gather3A_1563, %eq3A_1656 : vector<16xi32>
        %jit3A_1658 = arith.constant 0.000000e+00 : f32
        %broadcast_in_dim3A_1659 = vector.broadcast %jit3A_1658 : f32 to vector<16xf32>
        %select_n3A_1660 = arith.select %eq3A_1657, %gather3A_1559, %broadcast_in_dim3A_1659 : vector<16xi1>, vector<16xf32>
        %swap3A_1661 = arith.index_cast %add3A_1567 : i32 to index
        %swap3A_1662 = arith.constant 80 : index
        %swap3A_1663 = tpu.vector_load %arg10[%swap3A_1661, %swap3A_1662] {strides = array<i32>} : memref<128x128xf32, #tpu.memory_space<vmem>>, vector<16xf32>,
        tpu.vector_store %arg10[%swap3A_1661, %swap3A_1662], %select_n3A_1660 {strides = array<i32>} : memref<128x128xf32, #tpu.memory_space<vmem>>, vector<16xf32>,
        %get3A_1664 = arith.index_cast %add3A_1567 : i32 to index
        %get3A_1665 = arith.constant 96 : index
        %get3A_1666 = tpu.vector_load %arg9[%get3A_1664, %get3A_1665] {strides = array<i32>} : memref<128x128xf32, #tpu.memory_space<vmem>>, vector<16xf32>,
        %mul3A_1667 = arith.mulf %get3A_1666, %gather3A_1559 : vector<16xf32>
        %swap3A_1668 = arith.index_cast %add3A_1567 : i32 to index
        %swap3A_1669 = arith.constant 96 : index
        %swap3A_1670 = tpu.vector_load %arg9[%swap3A_1668, %swap3A_1669] {strides = array<i32>} : memref<128x128xf32, #tpu.memory_space<vmem>>, vector<16xf32>,
        tpu.vector_store %arg9[%swap3A_1668, %swap3A_1669], %mul3A_1667 {strides = array<i32>} : memref<128x128xf32, #tpu.memory_space<vmem>>, vector<16xf32>,
        %eq3A_1671 = arith.constant 6 : i32
        %eq3A_1672 = vector.broadcast %eq3A_1671 : i32 to vector<16xi32>
        %eq3A_1673 = arith.cmpi eq, %gather3A_1563, %eq3A_1672 : vector<16xi32>
        %jit3A_1674 = arith.constant 0.000000e+00 : f32
        %broadcast_in_dim3A_1675 = vector.broadcast %jit3A_1674 : f32 to vector<16xf32>
        %select_n3A_1676 = arith.select %eq3A_1673, %gather3A_1559, %broadcast_in_dim3A_1675 : vector<16xi1>, vector<16xf32>
        %swap3A_1677 = arith.index_cast %add3A_1567 : i32 to index
        %swap3A_1678 = arith.constant 96 : index
        %swap3A_1679 = tpu.vector_load %arg10[%swap3A_1677, %swap3A_1678] {strides = array<i32>} : memref<128x128xf32, #tpu.memory_space<vmem>>, vector<16xf32>,
        tpu.vector_store %arg10[%swap3A_1677, %swap3A_1678], %select_n3A_1676 {strides = array<i32>} : memref<128x128xf32, #tpu.memory_space<vmem>>, vector<16xf32>,
        %get3A_1680 = arith.index_cast %add3A_1567 : i32 to index
        %get3A_1681 = arith.constant 112 : index
        %get3A_1682 = tpu.vector_load %arg9[%get3A_1680, %get3A_1681] {strides = array<i32>} : memref<128x128xf32, #tpu.memory_space<vmem>>, vector<16xf32>,
        %mul3A_1683 = arith.mulf %get3A_1682, %gather3A_1559 : vector<16xf32>
        %swap3A_1684 = arith.index_cast %add3A_1567 : i32 to index
        %swap3A_1685 = arith.constant 112 : index
        %swap3A_1686 = tpu.vector_load %arg9[%swap3A_1684, %swap3A_1685] {strides = array<i32>} : memref<128x128xf32, #tpu.memory_space<vmem>>, vector<16xf32>,
        tpu.vector_store %arg9[%swap3A_1684, %swap3A_1685], %mul3A_1683 {strides = array<i32>} : memref<128x128xf32, #tpu.memory_space<vmem>>, vector<16xf32>,
        %eq3A_1687 = arith.constant 7 : i32
        %eq3A_1688 = vector.broadcast %eq3A_1687 : i32 to vector<16xi32>
        %eq3A_1689 = arith.cmpi eq, %gather3A_1563, %eq3A_1688 : vector<16xi32>
        %jit3A_1690 = arith.constant 0.000000e+00 : f32
        %broadcast_in_dim3A_1691 = vector.broadcast %jit3A_1690 : f32 to vector<16xf32>
        %select_n3A_1692 = arith.select %eq3A_1689, %gather3A_1559, %broadcast_in_dim3A_1691 : vector<16xi1>, vector<16xf32>
        %swap3A_1693 = arith.index_cast %add3A_1567 : i32 to index
        %swap3A_1694 = arith.constant 112 : index
        %swap3A_1695 = tpu.vector_load %arg10[%swap3A_1693, %swap3A_1694] {strides = array<i32>} : memref<128x128xf32, #tpu.memory_space<vmem>>, vector<16xf32>,
        tpu.vector_store %arg10[%swap3A_1693, %swap3A_1694], %select_n3A_1692 {strides = array<i32>} : memref<128x128xf32, #tpu.memory_space<vmem>>, vector<16xf32>,
        %broadcast_in_dim3A_1696 = arith.constant 11 : i32
        %broadcast_in_dim3A_1697 = vector.broadcast %broadcast_in_dim3A_1696 : i32 to vector<16x1xi32>
        %gather3A_1698 = vector.shape_cast %broadcast_in_dim3A_1697 : vector<16x1xi32> to vector<16xi32>
        %gather3A_1699 = tpu.dynamic_gather %bitcast3A[%gather3A_1698] in [0] : vector<16xf32>, vector<16xi32> -> vector<16xf32>
        %broadcast_in_dim3A_1700 = arith.constant 11 : i32
        %broadcast_in_dim3A_1701 = vector.broadcast %broadcast_in_dim3A_1700 : i32 to vector<16x1xi32>
        %gather3A_1702 = vector.shape_cast %broadcast_in_dim3A_1701 : vector<16x1xi32> to vector<16xi32>
        %gather3A_1703 = tpu.dynamic_gather %and3A_161[%gather3A_1702] in [0] : vector<16xi32>, vector<16xi32> -> vector<16xi32>
        %mul3A_1704 = arith.constant 16 : i32
        %mul3A_1705 = arith.muli %add3A_150, %mul3A_1704 : i32
        %add3A_1706 = arith.constant 11 : i32
        %add3A_1707 = arith.addi %mul3A_1705, %add3A_1706 : i32
        %get3A_1708 = arith.index_cast %add3A_1707 : i32 to index
        %get3A_1709 = arith.constant 0 : index
        %get3A_1710 = tpu.vector_load %arg9[%get3A_1708, %get3A_1709] {strides = array<i32>} : memref<128x128xf32, #tpu.memory_space<vmem>>, vector<16xf32>,
        %mul3A_1711 = arith.mulf %get3A_1710, %gather3A_1699 : vector<16xf32>
        %swap3A_1712 = arith.index_cast %add3A_1707 : i32 to index
        %swap3A_1713 = arith.constant 0 : index
        %swap3A_1714 = tpu.vector_load %arg9[%swap3A_1712, %swap3A_1713] {strides = array<i32>} : memref<128x128xf32, #tpu.memory_space<vmem>>, vector<16xf32>,
        tpu.vector_store %arg9[%swap3A_1712, %swap3A_1713], %mul3A_1711 {strides = array<i32>} : memref<128x128xf32, #tpu.memory_space<vmem>>, vector<16xf32>,
        %eq3A_1715 = arith.constant 0 : i32
        %eq3A_1716 = vector.broadcast %eq3A_1715 : i32 to vector<16xi32>
        %eq3A_1717 = arith.cmpi eq, %gather3A_1703, %eq3A_1716 : vector<16xi32>
        %jit3A_1718 = arith.constant 0.000000e+00 : f32
        %broadcast_in_dim3A_1719 = vector.broadcast %jit3A_1718 : f32 to vector<16xf32>
        %select_n3A_1720 = arith.select %eq3A_1717, %gather3A_1699, %broadcast_in_dim3A_1719 : vector<16xi1>, vector<16xf32>
        %swap3A_1721 = arith.index_cast %add3A_1707 : i32 to index
        %swap3A_1722 = arith.constant 0 : index
        %swap3A_1723 = tpu.vector_load %arg10[%swap3A_1721, %swap3A_1722] {strides = array<i32>} : memref<128x128xf32, #tpu.memory_space<vmem>>, vector<16xf32>,
        tpu.vector_store %arg10[%swap3A_1721, %swap3A_1722], %select_n3A_1720 {strides = array<i32>} : memref<128x128xf32, #tpu.memory_space<vmem>>, vector<16xf32>,
        %get3A_1724 = arith.index_cast %add3A_1707 : i32 to index
        %get3A_1725 = arith.constant 16 : index
        %get3A_1726 = tpu.vector_load %arg9[%get3A_1724, %get3A_1725] {strides = array<i32>} : memref<128x128xf32, #tpu.memory_space<vmem>>, vector<16xf32>,
        %mul3A_1727 = arith.mulf %get3A_1726, %gather3A_1699 : vector<16xf32>
        %swap3A_1728 = arith.index_cast %add3A_1707 : i32 to index
        %swap3A_1729 = arith.constant 16 : index
        %swap3A_1730 = tpu.vector_load %arg9[%swap3A_1728, %swap3A_1729] {strides = array<i32>} : memref<128x128xf32, #tpu.memory_space<vmem>>, vector<16xf32>,
        tpu.vector_store %arg9[%swap3A_1728, %swap3A_1729], %mul3A_1727 {strides = array<i32>} : memref<128x128xf32, #tpu.memory_space<vmem>>, vector<16xf32>,
        %eq3A_1731 = arith.constant 1 : i32
        %eq3A_1732 = vector.broadcast %eq3A_1731 : i32 to vector<16xi32>
        %eq3A_1733 = arith.cmpi eq, %gather3A_1703, %eq3A_1732 : vector<16xi32>
        %jit3A_1734 = arith.constant 0.000000e+00 : f32
        %broadcast_in_dim3A_1735 = vector.broadcast %jit3A_1734 : f32 to vector<16xf32>
        %select_n3A_1736 = arith.select %eq3A_1733, %gather3A_1699, %broadcast_in_dim3A_1735 : vector<16xi1>, vector<16xf32>
        %swap3A_1737 = arith.index_cast %add3A_1707 : i32 to index
        %swap3A_1738 = arith.constant 16 : index
        %swap3A_1739 = tpu.vector_load %arg10[%swap3A_1737, %swap3A_1738] {strides = array<i32>} : memref<128x128xf32, #tpu.memory_space<vmem>>, vector<16xf32>,
        tpu.vector_store %arg10[%swap3A_1737, %swap3A_1738], %select_n3A_1736 {strides = array<i32>} : memref<128x128xf32, #tpu.memory_space<vmem>>, vector<16xf32>,
        %get3A_1740 = arith.index_cast %add3A_1707 : i32 to index
        %get3A_1741 = arith.constant 32 : index
        %get3A_1742 = tpu.vector_load %arg9[%get3A_1740, %get3A_1741] {strides = array<i32>} : memref<128x128xf32, #tpu.memory_space<vmem>>, vector<16xf32>,
        %mul3A_1743 = arith.mulf %get3A_1742, %gather3A_1699 : vector<16xf32>
        %swap3A_1744 = arith.index_cast %add3A_1707 : i32 to index
        %swap3A_1745 = arith.constant 32 : index
        %swap3A_1746 = tpu.vector_load %arg9[%swap3A_1744, %swap3A_1745] {strides = array<i32>} : memref<128x128xf32, #tpu.memory_space<vmem>>, vector<16xf32>,
        tpu.vector_store %arg9[%swap3A_1744, %swap3A_1745], %mul3A_1743 {strides = array<i32>} : memref<128x128xf32, #tpu.memory_space<vmem>>, vector<16xf32>,
        %eq3A_1747 = arith.constant 2 : i32
        %eq3A_1748 = vector.broadcast %eq3A_1747 : i32 to vector<16xi32>
        %eq3A_1749 = arith.cmpi eq, %gather3A_1703, %eq3A_1748 : vector<16xi32>
        %jit3A_1750 = arith.constant 0.000000e+00 : f32
        %broadcast_in_dim3A_1751 = vector.broadcast %jit3A_1750 : f32 to vector<16xf32>
        %select_n3A_1752 = arith.select %eq3A_1749, %gather3A_1699, %broadcast_in_dim3A_1751 : vector<16xi1>, vector<16xf32>
        %swap3A_1753 = arith.index_cast %add3A_1707 : i32 to index
        %swap3A_1754 = arith.constant 32 : index
        %swap3A_1755 = tpu.vector_load %arg10[%swap3A_1753, %swap3A_1754] {strides = array<i32>} : memref<128x128xf32, #tpu.memory_space<vmem>>, vector<16xf32>,
        tpu.vector_store %arg10[%swap3A_1753, %swap3A_1754], %select_n3A_1752 {strides = array<i32>} : memref<128x128xf32, #tpu.memory_space<vmem>>, vector<16xf32>,
        %get3A_1756 = arith.index_cast %add3A_1707 : i32 to index
        %get3A_1757 = arith.constant 48 : index
        %get3A_1758 = tpu.vector_load %arg9[%get3A_1756, %get3A_1757] {strides = array<i32>} : memref<128x128xf32, #tpu.memory_space<vmem>>, vector<16xf32>,
        %mul3A_1759 = arith.mulf %get3A_1758, %gather3A_1699 : vector<16xf32>
        %swap3A_1760 = arith.index_cast %add3A_1707 : i32 to index
        %swap3A_1761 = arith.constant 48 : index
        %swap3A_1762 = tpu.vector_load %arg9[%swap3A_1760, %swap3A_1761] {strides = array<i32>} : memref<128x128xf32, #tpu.memory_space<vmem>>, vector<16xf32>,
        tpu.vector_store %arg9[%swap3A_1760, %swap3A_1761], %mul3A_1759 {strides = array<i32>} : memref<128x128xf32, #tpu.memory_space<vmem>>, vector<16xf32>,
        %eq3A_1763 = arith.constant 3 : i32
        %eq3A_1764 = vector.broadcast %eq3A_1763 : i32 to vector<16xi32>
        %eq3A_1765 = arith.cmpi eq, %gather3A_1703, %eq3A_1764 : vector<16xi32>
        %jit3A_1766 = arith.constant 0.000000e+00 : f32
        %broadcast_in_dim3A_1767 = vector.broadcast %jit3A_1766 : f32 to vector<16xf32>
        %select_n3A_1768 = arith.select %eq3A_1765, %gather3A_1699, %broadcast_in_dim3A_1767 : vector<16xi1>, vector<16xf32>
        %swap3A_1769 = arith.index_cast %add3A_1707 : i32 to index
        %swap3A_1770 = arith.constant 48 : index
        %swap3A_1771 = tpu.vector_load %arg10[%swap3A_1769, %swap3A_1770] {strides = array<i32>} : memref<128x128xf32, #tpu.memory_space<vmem>>, vector<16xf32>,
        tpu.vector_store %arg10[%swap3A_1769, %swap3A_1770], %select_n3A_1768 {strides = array<i32>} : memref<128x128xf32, #tpu.memory_space<vmem>>, vector<16xf32>,
        %get3A_1772 = arith.index_cast %add3A_1707 : i32 to index
        %get3A_1773 = arith.constant 64 : index
        %get3A_1774 = tpu.vector_load %arg9[%get3A_1772, %get3A_1773] {strides = array<i32>} : memref<128x128xf32, #tpu.memory_space<vmem>>, vector<16xf32>,
        %mul3A_1775 = arith.mulf %get3A_1774, %gather3A_1699 : vector<16xf32>
        %swap3A_1776 = arith.index_cast %add3A_1707 : i32 to index
        %swap3A_1777 = arith.constant 64 : index
        %swap3A_1778 = tpu.vector_load %arg9[%swap3A_1776, %swap3A_1777] {strides = array<i32>} : memref<128x128xf32, #tpu.memory_space<vmem>>, vector<16xf32>,
        tpu.vector_store %arg9[%swap3A_1776, %swap3A_1777], %mul3A_1775 {strides = array<i32>} : memref<128x128xf32, #tpu.memory_space<vmem>>, vector<16xf32>,
        %eq3A_1779 = arith.constant 4 : i32
        %eq3A_1780 = vector.broadcast %eq3A_1779 : i32 to vector<16xi32>
        %eq3A_1781 = arith.cmpi eq, %gather3A_1703, %eq3A_1780 : vector<16xi32>
        %jit3A_1782 = arith.constant 0.000000e+00 : f32
        %broadcast_in_dim3A_1783 = vector.broadcast %jit3A_1782 : f32 to vector<16xf32>
        %select_n3A_1784 = arith.select %eq3A_1781, %gather3A_1699, %broadcast_in_dim3A_1783 : vector<16xi1>, vector<16xf32>
        %swap3A_1785 = arith.index_cast %add3A_1707 : i32 to index
        %swap3A_1786 = arith.constant 64 : index
        %swap3A_1787 = tpu.vector_load %arg10[%swap3A_1785, %swap3A_1786] {strides = array<i32>} : memref<128x128xf32, #tpu.memory_space<vmem>>, vector<16xf32>,
        tpu.vector_store %arg10[%swap3A_1785, %swap3A_1786], %select_n3A_1784 {strides = array<i32>} : memref<128x128xf32, #tpu.memory_space<vmem>>, vector<16xf32>,
        %get3A_1788 = arith.index_cast %add3A_1707 : i32 to index
        %get3A_1789 = arith.constant 80 : index
        %get3A_1790 = tpu.vector_load %arg9[%get3A_1788, %get3A_1789] {strides = array<i32>} : memref<128x128xf32, #tpu.memory_space<vmem>>, vector<16xf32>,
        %mul3A_1791 = arith.mulf %get3A_1790, %gather3A_1699 : vector<16xf32>
        %swap3A_1792 = arith.index_cast %add3A_1707 : i32 to index
        %swap3A_1793 = arith.constant 80 : index
        %swap3A_1794 = tpu.vector_load %arg9[%swap3A_1792, %swap3A_1793] {strides = array<i32>} : memref<128x128xf32, #tpu.memory_space<vmem>>, vector<16xf32>,
        tpu.vector_store %arg9[%swap3A_1792, %swap3A_1793], %mul3A_1791 {strides = array<i32>} : memref<128x128xf32, #tpu.memory_space<vmem>>, vector<16xf32>,
        %eq3A_1795 = arith.constant 5 : i32
        %eq3A_1796 = vector.broadcast %eq3A_1795 : i32 to vector<16xi32>
        %eq3A_1797 = arith.cmpi eq, %gather3A_1703, %eq3A_1796 : vector<16xi32>
        %jit3A_1798 = arith.constant 0.000000e+00 : f32
        %broadcast_in_dim3A_1799 = vector.broadcast %jit3A_1798 : f32 to vector<16xf32>
        %select_n3A_1800 = arith.select %eq3A_1797, %gather3A_1699, %broadcast_in_dim3A_1799 : vector<16xi1>, vector<16xf32>
        %swap3A_1801 = arith.index_cast %add3A_1707 : i32 to index
        %swap3A_1802 = arith.constant 80 : index
        %swap3A_1803 = tpu.vector_load %arg10[%swap3A_1801, %swap3A_1802] {strides = array<i32>} : memref<128x128xf32, #tpu.memory_space<vmem>>, vector<16xf32>,
        tpu.vector_store %arg10[%swap3A_1801, %swap3A_1802], %select_n3A_1800 {strides = array<i32>} : memref<128x128xf32, #tpu.memory_space<vmem>>, vector<16xf32>,
        %get3A_1804 = arith.index_cast %add3A_1707 : i32 to index
        %get3A_1805 = arith.constant 96 : index
        %get3A_1806 = tpu.vector_load %arg9[%get3A_1804, %get3A_1805] {strides = array<i32>} : memref<128x128xf32, #tpu.memory_space<vmem>>, vector<16xf32>,
        %mul3A_1807 = arith.mulf %get3A_1806, %gather3A_1699 : vector<16xf32>
        %swap3A_1808 = arith.index_cast %add3A_1707 : i32 to index
        %swap3A_1809 = arith.constant 96 : index
        %swap3A_1810 = tpu.vector_load %arg9[%swap3A_1808, %swap3A_1809] {strides = array<i32>} : memref<128x128xf32, #tpu.memory_space<vmem>>, vector<16xf32>,
        tpu.vector_store %arg9[%swap3A_1808, %swap3A_1809], %mul3A_1807 {strides = array<i32>} : memref<128x128xf32, #tpu.memory_space<vmem>>, vector<16xf32>,
        %eq3A_1811 = arith.constant 6 : i32
        %eq3A_1812 = vector.broadcast %eq3A_1811 : i32 to vector<16xi32>
        %eq3A_1813 = arith.cmpi eq, %gather3A_1703, %eq3A_1812 : vector<16xi32>
        %jit3A_1814 = arith.constant 0.000000e+00 : f32
        %broadcast_in_dim3A_1815 = vector.broadcast %jit3A_1814 : f32 to vector<16xf32>
        %select_n3A_1816 = arith.select %eq3A_1813, %gather3A_1699, %broadcast_in_dim3A_1815 : vector<16xi1>, vector<16xf32>
        %swap3A_1817 = arith.index_cast %add3A_1707 : i32 to index
        %swap3A_1818 = arith.constant 96 : index
        %swap3A_1819 = tpu.vector_load %arg10[%swap3A_1817, %swap3A_1818] {strides = array<i32>} : memref<128x128xf32, #tpu.memory_space<vmem>>, vector<16xf32>,
        tpu.vector_store %arg10[%swap3A_1817, %swap3A_1818], %select_n3A_1816 {strides = array<i32>} : memref<128x128xf32, #tpu.memory_space<vmem>>, vector<16xf32>,
        %get3A_1820 = arith.index_cast %add3A_1707 : i32 to index
        %get3A_1821 = arith.constant 112 : index
        %get3A_1822 = tpu.vector_load %arg9[%get3A_1820, %get3A_1821] {strides = array<i32>} : memref<128x128xf32, #tpu.memory_space<vmem>>, vector<16xf32>,
        %mul3A_1823 = arith.mulf %get3A_1822, %gather3A_1699 : vector<16xf32>
        %swap3A_1824 = arith.index_cast %add3A_1707 : i32 to index
        %swap3A_1825 = arith.constant 112 : index
        %swap3A_1826 = tpu.vector_load %arg9[%swap3A_1824, %swap3A_1825] {strides = array<i32>} : memref<128x128xf32, #tpu.memory_space<vmem>>, vector<16xf32>,
        tpu.vector_store %arg9[%swap3A_1824, %swap3A_1825], %mul3A_1823 {strides = array<i32>} : memref<128x128xf32, #tpu.memory_space<vmem>>, vector<16xf32>,
        %eq3A_1827 = arith.constant 7 : i32
        %eq3A_1828 = vector.broadcast %eq3A_1827 : i32 to vector<16xi32>
        %eq3A_1829 = arith.cmpi eq, %gather3A_1703, %eq3A_1828 : vector<16xi32>
        %jit3A_1830 = arith.constant 0.000000e+00 : f32
        %broadcast_in_dim3A_1831 = vector.broadcast %jit3A_1830 : f32 to vector<16xf32>
        %select_n3A_1832 = arith.select %eq3A_1829, %gather3A_1699, %broadcast_in_dim3A_1831 : vector<16xi1>, vector<16xf32>
        %swap3A_1833 = arith.index_cast %add3A_1707 : i32 to index
        %swap3A_1834 = arith.constant 112 : index
        %swap3A_1835 = tpu.vector_load %arg10[%swap3A_1833, %swap3A_1834] {strides = array<i32>} : memref<128x128xf32, #tpu.memory_space<vmem>>, vector<16xf32>,
        tpu.vector_store %arg10[%swap3A_1833, %swap3A_1834], %select_n3A_1832 {strides = array<i32>} : memref<128x128xf32, #tpu.memory_space<vmem>>, vector<16xf32>,
        %broadcast_in_dim3A_1836 = arith.constant 12 : i32
        %broadcast_in_dim3A_1837 = vector.broadcast %broadcast_in_dim3A_1836 : i32 to vector<16x1xi32>
        %gather3A_1838 = vector.shape_cast %broadcast_in_dim3A_1837 : vector<16x1xi32> to vector<16xi32>
        %gather3A_1839 = tpu.dynamic_gather %bitcast3A[%gather3A_1838] in [0] : vector<16xf32>, vector<16xi32> -> vector<16xf32>
        %broadcast_in_dim3A_1840 = arith.constant 12 : i32
        %broadcast_in_dim3A_1841 = vector.broadcast %broadcast_in_dim3A_1840 : i32 to vector<16x1xi32>
        %gather3A_1842 = vector.shape_cast %broadcast_in_dim3A_1841 : vector<16x1xi32> to vector<16xi32>
        %gather3A_1843 = tpu.dynamic_gather %and3A_161[%gather3A_1842] in [0] : vector<16xi32>, vector<16xi32> -> vector<16xi32>
        %mul3A_1844 = arith.constant 16 : i32
        %mul3A_1845 = arith.muli %add3A_150, %mul3A_1844 : i32
        %add3A_1846 = arith.constant 12 : i32
        %add3A_1847 = arith.addi %mul3A_1845, %add3A_1846 : i32
        %get3A_1848 = arith.index_cast %add3A_1847 : i32 to index
        %get3A_1849 = arith.constant 0 : index
        %get3A_1850 = tpu.vector_load %arg9[%get3A_1848, %get3A_1849] {strides = array<i32>} : memref<128x128xf32, #tpu.memory_space<vmem>>, vector<16xf32>,
        %mul3A_1851 = arith.mulf %get3A_1850, %gather3A_1839 : vector<16xf32>
        %swap3A_1852 = arith.index_cast %add3A_1847 : i32 to index
        %swap3A_1853 = arith.constant 0 : index
        %swap3A_1854 = tpu.vector_load %arg9[%swap3A_1852, %swap3A_1853] {strides = array<i32>} : memref<128x128xf32, #tpu.memory_space<vmem>>, vector<16xf32>,
        tpu.vector_store %arg9[%swap3A_1852, %swap3A_1853], %mul3A_1851 {strides = array<i32>} : memref<128x128xf32, #tpu.memory_space<vmem>>, vector<16xf32>,
        %eq3A_1855 = arith.constant 0 : i32
        %eq3A_1856 = vector.broadcast %eq3A_1855 : i32 to vector<16xi32>
        %eq3A_1857 = arith.cmpi eq, %gather3A_1843, %eq3A_1856 : vector<16xi32>
        %jit3A_1858 = arith.constant 0.000000e+00 : f32
        %broadcast_in_dim3A_1859 = vector.broadcast %jit3A_1858 : f32 to vector<16xf32>
        %select_n3A_1860 = arith.select %eq3A_1857, %gather3A_1839, %broadcast_in_dim3A_1859 : vector<16xi1>, vector<16xf32>
        %swap3A_1861 = arith.index_cast %add3A_1847 : i32 to index
        %swap3A_1862 = arith.constant 0 : index
        %swap3A_1863 = tpu.vector_load %arg10[%swap3A_1861, %swap3A_1862] {strides = array<i32>} : memref<128x128xf32, #tpu.memory_space<vmem>>, vector<16xf32>,
        tpu.vector_store %arg10[%swap3A_1861, %swap3A_1862], %select_n3A_1860 {strides = array<i32>} : memref<128x128xf32, #tpu.memory_space<vmem>>, vector<16xf32>,
        %get3A_1864 = arith.index_cast %add3A_1847 : i32 to index
        %get3A_1865 = arith.constant 16 : index
        %get3A_1866 = tpu.vector_load %arg9[%get3A_1864, %get3A_1865] {strides = array<i32>} : memref<128x128xf32, #tpu.memory_space<vmem>>, vector<16xf32>,
        %mul3A_1867 = arith.mulf %get3A_1866, %gather3A_1839 : vector<16xf32>
        %swap3A_1868 = arith.index_cast %add3A_1847 : i32 to index
        %swap3A_1869 = arith.constant 16 : index
        %swap3A_1870 = tpu.vector_load %arg9[%swap3A_1868, %swap3A_1869] {strides = array<i32>} : memref<128x128xf32, #tpu.memory_space<vmem>>, vector<16xf32>,
        tpu.vector_store %arg9[%swap3A_1868, %swap3A_1869], %mul3A_1867 {strides = array<i32>} : memref<128x128xf32, #tpu.memory_space<vmem>>, vector<16xf32>,
        %eq3A_1871 = arith.constant 1 : i32
        %eq3A_1872 = vector.broadcast %eq3A_1871 : i32 to vector<16xi32>
        %eq3A_1873 = arith.cmpi eq, %gather3A_1843, %eq3A_1872 : vector<16xi32>
        %jit3A_1874 = arith.constant 0.000000e+00 : f32
        %broadcast_in_dim3A_1875 = vector.broadcast %jit3A_1874 : f32 to vector<16xf32>
        %select_n3A_1876 = arith.select %eq3A_1873, %gather3A_1839, %broadcast_in_dim3A_1875 : vector<16xi1>, vector<16xf32>
        %swap3A_1877 = arith.index_cast %add3A_1847 : i32 to index
        %swap3A_1878 = arith.constant 16 : index
        %swap3A_1879 = tpu.vector_load %arg10[%swap3A_1877, %swap3A_1878] {strides = array<i32>} : memref<128x128xf32, #tpu.memory_space<vmem>>, vector<16xf32>,
        tpu.vector_store %arg10[%swap3A_1877, %swap3A_1878], %select_n3A_1876 {strides = array<i32>} : memref<128x128xf32, #tpu.memory_space<vmem>>, vector<16xf32>,
        %get3A_1880 = arith.index_cast %add3A_1847 : i32 to index
        %get3A_1881 = arith.constant 32 : index
        %get3A_1882 = tpu.vector_load %arg9[%get3A_1880, %get3A_1881] {strides = array<i32>} : memref<128x128xf32, #tpu.memory_space<vmem>>, vector<16xf32>,
        %mul3A_1883 = arith.mulf %get3A_1882, %gather3A_1839 : vector<16xf32>
        %swap3A_1884 = arith.index_cast %add3A_1847 : i32 to index
        %swap3A_1885 = arith.constant 32 : index
        %swap3A_1886 = tpu.vector_load %arg9[%swap3A_1884, %swap3A_1885] {strides = array<i32>} : memref<128x128xf32, #tpu.memory_space<vmem>>, vector<16xf32>,
        tpu.vector_store %arg9[%swap3A_1884, %swap3A_1885], %mul3A_1883 {strides = array<i32>} : memref<128x128xf32, #tpu.memory_space<vmem>>, vector<16xf32>,
        %eq3A_1887 = arith.constant 2 : i32
        %eq3A_1888 = vector.broadcast %eq3A_1887 : i32 to vector<16xi32>
        %eq3A_1889 = arith.cmpi eq, %gather3A_1843, %eq3A_1888 : vector<16xi32>
        %jit3A_1890 = arith.constant 0.000000e+00 : f32
        %broadcast_in_dim3A_1891 = vector.broadcast %jit3A_1890 : f32 to vector<16xf32>
        %select_n3A_1892 = arith.select %eq3A_1889, %gather3A_1839, %broadcast_in_dim3A_1891 : vector<16xi1>, vector<16xf32>
        %swap3A_1893 = arith.index_cast %add3A_1847 : i32 to index
        %swap3A_1894 = arith.constant 32 : index
        %swap3A_1895 = tpu.vector_load %arg10[%swap3A_1893, %swap3A_1894] {strides = array<i32>} : memref<128x128xf32, #tpu.memory_space<vmem>>, vector<16xf32>,
        tpu.vector_store %arg10[%swap3A_1893, %swap3A_1894], %select_n3A_1892 {strides = array<i32>} : memref<128x128xf32, #tpu.memory_space<vmem>>, vector<16xf32>,
        %get3A_1896 = arith.index_cast %add3A_1847 : i32 to index
        %get3A_1897 = arith.constant 48 : index
        %get3A_1898 = tpu.vector_load %arg9[%get3A_1896, %get3A_1897] {strides = array<i32>} : memref<128x128xf32, #tpu.memory_space<vmem>>, vector<16xf32>,
        %mul3A_1899 = arith.mulf %get3A_1898, %gather3A_1839 : vector<16xf32>
        %swap3A_1900 = arith.index_cast %add3A_1847 : i32 to index
        %swap3A_1901 = arith.constant 48 : index
        %swap3A_1902 = tpu.vector_load %arg9[%swap3A_1900, %swap3A_1901] {strides = array<i32>} : memref<128x128xf32, #tpu.memory_space<vmem>>, vector<16xf32>,
        tpu.vector_store %arg9[%swap3A_1900, %swap3A_1901], %mul3A_1899 {strides = array<i32>} : memref<128x128xf32, #tpu.memory_space<vmem>>, vector<16xf32>,
        %eq3A_1903 = arith.constant 3 : i32
        %eq3A_1904 = vector.broadcast %eq3A_1903 : i32 to vector<16xi32>
        %eq3A_1905 = arith.cmpi eq, %gather3A_1843, %eq3A_1904 : vector<16xi32>
        %jit3A_1906 = arith.constant 0.000000e+00 : f32
        %broadcast_in_dim3A_1907 = vector.broadcast %jit3A_1906 : f32 to vector<16xf32>
        %select_n3A_1908 = arith.select %eq3A_1905, %gather3A_1839, %broadcast_in_dim3A_1907 : vector<16xi1>, vector<16xf32>
        %swap3A_1909 = arith.index_cast %add3A_1847 : i32 to index
        %swap3A_1910 = arith.constant 48 : index
        %swap3A_1911 = tpu.vector_load %arg10[%swap3A_1909, %swap3A_1910] {strides = array<i32>} : memref<128x128xf32, #tpu.memory_space<vmem>>, vector<16xf32>,
        tpu.vector_store %arg10[%swap3A_1909, %swap3A_1910], %select_n3A_1908 {strides = array<i32>} : memref<128x128xf32, #tpu.memory_space<vmem>>, vector<16xf32>,
        %get3A_1912 = arith.index_cast %add3A_1847 : i32 to index
        %get3A_1913 = arith.constant 64 : index
        %get3A_1914 = tpu.vector_load %arg9[%get3A_1912, %get3A_1913] {strides = array<i32>} : memref<128x128xf32, #tpu.memory_space<vmem>>, vector<16xf32>,
        %mul3A_1915 = arith.mulf %get3A_1914, %gather3A_1839 : vector<16xf32>
        %swap3A_1916 = arith.index_cast %add3A_1847 : i32 to index
        %swap3A_1917 = arith.constant 64 : index
        %swap3A_1918 = tpu.vector_load %arg9[%swap3A_1916, %swap3A_1917] {strides = array<i32>} : memref<128x128xf32, #tpu.memory_space<vmem>>, vector<16xf32>,
        tpu.vector_store %arg9[%swap3A_1916, %swap3A_1917], %mul3A_1915 {strides = array<i32>} : memref<128x128xf32, #tpu.memory_space<vmem>>, vector<16xf32>,
        %eq3A_1919 = arith.constant 4 : i32
        %eq3A_1920 = vector.broadcast %eq3A_1919 : i32 to vector<16xi32>
        %eq3A_1921 = arith.cmpi eq, %gather3A_1843, %eq3A_1920 : vector<16xi32>
        %jit3A_1922 = arith.constant 0.000000e+00 : f32
        %broadcast_in_dim3A_1923 = vector.broadcast %jit3A_1922 : f32 to vector<16xf32>
        %select_n3A_1924 = arith.select %eq3A_1921, %gather3A_1839, %broadcast_in_dim3A_1923 : vector<16xi1>, vector<16xf32>
        %swap3A_1925 = arith.index_cast %add3A_1847 : i32 to index
        %swap3A_1926 = arith.constant 64 : index
        %swap3A_1927 = tpu.vector_load %arg10[%swap3A_1925, %swap3A_1926] {strides = array<i32>} : memref<128x128xf32, #tpu.memory_space<vmem>>, vector<16xf32>,
        tpu.vector_store %arg10[%swap3A_1925, %swap3A_1926], %select_n3A_1924 {strides = array<i32>} : memref<128x128xf32, #tpu.memory_space<vmem>>, vector<16xf32>,
        %get3A_1928 = arith.index_cast %add3A_1847 : i32 to index
        %get3A_1929 = arith.constant 80 : index
        %get3A_1930 = tpu.vector_load %arg9[%get3A_1928, %get3A_1929] {strides = array<i32>} : memref<128x128xf32, #tpu.memory_space<vmem>>, vector<16xf32>,
        %mul3A_1931 = arith.mulf %get3A_1930, %gather3A_1839 : vector<16xf32>
        %swap3A_1932 = arith.index_cast %add3A_1847 : i32 to index
        %swap3A_1933 = arith.constant 80 : index
        %swap3A_1934 = tpu.vector_load %arg9[%swap3A_1932, %swap3A_1933] {strides = array<i32>} : memref<128x128xf32, #tpu.memory_space<vmem>>, vector<16xf32>,
        tpu.vector_store %arg9[%swap3A_1932, %swap3A_1933], %mul3A_1931 {strides = array<i32>} : memref<128x128xf32, #tpu.memory_space<vmem>>, vector<16xf32>,
        %eq3A_1935 = arith.constant 5 : i32
        %eq3A_1936 = vector.broadcast %eq3A_1935 : i32 to vector<16xi32>
        %eq3A_1937 = arith.cmpi eq, %gather3A_1843, %eq3A_1936 : vector<16xi32>
        %jit3A_1938 = arith.constant 0.000000e+00 : f32
        %broadcast_in_dim3A_1939 = vector.broadcast %jit3A_1938 : f32 to vector<16xf32>
        %select_n3A_1940 = arith.select %eq3A_1937, %gather3A_1839, %broadcast_in_dim3A_1939 : vector<16xi1>, vector<16xf32>
        %swap3A_1941 = arith.index_cast %add3A_1847 : i32 to index
        %swap3A_1942 = arith.constant 80 : index
        %swap3A_1943 = tpu.vector_load %arg10[%swap3A_1941, %swap3A_1942] {strides = array<i32>} : memref<128x128xf32, #tpu.memory_space<vmem>>, vector<16xf32>,
        tpu.vector_store %arg10[%swap3A_1941, %swap3A_1942], %select_n3A_1940 {strides = array<i32>} : memref<128x128xf32, #tpu.memory_space<vmem>>, vector<16xf32>,
        %get3A_1944 = arith.index_cast %add3A_1847 : i32 to index
        %get3A_1945 = arith.constant 96 : index
        %get3A_1946 = tpu.vector_load %arg9[%get3A_1944, %get3A_1945] {strides = array<i32>} : memref<128x128xf32, #tpu.memory_space<vmem>>, vector<16xf32>,
        %mul3A_1947 = arith.mulf %get3A_1946, %gather3A_1839 : vector<16xf32>
        %swap3A_1948 = arith.index_cast %add3A_1847 : i32 to index
        %swap3A_1949 = arith.constant 96 : index
        %swap3A_1950 = tpu.vector_load %arg9[%swap3A_1948, %swap3A_1949] {strides = array<i32>} : memref<128x128xf32, #tpu.memory_space<vmem>>, vector<16xf32>,
        tpu.vector_store %arg9[%swap3A_1948, %swap3A_1949], %mul3A_1947 {strides = array<i32>} : memref<128x128xf32, #tpu.memory_space<vmem>>, vector<16xf32>,
        %eq3A_1951 = arith.constant 6 : i32
        %eq3A_1952 = vector.broadcast %eq3A_1951 : i32 to vector<16xi32>
        %eq3A_1953 = arith.cmpi eq, %gather3A_1843, %eq3A_1952 : vector<16xi32>
        %jit3A_1954 = arith.constant 0.000000e+00 : f32
        %broadcast_in_dim3A_1955 = vector.broadcast %jit3A_1954 : f32 to vector<16xf32>
        %select_n3A_1956 = arith.select %eq3A_1953, %gather3A_1839, %broadcast_in_dim3A_1955 : vector<16xi1>, vector<16xf32>
        %swap3A_1957 = arith.index_cast %add3A_1847 : i32 to index
        %swap3A_1958 = arith.constant 96 : index
        %swap3A_1959 = tpu.vector_load %arg10[%swap3A_1957, %swap3A_1958] {strides = array<i32>} : memref<128x128xf32, #tpu.memory_space<vmem>>, vector<16xf32>,
        tpu.vector_store %arg10[%swap3A_1957, %swap3A_1958], %select_n3A_1956 {strides = array<i32>} : memref<128x128xf32, #tpu.memory_space<vmem>>, vector<16xf32>,
        %get3A_1960 = arith.index_cast %add3A_1847 : i32 to index
        %get3A_1961 = arith.constant 112 : index
        %get3A_1962 = tpu.vector_load %arg9[%get3A_1960, %get3A_1961] {strides = array<i32>} : memref<128x128xf32, #tpu.memory_space<vmem>>, vector<16xf32>,
        %mul3A_1963 = arith.mulf %get3A_1962, %gather3A_1839 : vector<16xf32>
        %swap3A_1964 = arith.index_cast %add3A_1847 : i32 to index
        %swap3A_1965 = arith.constant 112 : index
        %swap3A_1966 = tpu.vector_load %arg9[%swap3A_1964, %swap3A_1965] {strides = array<i32>} : memref<128x128xf32, #tpu.memory_space<vmem>>, vector<16xf32>,
        tpu.vector_store %arg9[%swap3A_1964, %swap3A_1965], %mul3A_1963 {strides = array<i32>} : memref<128x128xf32, #tpu.memory_space<vmem>>, vector<16xf32>,
        %eq3A_1967 = arith.constant 7 : i32
        %eq3A_1968 = vector.broadcast %eq3A_1967 : i32 to vector<16xi32>
        %eq3A_1969 = arith.cmpi eq, %gather3A_1843, %eq3A_1968 : vector<16xi32>
        %jit3A_1970 = arith.constant 0.000000e+00 : f32
        %broadcast_in_dim3A_1971 = vector.broadcast %jit3A_1970 : f32 to vector<16xf32>
        %select_n3A_1972 = arith.select %eq3A_1969, %gather3A_1839, %broadcast_in_dim3A_1971 : vector<16xi1>, vector<16xf32>
        %swap3A_1973 = arith.index_cast %add3A_1847 : i32 to index
        %swap3A_1974 = arith.constant 112 : index
        %swap3A_1975 = tpu.vector_load %arg10[%swap3A_1973, %swap3A_1974] {strides = array<i32>} : memref<128x128xf32, #tpu.memory_space<vmem>>, vector<16xf32>,
        tpu.vector_store %arg10[%swap3A_1973, %swap3A_1974], %select_n3A_1972 {strides = array<i32>} : memref<128x128xf32, #tpu.memory_space<vmem>>, vector<16xf32>,
        %broadcast_in_dim3A_1976 = arith.constant 13 : i32
        %broadcast_in_dim3A_1977 = vector.broadcast %broadcast_in_dim3A_1976 : i32 to vector<16x1xi32>
        %gather3A_1978 = vector.shape_cast %broadcast_in_dim3A_1977 : vector<16x1xi32> to vector<16xi32>
        %gather3A_1979 = tpu.dynamic_gather %bitcast3A[%gather3A_1978] in [0] : vector<16xf32>, vector<16xi32> -> vector<16xf32>
        %broadcast_in_dim3A_1980 = arith.constant 13 : i32
        %broadcast_in_dim3A_1981 = vector.broadcast %broadcast_in_dim3A_1980 : i32 to vector<16x1xi32>
        %gather3A_1982 = vector.shape_cast %broadcast_in_dim3A_1981 : vector<16x1xi32> to vector<16xi32>
        %gather3A_1983 = tpu.dynamic_gather %and3A_161[%gather3A_1982] in [0] : vector<16xi32>, vector<16xi32> -> vector<16xi32>
        %mul3A_1984 = arith.constant 16 : i32
        %mul3A_1985 = arith.muli %add3A_150, %mul3A_1984 : i32
        %add3A_1986 = arith.constant 13 : i32
        %add3A_1987 = arith.addi %mul3A_1985, %add3A_1986 : i32
        %get3A_1988 = arith.index_cast %add3A_1987 : i32 to index
        %get3A_1989 = arith.constant 0 : index
        %get3A_1990 = tpu.vector_load %arg9[%get3A_1988, %get3A_1989] {strides = array<i32>} : memref<128x128xf32, #tpu.memory_space<vmem>>, vector<16xf32>,
        %mul3A_1991 = arith.mulf %get3A_1990, %gather3A_1979 : vector<16xf32>
        %swap3A_1992 = arith.index_cast %add3A_1987 : i32 to index
        %swap3A_1993 = arith.constant 0 : index
        %swap3A_1994 = tpu.vector_load %arg9[%swap3A_1992, %swap3A_1993] {strides = array<i32>} : memref<128x128xf32, #tpu.memory_space<vmem>>, vector<16xf32>,
        tpu.vector_store %arg9[%swap3A_1992, %swap3A_1993], %mul3A_1991 {strides = array<i32>} : memref<128x128xf32, #tpu.memory_space<vmem>>, vector<16xf32>,
        %eq3A_1995 = arith.constant 0 : i32
        %eq3A_1996 = vector.broadcast %eq3A_1995 : i32 to vector<16xi32>
        %eq3A_1997 = arith.cmpi eq, %gather3A_1983, %eq3A_1996 : vector<16xi32>
        %jit3A_1998 = arith.constant 0.000000e+00 : f32
        %broadcast_in_dim3A_1999 = vector.broadcast %jit3A_1998 : f32 to vector<16xf32>
        %select_n3A_2000 = arith.select %eq3A_1997, %gather3A_1979, %broadcast_in_dim3A_1999 : vector<16xi1>, vector<16xf32>
        %swap3A_2001 = arith.index_cast %add3A_1987 : i32 to index
        %swap3A_2002 = arith.constant 0 : index
        %swap3A_2003 = tpu.vector_load %arg10[%swap3A_2001, %swap3A_2002] {strides = array<i32>} : memref<128x128xf32, #tpu.memory_space<vmem>>, vector<16xf32>,
        tpu.vector_store %arg10[%swap3A_2001, %swap3A_2002], %select_n3A_2000 {strides = array<i32>} : memref<128x128xf32, #tpu.memory_space<vmem>>, vector<16xf32>,
        %get3A_2004 = arith.index_cast %add3A_1987 : i32 to index
        %get3A_2005 = arith.constant 16 : index
        %get3A_2006 = tpu.vector_load %arg9[%get3A_2004, %get3A_2005] {strides = array<i32>} : memref<128x128xf32, #tpu.memory_space<vmem>>, vector<16xf32>,
        %mul3A_2007 = arith.mulf %get3A_2006, %gather3A_1979 : vector<16xf32>
        %swap3A_2008 = arith.index_cast %add3A_1987 : i32 to index
        %swap3A_2009 = arith.constant 16 : index
        %swap3A_2010 = tpu.vector_load %arg9[%swap3A_2008, %swap3A_2009] {strides = array<i32>} : memref<128x128xf32, #tpu.memory_space<vmem>>, vector<16xf32>,
        tpu.vector_store %arg9[%swap3A_2008, %swap3A_2009], %mul3A_2007 {strides = array<i32>} : memref<128x128xf32, #tpu.memory_space<vmem>>, vector<16xf32>,
        %eq3A_2011 = arith.constant 1 : i32
        %eq3A_2012 = vector.broadcast %eq3A_2011 : i32 to vector<16xi32>
        %eq3A_2013 = arith.cmpi eq, %gather3A_1983, %eq3A_2012 : vector<16xi32>
        %jit3A_2014 = arith.constant 0.000000e+00 : f32
        %broadcast_in_dim3A_2015 = vector.broadcast %jit3A_2014 : f32 to vector<16xf32>
        %select_n3A_2016 = arith.select %eq3A_2013, %gather3A_1979, %broadcast_in_dim3A_2015 : vector<16xi1>, vector<16xf32>
        %swap3A_2017 = arith.index_cast %add3A_1987 : i32 to index
        %swap3A_2018 = arith.constant 16 : index
        %swap3A_2019 = tpu.vector_load %arg10[%swap3A_2017, %swap3A_2018] {strides = array<i32>} : memref<128x128xf32, #tpu.memory_space<vmem>>, vector<16xf32>,
        tpu.vector_store %arg10[%swap3A_2017, %swap3A_2018], %select_n3A_2016 {strides = array<i32>} : memref<128x128xf32, #tpu.memory_space<vmem>>, vector<16xf32>,
        %get3A_2020 = arith.index_cast %add3A_1987 : i32 to index
        %get3A_2021 = arith.constant 32 : index
        %get3A_2022 = tpu.vector_load %arg9[%get3A_2020, %get3A_2021] {strides = array<i32>} : memref<128x128xf32, #tpu.memory_space<vmem>>, vector<16xf32>,
        %mul3A_2023 = arith.mulf %get3A_2022, %gather3A_1979 : vector<16xf32>
        %swap3A_2024 = arith.index_cast %add3A_1987 : i32 to index
        %swap3A_2025 = arith.constant 32 : index
        %swap3A_2026 = tpu.vector_load %arg9[%swap3A_2024, %swap3A_2025] {strides = array<i32>} : memref<128x128xf32, #tpu.memory_space<vmem>>, vector<16xf32>,
        tpu.vector_store %arg9[%swap3A_2024, %swap3A_2025], %mul3A_2023 {strides = array<i32>} : memref<128x128xf32, #tpu.memory_space<vmem>>, vector<16xf32>,
        %eq3A_2027 = arith.constant 2 : i32
        %eq3A_2028 = vector.broadcast %eq3A_2027 : i32 to vector<16xi32>
        %eq3A_2029 = arith.cmpi eq, %gather3A_1983, %eq3A_2028 : vector<16xi32>
        %jit3A_2030 = arith.constant 0.000000e+00 : f32
        %broadcast_in_dim3A_2031 = vector.broadcast %jit3A_2030 : f32 to vector<16xf32>
        %select_n3A_2032 = arith.select %eq3A_2029, %gather3A_1979, %broadcast_in_dim3A_2031 : vector<16xi1>, vector<16xf32>
        %swap3A_2033 = arith.index_cast %add3A_1987 : i32 to index
        %swap3A_2034 = arith.constant 32 : index
        %swap3A_2035 = tpu.vector_load %arg10[%swap3A_2033, %swap3A_2034] {strides = array<i32>} : memref<128x128xf32, #tpu.memory_space<vmem>>, vector<16xf32>,
        tpu.vector_store %arg10[%swap3A_2033, %swap3A_2034], %select_n3A_2032 {strides = array<i32>} : memref<128x128xf32, #tpu.memory_space<vmem>>, vector<16xf32>,
        %get3A_2036 = arith.index_cast %add3A_1987 : i32 to index
        %get3A_2037 = arith.constant 48 : index
        %get3A_2038 = tpu.vector_load %arg9[%get3A_2036, %get3A_2037] {strides = array<i32>} : memref<128x128xf32, #tpu.memory_space<vmem>>, vector<16xf32>,
        %mul3A_2039 = arith.mulf %get3A_2038, %gather3A_1979 : vector<16xf32>
        %swap3A_2040 = arith.index_cast %add3A_1987 : i32 to index
        %swap3A_2041 = arith.constant 48 : index
        %swap3A_2042 = tpu.vector_load %arg9[%swap3A_2040, %swap3A_2041] {strides = array<i32>} : memref<128x128xf32, #tpu.memory_space<vmem>>, vector<16xf32>,
        tpu.vector_store %arg9[%swap3A_2040, %swap3A_2041], %mul3A_2039 {strides = array<i32>} : memref<128x128xf32, #tpu.memory_space<vmem>>, vector<16xf32>,
        %eq3A_2043 = arith.constant 3 : i32
        %eq3A_2044 = vector.broadcast %eq3A_2043 : i32 to vector<16xi32>
        %eq3A_2045 = arith.cmpi eq, %gather3A_1983, %eq3A_2044 : vector<16xi32>
        %jit3A_2046 = arith.constant 0.000000e+00 : f32
        %broadcast_in_dim3A_2047 = vector.broadcast %jit3A_2046 : f32 to vector<16xf32>
        %select_n3A_2048 = arith.select %eq3A_2045, %gather3A_1979, %broadcast_in_dim3A_2047 : vector<16xi1>, vector<16xf32>
        %swap3A_2049 = arith.index_cast %add3A_1987 : i32 to index
        %swap3A_2050 = arith.constant 48 : index
        %swap3A_2051 = tpu.vector_load %arg10[%swap3A_2049, %swap3A_2050] {strides = array<i32>} : memref<128x128xf32, #tpu.memory_space<vmem>>, vector<16xf32>,
        tpu.vector_store %arg10[%swap3A_2049, %swap3A_2050], %select_n3A_2048 {strides = array<i32>} : memref<128x128xf32, #tpu.memory_space<vmem>>, vector<16xf32>,
        %get3A_2052 = arith.index_cast %add3A_1987 : i32 to index
        %get3A_2053 = arith.constant 64 : index
        %get3A_2054 = tpu.vector_load %arg9[%get3A_2052, %get3A_2053] {strides = array<i32>} : memref<128x128xf32, #tpu.memory_space<vmem>>, vector<16xf32>,
        %mul3A_2055 = arith.mulf %get3A_2054, %gather3A_1979 : vector<16xf32>
        %swap3A_2056 = arith.index_cast %add3A_1987 : i32 to index
        %swap3A_2057 = arith.constant 64 : index
        %swap3A_2058 = tpu.vector_load %arg9[%swap3A_2056, %swap3A_2057] {strides = array<i32>} : memref<128x128xf32, #tpu.memory_space<vmem>>, vector<16xf32>,
        tpu.vector_store %arg9[%swap3A_2056, %swap3A_2057], %mul3A_2055 {strides = array<i32>} : memref<128x128xf32, #tpu.memory_space<vmem>>, vector<16xf32>,
        %eq3A_2059 = arith.constant 4 : i32
        %eq3A_2060 = vector.broadcast %eq3A_2059 : i32 to vector<16xi32>
        %eq3A_2061 = arith.cmpi eq, %gather3A_1983, %eq3A_2060 : vector<16xi32>
        %jit3A_2062 = arith.constant 0.000000e+00 : f32
        %broadcast_in_dim3A_2063 = vector.broadcast %jit3A_2062 : f32 to vector<16xf32>
        %select_n3A_2064 = arith.select %eq3A_2061, %gather3A_1979, %broadcast_in_dim3A_2063 : vector<16xi1>, vector<16xf32>
        %swap3A_2065 = arith.index_cast %add3A_1987 : i32 to index
        %swap3A_2066 = arith.constant 64 : index
        %swap3A_2067 = tpu.vector_load %arg10[%swap3A_2065, %swap3A_2066] {strides = array<i32>} : memref<128x128xf32, #tpu.memory_space<vmem>>, vector<16xf32>,
        tpu.vector_store %arg10[%swap3A_2065, %swap3A_2066], %select_n3A_2064 {strides = array<i32>} : memref<128x128xf32, #tpu.memory_space<vmem>>, vector<16xf32>,
        %get3A_2068 = arith.index_cast %add3A_1987 : i32 to index
        %get3A_2069 = arith.constant 80 : index
        %get3A_2070 = tpu.vector_load %arg9[%get3A_2068, %get3A_2069] {strides = array<i32>} : memref<128x128xf32, #tpu.memory_space<vmem>>, vector<16xf32>,
        %mul3A_2071 = arith.mulf %get3A_2070, %gather3A_1979 : vector<16xf32>
        %swap3A_2072 = arith.index_cast %add3A_1987 : i32 to index
        %swap3A_2073 = arith.constant 80 : index
        %swap3A_2074 = tpu.vector_load %arg9[%swap3A_2072, %swap3A_2073] {strides = array<i32>} : memref<128x128xf32, #tpu.memory_space<vmem>>, vector<16xf32>,
        tpu.vector_store %arg9[%swap3A_2072, %swap3A_2073], %mul3A_2071 {strides = array<i32>} : memref<128x128xf32, #tpu.memory_space<vmem>>, vector<16xf32>,
        %eq3A_2075 = arith.constant 5 : i32
        %eq3A_2076 = vector.broadcast %eq3A_2075 : i32 to vector<16xi32>
        %eq3A_2077 = arith.cmpi eq, %gather3A_1983, %eq3A_2076 : vector<16xi32>
        %jit3A_2078 = arith.constant 0.000000e+00 : f32
        %broadcast_in_dim3A_2079 = vector.broadcast %jit3A_2078 : f32 to vector<16xf32>
        %select_n3A_2080 = arith.select %eq3A_2077, %gather3A_1979, %broadcast_in_dim3A_2079 : vector<16xi1>, vector<16xf32>
        %swap3A_2081 = arith.index_cast %add3A_1987 : i32 to index
        %swap3A_2082 = arith.constant 80 : index
        %swap3A_2083 = tpu.vector_load %arg10[%swap3A_2081, %swap3A_2082] {strides = array<i32>} : memref<128x128xf32, #tpu.memory_space<vmem>>, vector<16xf32>,
        tpu.vector_store %arg10[%swap3A_2081, %swap3A_2082], %select_n3A_2080 {strides = array<i32>} : memref<128x128xf32, #tpu.memory_space<vmem>>, vector<16xf32>,
        %get3A_2084 = arith.index_cast %add3A_1987 : i32 to index
        %get3A_2085 = arith.constant 96 : index
        %get3A_2086 = tpu.vector_load %arg9[%get3A_2084, %get3A_2085] {strides = array<i32>} : memref<128x128xf32, #tpu.memory_space<vmem>>, vector<16xf32>,
        %mul3A_2087 = arith.mulf %get3A_2086, %gather3A_1979 : vector<16xf32>
        %swap3A_2088 = arith.index_cast %add3A_1987 : i32 to index
        %swap3A_2089 = arith.constant 96 : index
        %swap3A_2090 = tpu.vector_load %arg9[%swap3A_2088, %swap3A_2089] {strides = array<i32>} : memref<128x128xf32, #tpu.memory_space<vmem>>, vector<16xf32>,
        tpu.vector_store %arg9[%swap3A_2088, %swap3A_2089], %mul3A_2087 {strides = array<i32>} : memref<128x128xf32, #tpu.memory_space<vmem>>, vector<16xf32>,
        %eq3A_2091 = arith.constant 6 : i32
        %eq3A_2092 = vector.broadcast %eq3A_2091 : i32 to vector<16xi32>
        %eq3A_2093 = arith.cmpi eq, %gather3A_1983, %eq3A_2092 : vector<16xi32>
        %jit3A_2094 = arith.constant 0.000000e+00 : f32
        %broadcast_in_dim3A_2095 = vector.broadcast %jit3A_2094 : f32 to vector<16xf32>
        %select_n3A_2096 = arith.select %eq3A_2093, %gather3A_1979, %broadcast_in_dim3A_2095 : vector<16xi1>, vector<16xf32>
        %swap3A_2097 = arith.index_cast %add3A_1987 : i32 to index
        %swap3A_2098 = arith.constant 96 : index
        %swap3A_2099 = tpu.vector_load %arg10[%swap3A_2097, %swap3A_2098] {strides = array<i32>} : memref<128x128xf32, #tpu.memory_space<vmem>>, vector<16xf32>,
        tpu.vector_store %arg10[%swap3A_2097, %swap3A_2098], %select_n3A_2096 {strides = array<i32>} : memref<128x128xf32, #tpu.memory_space<vmem>>, vector<16xf32>,
        %get3A_2100 = arith.index_cast %add3A_1987 : i32 to index
        %get3A_2101 = arith.constant 112 : index
        %get3A_2102 = tpu.vector_load %arg9[%get3A_2100, %get3A_2101] {strides = array<i32>} : memref<128x128xf32, #tpu.memory_space<vmem>>, vector<16xf32>,
        %mul3A_2103 = arith.mulf %get3A_2102, %gather3A_1979 : vector<16xf32>
        %swap3A_2104 = arith.index_cast %add3A_1987 : i32 to index
        %swap3A_2105 = arith.constant 112 : index
        %swap3A_2106 = tpu.vector_load %arg9[%swap3A_2104, %swap3A_2105] {strides = array<i32>} : memref<128x128xf32, #tpu.memory_space<vmem>>, vector<16xf32>,
        tpu.vector_store %arg9[%swap3A_2104, %swap3A_2105], %mul3A_2103 {strides = array<i32>} : memref<128x128xf32, #tpu.memory_space<vmem>>, vector<16xf32>,
        %eq3A_2107 = arith.constant 7 : i32
        %eq3A_2108 = vector.broadcast %eq3A_2107 : i32 to vector<16xi32>
        %eq3A_2109 = arith.cmpi eq, %gather3A_1983, %eq3A_2108 : vector<16xi32>
        %jit3A_2110 = arith.constant 0.000000e+00 : f32
        %broadcast_in_dim3A_2111 = vector.broadcast %jit3A_2110 : f32 to vector<16xf32>
        %select_n3A_2112 = arith.select %eq3A_2109, %gather3A_1979, %broadcast_in_dim3A_2111 : vector<16xi1>, vector<16xf32>
        %swap3A_2113 = arith.index_cast %add3A_1987 : i32 to index
        %swap3A_2114 = arith.constant 112 : index
        %swap3A_2115 = tpu.vector_load %arg10[%swap3A_2113, %swap3A_2114] {strides = array<i32>} : memref<128x128xf32, #tpu.memory_space<vmem>>, vector<16xf32>,
        tpu.vector_store %arg10[%swap3A_2113, %swap3A_2114], %select_n3A_2112 {strides = array<i32>} : memref<128x128xf32, #tpu.memory_space<vmem>>, vector<16xf32>,
        %broadcast_in_dim3A_2116 = arith.constant 14 : i32
        %broadcast_in_dim3A_2117 = vector.broadcast %broadcast_in_dim3A_2116 : i32 to vector<16x1xi32>
        %gather3A_2118 = vector.shape_cast %broadcast_in_dim3A_2117 : vector<16x1xi32> to vector<16xi32>
        %gather3A_2119 = tpu.dynamic_gather %bitcast3A[%gather3A_2118] in [0] : vector<16xf32>, vector<16xi32> -> vector<16xf32>
        %broadcast_in_dim3A_2120 = arith.constant 14 : i32
        %broadcast_in_dim3A_2121 = vector.broadcast %broadcast_in_dim3A_2120 : i32 to vector<16x1xi32>
        %gather3A_2122 = vector.shape_cast %broadcast_in_dim3A_2121 : vector<16x1xi32> to vector<16xi32>
        %gather3A_2123 = tpu.dynamic_gather %and3A_161[%gather3A_2122] in [0] : vector<16xi32>, vector<16xi32> -> vector<16xi32>
        %mul3A_2124 = arith.constant 16 : i32
        %mul3A_2125 = arith.muli %add3A_150, %mul3A_2124 : i32
        %add3A_2126 = arith.constant 14 : i32
        %add3A_2127 = arith.addi %mul3A_2125, %add3A_2126 : i32
        %get3A_2128 = arith.index_cast %add3A_2127 : i32 to index
        %get3A_2129 = arith.constant 0 : index
        %get3A_2130 = tpu.vector_load %arg9[%get3A_2128, %get3A_2129] {strides = array<i32>} : memref<128x128xf32, #tpu.memory_space<vmem>>, vector<16xf32>,
        %mul3A_2131 = arith.mulf %get3A_2130, %gather3A_2119 : vector<16xf32>
        %swap3A_2132 = arith.index_cast %add3A_2127 : i32 to index
        %swap3A_2133 = arith.constant 0 : index
        %swap3A_2134 = tpu.vector_load %arg9[%swap3A_2132, %swap3A_2133] {strides = array<i32>} : memref<128x128xf32, #tpu.memory_space<vmem>>, vector<16xf32>,
        tpu.vector_store %arg9[%swap3A_2132, %swap3A_2133], %mul3A_2131 {strides = array<i32>} : memref<128x128xf32, #tpu.memory_space<vmem>>, vector<16xf32>,
        %eq3A_2135 = arith.constant 0 : i32
        %eq3A_2136 = vector.broadcast %eq3A_2135 : i32 to vector<16xi32>
        %eq3A_2137 = arith.cmpi eq, %gather3A_2123, %eq3A_2136 : vector<16xi32>
        %jit3A_2138 = arith.constant 0.000000e+00 : f32
        %broadcast_in_dim3A_2139 = vector.broadcast %jit3A_2138 : f32 to vector<16xf32>
        %select_n3A_2140 = arith.select %eq3A_2137, %gather3A_2119, %broadcast_in_dim3A_2139 : vector<16xi1>, vector<16xf32>
        %swap3A_2141 = arith.index_cast %add3A_2127 : i32 to index
        %swap3A_2142 = arith.constant 0 : index
        %swap3A_2143 = tpu.vector_load %arg10[%swap3A_2141, %swap3A_2142] {strides = array<i32>} : memref<128x128xf32, #tpu.memory_space<vmem>>, vector<16xf32>,
        tpu.vector_store %arg10[%swap3A_2141, %swap3A_2142], %select_n3A_2140 {strides = array<i32>} : memref<128x128xf32, #tpu.memory_space<vmem>>, vector<16xf32>,
        %get3A_2144 = arith.index_cast %add3A_2127 : i32 to index
        %get3A_2145 = arith.constant 16 : index
        %get3A_2146 = tpu.vector_load %arg9[%get3A_2144, %get3A_2145] {strides = array<i32>} : memref<128x128xf32, #tpu.memory_space<vmem>>, vector<16xf32>,
        %mul3A_2147 = arith.mulf %get3A_2146, %gather3A_2119 : vector<16xf32>
        %swap3A_2148 = arith.index_cast %add3A_2127 : i32 to index
        %swap3A_2149 = arith.constant 16 : index
        %swap3A_2150 = tpu.vector_load %arg9[%swap3A_2148, %swap3A_2149] {strides = array<i32>} : memref<128x128xf32, #tpu.memory_space<vmem>>, vector<16xf32>,
        tpu.vector_store %arg9[%swap3A_2148, %swap3A_2149], %mul3A_2147 {strides = array<i32>} : memref<128x128xf32, #tpu.memory_space<vmem>>, vector<16xf32>,
        %eq3A_2151 = arith.constant 1 : i32
        %eq3A_2152 = vector.broadcast %eq3A_2151 : i32 to vector<16xi32>
        %eq3A_2153 = arith.cmpi eq, %gather3A_2123, %eq3A_2152 : vector<16xi32>
        %jit3A_2154 = arith.constant 0.000000e+00 : f32
        %broadcast_in_dim3A_2155 = vector.broadcast %jit3A_2154 : f32 to vector<16xf32>
        %select_n3A_2156 = arith.select %eq3A_2153, %gather3A_2119, %broadcast_in_dim3A_2155 : vector<16xi1>, vector<16xf32>
        %swap3A_2157 = arith.index_cast %add3A_2127 : i32 to index
        %swap3A_2158 = arith.constant 16 : index
        %swap3A_2159 = tpu.vector_load %arg10[%swap3A_2157, %swap3A_2158] {strides = array<i32>} : memref<128x128xf32, #tpu.memory_space<vmem>>, vector<16xf32>,
        tpu.vector_store %arg10[%swap3A_2157, %swap3A_2158], %select_n3A_2156 {strides = array<i32>} : memref<128x128xf32, #tpu.memory_space<vmem>>, vector<16xf32>,
        %get3A_2160 = arith.index_cast %add3A_2127 : i32 to index
        %get3A_2161 = arith.constant 32 : index
        %get3A_2162 = tpu.vector_load %arg9[%get3A_2160, %get3A_2161] {strides = array<i32>} : memref<128x128xf32, #tpu.memory_space<vmem>>, vector<16xf32>,
        %mul3A_2163 = arith.mulf %get3A_2162, %gather3A_2119 : vector<16xf32>
        %swap3A_2164 = arith.index_cast %add3A_2127 : i32 to index
        %swap3A_2165 = arith.constant 32 : index
        %swap3A_2166 = tpu.vector_load %arg9[%swap3A_2164, %swap3A_2165] {strides = array<i32>} : memref<128x128xf32, #tpu.memory_space<vmem>>, vector<16xf32>,
        tpu.vector_store %arg9[%swap3A_2164, %swap3A_2165], %mul3A_2163 {strides = array<i32>} : memref<128x128xf32, #tpu.memory_space<vmem>>, vector<16xf32>,
        %eq3A_2167 = arith.constant 2 : i32
        %eq3A_2168 = vector.broadcast %eq3A_2167 : i32 to vector<16xi32>
        %eq3A_2169 = arith.cmpi eq, %gather3A_2123, %eq3A_2168 : vector<16xi32>
        %jit3A_2170 = arith.constant 0.000000e+00 : f32
        %broadcast_in_dim3A_2171 = vector.broadcast %jit3A_2170 : f32 to vector<16xf32>
        %select_n3A_2172 = arith.select %eq3A_2169, %gather3A_2119, %broadcast_in_dim3A_2171 : vector<16xi1>, vector<16xf32>
        %swap3A_2173 = arith.index_cast %add3A_2127 : i32 to index
        %swap3A_2174 = arith.constant 32 : index
        %swap3A_2175 = tpu.vector_load %arg10[%swap3A_2173, %swap3A_2174] {strides = array<i32>} : memref<128x128xf32, #tpu.memory_space<vmem>>, vector<16xf32>,
        tpu.vector_store %arg10[%swap3A_2173, %swap3A_2174], %select_n3A_2172 {strides = array<i32>} : memref<128x128xf32, #tpu.memory_space<vmem>>, vector<16xf32>,
        %get3A_2176 = arith.index_cast %add3A_2127 : i32 to index
        %get3A_2177 = arith.constant 48 : index
        %get3A_2178 = tpu.vector_load %arg9[%get3A_2176, %get3A_2177] {strides = array<i32>} : memref<128x128xf32, #tpu.memory_space<vmem>>, vector<16xf32>,
        %mul3A_2179 = arith.mulf %get3A_2178, %gather3A_2119 : vector<16xf32>
        %swap3A_2180 = arith.index_cast %add3A_2127 : i32 to index
        %swap3A_2181 = arith.constant 48 : index
        %swap3A_2182 = tpu.vector_load %arg9[%swap3A_2180, %swap3A_2181] {strides = array<i32>} : memref<128x128xf32, #tpu.memory_space<vmem>>, vector<16xf32>,
        tpu.vector_store %arg9[%swap3A_2180, %swap3A_2181], %mul3A_2179 {strides = array<i32>} : memref<128x128xf32, #tpu.memory_space<vmem>>, vector<16xf32>,
        %eq3A_2183 = arith.constant 3 : i32
        %eq3A_2184 = vector.broadcast %eq3A_2183 : i32 to vector<16xi32>
        %eq3A_2185 = arith.cmpi eq, %gather3A_2123, %eq3A_2184 : vector<16xi32>
        %jit3A_2186 = arith.constant 0.000000e+00 : f32
        %broadcast_in_dim3A_2187 = vector.broadcast %jit3A_2186 : f32 to vector<16xf32>
        %select_n3A_2188 = arith.select %eq3A_2185, %gather3A_2119, %broadcast_in_dim3A_2187 : vector<16xi1>, vector<16xf32>
        %swap3A_2189 = arith.index_cast %add3A_2127 : i32 to index
        %swap3A_2190 = arith.constant 48 : index
        %swap3A_2191 = tpu.vector_load %arg10[%swap3A_2189, %swap3A_2190] {strides = array<i32>} : memref<128x128xf32, #tpu.memory_space<vmem>>, vector<16xf32>,
        tpu.vector_store %arg10[%swap3A_2189, %swap3A_2190], %select_n3A_2188 {strides = array<i32>} : memref<128x128xf32, #tpu.memory_space<vmem>>, vector<16xf32>,
        %get3A_2192 = arith.index_cast %add3A_2127 : i32 to index
        %get3A_2193 = arith.constant 64 : index
        %get3A_2194 = tpu.vector_load %arg9[%get3A_2192, %get3A_2193] {strides = array<i32>} : memref<128x128xf32, #tpu.memory_space<vmem>>, vector<16xf32>,
        %mul3A_2195 = arith.mulf %get3A_2194, %gather3A_2119 : vector<16xf32>
        %swap3A_2196 = arith.index_cast %add3A_2127 : i32 to index
        %swap3A_2197 = arith.constant 64 : index
        %swap3A_2198 = tpu.vector_load %arg9[%swap3A_2196, %swap3A_2197] {strides = array<i32>} : memref<128x128xf32, #tpu.memory_space<vmem>>, vector<16xf32>,
        tpu.vector_store %arg9[%swap3A_2196, %swap3A_2197], %mul3A_2195 {strides = array<i32>} : memref<128x128xf32, #tpu.memory_space<vmem>>, vector<16xf32>,
        %eq3A_2199 = arith.constant 4 : i32
        %eq3A_2200 = vector.broadcast %eq3A_2199 : i32 to vector<16xi32>
        %eq3A_2201 = arith.cmpi eq, %gather3A_2123, %eq3A_2200 : vector<16xi32>
        %jit3A_2202 = arith.constant 0.000000e+00 : f32
        %broadcast_in_dim3A_2203 = vector.broadcast %jit3A_2202 : f32 to vector<16xf32>
        %select_n3A_2204 = arith.select %eq3A_2201, %gather3A_2119, %broadcast_in_dim3A_2203 : vector<16xi1>, vector<16xf32>
        %swap3A_2205 = arith.index_cast %add3A_2127 : i32 to index
        %swap3A_2206 = arith.constant 64 : index
        %swap3A_2207 = tpu.vector_load %arg10[%swap3A_2205, %swap3A_2206] {strides = array<i32>} : memref<128x128xf32, #tpu.memory_space<vmem>>, vector<16xf32>,
        tpu.vector_store %arg10[%swap3A_2205, %swap3A_2206], %select_n3A_2204 {strides = array<i32>} : memref<128x128xf32, #tpu.memory_space<vmem>>, vector<16xf32>,
        %get3A_2208 = arith.index_cast %add3A_2127 : i32 to index
        %get3A_2209 = arith.constant 80 : index
        %get3A_2210 = tpu.vector_load %arg9[%get3A_2208, %get3A_2209] {strides = array<i32>} : memref<128x128xf32, #tpu.memory_space<vmem>>, vector<16xf32>,
        %mul3A_2211 = arith.mulf %get3A_2210, %gather3A_2119 : vector<16xf32>
        %swap3A_2212 = arith.index_cast %add3A_2127 : i32 to index
        %swap3A_2213 = arith.constant 80 : index
        %swap3A_2214 = tpu.vector_load %arg9[%swap3A_2212, %swap3A_2213] {strides = array<i32>} : memref<128x128xf32, #tpu.memory_space<vmem>>, vector<16xf32>,
        tpu.vector_store %arg9[%swap3A_2212, %swap3A_2213], %mul3A_2211 {strides = array<i32>} : memref<128x128xf32, #tpu.memory_space<vmem>>, vector<16xf32>,
        %eq3A_2215 = arith.constant 5 : i32
        %eq3A_2216 = vector.broadcast %eq3A_2215 : i32 to vector<16xi32>
        %eq3A_2217 = arith.cmpi eq, %gather3A_2123, %eq3A_2216 : vector<16xi32>
        %jit3A_2218 = arith.constant 0.000000e+00 : f32
        %broadcast_in_dim3A_2219 = vector.broadcast %jit3A_2218 : f32 to vector<16xf32>
        %select_n3A_2220 = arith.select %eq3A_2217, %gather3A_2119, %broadcast_in_dim3A_2219 : vector<16xi1>, vector<16xf32>
        %swap3A_2221 = arith.index_cast %add3A_2127 : i32 to index
        %swap3A_2222 = arith.constant 80 : index
        %swap3A_2223 = tpu.vector_load %arg10[%swap3A_2221, %swap3A_2222] {strides = array<i32>} : memref<128x128xf32, #tpu.memory_space<vmem>>, vector<16xf32>,
        tpu.vector_store %arg10[%swap3A_2221, %swap3A_2222], %select_n3A_2220 {strides = array<i32>} : memref<128x128xf32, #tpu.memory_space<vmem>>, vector<16xf32>,
        %get3A_2224 = arith.index_cast %add3A_2127 : i32 to index
        %get3A_2225 = arith.constant 96 : index
        %get3A_2226 = tpu.vector_load %arg9[%get3A_2224, %get3A_2225] {strides = array<i32>} : memref<128x128xf32, #tpu.memory_space<vmem>>, vector<16xf32>,
        %mul3A_2227 = arith.mulf %get3A_2226, %gather3A_2119 : vector<16xf32>
        %swap3A_2228 = arith.index_cast %add3A_2127 : i32 to index
        %swap3A_2229 = arith.constant 96 : index
        %swap3A_2230 = tpu.vector_load %arg9[%swap3A_2228, %swap3A_2229] {strides = array<i32>} : memref<128x128xf32, #tpu.memory_space<vmem>>, vector<16xf32>,
        tpu.vector_store %arg9[%swap3A_2228, %swap3A_2229], %mul3A_2227 {strides = array<i32>} : memref<128x128xf32, #tpu.memory_space<vmem>>, vector<16xf32>,
        %eq3A_2231 = arith.constant 6 : i32
        %eq3A_2232 = vector.broadcast %eq3A_2231 : i32 to vector<16xi32>
        %eq3A_2233 = arith.cmpi eq, %gather3A_2123, %eq3A_2232 : vector<16xi32>
        %jit3A_2234 = arith.constant 0.000000e+00 : f32
        %broadcast_in_dim3A_2235 = vector.broadcast %jit3A_2234 : f32 to vector<16xf32>
        %select_n3A_2236 = arith.select %eq3A_2233, %gather3A_2119, %broadcast_in_dim3A_2235 : vector<16xi1>, vector<16xf32>
        %swap3A_2237 = arith.index_cast %add3A_2127 : i32 to index
        %swap3A_2238 = arith.constant 96 : index
        %swap3A_2239 = tpu.vector_load %arg10[%swap3A_2237, %swap3A_2238] {strides = array<i32>} : memref<128x128xf32, #tpu.memory_space<vmem>>, vector<16xf32>,
        tpu.vector_store %arg10[%swap3A_2237, %swap3A_2238], %select_n3A_2236 {strides = array<i32>} : memref<128x128xf32, #tpu.memory_space<vmem>>, vector<16xf32>,
        %get3A_2240 = arith.index_cast %add3A_2127 : i32 to index
        %get3A_2241 = arith.constant 112 : index
        %get3A_2242 = tpu.vector_load %arg9[%get3A_2240, %get3A_2241] {strides = array<i32>} : memref<128x128xf32, #tpu.memory_space<vmem>>, vector<16xf32>,
        %mul3A_2243 = arith.mulf %get3A_2242, %gather3A_2119 : vector<16xf32>
        %swap3A_2244 = arith.index_cast %add3A_2127 : i32 to index
        %swap3A_2245 = arith.constant 112 : index
        %swap3A_2246 = tpu.vector_load %arg9[%swap3A_2244, %swap3A_2245] {strides = array<i32>} : memref<128x128xf32, #tpu.memory_space<vmem>>, vector<16xf32>,
        tpu.vector_store %arg9[%swap3A_2244, %swap3A_2245], %mul3A_2243 {strides = array<i32>} : memref<128x128xf32, #tpu.memory_space<vmem>>, vector<16xf32>,
        %eq3A_2247 = arith.constant 7 : i32
        %eq3A_2248 = vector.broadcast %eq3A_2247 : i32 to vector<16xi32>
        %eq3A_2249 = arith.cmpi eq, %gather3A_2123, %eq3A_2248 : vector<16xi32>
        %jit3A_2250 = arith.constant 0.000000e+00 : f32
        %broadcast_in_dim3A_2251 = vector.broadcast %jit3A_2250 : f32 to vector<16xf32>
        %select_n3A_2252 = arith.select %eq3A_2249, %gather3A_2119, %broadcast_in_dim3A_2251 : vector<16xi1>, vector<16xf32>
        %swap3A_2253 = arith.index_cast %add3A_2127 : i32 to index
        %swap3A_2254 = arith.constant 112 : index
        %swap3A_2255 = tpu.vector_load %arg10[%swap3A_2253, %swap3A_2254] {strides = array<i32>} : memref<128x128xf32, #tpu.memory_space<vmem>>, vector<16xf32>,
        tpu.vector_store %arg10[%swap3A_2253, %swap3A_2254], %select_n3A_2252 {strides = array<i32>} : memref<128x128xf32, #tpu.memory_space<vmem>>, vector<16xf32>,
        %broadcast_in_dim3A_2256 = arith.constant 15 : i32
        %broadcast_in_dim3A_2257 = vector.broadcast %broadcast_in_dim3A_2256 : i32 to vector<16x1xi32>
        %gather3A_2258 = vector.shape_cast %broadcast_in_dim3A_2257 : vector<16x1xi32> to vector<16xi32>
        %gather3A_2259 = tpu.dynamic_gather %bitcast3A[%gather3A_2258] in [0] : vector<16xf32>, vector<16xi32> -> vector<16xf32>
        %broadcast_in_dim3A_2260 = arith.constant 15 : i32
        %broadcast_in_dim3A_2261 = vector.broadcast %broadcast_in_dim3A_2260 : i32 to vector<16x1xi32>
        %gather3A_2262 = vector.shape_cast %broadcast_in_dim3A_2261 : vector<16x1xi32> to vector<16xi32>
        %gather3A_2263 = tpu.dynamic_gather %and3A_161[%gather3A_2262] in [0] : vector<16xi32>, vector<16xi32> -> vector<16xi32>
        %mul3A_2264 = arith.constant 16 : i32
        %mul3A_2265 = arith.muli %add3A_150, %mul3A_2264 : i32
        %add3A_2266 = arith.constant 15 : i32
        %add3A_2267 = arith.addi %mul3A_2265, %add3A_2266 : i32
        %get3A_2268 = arith.index_cast %add3A_2267 : i32 to index
        %get3A_2269 = arith.constant 0 : index
        %get3A_2270 = tpu.vector_load %arg9[%get3A_2268, %get3A_2269] {strides = array<i32>} : memref<128x128xf32, #tpu.memory_space<vmem>>, vector<16xf32>,
        %mul3A_2271 = arith.mulf %get3A_2270, %gather3A_2259 : vector<16xf32>
        %swap3A_2272 = arith.index_cast %add3A_2267 : i32 to index
        %swap3A_2273 = arith.constant 0 : index
        %swap3A_2274 = tpu.vector_load %arg9[%swap3A_2272, %swap3A_2273] {strides = array<i32>} : memref<128x128xf32, #tpu.memory_space<vmem>>, vector<16xf32>,
        tpu.vector_store %arg9[%swap3A_2272, %swap3A_2273], %mul3A_2271 {strides = array<i32>} : memref<128x128xf32, #tpu.memory_space<vmem>>, vector<16xf32>,
        %eq3A_2275 = arith.constant 0 : i32
        %eq3A_2276 = vector.broadcast %eq3A_2275 : i32 to vector<16xi32>
        %eq3A_2277 = arith.cmpi eq, %gather3A_2263, %eq3A_2276 : vector<16xi32>
        %jit3A_2278 = arith.constant 0.000000e+00 : f32
        %broadcast_in_dim3A_2279 = vector.broadcast %jit3A_2278 : f32 to vector<16xf32>
        %select_n3A_2280 = arith.select %eq3A_2277, %gather3A_2259, %broadcast_in_dim3A_2279 : vector<16xi1>, vector<16xf32>
        %swap3A_2281 = arith.index_cast %add3A_2267 : i32 to index
        %swap3A_2282 = arith.constant 0 : index
        %swap3A_2283 = tpu.vector_load %arg10[%swap3A_2281, %swap3A_2282] {strides = array<i32>} : memref<128x128xf32, #tpu.memory_space<vmem>>, vector<16xf32>,
        tpu.vector_store %arg10[%swap3A_2281, %swap3A_2282], %select_n3A_2280 {strides = array<i32>} : memref<128x128xf32, #tpu.memory_space<vmem>>, vector<16xf32>,
        %get3A_2284 = arith.index_cast %add3A_2267 : i32 to index
        %get3A_2285 = arith.constant 16 : index
        %get3A_2286 = tpu.vector_load %arg9[%get3A_2284, %get3A_2285] {strides = array<i32>} : memref<128x128xf32, #tpu.memory_space<vmem>>, vector<16xf32>,
        %mul3A_2287 = arith.mulf %get3A_2286, %gather3A_2259 : vector<16xf32>
        %swap3A_2288 = arith.index_cast %add3A_2267 : i32 to index
        %swap3A_2289 = arith.constant 16 : index
        %swap3A_2290 = tpu.vector_load %arg9[%swap3A_2288, %swap3A_2289] {strides = array<i32>} : memref<128x128xf32, #tpu.memory_space<vmem>>, vector<16xf32>,
        tpu.vector_store %arg9[%swap3A_2288, %swap3A_2289], %mul3A_2287 {strides = array<i32>} : memref<128x128xf32, #tpu.memory_space<vmem>>, vector<16xf32>,
        %eq3A_2291 = arith.constant 1 : i32
        %eq3A_2292 = vector.broadcast %eq3A_2291 : i32 to vector<16xi32>
        %eq3A_2293 = arith.cmpi eq, %gather3A_2263, %eq3A_2292 : vector<16xi32>
        %jit3A_2294 = arith.constant 0.000000e+00 : f32
        %broadcast_in_dim3A_2295 = vector.broadcast %jit3A_2294 : f32 to vector<16xf32>
        %select_n3A_2296 = arith.select %eq3A_2293, %gather3A_2259, %broadcast_in_dim3A_2295 : vector<16xi1>, vector<16xf32>
        %swap3A_2297 = arith.index_cast %add3A_2267 : i32 to index
        %swap3A_2298 = arith.constant 16 : index
        %swap3A_2299 = tpu.vector_load %arg10[%swap3A_2297, %swap3A_2298] {strides = array<i32>} : memref<128x128xf32, #tpu.memory_space<vmem>>, vector<16xf32>,
        tpu.vector_store %arg10[%swap3A_2297, %swap3A_2298], %select_n3A_2296 {strides = array<i32>} : memref<128x128xf32, #tpu.memory_space<vmem>>, vector<16xf32>,
        %get3A_2300 = arith.index_cast %add3A_2267 : i32 to index
        %get3A_2301 = arith.constant 32 : index
        %get3A_2302 = tpu.vector_load %arg9[%get3A_2300, %get3A_2301] {strides = array<i32>} : memref<128x128xf32, #tpu.memory_space<vmem>>, vector<16xf32>,
        %mul3A_2303 = arith.mulf %get3A_2302, %gather3A_2259 : vector<16xf32>
        %swap3A_2304 = arith.index_cast %add3A_2267 : i32 to index
        %swap3A_2305 = arith.constant 32 : index
        %swap3A_2306 = tpu.vector_load %arg9[%swap3A_2304, %swap3A_2305] {strides = array<i32>} : memref<128x128xf32, #tpu.memory_space<vmem>>, vector<16xf32>,
        tpu.vector_store %arg9[%swap3A_2304, %swap3A_2305], %mul3A_2303 {strides = array<i32>} : memref<128x128xf32, #tpu.memory_space<vmem>>, vector<16xf32>,
        %eq3A_2307 = arith.constant 2 : i32
        %eq3A_2308 = vector.broadcast %eq3A_2307 : i32 to vector<16xi32>
        %eq3A_2309 = arith.cmpi eq, %gather3A_2263, %eq3A_2308 : vector<16xi32>
        %jit3A_2310 = arith.constant 0.000000e+00 : f32
        %broadcast_in_dim3A_2311 = vector.broadcast %jit3A_2310 : f32 to vector<16xf32>
        %select_n3A_2312 = arith.select %eq3A_2309, %gather3A_2259, %broadcast_in_dim3A_2311 : vector<16xi1>, vector<16xf32>
        %swap3A_2313 = arith.index_cast %add3A_2267 : i32 to index
        %swap3A_2314 = arith.constant 32 : index
        %swap3A_2315 = tpu.vector_load %arg10[%swap3A_2313, %swap3A_2314] {strides = array<i32>} : memref<128x128xf32, #tpu.memory_space<vmem>>, vector<16xf32>,
        tpu.vector_store %arg10[%swap3A_2313, %swap3A_2314], %select_n3A_2312 {strides = array<i32>} : memref<128x128xf32, #tpu.memory_space<vmem>>, vector<16xf32>,
        %get3A_2316 = arith.index_cast %add3A_2267 : i32 to index
        %get3A_2317 = arith.constant 48 : index
        %get3A_2318 = tpu.vector_load %arg9[%get3A_2316, %get3A_2317] {strides = array<i32>} : memref<128x128xf32, #tpu.memory_space<vmem>>, vector<16xf32>,
        %mul3A_2319 = arith.mulf %get3A_2318, %gather3A_2259 : vector<16xf32>
        %swap3A_2320 = arith.index_cast %add3A_2267 : i32 to index
        %swap3A_2321 = arith.constant 48 : index
        %swap3A_2322 = tpu.vector_load %arg9[%swap3A_2320, %swap3A_2321] {strides = array<i32>} : memref<128x128xf32, #tpu.memory_space<vmem>>, vector<16xf32>,
        tpu.vector_store %arg9[%swap3A_2320, %swap3A_2321], %mul3A_2319 {strides = array<i32>} : memref<128x128xf32, #tpu.memory_space<vmem>>, vector<16xf32>,
        %eq3A_2323 = arith.constant 3 : i32
        %eq3A_2324 = vector.broadcast %eq3A_2323 : i32 to vector<16xi32>
        %eq3A_2325 = arith.cmpi eq, %gather3A_2263, %eq3A_2324 : vector<16xi32>
        %jit3A_2326 = arith.constant 0.000000e+00 : f32
        %broadcast_in_dim3A_2327 = vector.broadcast %jit3A_2326 : f32 to vector<16xf32>
        %select_n3A_2328 = arith.select %eq3A_2325, %gather3A_2259, %broadcast_in_dim3A_2327 : vector<16xi1>, vector<16xf32>
        %swap3A_2329 = arith.index_cast %add3A_2267 : i32 to index
        %swap3A_2330 = arith.constant 48 : index
        %swap3A_2331 = tpu.vector_load %arg10[%swap3A_2329, %swap3A_2330] {strides = array<i32>} : memref<128x128xf32, #tpu.memory_space<vmem>>, vector<16xf32>,
        tpu.vector_store %arg10[%swap3A_2329, %swap3A_2330], %select_n3A_2328 {strides = array<i32>} : memref<128x128xf32, #tpu.memory_space<vmem>>, vector<16xf32>,
        %get3A_2332 = arith.index_cast %add3A_2267 : i32 to index
        %get3A_2333 = arith.constant 64 : index
        %get3A_2334 = tpu.vector_load %arg9[%get3A_2332, %get3A_2333] {strides = array<i32>} : memref<128x128xf32, #tpu.memory_space<vmem>>, vector<16xf32>,
        %mul3A_2335 = arith.mulf %get3A_2334, %gather3A_2259 : vector<16xf32>
        %swap3A_2336 = arith.index_cast %add3A_2267 : i32 to index
        %swap3A_2337 = arith.constant 64 : index
        %swap3A_2338 = tpu.vector_load %arg9[%swap3A_2336, %swap3A_2337] {strides = array<i32>} : memref<128x128xf32, #tpu.memory_space<vmem>>, vector<16xf32>,
        tpu.vector_store %arg9[%swap3A_2336, %swap3A_2337], %mul3A_2335 {strides = array<i32>} : memref<128x128xf32, #tpu.memory_space<vmem>>, vector<16xf32>,
        %eq3A_2339 = arith.constant 4 : i32
        %eq3A_2340 = vector.broadcast %eq3A_2339 : i32 to vector<16xi32>
        %eq3A_2341 = arith.cmpi eq, %gather3A_2263, %eq3A_2340 : vector<16xi32>
        %jit3A_2342 = arith.constant 0.000000e+00 : f32
        %broadcast_in_dim3A_2343 = vector.broadcast %jit3A_2342 : f32 to vector<16xf32>
        %select_n3A_2344 = arith.select %eq3A_2341, %gather3A_2259, %broadcast_in_dim3A_2343 : vector<16xi1>, vector<16xf32>
        %swap3A_2345 = arith.index_cast %add3A_2267 : i32 to index
        %swap3A_2346 = arith.constant 64 : index
        %swap3A_2347 = tpu.vector_load %arg10[%swap3A_2345, %swap3A_2346] {strides = array<i32>} : memref<128x128xf32, #tpu.memory_space<vmem>>, vector<16xf32>,
        tpu.vector_store %arg10[%swap3A_2345, %swap3A_2346], %select_n3A_2344 {strides = array<i32>} : memref<128x128xf32, #tpu.memory_space<vmem>>, vector<16xf32>,
        %get3A_2348 = arith.index_cast %add3A_2267 : i32 to index
        %get3A_2349 = arith.constant 80 : index
        %get3A_2350 = tpu.vector_load %arg9[%get3A_2348, %get3A_2349] {strides = array<i32>} : memref<128x128xf32, #tpu.memory_space<vmem>>, vector<16xf32>,
        %mul3A_2351 = arith.mulf %get3A_2350, %gather3A_2259 : vector<16xf32>
        %swap3A_2352 = arith.index_cast %add3A_2267 : i32 to index
        %swap3A_2353 = arith.constant 80 : index
        %swap3A_2354 = tpu.vector_load %arg9[%swap3A_2352, %swap3A_2353] {strides = array<i32>} : memref<128x128xf32, #tpu.memory_space<vmem>>, vector<16xf32>,
        tpu.vector_store %arg9[%swap3A_2352, %swap3A_2353], %mul3A_2351 {strides = array<i32>} : memref<128x128xf32, #tpu.memory_space<vmem>>, vector<16xf32>,
        %eq3A_2355 = arith.constant 5 : i32
        %eq3A_2356 = vector.broadcast %eq3A_2355 : i32 to vector<16xi32>
        %eq3A_2357 = arith.cmpi eq, %gather3A_2263, %eq3A_2356 : vector<16xi32>
        %jit3A_2358 = arith.constant 0.000000e+00 : f32
        %broadcast_in_dim3A_2359 = vector.broadcast %jit3A_2358 : f32 to vector<16xf32>
        %select_n3A_2360 = arith.select %eq3A_2357, %gather3A_2259, %broadcast_in_dim3A_2359 : vector<16xi1>, vector<16xf32>
        %swap3A_2361 = arith.index_cast %add3A_2267 : i32 to index
        %swap3A_2362 = arith.constant 80 : index
        %swap3A_2363 = tpu.vector_load %arg10[%swap3A_2361, %swap3A_2362] {strides = array<i32>} : memref<128x128xf32, #tpu.memory_space<vmem>>, vector<16xf32>,
        tpu.vector_store %arg10[%swap3A_2361, %swap3A_2362], %select_n3A_2360 {strides = array<i32>} : memref<128x128xf32, #tpu.memory_space<vmem>>, vector<16xf32>,
        %get3A_2364 = arith.index_cast %add3A_2267 : i32 to index
        %get3A_2365 = arith.constant 96 : index
        %get3A_2366 = tpu.vector_load %arg9[%get3A_2364, %get3A_2365] {strides = array<i32>} : memref<128x128xf32, #tpu.memory_space<vmem>>, vector<16xf32>,
        %mul3A_2367 = arith.mulf %get3A_2366, %gather3A_2259 : vector<16xf32>
        %swap3A_2368 = arith.index_cast %add3A_2267 : i32 to index
        %swap3A_2369 = arith.constant 96 : index
        %swap3A_2370 = tpu.vector_load %arg9[%swap3A_2368, %swap3A_2369] {strides = array<i32>} : memref<128x128xf32, #tpu.memory_space<vmem>>, vector<16xf32>,
        tpu.vector_store %arg9[%swap3A_2368, %swap3A_2369], %mul3A_2367 {strides = array<i32>} : memref<128x128xf32, #tpu.memory_space<vmem>>, vector<16xf32>,
        %eq3A_2371 = arith.constant 6 : i32
        %eq3A_2372 = vector.broadcast %eq3A_2371 : i32 to vector<16xi32>
        %eq3A_2373 = arith.cmpi eq, %gather3A_2263, %eq3A_2372 : vector<16xi32>
        %jit3A_2374 = arith.constant 0.000000e+00 : f32
        %broadcast_in_dim3A_2375 = vector.broadcast %jit3A_2374 : f32 to vector<16xf32>
        %select_n3A_2376 = arith.select %eq3A_2373, %gather3A_2259, %broadcast_in_dim3A_2375 : vector<16xi1>, vector<16xf32>
        %swap3A_2377 = arith.index_cast %add3A_2267 : i32 to index
        %swap3A_2378 = arith.constant 96 : index
        %swap3A_2379 = tpu.vector_load %arg10[%swap3A_2377, %swap3A_2378] {strides = array<i32>} : memref<128x128xf32, #tpu.memory_space<vmem>>, vector<16xf32>,
        tpu.vector_store %arg10[%swap3A_2377, %swap3A_2378], %select_n3A_2376 {strides = array<i32>} : memref<128x128xf32, #tpu.memory_space<vmem>>, vector<16xf32>,
        %get3A_2380 = arith.index_cast %add3A_2267 : i32 to index
        %get3A_2381 = arith.constant 112 : index
        %get3A_2382 = tpu.vector_load %arg9[%get3A_2380, %get3A_2381] {strides = array<i32>} : memref<128x128xf32, #tpu.memory_space<vmem>>, vector<16xf32>,
        %mul3A_2383 = arith.mulf %get3A_2382, %gather3A_2259 : vector<16xf32>
        %swap3A_2384 = arith.index_cast %add3A_2267 : i32 to index
        %swap3A_2385 = arith.constant 112 : index
        %swap3A_2386 = tpu.vector_load %arg9[%swap3A_2384, %swap3A_2385] {strides = array<i32>} : memref<128x128xf32, #tpu.memory_space<vmem>>, vector<16xf32>,
        tpu.vector_store %arg9[%swap3A_2384, %swap3A_2385], %mul3A_2383 {strides = array<i32>} : memref<128x128xf32, #tpu.memory_space<vmem>>, vector<16xf32>,
        %eq3A_2387 = arith.constant 7 : i32
        %eq3A_2388 = vector.broadcast %eq3A_2387 : i32 to vector<16xi32>
        %eq3A_2389 = arith.cmpi eq, %gather3A_2263, %eq3A_2388 : vector<16xi32>
        %jit3A_2390 = arith.constant 0.000000e+00 : f32
        %broadcast_in_dim3A_2391 = vector.broadcast %jit3A_2390 : f32 to vector<16xf32>
        %select_n3A_2392 = arith.select %eq3A_2389, %gather3A_2259, %broadcast_in_dim3A_2391 : vector<16xi1>, vector<16xf32>
        %swap3A_2393 = arith.index_cast %add3A_2267 : i32 to index
        %swap3A_2394 = arith.constant 112 : index
        %swap3A_2395 = tpu.vector_load %arg10[%swap3A_2393, %swap3A_2394] {strides = array<i32>} : memref<128x128xf32, #tpu.memory_space<vmem>>, vector<16xf32>,
        tpu.vector_store %arg10[%swap3A_2393, %swap3A_2394], %select_n3A_2392 {strides = array<i32>} : memref<128x128xf32, #tpu.memory_space<vmem>>, vector<16xf32>,
      }
      %scan3A_143 = arith.constant 8 : i32
      %run_scoped3A_144 = arith.constant 1 : i32
      "tpu.region"() ({
        %run_scoped3A_146 = tpu.sem_alloc : memref<!tpu.dma_semaphore, #tpu.memory_space<semaphore_mem>>
        %dma_start3A_147 = arith.constant 0 : i32
        %dma_start3A_148 = tpu.memref_slice %arg7[%run_scoped3A_144, %dma_start3A_147] : memref<4x128xi32, #tpu.memory_space<vmem>> -> memref<1x128xi32, #tpu.memory_space<vmem>>
        %dma_start3A_149 = tpu.memref_squeeze %dma_start3A_148 : memref<1x128xi32, #tpu.memory_space<vmem>> -> memref<128xi32, #tpu.memory_space<vmem>>
        %dma_start3A_150 = arith.constant 0 : i32
        %dma_start3A_151 = arith.constant 0 : i32
        %dma_start3A_152 = tpu.memref_slice %arg11[%dma_start3A_150, %dma_start3A_151] : memref<10240x128xf32, #tpu.memory_space<vmem_shared>> -> memref<10240x128xf32, #tpu.memory_space<vmem_shared>>
        tpu.enqueue_indirect_dma source(%arg9 : memref<128x128xf32, #tpu.memory_space<vmem>>) target(%dma_start3A_152 : memref<10240x128xf32, #tpu.memory_space<vmem_shared>>) offsets(%dma_start3A_149 : memref<128xi32, #tpu.memory_space<vmem>>) semaphore(%run_scoped3A_146 : memref<!tpu.dma_semaphore, #tpu.memory_space<semaphore_mem>>) {add = true}
        %dma_wait3A_153 = arith.constant 0 : i32
        %dma_wait3A_154 = tpu.memref_slice %arg7[%run_scoped3A_144, %dma_wait3A_153] : memref<4x128xi32, #tpu.memory_space<vmem>> -> memref<1x128xi32, #tpu.memory_space<vmem>>
        %dma_wait3A_155 = tpu.memref_squeeze %dma_wait3A_154 : memref<1x128xi32, #tpu.memory_space<vmem>> -> memref<128xi32, #tpu.memory_space<vmem>>
        %dma_wait3A_156 = arith.constant 0 : i32
        %dma_wait3A_157 = arith.constant 0 : i32
        %dma_wait3A_158 = tpu.memref_slice %arg11[%dma_wait3A_156, %dma_wait3A_157] : memref<10240x128xf32, #tpu.memory_space<vmem_shared>> -> memref<10240x128xf32, #tpu.memory_space<vmem_shared>>
        tpu.wait_indirect_dma semaphore(%run_scoped3A_146 : memref<!tpu.dma_semaphore, #tpu.memory_space<semaphore_mem>>) src(%arg9 : memref<128x128xf32, #tpu.memory_space<vmem>>) dst(%dma_wait3A_158 : memref<10240x128xf32, #tpu.memory_space<vmem_shared>>)
        tpu.yield
      }) : () -> ()
      %run_scoped3A_145 = arith.constant 2 : i32
      "tpu.region"() ({
        %run_scoped3A_146 = tpu.sem_alloc : memref<!tpu.dma_semaphore, #tpu.memory_space<semaphore_mem>>
        %dma_start3A_147 = arith.constant 0 : i32
        %dma_start3A_148 = tpu.memref_slice %arg7[%run_scoped3A_145, %dma_start3A_147] : memref<4x128xi32, #tpu.memory_space<vmem>> -> memref<1x128xi32, #tpu.memory_space<vmem>>
        %dma_start3A_149 = tpu.memref_squeeze %dma_start3A_148 : memref<1x128xi32, #tpu.memory_space<vmem>> -> memref<128xi32, #tpu.memory_space<vmem>>
        %dma_start3A_150 = arith.constant 0 : i32
        %dma_start3A_151 = arith.constant 0 : i32
        %dma_start3A_152 = tpu.memref_slice %arg12[%dma_start3A_150, %dma_start3A_151] : memref<1280x128xf32, #tpu.memory_space<vmem_shared>> -> memref<1280x128xf32, #tpu.memory_space<vmem_shared>>
        tpu.enqueue_indirect_dma source(%arg10 : memref<128x128xf32, #tpu.memory_space<vmem>>) target(%dma_start3A_152 : memref<1280x128xf32, #tpu.memory_space<vmem_shared>>) offsets(%dma_start3A_149 : memref<128xi32, #tpu.memory_space<vmem>>) semaphore(%run_scoped3A_146 : memref<!tpu.dma_semaphore, #tpu.memory_space<semaphore_mem>>) {add = true}
        %dma_wait3A_153 = arith.constant 0 : i32
        %dma_wait3A_154 = tpu.memref_slice %arg7[%run_scoped3A_145, %dma_wait3A_153] : memref<4x128xi32, #tpu.memory_space<vmem>> -> memref<1x128xi32, #tpu.memory_space<vmem>>
        %dma_wait3A_155 = tpu.memref_squeeze %dma_wait3A_154 : memref<1x128xi32, #tpu.memory_space<vmem>> -> memref<128xi32, #tpu.memory_space<vmem>>
        %dma_wait3A_156 = arith.constant 0 : i32
        %dma_wait3A_157 = arith.constant 0 : i32
        %dma_wait3A_158 = tpu.memref_slice %arg12[%dma_wait3A_156, %dma_wait3A_157] : memref<1280x128xf32, #tpu.memory_space<vmem_shared>> -> memref<1280x128xf32, #tpu.memory_space<vmem_shared>>
        tpu.wait_indirect_dma semaphore(%run_scoped3A_146 : memref<!tpu.dma_semaphore, #tpu.memory_space<semaphore_mem>>) src(%arg10 : memref<128x128xf32, #tpu.memory_space<vmem>>) dst(%dma_wait3A_158 : memref<1280x128xf32, #tpu.memory_space<vmem_shared>>)
        tpu.yield
      }) : () -> ()
    }
    %scan3A_14 = arith.constant 79 : i32
    %barrier3A_15 = arith.constant 0 : index
    tpu.barrier barrier_id(%barrier3A_15)
    %mul3A_16 = arith.constant 640 : i32
    %mul3A_17 = arith.muli %arg1, %mul3A_16 : i32
    %add3A_18 = arith.constant 0 : i32
    %add3A_19 = arith.addi %mul3A_17, %add3A_18 : i32
    %dma_start3A = arith.constant 0 : i32
    %dma_start3A_20 = arith.constant 0 : i32
    %dma_start3A_21 = tpu.memref_slice %arg8[%dma_start3A, %dma_start3A_20] : memref<6x128xi32, #tpu.memory_space<vmem>> -> memref<1x128xi32, #tpu.memory_space<vmem>>
    %dma_start3A_22 = tpu.memref_squeeze %dma_start3A_21 : memref<1x128xi32, #tpu.memory_space<vmem>> -> memref<128xi32, #tpu.memory_space<vmem>>
    %dma_start3A_23 = arith.constant 0 : i32
    %dma_start3A_24 = arith.constant 0 : i32
    %dma_start3A_25 = tpu.memref_slice %arg11[%dma_start3A_23, %dma_start3A_24] : memref<10240x128xf32, #tpu.memory_space<vmem_shared>> -> memref<10240x128xf32, #tpu.memory_space<vmem_shared>>
    tpu.enqueue_indirect_dma source(%dma_start3A_25 : memref<10240x128xf32, #tpu.memory_space<vmem_shared>>) target(%arg9 : memref<128x128xf32, #tpu.memory_space<vmem>>) offsets(%dma_start3A_22 : memref<128xi32, #tpu.memory_space<vmem>>) semaphore(%arg13 : memref<!tpu.dma_semaphore, #tpu.memory_space<semaphore_mem>>)
    %dma_wait3A = arith.constant 0 : i32
    %dma_wait3A_26 = arith.constant 0 : i32
    %dma_wait3A_27 = tpu.memref_slice %arg8[%dma_wait3A, %dma_wait3A_26] : memref<6x128xi32, #tpu.memory_space<vmem>> -> memref<1x128xi32, #tpu.memory_space<vmem>>
    %dma_wait3A_28 = tpu.memref_squeeze %dma_wait3A_27 : memref<1x128xi32, #tpu.memory_space<vmem>> -> memref<128xi32, #tpu.memory_space<vmem>>
    %dma_wait3A_29 = arith.constant 0 : i32
    %dma_wait3A_30 = arith.constant 0 : i32
    %dma_wait3A_31 = tpu.memref_slice %arg11[%dma_wait3A_29, %dma_wait3A_30] : memref<10240x128xf32, #tpu.memory_space<vmem_shared>> -> memref<10240x128xf32, #tpu.memory_space<vmem_shared>>
    tpu.wait_indirect_dma semaphore(%arg13 : memref<!tpu.dma_semaphore, #tpu.memory_space<semaphore_mem>>) src(%dma_wait3A_31 : memref<10240x128xf32, #tpu.memory_space<vmem_shared>>) dst(%arg9 : memref<128x128xf32, #tpu.memory_space<vmem>>)
    "tpu.region"() ({
      %run_scoped3A_120 = tpu.sem_alloc : memref<!tpu.dma_semaphore, #tpu.memory_space<semaphore_mem>>
      %dma_start3A_121 = arith.constant 0 : i32
      %dma_start3A_122 = tpu.memref_slice %arg5[%arg0, %add3A_19, %dma_start3A_121] : memref<2x10240x128xf32, #tpu.memory_space<hbm>> -> memref<1x128x128xf32, #tpu.memory_space<hbm>>
      %dma_start3A_123 = tpu.memref_squeeze %dma_start3A_122 : memref<1x128x128xf32, #tpu.memory_space<hbm>> -> memref<128x128xf32, #tpu.memory_space<hbm>>
      %dma_start3A_124 = arith.constant 0 : i32
      %dma_start3A_125 = tpu.memref_slice %arg5[%arg0, %add3A_19, %dma_start3A_124] : memref<2x10240x128xf32, #tpu.memory_space<hbm>> -> memref<1x128x128xf32, #tpu.memory_space<hbm>>
      %dma_start3A_126 = tpu.memref_squeeze %dma_start3A_125 : memref<1x128x128xf32, #tpu.memory_space<hbm>> -> memref<128x128xf32, #tpu.memory_space<hbm>>
      tpu.enqueue_dma source(%arg9 : memref<128x128xf32, #tpu.memory_space<vmem>>) target(%dma_start3A_126 : memref<128x128xf32, #tpu.memory_space<hbm>>) target_semaphore(%run_scoped3A_120 : memref<!tpu.dma_semaphore, #tpu.memory_space<semaphore_mem>>)
      %dma_wait3A_127 = arith.constant 0 : i32
      %dma_wait3A_128 = tpu.memref_slice %arg5[%arg0, %add3A_19, %dma_wait3A_127] : memref<2x10240x128xf32, #tpu.memory_space<hbm>> -> memref<1x128x128xf32, #tpu.memory_space<hbm>>
      %dma_wait3A_129 = tpu.memref_squeeze %dma_wait3A_128 : memref<1x128x128xf32, #tpu.memory_space<hbm>> -> memref<128x128xf32, #tpu.memory_space<hbm>>
      %dma_wait3A_130 = arith.constant 0 : i32
      %dma_wait3A_131 = tpu.memref_slice %arg5[%arg0, %add3A_19, %dma_wait3A_130] : memref<2x10240x128xf32, #tpu.memory_space<hbm>> -> memref<1x128x128xf32, #tpu.memory_space<hbm>>
      %dma_wait3A_132 = tpu.memref_squeeze %dma_wait3A_131 : memref<1x128x128xf32, #tpu.memory_space<hbm>> -> memref<128x128xf32, #tpu.memory_space<hbm>>
      tpu.wait_dma2 semaphore(%run_scoped3A_120 : memref<!tpu.dma_semaphore, #tpu.memory_space<semaphore_mem>>) src(%arg9 : memref<128x128xf32, #tpu.memory_space<vmem>>) dst(%dma_wait3A_132 : memref<128x128xf32, #tpu.memory_space<hbm>>)
      tpu.yield
    }) : () -> ()
    %mul3A_32 = arith.constant 640 : i32
    %mul3A_33 = arith.muli %arg1, %mul3A_32 : i32
    %add3A_34 = arith.constant 128 : i32
    %add3A_35 = arith.addi %mul3A_33, %add3A_34 : i32
    %dma_start3A_36 = arith.constant 1 : i32
    %dma_start3A_37 = arith.constant 0 : i32
    %dma_start3A_38 = tpu.memref_slice %arg8[%dma_start3A_36, %dma_start3A_37] : memref<6x128xi32, #tpu.memory_space<vmem>> -> memref<1x128xi32, #tpu.memory_space<vmem>>
    %dma_start3A_39 = tpu.memref_squeeze %dma_start3A_38 : memref<1x128xi32, #tpu.memory_space<vmem>> -> memref<128xi32, #tpu.memory_space<vmem>>
    %dma_start3A_40 = arith.constant 0 : i32
    %dma_start3A_41 = arith.constant 0 : i32
    %dma_start3A_42 = tpu.memref_slice %arg11[%dma_start3A_40, %dma_start3A_41] : memref<10240x128xf32, #tpu.memory_space<vmem_shared>> -> memref<10240x128xf32, #tpu.memory_space<vmem_shared>>
    tpu.enqueue_indirect_dma source(%dma_start3A_42 : memref<10240x128xf32, #tpu.memory_space<vmem_shared>>) target(%arg9 : memref<128x128xf32, #tpu.memory_space<vmem>>) offsets(%dma_start3A_39 : memref<128xi32, #tpu.memory_space<vmem>>) semaphore(%arg13 : memref<!tpu.dma_semaphore, #tpu.memory_space<semaphore_mem>>)
    %dma_wait3A_43 = arith.constant 1 : i32
    %dma_wait3A_44 = arith.constant 0 : i32
    %dma_wait3A_45 = tpu.memref_slice %arg8[%dma_wait3A_43, %dma_wait3A_44] : memref<6x128xi32, #tpu.memory_space<vmem>> -> memref<1x128xi32, #tpu.memory_space<vmem>>
    %dma_wait3A_46 = tpu.memref_squeeze %dma_wait3A_45 : memref<1x128xi32, #tpu.memory_space<vmem>> -> memref<128xi32, #tpu.memory_space<vmem>>
    %dma_wait3A_47 = arith.constant 0 : i32
    %dma_wait3A_48 = arith.constant 0 : i32
    %dma_wait3A_49 = tpu.memref_slice %arg11[%dma_wait3A_47, %dma_wait3A_48] : memref<10240x128xf32, #tpu.memory_space<vmem_shared>> -> memref<10240x128xf32, #tpu.memory_space<vmem_shared>>
    tpu.wait_indirect_dma semaphore(%arg13 : memref<!tpu.dma_semaphore, #tpu.memory_space<semaphore_mem>>) src(%dma_wait3A_49 : memref<10240x128xf32, #tpu.memory_space<vmem_shared>>) dst(%arg9 : memref<128x128xf32, #tpu.memory_space<vmem>>)
    "tpu.region"() ({
      %run_scoped3A_120 = tpu.sem_alloc : memref<!tpu.dma_semaphore, #tpu.memory_space<semaphore_mem>>
      %dma_start3A_121 = arith.constant 0 : i32
      %dma_start3A_122 = tpu.memref_slice %arg5[%arg0, %add3A_35, %dma_start3A_121] : memref<2x10240x128xf32, #tpu.memory_space<hbm>> -> memref<1x128x128xf32, #tpu.memory_space<hbm>>
      %dma_start3A_123 = tpu.memref_squeeze %dma_start3A_122 : memref<1x128x128xf32, #tpu.memory_space<hbm>> -> memref<128x128xf32, #tpu.memory_space<hbm>>
      %dma_start3A_124 = arith.constant 0 : i32
      %dma_start3A_125 = tpu.memref_slice %arg5[%arg0, %add3A_35, %dma_start3A_124] : memref<2x10240x128xf32, #tpu.memory_space<hbm>> -> memref<1x128x128xf32, #tpu.memory_space<hbm>>
      %dma_start3A_126 = tpu.memref_squeeze %dma_start3A_125 : memref<1x128x128xf32, #tpu.memory_space<hbm>> -> memref<128x128xf32, #tpu.memory_space<hbm>>
      tpu.enqueue_dma source(%arg9 : memref<128x128xf32, #tpu.memory_space<vmem>>) target(%dma_start3A_126 : memref<128x128xf32, #tpu.memory_space<hbm>>) target_semaphore(%run_scoped3A_120 : memref<!tpu.dma_semaphore, #tpu.memory_space<semaphore_mem>>)
      %dma_wait3A_127 = arith.constant 0 : i32
      %dma_wait3A_128 = tpu.memref_slice %arg5[%arg0, %add3A_35, %dma_wait3A_127] : memref<2x10240x128xf32, #tpu.memory_space<hbm>> -> memref<1x128x128xf32, #tpu.memory_space<hbm>>
      %dma_wait3A_129 = tpu.memref_squeeze %dma_wait3A_128 : memref<1x128x128xf32, #tpu.memory_space<hbm>> -> memref<128x128xf32, #tpu.memory_space<hbm>>
      %dma_wait3A_130 = arith.constant 0 : i32
      %dma_wait3A_131 = tpu.memref_slice %arg5[%arg0, %add3A_35, %dma_wait3A_130] : memref<2x10240x128xf32, #tpu.memory_space<hbm>> -> memref<1x128x128xf32, #tpu.memory_space<hbm>>
      %dma_wait3A_132 = tpu.memref_squeeze %dma_wait3A_131 : memref<1x128x128xf32, #tpu.memory_space<hbm>> -> memref<128x128xf32, #tpu.memory_space<hbm>>
      tpu.wait_dma2 semaphore(%run_scoped3A_120 : memref<!tpu.dma_semaphore, #tpu.memory_space<semaphore_mem>>) src(%arg9 : memref<128x128xf32, #tpu.memory_space<vmem>>) dst(%dma_wait3A_132 : memref<128x128xf32, #tpu.memory_space<hbm>>)
      tpu.yield
    }) : () -> ()
    %mul3A_50 = arith.constant 640 : i32
    %mul3A_51 = arith.muli %arg1, %mul3A_50 : i32
    %add3A_52 = arith.constant 256 : i32
    %add3A_53 = arith.addi %mul3A_51, %add3A_52 : i32
    %dma_start3A_54 = arith.constant 2 : i32
    %dma_start3A_55 = arith.constant 0 : i32
    %dma_start3A_56 = tpu.memref_slice %arg8[%dma_start3A_54, %dma_start3A_55] : memref<6x128xi32, #tpu.memory_space<vmem>> -> memref<1x128xi32, #tpu.memory_space<vmem>>
    %dma_start3A_57 = tpu.memref_squeeze %dma_start3A_56 : memref<1x128xi32, #tpu.memory_space<vmem>> -> memref<128xi32, #tpu.memory_space<vmem>>
    %dma_start3A_58 = arith.constant 0 : i32
    %dma_start3A_59 = arith.constant 0 : i32
    %dma_start3A_60 = tpu.memref_slice %arg11[%dma_start3A_58, %dma_start3A_59] : memref<10240x128xf32, #tpu.memory_space<vmem_shared>> -> memref<10240x128xf32, #tpu.memory_space<vmem_shared>>
    tpu.enqueue_indirect_dma source(%dma_start3A_60 : memref<10240x128xf32, #tpu.memory_space<vmem_shared>>) target(%arg9 : memref<128x128xf32, #tpu.memory_space<vmem>>) offsets(%dma_start3A_57 : memref<128xi32, #tpu.memory_space<vmem>>) semaphore(%arg13 : memref<!tpu.dma_semaphore, #tpu.memory_space<semaphore_mem>>)
    %dma_wait3A_61 = arith.constant 2 : i32
    %dma_wait3A_62 = arith.constant 0 : i32
    %dma_wait3A_63 = tpu.memref_slice %arg8[%dma_wait3A_61, %dma_wait3A_62] : memref<6x128xi32, #tpu.memory_space<vmem>> -> memref<1x128xi32, #tpu.memory_space<vmem>>
    %dma_wait3A_64 = tpu.memref_squeeze %dma_wait3A_63 : memref<1x128xi32, #tpu.memory_space<vmem>> -> memref<128xi32, #tpu.memory_space<vmem>>
    %dma_wait3A_65 = arith.constant 0 : i32
    %dma_wait3A_66 = arith.constant 0 : i32
    %dma_wait3A_67 = tpu.memref_slice %arg11[%dma_wait3A_65, %dma_wait3A_66] : memref<10240x128xf32, #tpu.memory_space<vmem_shared>> -> memref<10240x128xf32, #tpu.memory_space<vmem_shared>>
    tpu.wait_indirect_dma semaphore(%arg13 : memref<!tpu.dma_semaphore, #tpu.memory_space<semaphore_mem>>) src(%dma_wait3A_67 : memref<10240x128xf32, #tpu.memory_space<vmem_shared>>) dst(%arg9 : memref<128x128xf32, #tpu.memory_space<vmem>>)
    "tpu.region"() ({
      %run_scoped3A_120 = tpu.sem_alloc : memref<!tpu.dma_semaphore, #tpu.memory_space<semaphore_mem>>
      %dma_start3A_121 = arith.constant 0 : i32
      %dma_start3A_122 = tpu.memref_slice %arg5[%arg0, %add3A_53, %dma_start3A_121] : memref<2x10240x128xf32, #tpu.memory_space<hbm>> -> memref<1x128x128xf32, #tpu.memory_space<hbm>>
      %dma_start3A_123 = tpu.memref_squeeze %dma_start3A_122 : memref<1x128x128xf32, #tpu.memory_space<hbm>> -> memref<128x128xf32, #tpu.memory_space<hbm>>
      %dma_start3A_124 = arith.constant 0 : i32
      %dma_start3A_125 = tpu.memref_slice %arg5[%arg0, %add3A_53, %dma_start3A_124] : memref<2x10240x128xf32, #tpu.memory_space<hbm>> -> memref<1x128x128xf32, #tpu.memory_space<hbm>>
      %dma_start3A_126 = tpu.memref_squeeze %dma_start3A_125 : memref<1x128x128xf32, #tpu.memory_space<hbm>> -> memref<128x128xf32, #tpu.memory_space<hbm>>
      tpu.enqueue_dma source(%arg9 : memref<128x128xf32, #tpu.memory_space<vmem>>) target(%dma_start3A_126 : memref<128x128xf32, #tpu.memory_space<hbm>>) target_semaphore(%run_scoped3A_120 : memref<!tpu.dma_semaphore, #tpu.memory_space<semaphore_mem>>)
      %dma_wait3A_127 = arith.constant 0 : i32
      %dma_wait3A_128 = tpu.memref_slice %arg5[%arg0, %add3A_53, %dma_wait3A_127] : memref<2x10240x128xf32, #tpu.memory_space<hbm>> -> memref<1x128x128xf32, #tpu.memory_space<hbm>>
      %dma_wait3A_129 = tpu.memref_squeeze %dma_wait3A_128 : memref<1x128x128xf32, #tpu.memory_space<hbm>> -> memref<128x128xf32, #tpu.memory_space<hbm>>
      %dma_wait3A_130 = arith.constant 0 : i32
      %dma_wait3A_131 = tpu.memref_slice %arg5[%arg0, %add3A_53, %dma_wait3A_130] : memref<2x10240x128xf32, #tpu.memory_space<hbm>> -> memref<1x128x128xf32, #tpu.memory_space<hbm>>
      %dma_wait3A_132 = tpu.memref_squeeze %dma_wait3A_131 : memref<1x128x128xf32, #tpu.memory_space<hbm>> -> memref<128x128xf32, #tpu.memory_space<hbm>>
      tpu.wait_dma2 semaphore(%run_scoped3A_120 : memref<!tpu.dma_semaphore, #tpu.memory_space<semaphore_mem>>) src(%arg9 : memref<128x128xf32, #tpu.memory_space<vmem>>) dst(%dma_wait3A_132 : memref<128x128xf32, #tpu.memory_space<hbm>>)
      tpu.yield
    }) : () -> ()
    %mul3A_68 = arith.constant 640 : i32
    %mul3A_69 = arith.muli %arg1, %mul3A_68 : i32
    %add3A_70 = arith.constant 384 : i32
    %add3A_71 = arith.addi %mul3A_69, %add3A_70 : i32
    %dma_start3A_72 = arith.constant 3 : i32
    %dma_start3A_73 = arith.constant 0 : i32
    %dma_start3A_74 = tpu.memref_slice %arg8[%dma_start3A_72, %dma_start3A_73] : memref<6x128xi32, #tpu.memory_space<vmem>> -> memref<1x128xi32, #tpu.memory_space<vmem>>
    %dma_start3A_75 = tpu.memref_squeeze %dma_start3A_74 : memref<1x128xi32, #tpu.memory_space<vmem>> -> memref<128xi32, #tpu.memory_space<vmem>>
    %dma_start3A_76 = arith.constant 0 : i32
    %dma_start3A_77 = arith.constant 0 : i32
    %dma_start3A_78 = tpu.memref_slice %arg11[%dma_start3A_76, %dma_start3A_77] : memref<10240x128xf32, #tpu.memory_space<vmem_shared>> -> memref<10240x128xf32, #tpu.memory_space<vmem_shared>>
    tpu.enqueue_indirect_dma source(%dma_start3A_78 : memref<10240x128xf32, #tpu.memory_space<vmem_shared>>) target(%arg9 : memref<128x128xf32, #tpu.memory_space<vmem>>) offsets(%dma_start3A_75 : memref<128xi32, #tpu.memory_space<vmem>>) semaphore(%arg13 : memref<!tpu.dma_semaphore, #tpu.memory_space<semaphore_mem>>)
    %dma_wait3A_79 = arith.constant 3 : i32
    %dma_wait3A_80 = arith.constant 0 : i32
    %dma_wait3A_81 = tpu.memref_slice %arg8[%dma_wait3A_79, %dma_wait3A_80] : memref<6x128xi32, #tpu.memory_space<vmem>> -> memref<1x128xi32, #tpu.memory_space<vmem>>
    %dma_wait3A_82 = tpu.memref_squeeze %dma_wait3A_81 : memref<1x128xi32, #tpu.memory_space<vmem>> -> memref<128xi32, #tpu.memory_space<vmem>>
    %dma_wait3A_83 = arith.constant 0 : i32
    %dma_wait3A_84 = arith.constant 0 : i32
    %dma_wait3A_85 = tpu.memref_slice %arg11[%dma_wait3A_83, %dma_wait3A_84] : memref<10240x128xf32, #tpu.memory_space<vmem_shared>> -> memref<10240x128xf32, #tpu.memory_space<vmem_shared>>
    tpu.wait_indirect_dma semaphore(%arg13 : memref<!tpu.dma_semaphore, #tpu.memory_space<semaphore_mem>>) src(%dma_wait3A_85 : memref<10240x128xf32, #tpu.memory_space<vmem_shared>>) dst(%arg9 : memref<128x128xf32, #tpu.memory_space<vmem>>)
    "tpu.region"() ({
      %run_scoped3A_120 = tpu.sem_alloc : memref<!tpu.dma_semaphore, #tpu.memory_space<semaphore_mem>>
      %dma_start3A_121 = arith.constant 0 : i32
      %dma_start3A_122 = tpu.memref_slice %arg5[%arg0, %add3A_71, %dma_start3A_121] : memref<2x10240x128xf32, #tpu.memory_space<hbm>> -> memref<1x128x128xf32, #tpu.memory_space<hbm>>
      %dma_start3A_123 = tpu.memref_squeeze %dma_start3A_122 : memref<1x128x128xf32, #tpu.memory_space<hbm>> -> memref<128x128xf32, #tpu.memory_space<hbm>>
      %dma_start3A_124 = arith.constant 0 : i32
      %dma_start3A_125 = tpu.memref_slice %arg5[%arg0, %add3A_71, %dma_start3A_124] : memref<2x10240x128xf32, #tpu.memory_space<hbm>> -> memref<1x128x128xf32, #tpu.memory_space<hbm>>
      %dma_start3A_126 = tpu.memref_squeeze %dma_start3A_125 : memref<1x128x128xf32, #tpu.memory_space<hbm>> -> memref<128x128xf32, #tpu.memory_space<hbm>>
      tpu.enqueue_dma source(%arg9 : memref<128x128xf32, #tpu.memory_space<vmem>>) target(%dma_start3A_126 : memref<128x128xf32, #tpu.memory_space<hbm>>) target_semaphore(%run_scoped3A_120 : memref<!tpu.dma_semaphore, #tpu.memory_space<semaphore_mem>>)
      %dma_wait3A_127 = arith.constant 0 : i32
      %dma_wait3A_128 = tpu.memref_slice %arg5[%arg0, %add3A_71, %dma_wait3A_127] : memref<2x10240x128xf32, #tpu.memory_space<hbm>> -> memref<1x128x128xf32, #tpu.memory_space<hbm>>
      %dma_wait3A_129 = tpu.memref_squeeze %dma_wait3A_128 : memref<1x128x128xf32, #tpu.memory_space<hbm>> -> memref<128x128xf32, #tpu.memory_space<hbm>>
      %dma_wait3A_130 = arith.constant 0 : i32
      %dma_wait3A_131 = tpu.memref_slice %arg5[%arg0, %add3A_71, %dma_wait3A_130] : memref<2x10240x128xf32, #tpu.memory_space<hbm>> -> memref<1x128x128xf32, #tpu.memory_space<hbm>>
      %dma_wait3A_132 = tpu.memref_squeeze %dma_wait3A_131 : memref<1x128x128xf32, #tpu.memory_space<hbm>> -> memref<128x128xf32, #tpu.memory_space<hbm>>
      tpu.wait_dma2 semaphore(%run_scoped3A_120 : memref<!tpu.dma_semaphore, #tpu.memory_space<semaphore_mem>>) src(%arg9 : memref<128x128xf32, #tpu.memory_space<vmem>>) dst(%dma_wait3A_132 : memref<128x128xf32, #tpu.memory_space<hbm>>)
      tpu.yield
    }) : () -> ()
    %mul3A_86 = arith.constant 640 : i32
    %mul3A_87 = arith.muli %arg1, %mul3A_86 : i32
    %add3A_88 = arith.constant 512 : i32
    %add3A_89 = arith.addi %mul3A_87, %add3A_88 : i32
    %dma_start3A_90 = arith.constant 4 : i32
    %dma_start3A_91 = arith.constant 0 : i32
    %dma_start3A_92 = tpu.memref_slice %arg8[%dma_start3A_90, %dma_start3A_91] : memref<6x128xi32, #tpu.memory_space<vmem>> -> memref<1x128xi32, #tpu.memory_space<vmem>>
    %dma_start3A_93 = tpu.memref_squeeze %dma_start3A_92 : memref<1x128xi32, #tpu.memory_space<vmem>> -> memref<128xi32, #tpu.memory_space<vmem>>
    %dma_start3A_94 = arith.constant 0 : i32
    %dma_start3A_95 = arith.constant 0 : i32
    %dma_start3A_96 = tpu.memref_slice %arg11[%dma_start3A_94, %dma_start3A_95] : memref<10240x128xf32, #tpu.memory_space<vmem_shared>> -> memref<10240x128xf32, #tpu.memory_space<vmem_shared>>
    tpu.enqueue_indirect_dma source(%dma_start3A_96 : memref<10240x128xf32, #tpu.memory_space<vmem_shared>>) target(%arg9 : memref<128x128xf32, #tpu.memory_space<vmem>>) offsets(%dma_start3A_93 : memref<128xi32, #tpu.memory_space<vmem>>) semaphore(%arg13 : memref<!tpu.dma_semaphore, #tpu.memory_space<semaphore_mem>>)
    %dma_wait3A_97 = arith.constant 4 : i32
    %dma_wait3A_98 = arith.constant 0 : i32
    %dma_wait3A_99 = tpu.memref_slice %arg8[%dma_wait3A_97, %dma_wait3A_98] : memref<6x128xi32, #tpu.memory_space<vmem>> -> memref<1x128xi32, #tpu.memory_space<vmem>>
    %dma_wait3A_100 = tpu.memref_squeeze %dma_wait3A_99 : memref<1x128xi32, #tpu.memory_space<vmem>> -> memref<128xi32, #tpu.memory_space<vmem>>
    %dma_wait3A_101 = arith.constant 0 : i32
    %dma_wait3A_102 = arith.constant 0 : i32
    %dma_wait3A_103 = tpu.memref_slice %arg11[%dma_wait3A_101, %dma_wait3A_102] : memref<10240x128xf32, #tpu.memory_space<vmem_shared>> -> memref<10240x128xf32, #tpu.memory_space<vmem_shared>>
    tpu.wait_indirect_dma semaphore(%arg13 : memref<!tpu.dma_semaphore, #tpu.memory_space<semaphore_mem>>) src(%dma_wait3A_103 : memref<10240x128xf32, #tpu.memory_space<vmem_shared>>) dst(%arg9 : memref<128x128xf32, #tpu.memory_space<vmem>>)
    "tpu.region"() ({
      %run_scoped3A_120 = tpu.sem_alloc : memref<!tpu.dma_semaphore, #tpu.memory_space<semaphore_mem>>
      %dma_start3A_121 = arith.constant 0 : i32
      %dma_start3A_122 = tpu.memref_slice %arg5[%arg0, %add3A_89, %dma_start3A_121] : memref<2x10240x128xf32, #tpu.memory_space<hbm>> -> memref<1x128x128xf32, #tpu.memory_space<hbm>>
      %dma_start3A_123 = tpu.memref_squeeze %dma_start3A_122 : memref<1x128x128xf32, #tpu.memory_space<hbm>> -> memref<128x128xf32, #tpu.memory_space<hbm>>
      %dma_start3A_124 = arith.constant 0 : i32
      %dma_start3A_125 = tpu.memref_slice %arg5[%arg0, %add3A_89, %dma_start3A_124] : memref<2x10240x128xf32, #tpu.memory_space<hbm>> -> memref<1x128x128xf32, #tpu.memory_space<hbm>>
      %dma_start3A_126 = tpu.memref_squeeze %dma_start3A_125 : memref<1x128x128xf32, #tpu.memory_space<hbm>> -> memref<128x128xf32, #tpu.memory_space<hbm>>
      tpu.enqueue_dma source(%arg9 : memref<128x128xf32, #tpu.memory_space<vmem>>) target(%dma_start3A_126 : memref<128x128xf32, #tpu.memory_space<hbm>>) target_semaphore(%run_scoped3A_120 : memref<!tpu.dma_semaphore, #tpu.memory_space<semaphore_mem>>)
      %dma_wait3A_127 = arith.constant 0 : i32
      %dma_wait3A_128 = tpu.memref_slice %arg5[%arg0, %add3A_89, %dma_wait3A_127] : memref<2x10240x128xf32, #tpu.memory_space<hbm>> -> memref<1x128x128xf32, #tpu.memory_space<hbm>>
      %dma_wait3A_129 = tpu.memref_squeeze %dma_wait3A_128 : memref<1x128x128xf32, #tpu.memory_space<hbm>> -> memref<128x128xf32, #tpu.memory_space<hbm>>
      %dma_wait3A_130 = arith.constant 0 : i32
      %dma_wait3A_131 = tpu.memref_slice %arg5[%arg0, %add3A_89, %dma_wait3A_130] : memref<2x10240x128xf32, #tpu.memory_space<hbm>> -> memref<1x128x128xf32, #tpu.memory_space<hbm>>
      %dma_wait3A_132 = tpu.memref_squeeze %dma_wait3A_131 : memref<1x128x128xf32, #tpu.memory_space<hbm>> -> memref<128x128xf32, #tpu.memory_space<hbm>>
      tpu.wait_dma2 semaphore(%run_scoped3A_120 : memref<!tpu.dma_semaphore, #tpu.memory_space<semaphore_mem>>) src(%arg9 : memref<128x128xf32, #tpu.memory_space<vmem>>) dst(%dma_wait3A_132 : memref<128x128xf32, #tpu.memory_space<hbm>>)
      tpu.yield
    }) : () -> ()
    %dma_start3A_104 = arith.constant 5 : i32
    %dma_start3A_105 = arith.constant 0 : i32
    %dma_start3A_106 = tpu.memref_slice %arg8[%dma_start3A_104, %dma_start3A_105] : memref<6x128xi32, #tpu.memory_space<vmem>> -> memref<1x128xi32, #tpu.memory_space<vmem>>
    %dma_start3A_107 = tpu.memref_squeeze %dma_start3A_106 : memref<1x128xi32, #tpu.memory_space<vmem>> -> memref<128xi32, #tpu.memory_space<vmem>>
    %dma_start3A_108 = arith.constant 0 : i32
    %dma_start3A_109 = arith.constant 0 : i32
    %dma_start3A_110 = tpu.memref_slice %arg12[%dma_start3A_108, %dma_start3A_109] : memref<1280x128xf32, #tpu.memory_space<vmem_shared>> -> memref<1280x128xf32, #tpu.memory_space<vmem_shared>>
    tpu.enqueue_indirect_dma source(%dma_start3A_110 : memref<1280x128xf32, #tpu.memory_space<vmem_shared>>) target(%arg10 : memref<128x128xf32, #tpu.memory_space<vmem>>) offsets(%dma_start3A_107 : memref<128xi32, #tpu.memory_space<vmem>>) semaphore(%arg13 : memref<!tpu.dma_semaphore, #tpu.memory_space<semaphore_mem>>)
    %dma_wait3A_111 = arith.constant 5 : i32
    %dma_wait3A_112 = arith.constant 0 : i32
    %dma_wait3A_113 = tpu.memref_slice %arg8[%dma_wait3A_111, %dma_wait3A_112] : memref<6x128xi32, #tpu.memory_space<vmem>> -> memref<1x128xi32, #tpu.memory_space<vmem>>
    %dma_wait3A_114 = tpu.memref_squeeze %dma_wait3A_113 : memref<1x128xi32, #tpu.memory_space<vmem>> -> memref<128xi32, #tpu.memory_space<vmem>>
    %dma_wait3A_115 = arith.constant 0 : i32
    %dma_wait3A_116 = arith.constant 0 : i32
    %dma_wait3A_117 = tpu.memref_slice %arg12[%dma_wait3A_115, %dma_wait3A_116] : memref<1280x128xf32, #tpu.memory_space<vmem_shared>> -> memref<1280x128xf32, #tpu.memory_space<vmem_shared>>
    tpu.wait_indirect_dma semaphore(%arg13 : memref<!tpu.dma_semaphore, #tpu.memory_space<semaphore_mem>>) src(%dma_wait3A_117 : memref<1280x128xf32, #tpu.memory_space<vmem_shared>>) dst(%arg10 : memref<128x128xf32, #tpu.memory_space<vmem>>)
    %mul3A_118 = arith.constant 80 : i32
    %mul3A_119 = arith.muli %arg1, %mul3A_118 : i32
    "tpu.region"() ({
      %run_scoped3A_120 = tpu.sem_alloc : memref<!tpu.dma_semaphore, #tpu.memory_space<semaphore_mem>>
      %dma_start3A_121 = arith.constant 0 : i32
      %dma_start3A_122 = arith.constant 0 : i32
      %dma_start3A_123 = tpu.memref_slice %arg10[%dma_start3A_121, %dma_start3A_122] : memref<128x128xf32, #tpu.memory_space<vmem>> -> memref<80x128xf32, #tpu.memory_space<vmem>>
      %dma_start3A_124 = arith.constant 0 : i32
      %dma_start3A_125 = tpu.memref_slice %arg6[%arg0, %mul3A_119, %dma_start3A_124] : memref<2x1280x128xf32, #tpu.memory_space<hbm>> -> memref<1x80x128xf32, #tpu.memory_space<hbm>>
      %dma_start3A_126 = tpu.memref_squeeze %dma_start3A_125 : memref<1x80x128xf32, #tpu.memory_space<hbm>> -> memref<80x128xf32, #tpu.memory_space<hbm>>
      %dma_start3A_127 = arith.constant 0 : i32
      %dma_start3A_128 = tpu.memref_slice %arg6[%arg0, %mul3A_119, %dma_start3A_127] : memref<2x1280x128xf32, #tpu.memory_space<hbm>> -> memref<1x80x128xf32, #tpu.memory_space<hbm>>
      %dma_start3A_129 = tpu.memref_squeeze %dma_start3A_128 : memref<1x80x128xf32, #tpu.memory_space<hbm>> -> memref<80x128xf32, #tpu.memory_space<hbm>>
      %dma_start3A_130 = arith.constant 0 : i32
      %dma_start3A_131 = arith.constant 0 : i32
      %dma_start3A_132 = tpu.memref_slice %arg10[%dma_start3A_130, %dma_start3A_131] : memref<128x128xf32, #tpu.memory_space<vmem>> -> memref<80x128xf32, #tpu.memory_space<vmem>>
      tpu.enqueue_dma source(%dma_start3A_132 : memref<80x128xf32, #tpu.memory_space<vmem>>) target(%dma_start3A_129 : memref<80x128xf32, #tpu.memory_space<hbm>>) target_semaphore(%run_scoped3A_120 : memref<!tpu.dma_semaphore, #tpu.memory_space<semaphore_mem>>)
      %dma_wait3A_133 = arith.constant 0 : i32
      %dma_wait3A_134 = arith.constant 0 : i32
      %dma_wait3A_135 = tpu.memref_slice %arg10[%dma_wait3A_133, %dma_wait3A_134] : memref<128x128xf32, #tpu.memory_space<vmem>> -> memref<80x128xf32, #tpu.memory_space<vmem>>
      %dma_wait3A_136 = arith.constant 0 : i32
      %dma_wait3A_137 = tpu.memref_slice %arg6[%arg0, %mul3A_119, %dma_wait3A_136] : memref<2x1280x128xf32, #tpu.memory_space<hbm>> -> memref<1x80x128xf32, #tpu.memory_space<hbm>>
      %dma_wait3A_138 = tpu.memref_squeeze %dma_wait3A_137 : memref<1x80x128xf32, #tpu.memory_space<hbm>> -> memref<80x128xf32, #tpu.memory_space<hbm>>
      %dma_wait3A_139 = arith.constant 0 : i32
      %dma_wait3A_140 = tpu.memref_slice %arg6[%arg0, %mul3A_119, %dma_wait3A_139] : memref<2x1280x128xf32, #tpu.memory_space<hbm>> -> memref<1x80x128xf32, #tpu.memory_space<hbm>>
      %dma_wait3A_141 = tpu.memref_squeeze %dma_wait3A_140 : memref<1x80x128xf32, #tpu.memory_space<hbm>> -> memref<80x128xf32, #tpu.memory_space<hbm>>
      %dma_wait3A_142 = arith.constant 0 : i32
      %dma_wait3A_143 = arith.constant 0 : i32
      %dma_wait3A_144 = tpu.memref_slice %arg10[%dma_wait3A_142, %dma_wait3A_143] : memref<128x128xf32, #tpu.memory_space<vmem>> -> memref<80x128xf32, #tpu.memory_space<vmem>>
      tpu.wait_dma2 semaphore(%run_scoped3A_120 : memref<!tpu.dma_semaphore, #tpu.memory_space<semaphore_mem>>) src(%dma_wait3A_144 : memref<80x128xf32, #tpu.memory_space<vmem>>) dst(%dma_wait3A_141 : memref<80x128xf32, #tpu.memory_space<hbm>>)
      tpu.yield
    }) : () -> ()
    return
  }
}

module attributes {stable_mosaic.version = 14 : i64} {
  func.func @_tc_body(%arg0: memref<10000x128xf32, #tpu.memory_space<vmem>>, %arg1: memref<2x10240x128xf32, #tpu.memory_space<vmem>>, %arg2: memref<2x10000x16xf32, #tpu.memory_space<vmem>>, %arg3: memref<128x128xf32, #tpu.memory_space<vmem>>, %arg4: memref<1x128xf32, #tpu.memory_space<vmem>>, %arg5: memref<128x128xf32, #tpu.memory_space<vmem>>, %arg6: memref<128x128xf32, #tpu.memory_space<vmem>>, %arg7: memref<1x128xf32, #tpu.memory_space<vmem>>, %arg8: memref<1x128xf32, #tpu.memory_space<vmem>>, %arg9: memref<1x128xf32, #tpu.memory_space<vmem>>, %arg10: memref<1x128xf32, #tpu.memory_space<vmem>>, %arg11: memref<128x128xf32, #tpu.memory_space<vmem>>, %arg12: memref<1x128xf32, #tpu.memory_space<vmem>>, %arg13: memref<10000x128xf32, #tpu.memory_space<vmem>>) attributes {dimension_semantics = [], scalar_prefetch = 0 : i64, scratch_operands = 0 : i64, tpu.core_type = #tpu.core_type<tc>} {
    %get3A = arith.constant 0 : index
    %get3A_0 = arith.constant 0 : index
    %get3A_1 = vector.load %arg0[%get3A, %get3A_0] : memref<10000x128xf32, #tpu.memory_space<vmem>>, vector<10000x128xf32>
    %get3A_2 = arith.constant 0 : index
    %get3A_3 = arith.constant 0 : index
    %get3A_4 = arith.constant 0 : index
    %get3A_5 = vector.load %arg1[%get3A_2, %get3A_3, %get3A_4] : memref<2x10240x128xf32, #tpu.memory_space<vmem>>, vector<1x10000x128xf32>
    %get3A_6 = vector.shape_cast %get3A_5 : vector<1x10000x128xf32> to vector<10000x128xf32>
    %get3A_7 = arith.constant 1 : index
    %get3A_8 = arith.constant 0 : index
    %get3A_9 = arith.constant 0 : index
    %get3A_10 = vector.load %arg1[%get3A_7, %get3A_8, %get3A_9] : memref<2x10240x128xf32, #tpu.memory_space<vmem>>, vector<1x10000x128xf32>
    %get3A_11 = vector.shape_cast %get3A_10 : vector<1x10000x128xf32> to vector<10000x128xf32>
    %add3A = arith.addf %get3A_6, %get3A_11 : vector<10000x128xf32>
    %get3A_12 = arith.constant 0 : index
    %get3A_13 = arith.constant 0 : index
    %get3A_14 = arith.constant 0 : index
    %get3A_15 = vector.load %arg2[%get3A_12, %get3A_13, %get3A_14] : memref<2x10000x16xf32, #tpu.memory_space<vmem>>, vector<1x10000x1xf32>
    %get3A_16 = vector.shape_cast %get3A_15 : vector<1x10000x1xf32> to vector<10000x1xf32>
    %get3A_17 = arith.constant 1 : index
    %get3A_18 = arith.constant 0 : index
    %get3A_19 = arith.constant 0 : index
    %get3A_20 = vector.load %arg2[%get3A_17, %get3A_18, %get3A_19] : memref<2x10000x16xf32, #tpu.memory_space<vmem>>, vector<1x10000x1xf32>
    %get3A_21 = vector.shape_cast %get3A_20 : vector<1x10000x1xf32> to vector<10000x1xf32>
    %add3A_22 = arith.addf %get3A_16, %get3A_21 : vector<10000x1xf32>
    %get3A_23 = arith.constant 0 : index
    %get3A_24 = arith.constant 0 : index
    %get3A_25 = vector.load %arg3[%get3A_23, %get3A_24] : memref<128x128xf32, #tpu.memory_space<vmem>>, vector<128x128xf32>
    %dot_general3A = arith.constant dense<0.000000e+00> : vector<10000x128xf32>
    %dot_general3A_26 = tpu.matmul %add3A, %get3A_25, %dot_general3A {dimension_numbers = #tpu.dot_dimension_numbers<[1], [0], [0], [1], [0, 0, 1, 1], [], []>, transpose_lhs_hint = false} : vector<10000x128xf32>, vector<128x128xf32>, vector<10000x128xf32> -> vector<10000x128xf32>
    %get3A_27 = arith.constant 0 : index
    %get3A_28 = arith.constant 0 : index
    %get3A_29 = vector.load %arg4[%get3A_27, %get3A_28] : memref<1x128xf32, #tpu.memory_space<vmem>>, vector<1x128xf32>
    %mul3A = vector.broadcast %add3A_22 : vector<10000x1xf32> to vector<10000x128xf32>
    %mul3A_30 = vector.broadcast %get3A_29 : vector<1x128xf32> to vector<10000x128xf32>
    %mul3A_31 = arith.mulf %mul3A, %mul3A_30 : vector<10000x128xf32>
    %add3A_32 = arith.addf %dot_general3A_26, %mul3A_31 : vector<10000x128xf32>
    %get3A_33 = arith.constant 0 : index
    %get3A_34 = arith.constant 0 : index
    %get3A_35 = vector.load %arg5[%get3A_33, %get3A_34] : memref<128x128xf32, #tpu.memory_space<vmem>>, vector<128x128xf32>
    %dot_general3A_36 = arith.constant dense<0.000000e+00> : vector<10000x128xf32>
    %dot_general3A_37 = tpu.matmul %get3A_1, %get3A_35, %dot_general3A_36 {dimension_numbers = #tpu.dot_dimension_numbers<[1], [0], [0], [1], [0, 0, 1, 1], [], []>, transpose_lhs_hint = false} : vector<10000x128xf32>, vector<128x128xf32>, vector<10000x128xf32> -> vector<10000x128xf32>
    %mul3A_38 = vector.broadcast %add3A_22 : vector<10000x1xf32> to vector<10000x128xf32>
    %mul3A_39 = arith.mulf %mul3A_38, %dot_general3A_37 : vector<10000x128xf32>
    %sub3A = arith.subf %add3A_32, %mul3A_39 : vector<10000x128xf32>
    %get3A_40 = arith.constant 0 : index
    %get3A_41 = arith.constant 0 : index
    %get3A_42 = vector.load %arg6[%get3A_40, %get3A_41] : memref<128x128xf32, #tpu.memory_space<vmem>>, vector<128x128xf32>
    %dot_general3A_43 = arith.constant dense<0.000000e+00> : vector<10000x128xf32>
    %dot_general3A_44 = tpu.matmul %get3A_1, %get3A_42, %dot_general3A_43 {dimension_numbers = #tpu.dot_dimension_numbers<[1], [0], [0], [1], [0, 0, 1, 1], [], []>, transpose_lhs_hint = false} : vector<10000x128xf32>, vector<128x128xf32>, vector<10000x128xf32> -> vector<10000x128xf32>
    %add3A_45 = arith.addf %sub3A, %dot_general3A_44 : vector<10000x128xf32>
    %get3A_46 = arith.constant 0 : index
    %get3A_47 = arith.constant 0 : index
    %get3A_48 = vector.load %arg7[%get3A_46, %get3A_47] : memref<1x128xf32, #tpu.memory_space<vmem>>, vector<1x128xf32>
    %add3A_49 = vector.broadcast %get3A_48 : vector<1x128xf32> to vector<10000x128xf32>
    %add3A_50 = arith.addf %add3A_45, %add3A_49 : vector<10000x128xf32>
    %reduce_sum3A = arith.constant dense<0.000000e+00> : vector<128xf32>
    %reduce_sum3A_51 = vector.multi_reduction <add>, %add3A_50, %reduce_sum3A [0] : vector<10000x128xf32> to vector<128xf32>
    %broadcast_in_dim3A = vector.shape_cast %reduce_sum3A_51 : vector<128xf32> to vector<1x128xf32>
    %div3A = arith.constant 1.000000e+04 : f32
    %div3A_52 = vector.broadcast %div3A : f32 to vector<1x128xf32>
    %div3A_53 = arith.divf %broadcast_in_dim3A, %div3A_52 : vector<1x128xf32>
    %get3A_54 = arith.constant 0 : index
    %get3A_55 = arith.constant 0 : index
    %get3A_56 = vector.load %arg10[%get3A_54, %get3A_55] : memref<1x128xf32, #tpu.memory_space<vmem>>, vector<1x128xf32>
    %mul3A_57 = arith.mulf %div3A_53, %get3A_56 : vector<1x128xf32>
    %sub3A_58 = vector.broadcast %mul3A_57 : vector<1x128xf32> to vector<10000x128xf32>
    %sub3A_59 = arith.subf %add3A_50, %sub3A_58 : vector<10000x128xf32>
    %mul3A_60 = arith.mulf %sub3A_59, %sub3A_59 : vector<10000x128xf32>
    %reduce_sum3A_61 = arith.constant dense<0.000000e+00> : vector<128xf32>
    %reduce_sum3A_62 = vector.multi_reduction <add>, %mul3A_60, %reduce_sum3A_61 [0] : vector<10000x128xf32> to vector<128xf32>
    %broadcast_in_dim3A_63 = vector.shape_cast %reduce_sum3A_62 : vector<128xf32> to vector<1x128xf32>
    %div3A_64 = arith.constant 1.000000e+04 : f32
    %div3A_65 = vector.broadcast %div3A_64 : f32 to vector<1x128xf32>
    %div3A_66 = arith.divf %broadcast_in_dim3A_63, %div3A_65 : vector<1x128xf32>
    %add3A_67 = arith.constant 9.99999974E-6 : f32
    %add3A_68 = vector.broadcast %add3A_67 : f32 to vector<1x128xf32>
    %add3A_69 = arith.addf %div3A_66, %add3A_68 : vector<1x128xf32>
    %rsqrt3A = math.rsqrt %add3A_69 : vector<1x128xf32>
    %mul3A_70 = vector.broadcast %rsqrt3A : vector<1x128xf32> to vector<10000x128xf32>
    %mul3A_71 = arith.mulf %sub3A_59, %mul3A_70 : vector<10000x128xf32>
    %get3A_72 = arith.constant 0 : index
    %get3A_73 = arith.constant 0 : index
    %get3A_74 = vector.load %arg8[%get3A_72, %get3A_73] : memref<1x128xf32, #tpu.memory_space<vmem>>, vector<1x128xf32>
    %mul3A_75 = vector.broadcast %get3A_74 : vector<1x128xf32> to vector<10000x128xf32>
    %mul3A_76 = arith.mulf %mul3A_71, %mul3A_75 : vector<10000x128xf32>
    %get3A_77 = arith.constant 0 : index
    %get3A_78 = arith.constant 0 : index
    %get3A_79 = vector.load %arg9[%get3A_77, %get3A_78] : memref<1x128xf32, #tpu.memory_space<vmem>>, vector<1x128xf32>
    %add3A_80 = vector.broadcast %get3A_79 : vector<1x128xf32> to vector<10000x128xf32>
    %add3A_81 = arith.addf %mul3A_76, %add3A_80 : vector<10000x128xf32>
    %max3A = arith.constant 0.000000e+00 : f32
    %max3A_82 = vector.broadcast %max3A : f32 to vector<10000x128xf32>
    %max3A_83 = arith.maximumf %add3A_81, %max3A_82 : vector<10000x128xf32>
    %get3A_84 = arith.constant 0 : index
    %get3A_85 = arith.constant 0 : index
    %get3A_86 = vector.load %arg11[%get3A_84, %get3A_85] : memref<128x128xf32, #tpu.memory_space<vmem>>, vector<128x128xf32>
    %dot_general3A_87 = arith.constant dense<0.000000e+00> : vector<10000x128xf32>
    %dot_general3A_88 = tpu.matmul %get3A_1, %get3A_86, %dot_general3A_87 {dimension_numbers = #tpu.dot_dimension_numbers<[1], [0], [0], [1], [0, 0, 1, 1], [], []>, transpose_lhs_hint = false} : vector<10000x128xf32>, vector<128x128xf32>, vector<10000x128xf32> -> vector<10000x128xf32>
    %get3A_89 = arith.constant 0 : index
    %get3A_90 = arith.constant 0 : index
    %get3A_91 = vector.load %arg12[%get3A_89, %get3A_90] : memref<1x128xf32, #tpu.memory_space<vmem>>, vector<1x128xf32>
    %add3A_92 = vector.broadcast %get3A_91 : vector<1x128xf32> to vector<10000x128xf32>
    %add3A_93 = arith.addf %dot_general3A_88, %add3A_92 : vector<10000x128xf32>
    %add3A_94 = arith.addf %add3A_93, %max3A_83 : vector<10000x128xf32>
    %swap3A = arith.constant 0 : index
    %swap3A_95 = arith.constant 0 : index
    %swap3A_96 = vector.load %arg13[%swap3A, %swap3A_95] : memref<10000x128xf32, #tpu.memory_space<vmem>>, vector<10000x128xf32>
    tpu.vector_store %arg13[%swap3A, %swap3A_95], %add3A_94 {strides = array<i32>} : memref<10000x128xf32, #tpu.memory_space<vmem>>, vector<10000x128xf32>,
    return
  }
}

</mosaic_0001>

<sc_bundles>
// kernel: gather_offload_async_start.1
scs
__scs_entry_jumppad:
0x0: {  	(pc) =	sbr.rel $0x88, $3  }
0x1: {  	(tag) =	ssettag $0x0;
	lr =	simm.s32 $0x1  }
0x2: {  	[smem:$0x3F94] =	sst lr;
	_ =	strace $0xD0000000  }
0x3: {  	_ = 	snop  }
0x4: {  	_ = 	snop  }
0x5: {  	_ = 	snop  }
0x6: {  	_ = 	snop  }
0x7: {  	_ = 	snop  }
__scs_overlays_trampoline_lowered:
0x8: {  	[smem:$0x3FA3] =	sst s0  }
0x9: {  	[smem:$0x3FA4] =	sst s1  }
0xa: {  	[smem:$0x3FA5] =	sst s2  }
0xb: {  	[smem:$0x3FA6] =	sst s3  }
0xc: {  	[smem:$0x3FA7] =	sst s4  }
0xd: {  	[smem:$0x3FA8] =	sst s5  }
0xe: {  	[smem:$0x3FA9] =	sst s6  }
0xf: {  	[smem:$0x3FAA] =	sst s7  }
0x10: {  	[smem:$0x3FAB] =	sst s8  }
0x11: {  	[smem:$0x3FAC] =	sst s9;
	s0 =	simm.s32 @!p0 $0x0  }
0x12: {  	s1 =	sld [smem:$0x3F92];
	s0 =	simm.s32 @p0 $0x1  }
0x13: {  	[smem:$0x3FAD] =	sst s0;
	s0 =	simm.s32 @!p1 $0x0  }
0x14: {  	s2 =	sld [smem:$0x3F91];
	s0 =	simm.s32 @p1 $0x1  }
0x15: {  	[smem:$0x3FAE] =	sst s0;
	s0 =	simm.s32 @!p2 $0x0  }
0x16: {  	s3 =	sld [smem:$0x3FDB];
	s0 =	simm.s32 @p2 $0x1  }
0x17: {  	s4 =	simm.s32 $0x1BF5;
	[smem:$0x3FB0] =	sst s0  }
0x18: {  	s0 =	sld [smem:$0x3F93];
	_ =	swait.ge [sflag:s4], $0x0  }
0x19: {  	s7 =	sld [smem:$0x3F94]  }
0x1a: {  	s8 =	sadd.s32 $0xFFFFE003, lr  }
0x1b: {  	s9 =	sadd.s32 $0xFFFFFEF7, lr;
	s5 =	simm.s32 $0xFFFFFFFF;
	p2 =	slt.u32 s8, $0xFFFFF086  }
0x1c: {  	p1 =	slt.u32 s9, $0xF7A;
	s5 =	simm.s32 @!p2 $0x0  }
0x1d: {  	s5 =	simm.s32 @p1 $0x1;
	p0 =	seq.s32 s7, s2  }
0x1e: {  	s7 =	smul.u32 @!p0 $0xF7A, s2;
	p2 =	seq.s32 @!p0 s5, $0x0  }
0x1f: {  	s9 =	smul.u32 $0xF7A, s1;
	s8 =	simm.s32 @!p0 $0x1BF5;
	p2 =	por !p2, p0  }
0x20: {  	[sflag:s8] =	ssyncset.s32 @!p0 $0xFFFFF086;
	s6 =	sadd.s32 @!p0 s3, s7;
	s7 =	simm.s32 @!p0 $0x108  }
0x21: {  	s3 =	sadd.s32 s3, s9;
	s6 =	sadd.s32 @!p0 $0x88, s6;
	s7 =	simm.s32 @p2 $0x1082  }
0x22: {  	[simem:s7], [sflag:s8] =	dma.local @!p0 [hbm:s6], $0xF7A  }
0x23: {  	s9 =	sor.u32 $0xD0000000, s2;
	s6 =	simm.s32 $0x108;
	_ =	swait.ge @!p0 [sflag:s8], $0x0  }
0x24: {  	s3 =	sadd.s32 $0x88, s3;
	s6 =	simm.s32 @!p1 $0x1082;
	[sflag:s4] =	ssyncset.s32 $0xFFFFF086  }
0x25: {  	[simem:s6], [sflag:s4] =	dma.local [hbm:s3], $0xF7A  }
0x26: {  	[smem:$0x3F94] =	sst s1;
	(tag) =	ssettag s2;
	_ =	strace s9  }
0x27: {  	s1 =	sld [smem:$0x3FA4]  }
0x28: {  	s2 =	sld [smem:$0x3FA5]  }
0x29: {  	s4 =	sld [smem:$0x3FA7]  }
0x2a: {  	p0 =	seq.s32 s5, $0x0;
	s5 =	sld [smem:$0x3FA8]  }
0x2b: {  	s6 =	sld [smem:$0x3FA9]  }
0x2c: {  	s7 =	sld [smem:$0x3FAA]  }
0x2d: {  	s3 =	simm.s32 $0x108;
	s8 =	sld [smem:$0x3FAB]  }
0x2e: {  	s3 =	simm.s32 @!p0 $0x1082;
	s9 =	sld [smem:$0x3FAC]  }
0x2f: {  	lr =	sadd.s32 s0, s3;
	s0 =	sld [smem:$0x3FA3]  }
0x30: {  	s3 =	sld [smem:$0x3FA6]  }
0x31: {  	[smem:$0x3FAF] =	sst s10  }
0x32: {  	s10 =	sld [smem:$0x3FAD];
	_ =	sdelay $0x3  }
0x33: {  	p0 =	seq.s32 s10, $0x1;
	s10 =	sld [smem:$0x3FAF];
	_ =	sdelay $0x3  }
0x34: {  	[smem:$0x3FAF] =	sst s10  }
0x35: {  	s10 =	sld [smem:$0x3FAE];
	_ =	sdelay $0x3  }
0x36: {  	p1 =	seq.s32 s10, $0x1;
	s10 =	sld [smem:$0x3FAF];
	_ =	sdelay $0x3  }
0x37: {  	[smem:$0x3FAF] =	sst s10  }
0x38: {  	s10 =	sld [smem:$0x3FB0]  }
0x39: {  	_ = 	snop;
	(pc) =	sbr.ind lr, $3  }
0x3a: {  	_ = 	snop  }
0x3b: {  	_ = 	snop  }
0x3c: {  	p2 =	seq.s32 s10, $0x1;
	s10 =	sld [smem:$0x3FAF]  }
0x3d: {  	_ =	shalt  }
0x3e: {  	_ =	shalt  }
0x3f: {  	_ =	shalt  }
0x40: {  	_ =	shalt  }
0x41: {  	_ =	shalt  }
0x42: {  	_ =	shalt  }
0x43: {  	_ =	shalt  }
0x44: {  	_ =	shalt  }
0x45: {  	_ =	shalt  }
0x46: {  	_ =	shalt  }
0x47: {  	_ =	shalt  }
0x48: {  	_ =	shalt  }
0x49: {  	_ =	shalt  }
0x4a: {  	_ =	shalt  }
0x4b: {  	_ =	shalt  }
0x4c: {  	_ =	shalt  }
0x4d: {  	_ =	shalt  }
0x4e: {  	_ =	shalt  }
0x4f: {  	_ =	shalt  }
0x50: {  	_ =	shalt  }
0x51: {  	_ =	shalt  }
0x52: {  	_ =	shalt  }
0x53: {  	_ =	shalt  }
0x54: {  	_ =	shalt  }
0x55: {  	_ =	shalt  }
0x56: {  	_ =	shalt  }
0x57: {  	_ =	shalt  }
0x58: {  	_ =	shalt  }
0x59: {  	_ =	shalt  }
0x5a: {  	_ =	shalt  }
0x5b: {  	_ =	shalt  }
0x5c: {  	_ =	shalt  }
0x5d: {  	_ =	shalt  }
0x5e: {  	_ =	shalt  }
0x5f: {  	_ =	shalt  }
0x60: {  	_ =	shalt  }
0x61: {  	_ =	shalt  }
0x62: {  	_ =	shalt  }
0x63: {  	_ =	shalt  }
0x64: {  	_ =	shalt  }
0x65: {  	_ =	shalt  }
0x66: {  	_ =	shalt  }
0x67: {  	_ =	shalt  }
0x68: {  	_ =	shalt  }
0x69: {  	_ =	shalt  }
0x6a: {  	_ =	shalt  }
0x6b: {  	_ =	shalt  }
0x6c: {  	_ =	shalt  }
0x6d: {  	_ =	shalt  }
0x6e: {  	_ =	shalt  }
0x6f: {  	_ =	shalt  }
0x70: {  	_ =	shalt  }
0x71: {  	_ =	shalt  }
0x72: {  	_ =	shalt  }
0x73: {  	_ =	shalt  }
0x74: {  	_ =	shalt  }
0x75: {  	_ =	shalt  }
0x76: {  	_ =	shalt  }
0x77: {  	_ =	shalt  }
0x78: {  	_ =	shalt  }
0x79: {  	_ =	shalt  }
0x7a: {  	_ =	shalt  }
0x7b: {  	_ =	shalt  }
0x7c: {  	_ =	shalt  }
0x7d: {  	_ =	shalt  }
0x7e: {  	_ =	shalt  }
0x7f: {  	_ =	shalt  }
0x80: {  	_ =	shalt  }
0x81: {  	_ =	shalt  }
0x82: {  	_ =	shalt  }
0x83: {  	_ =	shalt  }
0x84: {  	_ =	shalt  }
0x85: {  	_ =	shalt  }
0x86: {  	_ =	shalt  }
0x87: {  	_ =	shalt  }
.Lfunc_end0:
.L_simem_size_0:
called_computation.1_lowered:
.L_overlay_start_0:
0x88: {  	s2 =	sld [smem:$0x3FD9]  }
0x89: {  	s3 =	sld [smem:$0x3FFE];
	_ =	sdelay $0x1  }
0x8a: {  	s1 =	srdreg.scid  }
0x8b: {  	s0 =	sand.u32 $0x1, s1  }
0x8c: {  	s16 =	sshll.u32 s0, $0xA;
	s2 =	sadd.s32 s3, s2  }
0x8d: {  	s2 =	sadd.s32 s2, s16  }
0x8e: {  	[smem:$0x3FBB] =	sst s2  }
0x8f: {  	_ = 	snop  }
0x90: {  	(tm) =	ssettm $0x1  }
0x91: {  	s17 =	sld [smem:$0x3FFB];
	_ =	sdelay $0x3  }
0x92: {  	_ =	strace s17  }
0x93: {  	s2 =	sld [smem:$0x3FFC];
	_ =	sdelay $0x3  }
0x94: {  	_ =	strace s2  }
0x95: {  	s2 =	sld [smem:$0x3FFD];
	_ =	sdelay $0x3  }
0x96: {  	_ =	strace s2  }
0x97: {  	_ =	strace $0x8FFFFFFF  }
0x98: {  	s18 =	sld [smem:$0x3FDB];
	_ =	sdelay $0x1  }
0x99: {  	s19 =	simm.s32 $_scs_section_size  }
0x9a: {  	s4 =	simm.s32 $_size__tile_overlayer_lowered;
	s5 =	simm.s32 $_tile_overlayer_lowered  }
0x9b: {  	s22 =	simm.s32 $0x1BFF;
	s21 =	sshll.u32 s5, $0x1;
	s2 =	sadd.s32 s19, s18  }
0x9c: {  	s6 =	simm.s32 $0x0;
	s20 =	sshll.u32 s4, $0x1;
	s4 =	sadd.s32 s21, s2  }
0x9d: {  	[timem:s6], [sflag:s22] =	dma.local [hbm:s4], s20  }
0x9e: {  	_ =	swait.ge [sflag:s22], s20  }
0x9f: {  	s3 =	ssub.s32 $0x0, s20;
	[sflag:s22] =	ssyncset.done $0x0  }
0xa0: {  	[sflag:s22] =	ssyncadd.s32 s3;
	_ =	sdelay $0x1  }
0xa1: {  	s23 =	simm.s32 $0x1B8B  }
0xa2: {  	_ =	swait.ge [sflag:s23], $0x1  }
0xa3: {  	[sflag:s23] =	ssyncset.done $0x0  }
0xa4: {  	s25 =	simm.s32 $0x1B8E;
	s24 =	sld [smem:$0x3FFE];
	[sflag:s23] =	ssyncadd.s32 $0xFFFFFFFF  }
0xa5: {  	s26 =	simm.s32 $execute0_lowered;
	[smem:$0x3FD2] =	sst s25  }
0xa6: {  	s4 =	sshll.u32 s26, $0x1;
	_ =	strace $0x80000049;
	[dreg:$0x1] =	wrdreg $0xFFFFFFFF  }
0xa7: {  	s28 =	simm.s32 $_size_execute0_lowered;
	s2 =	sadd.s32 s2, s4;
	[dreg:$0x0] =	wrdreg $0x0  }
0xa8: {  	s4 =	sshll.u32 s28, $0x1;
	[dreg:$0x2] =	wrdreg s2  }
0xa9: {  	[dreg:$0x3] =	wrdreg s4  }
0xaa: {  	[dreg:$0x4] =	wrdreg $0xC0  }
0xab: {  	_ =	task [dreg:s6], $0x5FFFF  }
0xac: {  	[dreg:$0x1] =	wrdreg $0xFFFFFFFF  }
0xad: {  	[dreg:$0x0] =	wrdreg $0x60  }
0xae: {  	[dreg:$0x2] =	wrdreg s24  }
0xaf: {  	[dreg:$0x3] =	wrdreg $0x9  }
0xb0: {  	_ =	task.clear_ibuf [dreg:s6], $0x4FFFF;
	_ =	strace $0x90000049  }
0xb1: {  	s29 =	simm.s32 $0x9;
	_ =	strace $0x8000004B  }
0xb2: {  	_ =	swait.ge [sflag:s29], $0x1  }
0xb3: {  	[sflag:s29] =	ssyncadd.s32 $0xFFFFFFFF  }
0xb4: {  	_ =	strace $0x9000004B  }
0xb5: {  	_ =	sfence  }
0xb6: {  	s30 =	sld [smem:$0x0];
	_ =	sdelay $0x2  }
0xb7: {  	s31 =	sshll.u32 s1, $0xD;
	s1 =	sshrl.u32 s1, $0x2  }
0xb8: {  	s3 =	sand.u32 $0x4000, s31;
	s1 =	sadd.s32 s1, s30  }
0xb9: {  	s0 =	sor.u32 s3, s0;
	s1 =	sshll.u32 s1, $0x11  }
0xba: {  	s0 =	sor.u32 s1, s0  }
0xbb: {  	s0 =	sadd.s32 $0x8F2B, s0  }
0xbc: {  	[sflag:s0] =	ssyncadd.remote.s32 $0x1  }
0xbd: {  	_ =	sfence.sel $0xFFFF  }
0xbe: {  	[dreg:$0x0] =	wrdreg $0xFFFFFFFF;
	(pc) =	sbr.abs _section_cstart, $3  }
0xbf: {  	[dreg:$0x1] =	wrdreg $0xFFFFFFFF  }
0xc0: {  	_ =	task.clear_ibuf [dreg:s6], $0x2FFFF;
	_ =	strace $0x9FFFFFFF  }
0xc1: {  	(tm) =	ssettm $0x7FFFFFFF  }
tec
execute0_lowered:
.L_overlay_start_1:
0x0: {  	(tag) =	ssettag $0x1  }
0x1: {  	s0 =	stileid.u32;
	s1 =	srdreg.scid  }
0x2: {  	s1 =	sand.u32 $0x1, s1;
	s2 =	sshll.u32 s0, $0x1  }
0x3: {  	s1 =	sor.u32 s2, s1  }
0x4: {  	s2 =	smul.u32 $0x13C0, s1;
	_ =	sdelay $0x1  }
0x5: {  	s6 =	ssub.s32 $0x4F000, s2  }
0x6: {  	s31 =	smulhi.u32 $0x19EC9, s6  }
0x7: {  	s8 =	rddreg [dreg:$0x0];
	s5 =	simm.s32 $0x1;
	s10 =	simm.s32 $0x3  }
0x8: {  	s13 =	simm.s32 $0x0;
	s12 =	simm.s32 $0x0;
	s7 =	sshrl.u32 s31, $0x2  }
0x9: {  	s3 =	sadd.s32 $0xC600, s8;
	s4 =	sadd.s32 $0x16400, s8;
	s9 =	smul.u32 $0x27800, s7  }
.Ltmp0:
0xa: {  	s8 =	sadd.s32 $0x20A00, s8;
	s1 =	rddreg [dreg:$0x1];
	(pc) =	sbr.rel .LBB2_1-.Ltmp0, $4  }
0xb: {  	_ =	strace $0x8000004A;
	p0 =	sne.s32 s6, s9;
	s9 =	simm.s32 $0x1  }
0xc: {  	[sflag:s5] =	ssyncpa.u1 $0x0;
	s6 =	simm.s32 $0x2;
	s9 =	simm.s32 @!p0 $0x0  }
0xd: {  	s11 =	smov.u32 s2;
	[sflag:s6] =	ssyncpa.u1 $0x0;
	s7 =	sadd.s32 s9, s7  }
0xe: {  	vm0 =	vmmov $0xffff;
	[sflag:s10] =	ssyncpa.u1 $0x0;
	s10 =	simm.s32 $0x0;
	s9 =	sadd.s32 $0x1, s7  }
.LBB2_4:
0xf: {  	v2 =	vnsel vm1, $0x0, v2  }
0x10: {  	vm1 =	vgt.s32 v0, $0x0;
	v2 =	vmin.u32 v2, $0x4EFFF  }
0x11: {  	v0 =	vnsel vm1, $0x0, v0  }
0x12: {  	v0 =	vmin.u32 v0, $0x4EFFF  }
0x13: {  	[tilespmem:s18], [sflag:$0x1] =	stream.indirect_vreg.gather [hbm4b:s3+s10], $0x1, v1, vm0, $0x4038;
	[tilespmem:$0x4F00] =	vst v63  }
0x14: {  	(ifvalue) =	ssetifvalue $0x7FFFFFFF  }
0x15: {  	[tilespmem:s15], [sflag:$0x1] =	stream.indirect_vreg.gather [hbm4b:s3+s10], $0x1, v2, vm0, $0x4038;
	[tilespmem:$0x4F00] =	vst v63  }
0x16: {  	s29 =	sadd.s32 $0x10, s15;
	(ifvalue) =	ssetifvalue $0x7FFFFFFF  }
0x17: {  	[tilespmem:s29], [sflag:$0x1] =	stream.indirect_vreg.gather [hbm4b:s3+s10], $0x1, v0, vm0, $0x4038;
	[tilespmem:$0x4F00] =	vst v63  }
0x18: {  	_ =	swait.ge [sflag:s5], $0x13C0  }
0x19: {  	s30 =	sshrl.u32 s13, $0x3;
	[sflag:s5] =	ssyncset.done $0x0  }
0x1a: {  	s31 =	sand.u32 $0x7, s13;
	s15 =	sadd.s32 s8, s30;
	[sflag:s5] =	ssyncadd.s32 $0xFFFFEC40  }
0x1b: {  	[hbm4b:s15+s31] =	stream.linear.scatter [tilespmem:s14], [sflag:$0x3], $0x13C0, $0x38;
	[tilespmem:$0x4F00] =	vst v63  }
.LBB2_5:
0x1c: {  	s15 =	sadd.s32 $0x27800, s11  }
0x1d: {  	p1 =	sgt.s32 s15, $0x4EFFF  }
0x1e: {  	s15 =	smov.u32 @p1 s2;
	p1 =	sne.s32 s12, s9  }
.Ltmp1:
0x1f: {  	p0 =	slt.u32 s12, $0x2;
	(pc) =	sbr.rel @!p1 .LBB2_6-.Ltmp1, $4  }
0x20: {  	s14 =	simm.s32 @!p0 $0x3  }
0x21: {  	_ =	swait.ge @!p0 [sflag:s14], $0x13C0  }
0x22: {  	s16 =	sadd.s32 $0x1, s12;
	s13 =	smov.u32 s11;
	[sflag:s14] =	ssyncset.done @!p0 $0x0  }
0x23: {  	s12 =	smov.u32 s16;
	s11 =	smov.u32 s15;
	[sflag:s14] =	ssyncadd.s32 @!p0 $0xFFFFEC40  }
.LBB2_1:
0x24: {  	p0 =	sge.u32 s12, s7  }
0x25: {  	s14 =	sxor.u32 @!p0 $0xFFFFFFFF, s12  }
0x26: {  	s14 =	sand.u32 @!p0 $0x1, s14  }
0x27: {  	s14 =	smul.u32 @!p0 $0x4F00, s14  }
0x28: {  	s31 =	sadd.s32 $0xFFFFFFFF, s12;
	s15 =	sshrl.u32 @!p0 s11, $0x3  }
0x29: {  	s16 =	sand.u32 @!p0 $0x7, s11;
	s15 =	sadd.s32 @!p0 s4, s15;
	s14 =	sshrl.u32 @!p0 s14, $0x2  }
0x2a: {  	[tilespmem:s14], [sflag:$0x2] =	stream.linear.gather @!p0 [hbm4b:s15+s16], $0x13C0, $0x38;
	[tilespmem:$0x4F00] =	vst v63  }
0x2b: {  	p0 =	sge.u32 s31, s7  }
.Ltmp2:
0x2c: {  	_ = 	snop;
	(pc) =	sbr.rel @p0 .LBB2_5-.Ltmp2, $1  }
0x2d: {  	_ =	sdelay $0x3  }
0x2e: {  	s14 =	sand.u32 $0x1, s12  }
0x2f: {  	_ =	swait.ge [sflag:s6], $0x13C0;
	p0 =	seq.s32 s14, $0x1;
	s14 =	simm.s32 $0x13C0  }
0x30: {  	[sflag:s6] =	ssyncset.done $0x0;
	s14 =	simm.s32 @!p0 $0x0  }
0x31: {  	[sflag:s6] =	ssyncadd.s32 $0xFFFFEC40;
	(ifvalue) =	ssetifvalue $0x7FFFFFFF;
	v0 =	vld.msk [tilespmem:s14+$0x0 ss:$0x1], $0xffff;
	_ =	sdelay $0x4  }
0x32: {  	s15 =	sadd.s32 $0x10, s14;
	vm1 =	vgt.s32 v0, $0x0  }
0x33: {  	v2 =	vld.msk [tilespmem:s15+$0x0 ss:$0x1], $0xffff;
	v1 =	vnsel vm1, $0x0, v0  }
0x34: {  	v1 =	vmin.u32 v1, $0x4EFFF;
	_ =	sdelay $0x2  }
0x35: {  	s17 =	simm.s32 $0x20;
	s14 =	sadd.s32 $0x2780, s14;
	s16 =	sadd.s32 $0x10, s15  }
0x36: {  	s15 =	sadd.s32 $0x10, s14;
	s18 =	smov.u32 s14;
	v0 =	vld.msk [tilespmem:s16+$0x0 ss:$0x1], $0xffff;
	vm1 =	vgt.s32 v2, $0x0;
	(ifvalue) =	ssetifvalue $0x7FFFFFFF  }
.LBB2_3:
0x37: {  	[tilespmem:s18], [sflag:$0x1] =	stream.indirect_vreg.gather [hbm4b:s3+s10], $0x1, v1, vm0, $0x4038;
	[tilespmem:$0x4F00] =	vst v63  }
0x38: {  	s17 =	sadd.s32 $0x10, s17  }
0x39: {  	v2 =	vnsel vm1, $0x0, v2;
	p0 =	slt.u32 s17, $0x13B0  }
.Ltmp3:
0x3a: {  	s18 =	smov.u32 s15;
	v1 =	vmin.u32 v2, $0x4EFFF;
	(pc) =	sbr.rel @p0 .LBB2_3-.Ltmp3, $3  }
0x3b: {  	_ =	sdelay $0x1  }
0x3c: {  	s16 =	sadd.s32 $0x10, s16  }
0x3d: {  	vm1 =	vgt.s32 v0, $0x0;
	s15 =	sadd.s32 $0x10, s15;
	v2 =	vmov v0;
	(ifvalue) =	ssetifvalue $0x7FFFFFFF;
	v0 =	vld.msk [tilespmem:s16+$0x0 ss:$0x1], $0xffff  }
.Ltmp4:
0x3e: {  	_ = 	snop;
	(pc) =	sbr.rel .LBB2_4-.Ltmp4, $1  }
0x3f: {  	_ =	sdelay $0x3  }
.LBB2_6:
0x40: {  	_ =	sfence.sel $0x180000  }
0x41: {  	s2 =	simm.s32 $0x2;
	[bflag:$0x0] =	sbarrier.arrive $0xFFFF  }
0x42: {  	s30 =	simm.s32 $0x3;
	[sflag:s2] =	ssyncpa.u1 $0x1  }
0x43: {  	s31 =	simm.s32 $0x1;
	[sflag:s30] =	ssyncpa.u1 $0x1  }
0x44: {  	[sflag:s31] =	ssyncpa.u1 $0x1  }
0x45: {  	p0 =	sne.s32 s0, $0x0;
	_ =	strace $0x9000004A  }
0x46: {  	s0 =	sadd.s32 @!p0 $0x100000, s1;
	[bflag:$0x2] =	sbarrier.arrive $0xFFFF  }
0x47: {  	[sflag:s0] =	ssyncadd.tile.s32 @!p0 $0x1;
	_ =	shalt  }
.Lfunc_end2:
_tile_overlayer_lowered:
.L_overlay_start_2:
0x48: {  	(tag) =	ssettag $0x2  }
0x49: {  	s0 =	rddreg [dreg:$0x0];
	s2 =	stileid.u32  }
0x4a: {  	s1 =	rddreg [dreg:$0x1];
	p0 =	sne.s32 s2, $0x0  }
0x4b: {  	s3 =	rddreg [dreg:$0x2];
	[bflag:$0x3] =	sbarrier.arrive $0xFFFF;
	s2 =	simm.s32 @!p0 $0x1C01  }
0x4c: {  	[timem:s3], [sflag:s2] =	dma.local @!p0 [hbm:s0], s1  }
0x4d: {  	s0 =	simm.s32 @!p0 $0x1  }
0x4e: {  	_ =	swait.ge @!p0 [sflag:s0], s1  }
0x4f: {  	s1 =	ssub.s32 @!p0 $0x0, s1;
	[sflag:s0] =	ssyncset.done @!p0 $0x0  }
0x50: {  	[sflag:s0] =	ssyncadd.s32 @!p0 s1  }
0x51: {  	[bflag:$0x3] =	sbarrier.arrive $0xFFFF  }
0x52: {  	_ =	shalt  }

// kernel: gather_offload_async_start.2
scs
__scs_entry_jumppad:
0x0: {  	(pc) =	sbr.rel $0x88, $3  }
0x1: {  	(tag) =	ssettag $0x0;
	lr =	simm.s32 $0x1  }
0x2: {  	[smem:$0x3F94] =	sst lr;
	_ =	strace $0xD0000000  }
0x3: {  	_ = 	snop  }
0x4: {  	_ = 	snop  }
0x5: {  	_ = 	snop  }
0x6: {  	_ = 	snop  }
0x7: {  	_ = 	snop  }
__scs_overlays_trampoline_lowered:
0x8: {  	[smem:$0x3FA3] =	sst s0  }
0x9: {  	[smem:$0x3FA4] =	sst s1  }
0xa: {  	[smem:$0x3FA5] =	sst s2  }
0xb: {  	[smem:$0x3FA6] =	sst s3  }
0xc: {  	[smem:$0x3FA7] =	sst s4  }
0xd: {  	[smem:$0x3FA8] =	sst s5  }
0xe: {  	[smem:$0x3FA9] =	sst s6  }
0xf: {  	[smem:$0x3FAA] =	sst s7  }
0x10: {  	[smem:$0x3FAB] =	sst s8  }
0x11: {  	[smem:$0x3FAC] =	sst s9;
	s0 =	simm.s32 @!p0 $0x0  }
0x12: {  	s1 =	sld [smem:$0x3F92];
	s0 =	simm.s32 @p0 $0x1  }
0x13: {  	[smem:$0x3FAD] =	sst s0;
	s0 =	simm.s32 @!p1 $0x0  }
0x14: {  	s2 =	sld [smem:$0x3F91];
	s0 =	simm.s32 @p1 $0x1  }
0x15: {  	[smem:$0x3FAE] =	sst s0;
	s0 =	simm.s32 @!p2 $0x0  }
0x16: {  	s3 =	sld [smem:$0x3FDB];
	s0 =	simm.s32 @p2 $0x1  }
0x17: {  	s4 =	simm.s32 $0x1BF5;
	[smem:$0x3FB0] =	sst s0  }
0x18: {  	s0 =	sld [smem:$0x3F93];
	_ =	swait.ge [sflag:s4], $0x0  }
0x19: {  	s7 =	sld [smem:$0x3F94]  }
0x1a: {  	s8 =	sadd.s32 $0xFFFFE003, lr  }
0x1b: {  	s9 =	sadd.s32 $0xFFFFFEF7, lr;
	s5 =	simm.s32 $0xFFFFFFFF;
	p2 =	slt.u32 s8, $0xFFFFF086  }
0x1c: {  	p1 =	slt.u32 s9, $0xF7A;
	s5 =	simm.s32 @!p2 $0x0  }
0x1d: {  	s5 =	simm.s32 @p1 $0x1;
	p0 =	seq.s32 s7, s2  }
0x1e: {  	s7 =	smul.u32 @!p0 $0xF7A, s2;
	p2 =	seq.s32 @!p0 s5, $0x0  }
0x1f: {  	s9 =	smul.u32 $0xF7A, s1;
	s8 =	simm.s32 @!p0 $0x1BF5;
	p2 =	por !p2, p0  }
0x20: {  	[sflag:s8] =	ssyncset.s32 @!p0 $0xFFFFF086;
	s6 =	sadd.s32 @!p0 s3, s7;
	s7 =	simm.s32 @!p0 $0x108  }
0x21: {  	s3 =	sadd.s32 s3, s9;
	s6 =	sadd.s32 @!p0 $0x88, s6;
	s7 =	simm.s32 @p2 $0x1082  }
0x22: {  	[simem:s7], [sflag:s8] =	dma.local @!p0 [hbm:s6], $0xF7A  }
0x23: {  	s9 =	sor.u32 $0xD0000000, s2;
	s6 =	simm.s32 $0x108;
	_ =	swait.ge @!p0 [sflag:s8], $0x0  }
0x24: {  	s3 =	sadd.s32 $0x88, s3;
	s6 =	simm.s32 @!p1 $0x1082;
	[sflag:s4] =	ssyncset.s32 $0xFFFFF086  }
0x25: {  	[simem:s6], [sflag:s4] =	dma.local [hbm:s3], $0xF7A  }
0x26: {  	[smem:$0x3F94] =	sst s1;
	(tag) =	ssettag s2;
	_ =	strace s9  }
0x27: {  	s1 =	sld [smem:$0x3FA4]  }
0x28: {  	s2 =	sld [smem:$0x3FA5]  }
0x29: {  	s4 =	sld [smem:$0x3FA7]  }
0x2a: {  	p0 =	seq.s32 s5, $0x0;
	s5 =	sld [smem:$0x3FA8]  }
0x2b: {  	s6 =	sld [smem:$0x3FA9]  }
0x2c: {  	s7 =	sld [smem:$0x3FAA]  }
0x2d: {  	s3 =	simm.s32 $0x108;
	s8 =	sld [smem:$0x3FAB]  }
0x2e: {  	s3 =	simm.s32 @!p0 $0x1082;
	s9 =	sld [smem:$0x3FAC]  }
0x2f: {  	lr =	sadd.s32 s0, s3;
	s0 =	sld [smem:$0x3FA3]  }
0x30: {  	s3 =	sld [smem:$0x3FA6]  }
0x31: {  	[smem:$0x3FAF] =	sst s10  }
0x32: {  	s10 =	sld [smem:$0x3FAD];
	_ =	sdelay $0x3  }
0x33: {  	p0 =	seq.s32 s10, $0x1;
	s10 =	sld [smem:$0x3FAF];
	_ =	sdelay $0x3  }
0x34: {  	[smem:$0x3FAF] =	sst s10  }
0x35: {  	s10 =	sld [smem:$0x3FAE];
	_ =	sdelay $0x3  }
0x36: {  	p1 =	seq.s32 s10, $0x1;
	s10 =	sld [smem:$0x3FAF];
	_ =	sdelay $0x3  }
0x37: {  	[smem:$0x3FAF] =	sst s10  }
0x38: {  	s10 =	sld [smem:$0x3FB0]  }
0x39: {  	_ = 	snop;
	(pc) =	sbr.ind lr, $3  }
0x3a: {  	_ = 	snop  }
0x3b: {  	_ = 	snop  }
0x3c: {  	p2 =	seq.s32 s10, $0x1;
	s10 =	sld [smem:$0x3FAF]  }
0x3d: {  	_ =	shalt  }
0x3e: {  	_ =	shalt  }
0x3f: {  	_ =	shalt  }
0x40: {  	_ =	shalt  }
0x41: {  	_ =	shalt  }
0x42: {  	_ =	shalt  }
0x43: {  	_ =	shalt  }
0x44: {  	_ =	shalt  }
0x45: {  	_ =	shalt  }
0x46: {  	_ =	shalt  }
0x47: {  	_ =	shalt  }
0x48: {  	_ =	shalt  }
0x49: {  	_ =	shalt  }
0x4a: {  	_ =	shalt  }
0x4b: {  	_ =	shalt  }
0x4c: {  	_ =	shalt  }
0x4d: {  	_ =	shalt  }
0x4e: {  	_ =	shalt  }
0x4f: {  	_ =	shalt  }
0x50: {  	_ =	shalt  }
0x51: {  	_ =	shalt  }
0x52: {  	_ =	shalt  }
0x53: {  	_ =	shalt  }
0x54: {  	_ =	shalt  }
0x55: {  	_ =	shalt  }
0x56: {  	_ =	shalt  }
0x57: {  	_ =	shalt  }
0x58: {  	_ =	shalt  }
0x59: {  	_ =	shalt  }
0x5a: {  	_ =	shalt  }
0x5b: {  	_ =	shalt  }
0x5c: {  	_ =	shalt  }
0x5d: {  	_ =	shalt  }
0x5e: {  	_ =	shalt  }
0x5f: {  	_ =	shalt  }
0x60: {  	_ =	shalt  }
0x61: {  	_ =	shalt  }
0x62: {  	_ =	shalt  }
0x63: {  	_ =	shalt  }
0x64: {  	_ =	shalt  }
0x65: {  	_ =	shalt  }
0x66: {  	_ =	shalt  }
0x67: {  	_ =	shalt  }
0x68: {  	_ =	shalt  }
0x69: {  	_ =	shalt  }
0x6a: {  	_ =	shalt  }
0x6b: {  	_ =	shalt  }
0x6c: {  	_ =	shalt  }
0x6d: {  	_ =	shalt  }
0x6e: {  	_ =	shalt  }
0x6f: {  	_ =	shalt  }
0x70: {  	_ =	shalt  }
0x71: {  	_ =	shalt  }
0x72: {  	_ =	shalt  }
0x73: {  	_ =	shalt  }
0x74: {  	_ =	shalt  }
0x75: {  	_ =	shalt  }
0x76: {  	_ =	shalt  }
0x77: {  	_ =	shalt  }
0x78: {  	_ =	shalt  }
0x79: {  	_ =	shalt  }
0x7a: {  	_ =	shalt  }
0x7b: {  	_ =	shalt  }
0x7c: {  	_ =	shalt  }
0x7d: {  	_ =	shalt  }
0x7e: {  	_ =	shalt  }
0x7f: {  	_ =	shalt  }
0x80: {  	_ =	shalt  }
0x81: {  	_ =	shalt  }
0x82: {  	_ =	shalt  }
0x83: {  	_ =	shalt  }
0x84: {  	_ =	shalt  }
0x85: {  	_ =	shalt  }
0x86: {  	_ =	shalt  }
0x87: {  	_ =	shalt  }
.Lfunc_end0:
.L_simem_size_0:
called_computation.2_lowered:
.L_overlay_start_0:
0x88: {  	s2 =	sld [smem:$0x3FD9]  }
0x89: {  	s3 =	sld [smem:$0x3FFE];
	_ =	sdelay $0x1  }
0x8a: {  	s1 =	srdreg.scid  }
0x8b: {  	s0 =	sand.u32 $0x1, s1  }
0x8c: {  	s17 =	sshll.u32 s0, $0xA;
	s2 =	sadd.s32 s3, s2  }
0x8d: {  	s2 =	sadd.s32 s2, s17  }
0x8e: {  	[smem:$0x3FBB] =	sst s2  }
0x8f: {  	_ = 	snop  }
0x90: {  	s2 =	sld [smem:$0x3FD0];
	(tm) =	ssettm $0x1  }
0x91: {  	s18 =	sld [smem:$0x3FFB];
	_ =	sdelay $0x3  }
0x92: {  	_ =	strace s18  }
0x93: {  	s3 =	sld [smem:$0x3FFC];
	_ =	sdelay $0x3  }
0x94: {  	_ =	strace s3  }
0x95: {  	s3 =	sld [smem:$0x3FFD];
	_ =	sdelay $0x3  }
0x96: {  	_ =	strace s3  }
0x97: {  	_ =	strace $0x8FFFFFFF  }
0x98: {  	s19 =	sld [smem:$0x3FDB];
	_ =	sdelay $0x1  }
0x99: {  	s4 =	simm.s32 $_scs_section_size  }
0x9a: {  	s5 =	simm.s32 $_size__tile_overlayer_lowered;
	s6 =	simm.s32 $_tile_overlayer_lowered  }
0x9b: {  	s22 =	simm.s32 $0x1BFF;
	s21 =	sshll.u32 s6, $0x1;
	s3 =	sadd.s32 s4, s19  }
0x9c: {  	s7 =	simm.s32 $0x0;
	s20 =	sshll.u32 s5, $0x1;
	s5 =	sadd.s32 s21, s3  }
0x9d: {  	[timem:s7], [sflag:s22] =	dma.local [hbm:s5], s20  }
0x9e: {  	_ =	swait.ge [sflag:s22], s20  }
0x9f: {  	s4 =	ssub.s32 $0x0, s20;
	[sflag:s22] =	ssyncset.done $0x0  }
0xa0: {  	[sflag:s22] =	ssyncadd.s32 s4;
	_ =	sdelay $0x1  }
0xa1: {  	s23 =	simm.s32 $0x1B8B  }
0xa2: {  	_ =	swait.ge [sflag:s23], $0x1  }
0xa3: {  	[sflag:s23] =	ssyncset.done $0x0  }
0xa4: {  	s25 =	simm.s32 $0x1B8E;
	s24 =	sld [smem:$0x3FFE];
	[sflag:s23] =	ssyncadd.s32 $0xFFFFFFFF  }
0xa5: {  	s26 =	simm.s32 $execute0_lowered;
	[smem:$0x3FD2] =	sst s25  }
0xa6: {  	s5 =	sshll.u32 s26, $0x1;
	_ =	strace $0x80000046;
	[dreg:$0x1] =	wrdreg $0xFFFFFFFF  }
0xa7: {  	s28 =	simm.s32 $_size_execute0_lowered;
	s3 =	sadd.s32 s3, s5;
	[dreg:$0x0] =	wrdreg $0x0  }
0xa8: {  	s5 =	sshll.u32 s28, $0x1;
	[dreg:$0x2] =	wrdreg s3  }
0xa9: {  	[dreg:$0x3] =	wrdreg s5  }
0xaa: {  	[dreg:$0x4] =	wrdreg $0xC0  }
0xab: {  	_ =	task [dreg:s7], $0x5FFFF  }
0xac: {  	[dreg:$0x1] =	wrdreg $0xFFFFFFFF  }
0xad: {  	[dreg:$0x0] =	wrdreg $0x60  }
0xae: {  	[dreg:$0x2] =	wrdreg s2  }
0xaf: {  	[dreg:$0x3] =	wrdreg s24  }
0xb0: {  	[dreg:$0x4] =	wrdreg $0x9  }
0xb1: {  	_ =	task.clear_ibuf [dreg:s7], $0x5FFFF;
	_ =	strace $0x90000046  }
0xb2: {  	s29 =	simm.s32 $0x9;
	_ =	strace $0x80000048  }
0xb3: {  	_ =	swait.ge [sflag:s29], $0x1  }
0xb4: {  	[sflag:s29] =	ssyncadd.s32 $0xFFFFFFFF  }
0xb5: {  	_ =	strace $0x90000048  }
0xb6: {  	_ =	sfence  }
0xb7: {  	s30 =	sld [smem:$0x0];
	_ =	sdelay $0x2  }
0xb8: {  	s31 =	sshll.u32 s1, $0xD;
	s1 =	sshrl.u32 s1, $0x2  }
0xb9: {  	s3 =	sand.u32 $0x4000, s31;
	s1 =	sadd.s32 s1, s30  }
0xba: {  	s0 =	sor.u32 s3, s0;
	s1 =	sshll.u32 s1, $0x11  }
0xbb: {  	s0 =	sor.u32 s1, s0  }
0xbc: {  	s0 =	sadd.s32 $0x8F2B, s0  }
0xbd: {  	[sflag:s0] =	ssyncadd.remote.s32 $0x1  }
0xbe: {  	_ =	sfence.sel $0xFFFF  }
0xbf: {  	[dreg:$0x0] =	wrdreg $0xFFFFFFFF;
	(pc) =	sbr.abs _section_cstart, $3  }
0xc0: {  	[dreg:$0x1] =	wrdreg $0xFFFFFFFF  }
0xc1: {  	_ =	task.clear_ibuf [dreg:s7], $0x2FFFF;
	_ =	strace $0x9FFFFFFF  }
0xc2: {  	(tm) =	ssettm $0x7FFFFFFF  }
0xc3: {  	_ =	shalt  }
tec
execute0_lowered:
.L_overlay_start_1:
0x0: {  	(tag) =	ssettag $0x1  }
0x1: {  	s0 =	stileid.u32;
	s1 =	srdreg.scid  }
0x2: {  	s1 =	sand.u32 $0x1, s1;
	s2 =	sshll.u32 s0, $0x1  }
0x3: {  	s1 =	sor.u32 s2, s1  }
0x4: {  	s2 =	smul.u32 $0x13C0, s1;
	_ =	sdelay $0x1  }
0x5: {  	s6 =	ssub.s32 $0x4F000, s2  }
0x6: {  	s3 =	rddreg [dreg:$0x0];
	s31 =	smulhi.u32 $0x19EC9, s6  }
0x7: {  	s8 =	rddreg [dreg:$0x1];
	s5 =	simm.s32 $0x1  }
0x8: {  	s10 =	simm.s32 $0x3;
	s13 =	simm.s32 $0x0;
	s7 =	sshrl.u32 s31, $0x2  }
0x9: {  	s12 =	simm.s32 $0x0;
	s4 =	sadd.s32 $0x16400, s8;
	s9 =	smul.u32 $0x27800, s7  }
.Ltmp0:
0xa: {  	s8 =	sadd.s32 $0x20A00, s8;
	s1 =	rddreg [dreg:$0x2];
	(pc) =	sbr.rel .LBB2_1-.Ltmp0, $4  }
0xb: {  	_ =	strace $0x80000047;
	p0 =	sne.s32 s6, s9;
	s9 =	simm.s32 $0x1  }
0xc: {  	[sflag:s5] =	ssyncpa.u1 $0x0;
	s6 =	simm.s32 $0x2;
	s9 =	simm.s32 @!p0 $0x0  }
0xd: {  	s11 =	smov.u32 s2;
	[sflag:s6] =	ssyncpa.u1 $0x0;
	s7 =	sadd.s32 s9, s7  }
0xe: {  	vm0 =	vmmov $0xffff;
	[sflag:s10] =	ssyncpa.u1 $0x0;
	s10 =	simm.s32 $0x0;
	s9 =	sadd.s32 $0x1, s7  }
.LBB2_4:
0xf: {  	v2 =	vnsel vm1, $0x0, v2  }
0x10: {  	vm1 =	vgt.s32 v0, $0x0;
	v2 =	vmin.u32 v2, $0x4EFFF  }
0x11: {  	v0 =	vnsel vm1, $0x0, v0  }
0x12: {  	v0 =	vmin.u32 v0, $0x4EFFF  }
0x13: {  	[tilespmem:s18], [sflag:$0x1] =	stream.indirect_vreg.gather [hbm4b:s3+s10], $0x1, v1, vm0, $0x4038;
	[tilespmem:$0x4F00] =	vst v63  }
0x14: {  	(ifvalue) =	ssetifvalue $0x7FFFFFFF  }
0x15: {  	[tilespmem:s15], [sflag:$0x1] =	stream.indirect_vreg.gather [hbm4b:s3+s10], $0x1, v2, vm0, $0x4038;
	[tilespmem:$0x4F00] =	vst v63  }
0x16: {  	s29 =	sadd.s32 $0x10, s15;
	(ifvalue) =	ssetifvalue $0x7FFFFFFF  }
0x17: {  	[tilespmem:s29], [sflag:$0x1] =	stream.indirect_vreg.gather [hbm4b:s3+s10], $0x1, v0, vm0, $0x4038;
	[tilespmem:$0x4F00] =	vst v63  }
0x18: {  	_ =	swait.ge [sflag:s5], $0x13C0  }
0x19: {  	s30 =	sshrl.u32 s13, $0x3;
	[sflag:s5] =	ssyncset.done $0x0  }
0x1a: {  	s31 =	sand.u32 $0x7, s13;
	s15 =	sadd.s32 s8, s30;
	[sflag:s5] =	ssyncadd.s32 $0xFFFFEC40  }
0x1b: {  	[hbm4b:s15+s31] =	stream.linear.scatter [tilespmem:s14], [sflag:$0x3], $0x13C0, $0x38;
	[tilespmem:$0x4F00] =	vst v63  }
.LBB2_5:
0x1c: {  	s15 =	sadd.s32 $0x27800, s11  }
0x1d: {  	p1 =	sgt.s32 s15, $0x4EFFF  }
0x1e: {  	s15 =	smov.u32 @p1 s2;
	p1 =	sne.s32 s12, s9  }
.Ltmp1:
0x1f: {  	p0 =	slt.u32 s12, $0x2;
	(pc) =	sbr.rel @!p1 .LBB2_6-.Ltmp1, $4  }
0x20: {  	s14 =	simm.s32 @!p0 $0x3  }
0x21: {  	_ =	swait.ge @!p0 [sflag:s14], $0x13C0  }
0x22: {  	s16 =	sadd.s32 $0x1, s12;
	s13 =	smov.u32 s11;
	[sflag:s14] =	ssyncset.done @!p0 $0x0  }
0x23: {  	s12 =	smov.u32 s16;
	s11 =	smov.u32 s15;
	[sflag:s14] =	ssyncadd.s32 @!p0 $0xFFFFEC40  }
.LBB2_1:
0x24: {  	p0 =	sge.u32 s12, s7  }
0x25: {  	s14 =	sxor.u32 @!p0 $0xFFFFFFFF, s12  }
0x26: {  	s14 =	sand.u32 @!p0 $0x1, s14  }
0x27: {  	s14 =	smul.u32 @!p0 $0x4F00, s14  }
0x28: {  	s31 =	sadd.s32 $0xFFFFFFFF, s12;
	s15 =	sshrl.u32 @!p0 s11, $0x3  }
0x29: {  	s16 =	sand.u32 @!p0 $0x7, s11;
	s15 =	sadd.s32 @!p0 s4, s15;
	s14 =	sshrl.u32 @!p0 s14, $0x2  }
0x2a: {  	[tilespmem:s14], [sflag:$0x2] =	stream.linear.gather @!p0 [hbm4b:s15+s16], $0x13C0, $0x38;
	[tilespmem:$0x4F00] =	vst v63  }
0x2b: {  	p0 =	sge.u32 s31, s7  }
.Ltmp2:
0x2c: {  	_ = 	snop;
	(pc) =	sbr.rel @p0 .LBB2_5-.Ltmp2, $1  }
0x2d: {  	_ =	sdelay $0x3  }
0x2e: {  	s14 =	sand.u32 $0x1, s12  }
0x2f: {  	_ =	swait.ge [sflag:s6], $0x13C0;
	p0 =	seq.s32 s14, $0x1;
	s14 =	simm.s32 $0x13C0  }
0x30: {  	[sflag:s6] =	ssyncset.done $0x0;
	s14 =	simm.s32 @!p0 $0x0  }
0x31: {  	[sflag:s6] =	ssyncadd.s32 $0xFFFFEC40;
	(ifvalue) =	ssetifvalue $0x7FFFFFFF;
	v0 =	vld.msk [tilespmem:s14+$0x0 ss:$0x1], $0xffff;
	_ =	sdelay $0x4  }
0x32: {  	s15 =	sadd.s32 $0x10, s14;
	vm1 =	vgt.s32 v0, $0x0  }
0x33: {  	v2 =	vld.msk [tilespmem:s15+$0x0 ss:$0x1], $0xffff;
	v1 =	vnsel vm1, $0x0, v0  }
0x34: {  	v1 =	vmin.u32 v1, $0x4EFFF;
	_ =	sdelay $0x2  }
0x35: {  	s17 =	simm.s32 $0x20;
	s14 =	sadd.s32 $0x2780, s14;
	s16 =	sadd.s32 $0x10, s15  }
0x36: {  	s15 =	sadd.s32 $0x10, s14;
	s18 =	smov.u32 s14;
	v0 =	vld.msk [tilespmem:s16+$0x0 ss:$0x1], $0xffff;
	vm1 =	vgt.s32 v2, $0x0;
	(ifvalue) =	ssetifvalue $0x7FFFFFFF  }
.LBB2_3:
0x37: {  	[tilespmem:s18], [sflag:$0x1] =	stream.indirect_vreg.gather [hbm4b:s3+s10], $0x1, v1, vm0, $0x4038;
	[tilespmem:$0x4F00] =	vst v63  }
0x38: {  	s17 =	sadd.s32 $0x10, s17  }
0x39: {  	v2 =	vnsel vm1, $0x0, v2;
	p0 =	slt.u32 s17, $0x13B0  }
.Ltmp3:
0x3a: {  	s18 =	smov.u32 s15;
	v1 =	vmin.u32 v2, $0x4EFFF;
	(pc) =	sbr.rel @p0 .LBB2_3-.Ltmp3, $3  }
0x3b: {  	_ =	sdelay $0x1  }
0x3c: {  	s16 =	sadd.s32 $0x10, s16  }
0x3d: {  	vm1 =	vgt.s32 v0, $0x0;
	s15 =	sadd.s32 $0x10, s15;
	v2 =	vmov v0;
	(ifvalue) =	ssetifvalue $0x7FFFFFFF;
	v0 =	vld.msk [tilespmem:s16+$0x0 ss:$0x1], $0xffff  }
.Ltmp4:
0x3e: {  	_ = 	snop;
	(pc) =	sbr.rel .LBB2_4-.Ltmp4, $1  }
0x3f: {  	_ =	sdelay $0x3  }
.LBB2_6:
0x40: {  	_ =	sfence.sel $0x180000  }
0x41: {  	s2 =	simm.s32 $0x2;
	[bflag:$0x0] =	sbarrier.arrive $0xFFFF  }
0x42: {  	s30 =	simm.s32 $0x3;
	[sflag:s2] =	ssyncpa.u1 $0x1  }
0x43: {  	s31 =	simm.s32 $0x1;
	[sflag:s30] =	ssyncpa.u1 $0x1  }
0x44: {  	[sflag:s31] =	ssyncpa.u1 $0x1  }
0x45: {  	p0 =	sne.s32 s0, $0x0;
	_ =	strace $0x90000047  }
0x46: {  	s0 =	sadd.s32 @!p0 $0x100000, s1;
	[bflag:$0x2] =	sbarrier.arrive $0xFFFF  }
0x47: {  	[sflag:s0] =	ssyncadd.tile.s32 @!p0 $0x1;
	_ =	shalt  }
.Lfunc_end2:
_tile_overlayer_lowered:
.L_overlay_start_2:
0x48: {  	(tag) =	ssettag $0x2  }
0x49: {  	s0 =	rddreg [dreg:$0x0];
	s2 =	stileid.u32  }
0x4a: {  	s1 =	rddreg [dreg:$0x1];
	p0 =	sne.s32 s2, $0x0  }
0x4b: {  	s3 =	rddreg [dreg:$0x2];
	[bflag:$0x3] =	sbarrier.arrive $0xFFFF;
	s2 =	simm.s32 @!p0 $0x1C01  }
0x4c: {  	[timem:s3], [sflag:s2] =	dma.local @!p0 [hbm:s0], s1  }
0x4d: {  	s0 =	simm.s32 @!p0 $0x1  }
0x4e: {  	_ =	swait.ge @!p0 [sflag:s0], s1  }
0x4f: {  	s1 =	ssub.s32 @!p0 $0x0, s1;
	[sflag:s0] =	ssyncset.done @!p0 $0x0  }
0x50: {  	[sflag:s0] =	ssyncadd.s32 @!p0 s1  }
0x51: {  	[bflag:$0x3] =	sbarrier.arrive $0xFFFF  }
0x52: {  	_ =	shalt  }

// kernel: gather_offload_async_start
scs
__scs_entry_jumppad:
0x0: {  	(pc) =	sbr.rel $0x88, $3  }
0x1: {  	(tag) =	ssettag $0x0;
	lr =	simm.s32 $0x1  }
0x2: {  	[smem:$0x3F94] =	sst lr;
	_ =	strace $0xD0000000  }
0x3: {  	_ = 	snop  }
0x4: {  	_ = 	snop  }
0x5: {  	_ = 	snop  }
0x6: {  	_ = 	snop  }
0x7: {  	_ = 	snop  }
__scs_overlays_trampoline_lowered:
0x8: {  	[smem:$0x3FA3] =	sst s0  }
0x9: {  	[smem:$0x3FA4] =	sst s1  }
0xa: {  	[smem:$0x3FA5] =	sst s2  }
0xb: {  	[smem:$0x3FA6] =	sst s3  }
0xc: {  	[smem:$0x3FA7] =	sst s4  }
0xd: {  	[smem:$0x3FA8] =	sst s5  }
0xe: {  	[smem:$0x3FA9] =	sst s6  }
0xf: {  	[smem:$0x3FAA] =	sst s7  }
0x10: {  	[smem:$0x3FAB] =	sst s8  }
0x11: {  	[smem:$0x3FAC] =	sst s9;
	s0 =	simm.s32 @!p0 $0x0  }
0x12: {  	s1 =	sld [smem:$0x3F92];
	s0 =	simm.s32 @p0 $0x1  }
0x13: {  	[smem:$0x3FAD] =	sst s0;
	s0 =	simm.s32 @!p1 $0x0  }
0x14: {  	s2 =	sld [smem:$0x3F91];
	s0 =	simm.s32 @p1 $0x1  }
0x15: {  	[smem:$0x3FAE] =	sst s0;
	s0 =	simm.s32 @!p2 $0x0  }
0x16: {  	s3 =	sld [smem:$0x3FDB];
	s0 =	simm.s32 @p2 $0x1  }
0x17: {  	s4 =	simm.s32 $0x1BF5;
	[smem:$0x3FB0] =	sst s0  }
0x18: {  	s0 =	sld [smem:$0x3F93];
	_ =	swait.ge [sflag:s4], $0x0  }
0x19: {  	s7 =	sld [smem:$0x3F94]  }
0x1a: {  	s8 =	sadd.s32 $0xFFFFE003, lr  }
0x1b: {  	s9 =	sadd.s32 $0xFFFFFEF7, lr;
	s5 =	simm.s32 $0xFFFFFFFF;
	p2 =	slt.u32 s8, $0xFFFFF086  }
0x1c: {  	p1 =	slt.u32 s9, $0xF7A;
	s5 =	simm.s32 @!p2 $0x0  }
0x1d: {  	s5 =	simm.s32 @p1 $0x1;
	p0 =	seq.s32 s7, s2  }
0x1e: {  	s7 =	smul.u32 @!p0 $0xF7A, s2;
	p2 =	seq.s32 @!p0 s5, $0x0  }
0x1f: {  	s9 =	smul.u32 $0xF7A, s1;
	s8 =	simm.s32 @!p0 $0x1BF5;
	p2 =	por !p2, p0  }
0x20: {  	[sflag:s8] =	ssyncset.s32 @!p0 $0xFFFFF086;
	s6 =	sadd.s32 @!p0 s3, s7;
	s7 =	simm.s32 @!p0 $0x108  }
0x21: {  	s3 =	sadd.s32 s3, s9;
	s6 =	sadd.s32 @!p0 $0x88, s6;
	s7 =	simm.s32 @p2 $0x1082  }
0x22: {  	[simem:s7], [sflag:s8] =	dma.local @!p0 [hbm:s6], $0xF7A  }
0x23: {  	s9 =	sor.u32 $0xD0000000, s2;
	s6 =	simm.s32 $0x108;
	_ =	swait.ge @!p0 [sflag:s8], $0x0  }
0x24: {  	s3 =	sadd.s32 $0x88, s3;
	s6 =	simm.s32 @!p1 $0x1082;
	[sflag:s4] =	ssyncset.s32 $0xFFFFF086  }
0x25: {  	[simem:s6], [sflag:s4] =	dma.local [hbm:s3], $0xF7A  }
0x26: {  	[smem:$0x3F94] =	sst s1;
	(tag) =	ssettag s2;
	_ =	strace s9  }
0x27: {  	s1 =	sld [smem:$0x3FA4]  }
0x28: {  	s2 =	sld [smem:$0x3FA5]  }
0x29: {  	s4 =	sld [smem:$0x3FA7]  }
0x2a: {  	p0 =	seq.s32 s5, $0x0;
	s5 =	sld [smem:$0x3FA8]  }
0x2b: {  	s6 =	sld [smem:$0x3FA9]  }
0x2c: {  	s7 =	sld [smem:$0x3FAA]  }
0x2d: {  	s3 =	simm.s32 $0x108;
	s8 =	sld [smem:$0x3FAB]  }
0x2e: {  	s3 =	simm.s32 @!p0 $0x1082;
	s9 =	sld [smem:$0x3FAC]  }
0x2f: {  	lr =	sadd.s32 s0, s3;
	s0 =	sld [smem:$0x3FA3]  }
0x30: {  	s3 =	sld [smem:$0x3FA6]  }
0x31: {  	[smem:$0x3FAF] =	sst s10  }
0x32: {  	s10 =	sld [smem:$0x3FAD];
	_ =	sdelay $0x3  }
0x33: {  	p0 =	seq.s32 s10, $0x1;
	s10 =	sld [smem:$0x3FAF];
	_ =	sdelay $0x3  }
0x34: {  	[smem:$0x3FAF] =	sst s10  }
0x35: {  	s10 =	sld [smem:$0x3FAE];
	_ =	sdelay $0x3  }
0x36: {  	p1 =	seq.s32 s10, $0x1;
	s10 =	sld [smem:$0x3FAF];
	_ =	sdelay $0x3  }
0x37: {  	[smem:$0x3FAF] =	sst s10  }
0x38: {  	s10 =	sld [smem:$0x3FB0]  }
0x39: {  	_ = 	snop;
	(pc) =	sbr.ind lr, $3  }
0x3a: {  	_ = 	snop  }
0x3b: {  	_ = 	snop  }
0x3c: {  	p2 =	seq.s32 s10, $0x1;
	s10 =	sld [smem:$0x3FAF]  }
0x3d: {  	_ =	shalt  }
0x3e: {  	_ =	shalt  }
0x3f: {  	_ =	shalt  }
0x40: {  	_ =	shalt  }
0x41: {  	_ =	shalt  }
0x42: {  	_ =	shalt  }
0x43: {  	_ =	shalt  }
0x44: {  	_ =	shalt  }
0x45: {  	_ =	shalt  }
0x46: {  	_ =	shalt  }
0x47: {  	_ =	shalt  }
0x48: {  	_ =	shalt  }
0x49: {  	_ =	shalt  }
0x4a: {  	_ =	shalt  }
0x4b: {  	_ =	shalt  }
0x4c: {  	_ =	shalt  }
0x4d: {  	_ =	shalt  }
0x4e: {  	_ =	shalt  }
0x4f: {  	_ =	shalt  }
0x50: {  	_ =	shalt  }
0x51: {  	_ =	shalt  }
0x52: {  	_ =	shalt  }
0x53: {  	_ =	shalt  }
0x54: {  	_ =	shalt  }
0x55: {  	_ =	shalt  }
0x56: {  	_ =	shalt  }
0x57: {  	_ =	shalt  }
0x58: {  	_ =	shalt  }
0x59: {  	_ =	shalt  }
0x5a: {  	_ =	shalt  }
0x5b: {  	_ =	shalt  }
0x5c: {  	_ =	shalt  }
0x5d: {  	_ =	shalt  }
0x5e: {  	_ =	shalt  }
0x5f: {  	_ =	shalt  }
0x60: {  	_ =	shalt  }
0x61: {  	_ =	shalt  }
0x62: {  	_ =	shalt  }
0x63: {  	_ =	shalt  }
0x64: {  	_ =	shalt  }
0x65: {  	_ =	shalt  }
0x66: {  	_ =	shalt  }
0x67: {  	_ =	shalt  }
0x68: {  	_ =	shalt  }
0x69: {  	_ =	shalt  }
0x6a: {  	_ =	shalt  }
0x6b: {  	_ =	shalt  }
0x6c: {  	_ =	shalt  }
0x6d: {  	_ =	shalt  }
0x6e: {  	_ =	shalt  }
0x6f: {  	_ =	shalt  }
0x70: {  	_ =	shalt  }
0x71: {  	_ =	shalt  }
0x72: {  	_ =	shalt  }
0x73: {  	_ =	shalt  }
0x74: {  	_ =	shalt  }
0x75: {  	_ =	shalt  }
0x76: {  	_ =	shalt  }
0x77: {  	_ =	shalt  }
0x78: {  	_ =	shalt  }
0x79: {  	_ =	shalt  }
0x7a: {  	_ =	shalt  }
0x7b: {  	_ =	shalt  }
0x7c: {  	_ =	shalt  }
0x7d: {  	_ =	shalt  }
0x7e: {  	_ =	shalt  }
0x7f: {  	_ =	shalt  }
0x80: {  	_ =	shalt  }
0x81: {  	_ =	shalt  }
0x82: {  	_ =	shalt  }
0x83: {  	_ =	shalt  }
0x84: {  	_ =	shalt  }
0x85: {  	_ =	shalt  }
0x86: {  	_ =	shalt  }
0x87: {  	_ =	shalt  }
.Lfunc_end0:
.L_simem_size_0:
called_computation_lowered:
.L_overlay_start_0:
0x88: {  	s2 =	sld [smem:$0x3FD9]  }
0x89: {  	s3 =	sld [smem:$0x3FFE];
	_ =	sdelay $0x1  }
0x8a: {  	s1 =	srdreg.scid  }
0x8b: {  	s0 =	sand.u32 $0x1, s1  }
0x8c: {  	s16 =	sshll.u32 s0, $0xA;
	s2 =	sadd.s32 s3, s2  }
0x8d: {  	s2 =	sadd.s32 s2, s16  }
0x8e: {  	[smem:$0x3FBB] =	sst s2  }
0x8f: {  	_ = 	snop  }
0x90: {  	(tm) =	ssettm $0x1  }
0x91: {  	s17 =	sld [smem:$0x3FFB];
	_ =	sdelay $0x3  }
0x92: {  	_ =	strace s17  }
0x93: {  	s2 =	sld [smem:$0x3FFC];
	_ =	sdelay $0x3  }
0x94: {  	_ =	strace s2  }
0x95: {  	s2 =	sld [smem:$0x3FFD];
	_ =	sdelay $0x3  }
0x96: {  	_ =	strace s2  }
0x97: {  	_ =	strace $0x8FFFFFFF  }
0x98: {  	s18 =	sld [smem:$0x3FDB];
	_ =	sdelay $0x1  }
0x99: {  	s19 =	simm.s32 $_scs_section_size  }
0x9a: {  	s4 =	simm.s32 $_size__tile_overlayer_lowered;
	s5 =	simm.s32 $_tile_overlayer_lowered  }
0x9b: {  	s22 =	simm.s32 $0x1BFF;
	s21 =	sshll.u32 s5, $0x1;
	s2 =	sadd.s32 s19, s18  }
0x9c: {  	s6 =	simm.s32 $0x0;
	s20 =	sshll.u32 s4, $0x1;
	s4 =	sadd.s32 s21, s2  }
0x9d: {  	[timem:s6], [sflag:s22] =	dma.local [hbm:s4], s20  }
0x9e: {  	_ =	swait.ge [sflag:s22], s20  }
0x9f: {  	s3 =	ssub.s32 $0x0, s20;
	[sflag:s22] =	ssyncset.done $0x0  }
0xa0: {  	[sflag:s22] =	ssyncadd.s32 s3;
	_ =	sdelay $0x1  }
0xa1: {  	s23 =	simm.s32 $0x1B8B  }
0xa2: {  	_ =	swait.ge [sflag:s23], $0x1  }
0xa3: {  	[sflag:s23] =	ssyncset.done $0x0  }
0xa4: {  	s25 =	simm.s32 $0x1B8E;
	s24 =	sld [smem:$0x3FFE];
	[sflag:s23] =	ssyncadd.s32 $0xFFFFFFFF  }
0xa5: {  	s26 =	simm.s32 $execute0_lowered;
	[smem:$0x3FD2] =	sst s25  }
0xa6: {  	s4 =	sshll.u32 s26, $0x1;
	_ =	strace $0x8000004C;
	[dreg:$0x1] =	wrdreg $0xFFFFFFFF  }
0xa7: {  	s28 =	simm.s32 $_size_execute0_lowered;
	s2 =	sadd.s32 s2, s4;
	[dreg:$0x0] =	wrdreg $0x0  }
0xa8: {  	s4 =	sshll.u32 s28, $0x1;
	[dreg:$0x2] =	wrdreg s2  }
0xa9: {  	[dreg:$0x3] =	wrdreg s4  }
0xaa: {  	[dreg:$0x4] =	wrdreg $0xC0  }
0xab: {  	_ =	task [dreg:s6], $0x5FFFF  }
0xac: {  	[dreg:$0x1] =	wrdreg $0xFFFFFFFF  }
0xad: {  	[dreg:$0x0] =	wrdreg $0x60  }
0xae: {  	[dreg:$0x2] =	wrdreg s24  }
0xaf: {  	[dreg:$0x3] =	wrdreg $0x9  }
0xb0: {  	_ =	task.clear_ibuf [dreg:s6], $0x4FFFF;
	_ =	strace $0x9000004C  }
0xb1: {  	s29 =	simm.s32 $0x9;
	_ =	strace $0x8000004E  }
0xb2: {  	_ =	swait.ge [sflag:s29], $0x1  }
0xb3: {  	[sflag:s29] =	ssyncadd.s32 $0xFFFFFFFF  }
0xb4: {  	_ =	strace $0x9000004E  }
0xb5: {  	_ =	sfence  }
0xb6: {  	s30 =	sld [smem:$0x0];
	_ =	sdelay $0x2  }
0xb7: {  	s31 =	sshll.u32 s1, $0xD;
	s1 =	sshrl.u32 s1, $0x2  }
0xb8: {  	s3 =	sand.u32 $0x4000, s31;
	s1 =	sadd.s32 s1, s30  }
0xb9: {  	s0 =	sor.u32 s3, s0;
	s1 =	sshll.u32 s1, $0x11  }
0xba: {  	s0 =	sor.u32 s1, s0  }
0xbb: {  	s0 =	sadd.s32 $0x8F2B, s0  }
0xbc: {  	[sflag:s0] =	ssyncadd.remote.s32 $0x1  }
0xbd: {  	_ =	sfence.sel $0xFFFF  }
0xbe: {  	[dreg:$0x0] =	wrdreg $0xFFFFFFFF;
	(pc) =	sbr.abs _section_cstart, $3  }
0xbf: {  	[dreg:$0x1] =	wrdreg $0xFFFFFFFF  }
0xc0: {  	_ =	task.clear_ibuf [dreg:s6], $0x2FFFF;
	_ =	strace $0x9FFFFFFF  }
0xc1: {  	(tm) =	ssettm $0x7FFFFFFF  }
tec
execute0_lowered:
.L_overlay_start_1:
0x0: {  	(tag) =	ssettag $0x1  }
0x1: {  	s0 =	stileid.u32;
	s1 =	srdreg.scid  }
0x2: {  	s1 =	sand.u32 $0x1, s1;
	s2 =	sshll.u32 s0, $0x1  }
0x3: {  	s1 =	sor.u32 s2, s1  }
0x4: {  	s2 =	smul.u32 $0x13C0, s1;
	_ =	sdelay $0x1  }
0x5: {  	s6 =	ssub.s32 $0x4F000, s2  }
0x6: {  	s31 =	smulhi.u32 $0x19EC9, s6  }
0x7: {  	s8 =	rddreg [dreg:$0x0];
	s5 =	simm.s32 $0x1;
	s10 =	simm.s32 $0x3  }
0x8: {  	s13 =	simm.s32 $0x0;
	s12 =	simm.s32 $0x0;
	s7 =	sshrl.u32 s31, $0x2  }
0x9: {  	s3 =	sadd.s32 $0x2A800, s8;
	s4 =	sadd.s32 $0x16400, s8;
	s9 =	smul.u32 $0x27800, s7  }
.Ltmp0:
0xa: {  	s8 =	sadd.s32 $0x20A00, s8;
	s1 =	rddreg [dreg:$0x1];
	(pc) =	sbr.rel .LBB2_1-.Ltmp0, $4  }
0xb: {  	_ =	strace $0x8000004D;
	p0 =	sne.s32 s6, s9;
	s9 =	simm.s32 $0x1  }
0xc: {  	[sflag:s5] =	ssyncpa.u1 $0x0;
	s6 =	simm.s32 $0x2;
	s9 =	simm.s32 @!p0 $0x0  }
0xd: {  	s11 =	smov.u32 s2;
	[sflag:s6] =	ssyncpa.u1 $0x0;
	s7 =	sadd.s32 s9, s7  }
0xe: {  	vm0 =	vmmov $0xffff;
	[sflag:s10] =	ssyncpa.u1 $0x0;
	s10 =	simm.s32 $0x0;
	s9 =	sadd.s32 $0x1, s7  }
.LBB2_4:
0xf: {  	v2 =	vnsel vm1, $0x0, v2  }
0x10: {  	vm1 =	vgt.s32 v0, $0x0;
	v2 =	vmin.u32 v2, $0x4EFFF  }
0x11: {  	v0 =	vnsel vm1, $0x0, v0  }
0x12: {  	v0 =	vmin.u32 v0, $0x4EFFF  }
0x13: {  	[tilespmem:s18], [sflag:$0x1] =	stream.indirect_vreg.gather [hbm4b:s3+s10], $0x1, v1, vm0, $0x4038;
	[tilespmem:$0x4F00] =	vst v63  }
0x14: {  	(ifvalue) =	ssetifvalue $0x7FFFFFFF  }
0x15: {  	[tilespmem:s15], [sflag:$0x1] =	stream.indirect_vreg.gather [hbm4b:s3+s10], $0x1, v2, vm0, $0x4038;
	[tilespmem:$0x4F00] =	vst v63  }
0x16: {  	s29 =	sadd.s32 $0x10, s15;
	(ifvalue) =	ssetifvalue $0x7FFFFFFF  }
0x17: {  	[tilespmem:s29], [sflag:$0x1] =	stream.indirect_vreg.gather [hbm4b:s3+s10], $0x1, v0, vm0, $0x4038;
	[tilespmem:$0x4F00] =	vst v63  }
0x18: {  	_ =	swait.ge [sflag:s5], $0x13C0  }
0x19: {  	s30 =	sshrl.u32 s13, $0x3;
	[sflag:s5] =	ssyncset.done $0x0  }
0x1a: {  	s31 =	sand.u32 $0x7, s13;
	s15 =	sadd.s32 s8, s30;
	[sflag:s5] =	ssyncadd.s32 $0xFFFFEC40  }
0x1b: {  	[hbm4b:s15+s31] =	stream.linear.scatter [tilespmem:s14], [sflag:$0x3], $0x13C0, $0x38;
	[tilespmem:$0x4F00] =	vst v63  }
.LBB2_5:
0x1c: {  	s15 =	sadd.s32 $0x27800, s11  }
0x1d: {  	p1 =	sgt.s32 s15, $0x4EFFF  }
0x1e: {  	s15 =	smov.u32 @p1 s2;
	p1 =	sne.s32 s12, s9  }
.Ltmp1:
0x1f: {  	p0 =	slt.u32 s12, $0x2;
	(pc) =	sbr.rel @!p1 .LBB2_6-.Ltmp1, $4  }
0x20: {  	s14 =	simm.s32 @!p0 $0x3  }
0x21: {  	_ =	swait.ge @!p0 [sflag:s14], $0x13C0  }
0x22: {  	s16 =	sadd.s32 $0x1, s12;
	s13 =	smov.u32 s11;
	[sflag:s14] =	ssyncset.done @!p0 $0x0  }
0x23: {  	s12 =	smov.u32 s16;
	s11 =	smov.u32 s15;
	[sflag:s14] =	ssyncadd.s32 @!p0 $0xFFFFEC40  }
.LBB2_1:
0x24: {  	p0 =	sge.u32 s12, s7  }
0x25: {  	s14 =	sxor.u32 @!p0 $0xFFFFFFFF, s12  }
0x26: {  	s14 =	sand.u32 @!p0 $0x1, s14  }
0x27: {  	s14 =	smul.u32 @!p0 $0x4F00, s14  }
0x28: {  	s31 =	sadd.s32 $0xFFFFFFFF, s12;
	s15 =	sshrl.u32 @!p0 s11, $0x3  }
0x29: {  	s16 =	sand.u32 @!p0 $0x7, s11;
	s15 =	sadd.s32 @!p0 s4, s15;
	s14 =	sshrl.u32 @!p0 s14, $0x2  }
0x2a: {  	[tilespmem:s14], [sflag:$0x2] =	stream.linear.gather @!p0 [hbm4b:s15+s16], $0x13C0, $0x38;
	[tilespmem:$0x4F00] =	vst v63  }
0x2b: {  	p0 =	sge.u32 s31, s7  }
.Ltmp2:
0x2c: {  	_ = 	snop;
	(pc) =	sbr.rel @p0 .LBB2_5-.Ltmp2, $1  }
0x2d: {  	_ =	sdelay $0x3  }
0x2e: {  	s14 =	sand.u32 $0x1, s12  }
0x2f: {  	_ =	swait.ge [sflag:s6], $0x13C0;
	p0 =	seq.s32 s14, $0x1;
	s14 =	simm.s32 $0x13C0  }
0x30: {  	[sflag:s6] =	ssyncset.done $0x0;
	s14 =	simm.s32 @!p0 $0x0  }
0x31: {  	[sflag:s6] =	ssyncadd.s32 $0xFFFFEC40;
	(ifvalue) =	ssetifvalue $0x7FFFFFFF;
	v0 =	vld.msk [tilespmem:s14+$0x0 ss:$0x1], $0xffff;
	_ =	sdelay $0x4  }
0x32: {  	s15 =	sadd.s32 $0x10, s14;
	vm1 =	vgt.s32 v0, $0x0  }
0x33: {  	v2 =	vld.msk [tilespmem:s15+$0x0 ss:$0x1], $0xffff;
	v1 =	vnsel vm1, $0x0, v0  }
0x34: {  	v1 =	vmin.u32 v1, $0x4EFFF;
	_ =	sdelay $0x2  }
0x35: {  	s17 =	simm.s32 $0x20;
	s14 =	sadd.s32 $0x2780, s14;
	s16 =	sadd.s32 $0x10, s15  }
0x36: {  	s15 =	sadd.s32 $0x10, s14;
	s18 =	smov.u32 s14;
	v0 =	vld.msk [tilespmem:s16+$0x0 ss:$0x1], $0xffff;
	vm1 =	vgt.s32 v2, $0x0;
	(ifvalue) =	ssetifvalue $0x7FFFFFFF  }
.LBB2_3:
0x37: {  	[tilespmem:s18], [sflag:$0x1] =	stream.indirect_vreg.gather [hbm4b:s3+s10], $0x1, v1, vm0, $0x4038;
	[tilespmem:$0x4F00] =	vst v63  }
0x38: {  	s17 =	sadd.s32 $0x10, s17  }
0x39: {  	v2 =	vnsel vm1, $0x0, v2;
	p0 =	slt.u32 s17, $0x13B0  }
.Ltmp3:
0x3a: {  	s18 =	smov.u32 s15;
	v1 =	vmin.u32 v2, $0x4EFFF;
	(pc) =	sbr.rel @p0 .LBB2_3-.Ltmp3, $3  }
0x3b: {  	_ =	sdelay $0x1  }
0x3c: {  	s16 =	sadd.s32 $0x10, s16  }
0x3d: {  	vm1 =	vgt.s32 v0, $0x0;
	s15 =	sadd.s32 $0x10, s15;
	v2 =	vmov v0;
	(ifvalue) =	ssetifvalue $0x7FFFFFFF;
	v0 =	vld.msk [tilespmem:s16+$0x0 ss:$0x1], $0xffff  }
.Ltmp4:
0x3e: {  	_ = 	snop;
	(pc) =	sbr.rel .LBB2_4-.Ltmp4, $1  }
0x3f: {  	_ =	sdelay $0x3  }
.LBB2_6:
0x40: {  	_ =	sfence.sel $0x180000  }
0x41: {  	s2 =	simm.s32 $0x2;
	[bflag:$0x0] =	sbarrier.arrive $0xFFFF  }
0x42: {  	s30 =	simm.s32 $0x3;
	[sflag:s2] =	ssyncpa.u1 $0x1  }
0x43: {  	s31 =	simm.s32 $0x1;
	[sflag:s30] =	ssyncpa.u1 $0x1  }
0x44: {  	[sflag:s31] =	ssyncpa.u1 $0x1  }
0x45: {  	p0 =	sne.s32 s0, $0x0;
	_ =	strace $0x9000004D  }
0x46: {  	s0 =	sadd.s32 @!p0 $0x100000, s1;
	[bflag:$0x2] =	sbarrier.arrive $0xFFFF  }
0x47: {  	[sflag:s0] =	ssyncadd.tile.s32 @!p0 $0x1;
	_ =	shalt  }
.Lfunc_end2:
_tile_overlayer_lowered:
.L_overlay_start_2:
0x48: {  	(tag) =	ssettag $0x2  }
0x49: {  	s0 =	rddreg [dreg:$0x0];
	s2 =	stileid.u32  }
0x4a: {  	s1 =	rddreg [dreg:$0x1];
	p0 =	sne.s32 s2, $0x0  }
0x4b: {  	s3 =	rddreg [dreg:$0x2];
	[bflag:$0x3] =	sbarrier.arrive $0xFFFF;
	s2 =	simm.s32 @!p0 $0x1C01  }
0x4c: {  	[timem:s3], [sflag:s2] =	dma.local @!p0 [hbm:s0], s1  }
0x4d: {  	s0 =	simm.s32 @!p0 $0x1  }
0x4e: {  	_ =	swait.ge @!p0 [sflag:s0], s1  }
0x4f: {  	s1 =	ssub.s32 @!p0 $0x0, s1;
	[sflag:s0] =	ssyncset.done @!p0 $0x0  }
0x50: {  	[sflag:s0] =	ssyncadd.s32 @!p0 s1  }
0x51: {  	[bflag:$0x3] =	sbarrier.arrive $0xFFFF  }
0x52: {  	_ =	shalt  }

// kernel: kernel.4.cloned.1.call-start
scs
__scs_entry_jumppad:
0x0: {  	(pc) =	sbr.rel $0x88, $3  }
0x1: {  	(tag) =	ssettag $0x0;
	lr =	simm.s32 $0x1  }
0x2: {  	[smem:$0x3F94] =	sst lr;
	_ =	strace $0xD0000000  }
0x3: {  	_ = 	snop  }
0x4: {  	_ = 	snop  }
0x5: {  	_ = 	snop  }
0x6: {  	_ = 	snop  }
0x7: {  	_ = 	snop  }
__scs_overlays_trampoline_lowered:
0x8: {  	[smem:$0x3FA3] =	sst s0  }
0x9: {  	[smem:$0x3FA4] =	sst s1  }
0xa: {  	[smem:$0x3FA5] =	sst s2  }
0xb: {  	[smem:$0x3FA6] =	sst s3  }
0xc: {  	[smem:$0x3FA7] =	sst s4  }
0xd: {  	[smem:$0x3FA8] =	sst s5  }
0xe: {  	[smem:$0x3FA9] =	sst s6  }
0xf: {  	[smem:$0x3FAA] =	sst s7  }
0x10: {  	[smem:$0x3FAB] =	sst s8  }
0x11: {  	[smem:$0x3FAC] =	sst s9;
	s0 =	simm.s32 @!p0 $0x0  }
0x12: {  	s1 =	sld [smem:$0x3F92];
	s0 =	simm.s32 @p0 $0x1  }
0x13: {  	[smem:$0x3FAD] =	sst s0;
	s0 =	simm.s32 @!p1 $0x0  }
0x14: {  	s2 =	sld [smem:$0x3F91];
	s0 =	simm.s32 @p1 $0x1  }
0x15: {  	[smem:$0x3FAE] =	sst s0;
	s0 =	simm.s32 @!p2 $0x0  }
0x16: {  	s3 =	sld [smem:$0x3FDB];
	s0 =	simm.s32 @p2 $0x1  }
0x17: {  	s4 =	simm.s32 $0x1BF5;
	[smem:$0x3FB0] =	sst s0  }
0x18: {  	s0 =	sld [smem:$0x3F93];
	_ =	swait.ge [sflag:s4], $0x0  }
0x19: {  	s7 =	sld [smem:$0x3F94]  }
0x1a: {  	s8 =	sadd.s32 $0xFFFFE003, lr  }
0x1b: {  	s9 =	sadd.s32 $0xFFFFFEF7, lr;
	s5 =	simm.s32 $0xFFFFFFFF;
	p2 =	slt.u32 s8, $0xFFFFF086  }
0x1c: {  	p1 =	slt.u32 s9, $0xF7A;
	s5 =	simm.s32 @!p2 $0x0  }
0x1d: {  	s5 =	simm.s32 @p1 $0x1;
	p0 =	seq.s32 s7, s2  }
0x1e: {  	s7 =	smul.u32 @!p0 $0xF7A, s2;
	p2 =	seq.s32 @!p0 s5, $0x0  }
0x1f: {  	s9 =	smul.u32 $0xF7A, s1;
	s8 =	simm.s32 @!p0 $0x1BF5;
	p2 =	por !p2, p0  }
0x20: {  	[sflag:s8] =	ssyncset.s32 @!p0 $0xFFFFF086;
	s6 =	sadd.s32 @!p0 s3, s7;
	s7 =	simm.s32 @!p0 $0x108  }
0x21: {  	s3 =	sadd.s32 s3, s9;
	s6 =	sadd.s32 @!p0 $0x88, s6;
	s7 =	simm.s32 @p2 $0x1082  }
0x22: {  	[simem:s7], [sflag:s8] =	dma.local @!p0 [hbm:s6], $0xF7A  }
0x23: {  	s9 =	sor.u32 $0xD0000000, s2;
	s6 =	simm.s32 $0x108;
	_ =	swait.ge @!p0 [sflag:s8], $0x0  }
0x24: {  	s3 =	sadd.s32 $0x88, s3;
	s6 =	simm.s32 @!p1 $0x1082;
	[sflag:s4] =	ssyncset.s32 $0xFFFFF086  }
0x25: {  	[simem:s6], [sflag:s4] =	dma.local [hbm:s3], $0xF7A  }
0x26: {  	[smem:$0x3F94] =	sst s1;
	(tag) =	ssettag s2;
	_ =	strace s9  }
0x27: {  	s1 =	sld [smem:$0x3FA4]  }
0x28: {  	s2 =	sld [smem:$0x3FA5]  }
0x29: {  	s4 =	sld [smem:$0x3FA7]  }
0x2a: {  	p0 =	seq.s32 s5, $0x0;
	s5 =	sld [smem:$0x3FA8]  }
0x2b: {  	s6 =	sld [smem:$0x3FA9]  }
0x2c: {  	s7 =	sld [smem:$0x3FAA]  }
0x2d: {  	s3 =	simm.s32 $0x108;
	s8 =	sld [smem:$0x3FAB]  }
0x2e: {  	s3 =	simm.s32 @!p0 $0x1082;
	s9 =	sld [smem:$0x3FAC]  }
0x2f: {  	lr =	sadd.s32 s0, s3;
	s0 =	sld [smem:$0x3FA3]  }
0x30: {  	s3 =	sld [smem:$0x3FA6]  }
0x31: {  	[smem:$0x3FAF] =	sst s10  }
0x32: {  	s10 =	sld [smem:$0x3FAD];
	_ =	sdelay $0x3  }
0x33: {  	p0 =	seq.s32 s10, $0x1;
	s10 =	sld [smem:$0x3FAF];
	_ =	sdelay $0x3  }
0x34: {  	[smem:$0x3FAF] =	sst s10  }
0x35: {  	s10 =	sld [smem:$0x3FAE];
	_ =	sdelay $0x3  }
0x36: {  	p1 =	seq.s32 s10, $0x1;
	s10 =	sld [smem:$0x3FAF];
	_ =	sdelay $0x3  }
0x37: {  	[smem:$0x3FAF] =	sst s10  }
0x38: {  	s10 =	sld [smem:$0x3FB0]  }
0x39: {  	_ = 	snop;
	(pc) =	sbr.ind lr, $3  }
0x3a: {  	_ = 	snop  }
0x3b: {  	_ = 	snop  }
0x3c: {  	p2 =	seq.s32 s10, $0x1;
	s10 =	sld [smem:$0x3FAF]  }
0x3d: {  	_ =	shalt  }
0x3e: {  	_ =	shalt  }
0x3f: {  	_ =	shalt  }
0x40: {  	_ =	shalt  }
0x41: {  	_ =	shalt  }
0x42: {  	_ =	shalt  }
0x43: {  	_ =	shalt  }
0x44: {  	_ =	shalt  }
0x45: {  	_ =	shalt  }
0x46: {  	_ =	shalt  }
0x47: {  	_ =	shalt  }
0x48: {  	_ =	shalt  }
0x49: {  	_ =	shalt  }
0x4a: {  	_ =	shalt  }
0x4b: {  	_ =	shalt  }
0x4c: {  	_ =	shalt  }
0x4d: {  	_ =	shalt  }
0x4e: {  	_ =	shalt  }
0x4f: {  	_ =	shalt  }
0x50: {  	_ =	shalt  }
0x51: {  	_ =	shalt  }
0x52: {  	_ =	shalt  }
0x53: {  	_ =	shalt  }
0x54: {  	_ =	shalt  }
0x55: {  	_ =	shalt  }
0x56: {  	_ =	shalt  }
0x57: {  	_ =	shalt  }
0x58: {  	_ =	shalt  }
0x59: {  	_ =	shalt  }
0x5a: {  	_ =	shalt  }
0x5b: {  	_ =	shalt  }
0x5c: {  	_ =	shalt  }
0x5d: {  	_ =	shalt  }
0x5e: {  	_ =	shalt  }
0x5f: {  	_ =	shalt  }
0x60: {  	_ =	shalt  }
0x61: {  	_ =	shalt  }
0x62: {  	_ =	shalt  }
0x63: {  	_ =	shalt  }
0x64: {  	_ =	shalt  }
0x65: {  	_ =	shalt  }
0x66: {  	_ =	shalt  }
0x67: {  	_ =	shalt  }
0x68: {  	_ =	shalt  }
0x69: {  	_ =	shalt  }
0x6a: {  	_ =	shalt  }
0x6b: {  	_ =	shalt  }
0x6c: {  	_ =	shalt  }
0x6d: {  	_ =	shalt  }
0x6e: {  	_ =	shalt  }
0x6f: {  	_ =	shalt  }
0x70: {  	_ =	shalt  }
0x71: {  	_ =	shalt  }
0x72: {  	_ =	shalt  }
0x73: {  	_ =	shalt  }
0x74: {  	_ =	shalt  }
0x75: {  	_ =	shalt  }
0x76: {  	_ =	shalt  }
0x77: {  	_ =	shalt  }
0x78: {  	_ =	shalt  }
0x79: {  	_ =	shalt  }
0x7a: {  	_ =	shalt  }
0x7b: {  	_ =	shalt  }
0x7c: {  	_ =	shalt  }
0x7d: {  	_ =	shalt  }
0x7e: {  	_ =	shalt  }
0x7f: {  	_ =	shalt  }
0x80: {  	_ =	shalt  }
0x81: {  	_ =	shalt  }
0x82: {  	_ =	shalt  }
0x83: {  	_ =	shalt  }
0x84: {  	_ =	shalt  }
0x85: {  	_ =	shalt  }
0x86: {  	_ =	shalt  }
0x87: {  	_ =	shalt  }
.Lfunc_end0:
.L_simem_size_0:
called_computation.3_lowered:
.L_overlay_start_0:
0x88: {  	s2 =	sld [smem:$0x3FD9]  }
0x89: {  	s3 =	sld [smem:$0x3FFE];
	_ =	sdelay $0x1  }
0x8a: {  	s1 =	srdreg.scid  }
0x8b: {  	s0 =	sand.u32 $0x1, s1  }
0x8c: {  	s17 =	sshll.u32 s0, $0xA;
	s2 =	sadd.s32 s3, s2  }
0x8d: {  	s2 =	sadd.s32 s2, s17  }
0x8e: {  	[smem:$0x3FBB] =	sst s2  }
0x8f: {  	_ = 	snop  }
0x90: {  	s2 =	sld [smem:$0x3FC9]  }
0x91: {  	s18 =	sld [smem:$0x3FD0];
	(tm) =	ssettm $0x1  }
0x92: {  	s4 =	sld [smem:$0x3FFB];
	_ =	sdelay $0x3  }
0x93: {  	_ =	strace s4  }
0x94: {  	s4 =	sld [smem:$0x3FFC];
	_ =	sdelay $0x3  }
0x95: {  	_ =	strace s4  }
0x96: {  	s4 =	sld [smem:$0x3FFD];
	_ =	sdelay $0x3  }
0x97: {  	_ =	strace s4  }
0x98: {  	_ =	strace $0x8FFFFFFF  }
0x99: {  	s19 =	sld [smem:$0x3FDB];
	_ =	sdelay $0x1  }
0x9a: {  	s5 =	simm.s32 $_scs_section_size  }
0x9b: {  	s6 =	simm.s32 $_size__tile_overlayer_lowered;
	s7 =	simm.s32 $_tile_overlayer_lowered  }
0x9c: {  	s22 =	simm.s32 $0x1BFF;
	s21 =	sshll.u32 s7, $0x1;
	s4 =	sadd.s32 s5, s19  }
0x9d: {  	s8 =	simm.s32 $0x0;
	s20 =	sshll.u32 s6, $0x1;
	s6 =	sadd.s32 s21, s4  }
0x9e: {  	[timem:s8], [sflag:s22] =	dma.local [hbm:s6], s20  }
0x9f: {  	_ =	swait.ge [sflag:s22], s20  }
0xa0: {  	s5 =	ssub.s32 $0x0, s20;
	[sflag:s22] =	ssyncset.done $0x0  }
0xa1: {  	[sflag:s22] =	ssyncadd.s32 s5;
	_ =	sdelay $0x1  }
0xa2: {  	s23 =	simm.s32 $0x1B8B  }
0xa3: {  	_ =	swait.ge [sflag:s23], $0x1  }
0xa4: {  	[sflag:s23] =	ssyncset.done $0x0  }
0xa5: {  	s25 =	simm.s32 $0x1B8E;
	s24 =	sld [smem:$0x3FFE];
	[sflag:s23] =	ssyncadd.s32 $0xFFFFFFFF  }
0xa6: {  	s26 =	simm.s32 $execute0_lowered;
	[smem:$0x3FD2] =	sst s25  }
0xa7: {  	s6 =	sshll.u32 s26, $0x1;
	_ =	strace $0x8000004F;
	[dreg:$0x1] =	wrdreg $0xFFFFFFFF  }
0xa8: {  	s28 =	simm.s32 $_size_execute0_lowered;
	s4 =	sadd.s32 s4, s6;
	[dreg:$0x0] =	wrdreg $0x0  }
0xa9: {  	s6 =	sshll.u32 s28, $0x1;
	[dreg:$0x2] =	wrdreg s4  }
0xaa: {  	[dreg:$0x3] =	wrdreg s6  }
0xab: {  	[dreg:$0x4] =	wrdreg $0xC0  }
0xac: {  	_ =	task [dreg:s8], $0x5FFFF  }
0xad: {  	[dreg:$0x1] =	wrdreg $0xFFFFFFFF  }
0xae: {  	[dreg:$0x0] =	wrdreg $0x60  }
0xaf: {  	[dreg:$0x2] =	wrdreg s2  }
0xb0: {  	[dreg:$0x3] =	wrdreg s24  }
0xb1: {  	[dreg:$0x4] =	wrdreg s18  }
0xb2: {  	[dreg:$0x5] =	wrdreg $0x86000  }
0xb3: {  	[dreg:$0x6] =	wrdreg $0x1C6000  }
0xb4: {  	[dreg:$0x7] =	wrdreg $0x9  }
0xb5: {  	_ =	task.clear_ibuf [dreg:s8], $0x8FFFF;
	_ =	strace $0x9000004F  }
0xb6: {  	s29 =	simm.s32 $0x9;
	_ =	strace $0x80000051  }
0xb7: {  	_ =	swait.ge [sflag:s29], $0x1  }
0xb8: {  	[sflag:s29] =	ssyncadd.s32 $0xFFFFFFFF  }
0xb9: {  	_ =	strace $0x90000051  }
0xba: {  	_ =	sfence  }
0xbb: {  	s30 =	sld [smem:$0x0];
	_ =	sdelay $0x2  }
0xbc: {  	s31 =	sshll.u32 s1, $0xD;
	s1 =	sshrl.u32 s1, $0x2  }
0xbd: {  	s3 =	sand.u32 $0x4000, s31;
	s1 =	sadd.s32 s1, s30  }
0xbe: {  	s0 =	sor.u32 s3, s0;
	s1 =	sshll.u32 s1, $0x11  }
0xbf: {  	s0 =	sor.u32 s1, s0  }
0xc0: {  	s0 =	sadd.s32 $0x8F2B, s0  }
0xc1: {  	[sflag:s0] =	ssyncadd.remote.s32 $0x1  }
0xc2: {  	_ =	sfence.sel $0xFFFF  }
0xc3: {  	[dreg:$0x0] =	wrdreg $0xFFFFFFFF;
	(pc) =	sbr.abs _section_cstart, $3  }
0xc4: {  	[dreg:$0x1] =	wrdreg $0xFFFFFFFF  }
0xc5: {  	_ =	task.clear_ibuf [dreg:s8], $0x2FFFF;
	_ =	strace $0x9FFFFFFF  }
0xc6: {  	(tm) =	ssettm $0x7FFFFFFF  }
0xc7: {  	_ =	shalt  }
tec
execute0_lowered:
.L_overlay_start_1:
0x0: {  	(tag) =	ssettag $0x1  }
0x1: {  	s0 =	rddreg [dreg:$0x0]  }
0x2: {  	s1 =	rddreg [dreg:$0x1]  }
0x3: {  	s2 =	rddreg [dreg:$0x2]  }
0x4: {  	s3 =	rddreg [dreg:$0x3]  }
0x5: {  	s5 =	srdreg.scid;
	s4 =	rddreg [dreg:$0x4]  }
0x6: {  	s13 =	stileid.u32;
	s16 =	simm.s32 $0x200;
	s17 =	simm.s32 $0x2  }
0x7: {  	s18 =	simm.s32 $0x80;
	s19 =	simm.s32 $0x600;
	s20 =	simm.s32 $0x280  }
0x8: {  	s21 =	simm.s32 $0x300;
	s22 =	simm.s32 $0x380;
	s23 =	simm.s32 $0x400  }
0x9: {  	s24 =	simm.s32 $0x480;
	s28 =	simm.s32 $0x100;
	s29 =	simm.s32 $0x0  }
0xa: {  	s30 =	simm.s32 $0x0;
	s7 =	sand.u32 $0x1, s5;
	s8 =	smul.u32 $0x14000, s13  }
0xb: {  	s5 =	simm.s32 $0x0;
	s9 =	sshll.u32 s13, $0x7;
	s6 =	smul.u32 $0x140000, s7  }
0xc: {  	[smem:$0x7FF] =	sst s5;
	s9 =	sadd.s32 s9, s1;
	s25 =	ssub.s32 $0x2, s7  }
0xd: {  	s11 =	sshll.u32 s7, $0x4;
	s12 =	smul.u32 $0x28000, s7;
	_ =	strace $0x80000050  }
0xe: {  	s10 =	sshrl.u32 s25, $0x1;
	s26 =	sor.u32 s13, s11;
	s13 =	smul.u32 $0x2800, s13  }
0xf: {  	v0 =	vimm.f32 $0.0e+00;
	s7 =	sadd.s32 $0x20200, s9;
	s8 =	sadd.s32 s8, s6;
	s6 =	sadd.s32 $0x20A00, s1  }
0x10: {  	v34 =	vimm.s32 $0x7;
	v61 =	vimm.s32 $0x0;
	v37 =	vimm.s32 $0x2;
	s15 =	ssub.s32 s25, s10;
	s25 =	simm.s32 $0x4600;
	s8 =	sshrl.u32 s8, $0x3  }
0x11: {  	v42 =	vimm.s32 $0x3;
	v40 =	vimm.s32 $0x4;
	v44 =	vimm.s32 $0x5;
	s14 =	sadd.s32 s13, s12;
	s15 =	smax.u32 s15, $0x1;
	s1 =	sadd.s32 s8, s1  }
0x12: {  	v46 =	vimm.s32 $0x6;
	v14 =	vimm.s32 $0x8;
	v15 =	vimm.s32 $0x9;
	s8 =	smul.u32 $0x9E00, s26;
	s31 =	sshrl.u32 s14, $0x3;
	s26 =	simm.s32 $0x1  }
0x13: {  	v10 =	vimm.s32 $0xA;
	v11 =	vimm.s32 $0xB;
	v7 =	vimm.s32 $0xC;
	s9 =	sadd.s32 $0x48200, s1;
	s10 =	sadd.s32 $0x48A00, s1;
	s11 =	sadd.s32 $0x49200, s1  }
0x14: {  	v8 =	vimm.s32 $0xD;
	v9 =	vimm.s32 $0xE;
	v12 =	vimm.s32 $0xF;
	s12 =	sadd.s32 $0x49A00, s1;
	s13 =	sadd.s32 $0x4A200, s1;
	s14 =	sadd.s32 s2, s31  }
.LBB2_1:
0x15: {  	[tilespmem:s16], [sflag:$0x2] =	stream.linear.gather [hbm4b:s7+s5], $0x300, $0x38;
	[tilespmem:$0x1EE00] =	vst v63  }
0x16: {  	_ =	swait.ge [sflag:s17], $0x300  }
0x17: {  	[sflag:s17] =	ssyncset.done $0x0  }
0x18: {  	s1 =	simm.s32 $0x0;
	s2 =	simm.s32 $0x200;
	[sflag:s17] =	ssyncadd.s32 $0xFFFFFD00  }
.LBB2_2:
0x19: {  	p0 =	sne.s32 s2, $0xFE00;
	[tilespmem:s1+$0x4670] =	vst v0  }
0x1a: {  	[tilespmem:s1+$0x600] =	vst v0  }
0x1b: {  	[tilespmem:s1+$0x4600] =	vst v0  }
0x1c: {  	[tilespmem:s1+$0x610] =	vst v0  }
0x1d: {  	[tilespmem:s1+$0x4610] =	vst v0  }
0x1e: {  	[tilespmem:s1+$0x620] =	vst v0  }
0x1f: {  	[tilespmem:s1+$0x4620] =	vst v0  }
0x20: {  	[tilespmem:s1+$0x630] =	vst v0  }
0x21: {  	[tilespmem:s1+$0x4630] =	vst v0  }
0x22: {  	[tilespmem:s1+$0x640] =	vst v0  }
0x23: {  	[tilespmem:s1+$0x4640] =	vst v0  }
.Ltmp0:
0x24: {  	[tilespmem:s1+$0x650] =	vst v0;
	(pc) =	sbr.rel @p0 .LBB2_2-.Ltmp0, $4  }
0x25: {  	[tilespmem:s1+$0x4650] =	vst v0  }
0x26: {  	[tilespmem:s1+$0x660] =	vst v0  }
0x27: {  	[tilespmem:s1+$0x4660] =	vst v0  }
0x28: {  	[tilespmem:s1+$0x670] =	vst v0;
	s1 =	sshra.s32 s2, $0x2;
	s2 =	sadd.s32 $0x200, s2  }
0x29: {  	[tilespmem:s1+$0x4670] =	vst v0  }
0x2a: {  	[tilespmem:s1+$0x600] =	vst v0  }
0x2b: {  	[tilespmem:s1+$0x4600] =	vst v0  }
0x2c: {  	[tilespmem:s1+$0x610] =	vst v0  }
0x2d: {  	[tilespmem:s1+$0x4610] =	vst v0  }
0x2e: {  	[tilespmem:s1+$0x620] =	vst v0  }
0x2f: {  	[tilespmem:s1+$0x4620] =	vst v0  }
0x30: {  	[tilespmem:s1+$0x630] =	vst v0  }
0x31: {  	[tilespmem:s1+$0x4630] =	vst v0  }
0x32: {  	[tilespmem:s1+$0x640] =	vst v0  }
0x33: {  	[tilespmem:s1+$0x4640] =	vst v0  }
0x34: {  	[tilespmem:s1+$0x650] =	vst v0  }
0x35: {  	[tilespmem:s1+$0x4650] =	vst v0  }
0x36: {  	[tilespmem:s1+$0x660] =	vst v0  }
0x37: {  	[tilespmem:s1+$0x4660] =	vst v0  }
0x38: {  	[tilespmem:s1+$0x670] =	vst v0  }
0x39: {  	[spmem:s3] =	stream.indirect.scatter [tilespmem:s19], [sflag:$0x2], $0x80, s16, s18, $0xb8;
	[tilespmem:$0x1EE00] =	vst v63  }
0x3a: {  	_ =	swait.ge [sflag:s17], $0x4000  }
0x3b: {  	[sflag:s17] =	ssyncset.done $0x0  }
0x3c: {  	[sflag:s17] =	ssyncadd.s32 $0xFFFFC000  }
0x3d: {  	[spmem:s3] =	stream.indirect.scatter [tilespmem:s19], [sflag:$0x2], $0x80, s20, s18, $0xb8;
	[tilespmem:$0x1EE00] =	vst v63  }
0x3e: {  	_ =	swait.ge [sflag:s17], $0x4000  }
0x3f: {  	[sflag:s17] =	ssyncset.done $0x0  }
0x40: {  	[sflag:s17] =	ssyncadd.s32 $0xFFFFC000  }
0x41: {  	[spmem:s3] =	stream.indirect.scatter [tilespmem:s19], [sflag:$0x2], $0x80, s21, s18, $0xb8;
	[tilespmem:$0x1EE00] =	vst v63  }
0x42: {  	_ =	swait.ge [sflag:s17], $0x4000  }
0x43: {  	[sflag:s17] =	ssyncset.done $0x0  }
0x44: {  	[sflag:s17] =	ssyncadd.s32 $0xFFFFC000  }
0x45: {  	[spmem:s3] =	stream.indirect.scatter [tilespmem:s19], [sflag:$0x2], $0x80, s22, s18, $0xb8;
	[tilespmem:$0x1EE00] =	vst v63  }
0x46: {  	_ =	swait.ge [sflag:s17], $0x4000  }
0x47: {  	[sflag:s17] =	ssyncset.done $0x0  }
0x48: {  	[sflag:s17] =	ssyncadd.s32 $0xFFFFC000  }
0x49: {  	[spmem:s3] =	stream.indirect.scatter [tilespmem:s19], [sflag:$0x2], $0x80, s23, s18, $0xb8;
	[tilespmem:$0x1EE00] =	vst v63  }
0x4a: {  	_ =	swait.ge [sflag:s17], $0x4000  }
0x4b: {  	[sflag:s17] =	ssyncset.done $0x0  }
0x4c: {  	[sflag:s17] =	ssyncadd.s32 $0xFFFFC000  }
0x4d: {  	[spmem:s4] =	stream.indirect.scatter [tilespmem:s25], [sflag:$0x2], $0x80, s24, s18, $0xb8;
	[tilespmem:$0x1EE00] =	vst v63  }
0x4e: {  	_ =	swait.ge [sflag:s17], $0x4000  }
0x4f: {  	[sflag:s17] =	ssyncset.done $0x0  }
0x50: {  	[sflag:s17] =	ssyncadd.s32 $0xFFFFC000  }
0x51: {  	s31 =	simm.s32 $0x0;
	[bflag:$0x0] =	sbarrier.arrive $0xFFFF  }
.LBB2_4:
0x52: {  	s1 =	sshll.u32 s31, $0x9  }
0x53: {  	s1 =	sadd.s32 s8, s1  }
0x54: {  	s1 =	sshrl.u32 s1, $0x3  }
0x55: {  	s1 =	sadd.s32 s6, s1  }
0x56: {  	[tilespmem:s30], [sflag:$0x2] =	stream.linear.gather [hbm4b:s1+s30], $0x200, $0x38;
	[tilespmem:$0x1EE00] =	vst v63  }
0x57: {  	_ =	swait.ge [sflag:s17], $0x200  }
0x58: {  	[sflag:s17] =	ssyncset.done $0x0  }
0x59: {  	[sflag:s17] =	ssyncadd.s32 $0xFFFFFE00  }
0x5a: {  	[tilespmem:s19], [sflag:$0x1] =	stream.indirect.gather [hbm4b:s0+s18], $0x80, s30, s18, $0xb8;
	[tilespmem:$0x1EE00] =	vst v63  }
0x5b: {  	_ =	swait.ge [sflag:s26], $0x4000  }
0x5c: {  	s21 =	simm.s32 $0x0;
	[sflag:s26] =	ssyncset.done $0x0  }
0x5d: {  	s2 =	simm.s32 $0x1;
	s1 =	simm.s32 $0x0;
	[sflag:s26] =	ssyncadd.s32 $0xFFFFC000  }
.LBB2_5:
0x5e: {  	v0 =	vld [tilespmem:s21+$0x80]  }
0x5f: {  	v54 =	vld [tilespmem:s21+$0x180];
	s20 =	sshll.u32 s1, $0xB  }
0x60: {  	v19 =	vld [tilespmem:s20+$0x600]  }
0x61: {  	v21 =	vld [tilespmem:s20+$0x610]  }
0x62: {  	v22 =	vld [tilespmem:s20+$0x620]  }
0x63: {  	v24 =	vld [tilespmem:s20+$0x650]  }
0x64: {  	v26 =	vld [tilespmem:s20+$0x680]  }
0x65: {  	v28 =	vld [tilespmem:s20+$0x6E0];
	[tilespmem:$0x1FCE0] =	vst v19  }
0x66: {  	v29 =	vld [tilespmem:s20+$0x700];
	[tilespmem:$0x1FCF0] =	vst v21  }
0x67: {  	v32 =	vld [tilespmem:s20+$0x740];
	[tilespmem:$0x1FCB0] =	vst v22  }
0x68: {  	v55 =	vand.u32 $0x7, v0;
	[tilespmem:$0x1FC90] =	vst v24  }
0x69: {  	v39 =	vperm.xlane v55, v12;
	[tilespmem:$0x1FC30] =	vst v26  }
0x6a: {  	v17 =	vperm.xlane v54, v12;
	v0 =	vperm.xlane v55, v9;
	[tilespmem:$0x1FBE0] =	vst v28  }
0x6b: {  	v36 =	vperm.xlane v54, v9;
	[tilespmem:$0x1FBD0] =	vst v29;
	vm2 =	veq.s32 v39, $0x7  }
0x6c: {  	[tilespmem:$0x1FBB0] =	vst v32;
	vm1 =	veq.s32 v0, $0x7;
	v3 =	vnsel vm2, $0x0, v17  }
0x6d: {  	vm0 =	veq.s32 v0, $0x6;
	v2 =	vnsel vm1, $0x0, v36;
	[tilespmem:s20+$0x4DF0] =	vst v3  }
0x6e: {  	vm13 =	veq.s32 v0, $0x5;
	v1 =	vnsel vm0, $0x0, v36;
	[tilespmem:s20+$0x4D70] =	vst v2  }
0x6f: {  	vm12 =	veq.s32 v0, $0x4;
	v5 =	vnsel vm13, $0x0, v36;
	[tilespmem:s20+$0x4D60] =	vst v1  }
0x70: {  	vm11 =	veq.s32 v0, $0x3;
	v4 =	vnsel vm12, $0x0, v36;
	[tilespmem:s20+$0x4D50] =	vst v5  }
0x71: {  	vm5 =	veq.s32 v39, $0x6;
	v47 =	vnsel vm11, $0x0, v36;
	[tilespmem:s20+$0x4D40] =	vst v4  }
0x72: {  	vm4 =	veq.s32 v0, $0x2;
	v51 =	vnsel vm5, $0x0, v17;
	[tilespmem:s20+$0x4D30] =	vst v47  }
0x73: {  	vm15 =	veq.s32 v0, $0x1;
	v50 =	vnsel vm4, $0x0, v36;
	v5 =	vperm.xlane v55, v8;
	[tilespmem:$0x1FA60] =	vst v51  }
0x74: {  	v38 =	vperm.xlane v54, v8;
	vm14 =	veq.s32 v0, $0x0;
	v49 =	vnsel vm15, $0x0, v36;
	[tilespmem:s20+$0x4D20] =	vst v50  }
0x75: {  	v48 =	vnsel vm14, $0x0, v36;
	[tilespmem:s20+$0x4D10] =	vst v49;
	vm8 =	veq.s32 v5, $0x7  }
0x76: {  	[tilespmem:s20+$0x4D00] =	vst v48;
	vm7 =	veq.s32 v5, $0x6;
	v6 =	vnsel vm8, $0x0, v38  }
0x77: {  	vm6 =	veq.s32 v5, $0x5;
	v53 =	vnsel vm7, $0x0, v38;
	[tilespmem:s20+$0x4CF0] =	vst v6  }
0x78: {  	v35 =	vperm.xlane v54, v7;
	vm11 =	veq.s32 v5, $0x4;
	v52 =	vnsel vm6, $0x0, v38;
	[tilespmem:s20+$0x4CE0] =	vst v53  }
0x79: {  	v4 =	vperm.xlane v55, v7;
	vm10 =	veq.s32 v5, $0x3;
	v7 =	vnsel vm11, $0x0, v38;
	[tilespmem:s20+$0x4CD0] =	vst v52  }
0x7a: {  	vm9 =	veq.s32 v5, $0x2;
	v57 =	vnsel vm10, $0x0, v38;
	[tilespmem:s20+$0x4CC0] =	vst v7  }
0x7b: {  	vm13 =	veq.s32 v5, $0x0;
	v56 =	vnsel vm9, $0x0, v38;
	[tilespmem:s20+$0x4CB0] =	vst v57  }
0x7c: {  	vm12 =	veq.s32 v4, $0x7;
	vm14 =	veq.s32 v5, $0x1;
	v5 =	vnsel vm13, $0x0, v38;
	[tilespmem:s20+$0x4CA0] =	vst v56  }
0x7d: {  	vm5 =	veq.s32 v4, $0x6;
	v58 =	vnsel vm12, $0x0, v35;
	[tilespmem:s20+$0x4C80] =	vst v5  }
0x7e: {  	vm15 =	veq.s32 v4, $0x4;
	v8 =	vnsel vm5, $0x0, v35;
	[tilespmem:s20+$0x4C70] =	vst v58  }
0x7f: {  	v59 =	vnsel vm15, $0x0, v35;
	[tilespmem:s20+$0x4C60] =	vst v8  }
0x80: {  	vm4 =	veq.s32 v4, $0x5;
	v6 =	vnsel vm14, $0x0, v38;
	[tilespmem:s20+$0x4C40] =	vst v59  }
0x81: {  	vm8 =	veq.s32 v4, $0x3;
	v7 =	vnsel vm4, $0x0, v35;
	[tilespmem:s20+$0x4C90] =	vst v6  }
0x82: {  	v48 =	vld [tilespmem:s20+$0x840];
	vm7 =	veq.s32 v4, $0x2;
	v9 =	vnsel vm8, $0x0, v35;
	[tilespmem:s20+$0x4C50] =	vst v7  }
0x83: {  	v49 =	vld [tilespmem:s20+$0x860];
	vm6 =	veq.s32 v4, $0x1;
	v62 =	vnsel vm7, $0x0, v35;
	[tilespmem:s20+$0x4C30] =	vst v9  }
0x84: {  	v51 =	vld [tilespmem:s20+$0x880];
	vm9 =	veq.s32 v4, $0x0;
	v60 =	vnsel vm6, $0x0, v35;
	[tilespmem:s20+$0x4C20] =	vst v62  }
0x85: {  	v5 =	vnsel vm9, $0x0, v35;
	[tilespmem:s20+$0x4C10] =	vst v60  }
0x86: {  	v4 =	vperm.xlane v55, v10;
	[tilespmem:s20+$0x4C00] =	vst v5  }
0x87: {  	v41 =	vperm.xlane v54, v10;
	[tilespmem:$0x1FB30] =	vst v48  }
0x88: {  	vm4 =	veq.s32 v4, $0x7;
	[tilespmem:$0x1FB20] =	vst v49  }
0x89: {  	vm9 =	veq.s32 v4, $0x6;
	[tilespmem:$0x1FB10] =	vst v51;
	v20 =	vnsel vm4, $0x0, v41  }
0x8a: {  	v25 =	vperm.xlane v55, v15;
	vm8 =	veq.s32 v4, $0x5;
	v12 =	vnsel vm9, $0x0, v41;
	[tilespmem:s20+$0x4B70] =	vst v20  }
0x8b: {  	v47 =	vperm.xlane v54, v15;
	vm7 =	veq.s32 v4, $0x4;
	v5 =	vnsel vm8, $0x0, v41;
	[tilespmem:s20+$0x4B60] =	vst v12  }
0x8c: {  	v6 =	vperm.xlane v55, v11;
	v23 =	vnsel vm7, $0x0, v41;
	vm7 =	veq.s32 v25, $0x4;
	[tilespmem:s20+$0x4B50] =	vst v5  }
0x8d: {  	v43 =	vperm.xlane v54, v11;
	vm9 =	veq.s32 v25, $0x0;
	v15 =	vnsel vm7, $0x0, v47;
	[tilespmem:s20+$0x4B40] =	vst v23  }
0x8e: {  	vm12 =	veq.s32 v6, $0x7;
	v31 =	vnsel vm9, $0x0, v47;
	[tilespmem:s20+$0x4AC0] =	vst v15  }
0x8f: {  	vm11 =	veq.s32 v6, $0x6;
	v10 =	vnsel vm12, $0x0, v43;
	[tilespmem:s20+$0x4A80] =	vst v31  }
0x90: {  	vm10 =	veq.s32 v6, $0x5;
	v8 =	vnsel vm11, $0x0, v43;
	[tilespmem:s20+$0x4BF0] =	vst v10  }
0x91: {  	vm15 =	veq.s32 v6, $0x4;
	v63 =	vnsel vm10, $0x0, v43;
	[tilespmem:s20+$0x4BE0] =	vst v8  }
0x92: {  	vm14 =	veq.s32 v6, $0x3;
	v11 =	vnsel vm15, $0x0, v43;
	[tilespmem:s20+$0x4BD0] =	vst v63  }
0x93: {  	v53 =	vld [tilespmem:s20+$0x8A0];
	vm13 =	veq.s32 v6, $0x2;
	v7 =	vnsel vm14, $0x0, v43;
	[tilespmem:s20+$0x4BC0] =	vst v11  }
0x94: {  	v56 =	vld [tilespmem:s20+$0x8C0];
	vm6 =	veq.s32 v6, $0x1;
	v18 =	vnsel vm13, $0x0, v43;
	[tilespmem:s20+$0x4BB0] =	vst v7  }
0x95: {  	v57 =	vld [tilespmem:s20+$0x8E0];
	vm5 =	veq.s32 v6, $0x0;
	v9 =	vnsel vm6, $0x0, v43;
	[tilespmem:s20+$0x4BA0] =	vst v18  }
0x96: {  	v6 =	vnsel vm5, $0x0, v43;
	[tilespmem:s20+$0x4B90] =	vst v9  }
0x97: {  	[tilespmem:s20+$0x4B80] =	vst v6  }
0x98: {  	v5 =	vld [tilespmem:s20+$0x720];
	vm10 =	veq.s32 v4, $0x1;
	[tilespmem:$0x1FB00] =	vst v53  }
0x99: {  	vm11 =	veq.s32 v4, $0x2;
	vm12 =	veq.s32 v4, $0x3;
	vm13 =	veq.s32 v4, $0x0;
	v4 =	vld [tilespmem:s20+$0x660];
	[tilespmem:$0x1FAF0] =	vst v56  }
0x9a: {  	v10 =	vld [tilespmem:s20+$0x630];
	v13 =	vnsel vm12, $0x0, v41;
	[tilespmem:$0x1FAE0] =	vst v57  }
0x9b: {  	v8 =	vld [tilespmem:s20+$0x640];
	v11 =	vnsel vm13, $0x0, v41;
	[tilespmem:s20+$0x4B30] =	vst v13  }
0x9c: {  	v7 =	vld [tilespmem:s20+$0x670];
	[tilespmem:s20+$0x4B00] =	vst v11  }
0x9d: {  	v9 =	vld [tilespmem:s20+$0x6A0];
	[tilespmem:$0x1FBC0] =	vst v5  }
0x9e: {  	v45 =	vperm.xlane v54, v14;
	v6 =	vld [tilespmem:s20+$0x6C0];
	[tilespmem:$0x1FC50] =	vst v4  }
0x9f: {  	v50 =	vperm.xlane v54, v46;
	v52 =	vperm.xlane v54, v34;
	[tilespmem:$0x1FCC0] =	vst v10  }
0xa0: {  	v59 =	vperm.xlane v54, v44;
	vm4 =	veq.s32 v25, $0x7;
	vm14 =	veq.s32 v25, $0x5;
	[tilespmem:$0x1FC80] =	vst v8  }
0xa1: {  	vm15 =	veq.s32 v25, $0x6;
	vm5 =	veq.s32 v25, $0x2;
	vm6 =	veq.s32 v25, $0x3;
	[tilespmem:$0x1FC60] =	vst v7  }
0xa2: {  	v27 =	vnsel vm14, $0x0, v47;
	v13 =	vld [tilespmem:s20+$0x760];
	v4 =	vperm.xlane v55, v14;
	v14 =	vnsel vm4, $0x0, v47;
	[tilespmem:$0x1FC10] =	vst v9  }
0xa3: {  	v8 =	vnsel vm10, $0x0, v41;
	v10 =	vnsel vm11, $0x0, v41;
	v7 =	vnsel vm15, $0x0, v47;
	[tilespmem:$0x1FBF0] =	vst v6  }
0xa4: {  	v6 =	vnsel vm5, $0x0, v47;
	vm8 =	veq.s32 v4, $0x7;
	vm11 =	veq.s32 v4, $0x4;
	[tilespmem:s20+$0x4B10] =	vst v8;
	v8 =	vld [tilespmem:s20+$0x7A0]  }
0xa5: {  	vm12 =	veq.s32 v4, $0x5;
	vm13 =	veq.s32 v4, $0x6;
	vm14 =	veq.s32 v4, $0x1;
	[tilespmem:s20+$0x4B20] =	vst v10;
	v10 =	vld [tilespmem:s20+$0x780]  }
0xa6: {  	[tilespmem:s20+$0x4AF0] =	vst v14;
	vm15 =	veq.s32 v4, $0x2;
	vm4 =	veq.s32 v4, $0x3;
	vm5 =	veq.s32 v4, $0x0;
	v4 =	vld [tilespmem:s20+$0x7C0]  }
0xa7: {  	v57 =	vperm.xlane v54, v40;
	v9 =	vnsel vm6, $0x0, v47;
	vm10 =	veq.s32 v25, $0x1;
	[tilespmem:$0x1FBA0] =	vst v13  }
0xa8: {  	v12 =	vnsel vm10, $0x0, v47;
	[tilespmem:s20+$0x4AE0] =	vst v7;
	v30 =	vnsel vm8, $0x0, v45;
	v33 =	vnsel vm11, $0x0, v45  }
0xa9: {  	v5 =	vnsel vm12, $0x0, v45;
	v16 =	vnsel vm13, $0x0, v45;
	[tilespmem:$0x1FB80] =	vst v8;
	v8 =	vperm.xlane v55, v34  }
0xaa: {  	v7 =	vld [tilespmem:s20+$0x800];
	v13 =	vnsel vm15, $0x0, v45;
	v18 =	vnsel vm4, $0x0, v45;
	v11 =	vnsel vm5, $0x0, v45;
	[tilespmem:$0x1FB90] =	vst v10  }
0xab: {  	v14 =	vld [tilespmem:s20+$0x7E0];
	v10 =	vnsel vm14, $0x0, v45;
	[tilespmem:$0x1FB70] =	vst v4;
	v4 =	vperm.xlane v55, v46;
	vm6 =	veq.s32 v8, $0x5  }
0xac: {  	[tilespmem:s20+$0x4AD0] =	vst v27;
	vm7 =	veq.s32 v8, $0x6;
	vm8 =	veq.s32 v8, $0x7;
	vm9 =	veq.s32 v8, $0x2  }
0xad: {  	[tilespmem:s20+$0x4AB0] =	vst v9;
	vm10 =	veq.s32 v8, $0x3;
	vm11 =	veq.s32 v8, $0x4;
	vm12 =	veq.s32 v4, $0x7  }
0xae: {  	[tilespmem:s20+$0x4AA0] =	vst v6;
	vm13 =	veq.s32 v8, $0x0;
	vm14 =	veq.s32 v8, $0x1;
	vm15 =	veq.s32 v4, $0x4  }
0xaf: {  	[tilespmem:$0x1FB50] =	vst v7;
	v46 =	vld [tilespmem:s20+$0x820];
	vm4 =	veq.s32 v4, $0x5;
	vm5 =	veq.s32 v4, $0x6;
	v7 =	vnsel vm6, $0x0, v52  }
0xb0: {  	[tilespmem:$0x1FB60] =	vst v14;
	v14 =	vnsel vm7, $0x0, v52;
	v19 =	vnsel vm8, $0x0, v52;
	v15 =	vnsel vm9, $0x0, v52  }
0xb1: {  	[tilespmem:s20+$0x4A90] =	vst v12;
	v20 =	vnsel vm10, $0x0, v52;
	v21 =	vnsel vm11, $0x0, v52;
	v9 =	vnsel vm12, $0x0, v50  }
0xb2: {  	[tilespmem:s20+$0x4A70] =	vst v30;
	v22 =	vnsel vm13, $0x0, v52;
	vm6 =	veq.s32 v4, $0x1;
	vm7 =	veq.s32 v4, $0x2  }
0xb3: {  	[tilespmem:s20+$0x4A60] =	vst v16;
	vm8 =	veq.s32 v4, $0x3;
	vm9 =	veq.s32 v4, $0x0;
	v4 =	vperm.xlane v55, v40  }
0xb4: {  	v12 =	vnsel vm4, $0x0, v50;
	v16 =	vnsel vm7, $0x0, v50;
	v26 =	vnsel vm8, $0x0, v50;
	[tilespmem:$0x1FB40] =	vst v46  }
0xb5: {  	v31 =	vnsel vm9, $0x0, v50;
	vm4 =	veq.s32 v4, $0x7;
	v1 =	vld [tilespmem:s20+$0x900];
	[tilespmem:s20+$0x4A50] =	vst v5;
	v5 =	vperm.xlane v55, v44  }
0xb6: {  	vm7 =	veq.s32 v4, $0x4;
	vm8 =	veq.s32 v4, $0x5;
	vm9 =	veq.s32 v4, $0x6  }
0xb7: {  	[tilespmem:s20+$0x4A30] =	vst v18;
	vm10 =	veq.s32 v5, $0x5;
	vm11 =	veq.s32 v5, $0x6;
	vm12 =	veq.s32 v5, $0x7  }
0xb8: {  	[tilespmem:s20+$0x4A20] =	vst v13;
	vm13 =	veq.s32 v5, $0x2;
	v13 =	vnsel vm10, $0x0, v59;
	v40 =	vnsel vm11, $0x0, v59  }
0xb9: {  	[tilespmem:s20+$0x49F0] =	vst v19;
	v44 =	vnsel vm12, $0x0, v59;
	v2 =	vnsel vm13, $0x0, v59;
	vm10 =	veq.s32 v4, $0x1  }
0xba: {  	[tilespmem:s20+$0x49E0] =	vst v14;
	vm11 =	veq.s32 v4, $0x2;
	vm12 =	veq.s32 v4, $0x3;
	vm13 =	veq.s32 v4, $0x0;
	v4 =	vld [tilespmem:s20+$0xAA0]  }
0xbb: {  	v23 =	vnsel vm14, $0x0, v52;
	[tilespmem:s20+$0x49D0] =	vst v7  }
0xbc: {  	[tilespmem:s20+$0x4990] =	vst v23  }
0xbd: {  	[tilespmem:s20+$0x4980] =	vst v22  }
0xbe: {  	v60 =	vld [tilespmem:s20+$0x940];
	[tilespmem:s20+$0x4950] =	vst v12  }
0xbf: {  	[tilespmem:$0x1F9D0] =	vst v4;
	v4 =	vld [tilespmem:s20+$0xAC0]  }
0xc0: {  	v0 =	vperm.xlane v54, v42;
	v62 =	vld [tilespmem:s20+$0x960];
	[tilespmem:s20+$0x4930] =	vst v26  }
0xc1: {  	v3 =	vnsel vm15, $0x0, v50;
	v24 =	vnsel vm5, $0x0, v50;
	v18 =	vld [tilespmem:s20+$0x9A0];
	v53 =	vnsel vm7, $0x0, v57;
	[tilespmem:s20+$0x48E0] =	vst v40  }
0xc2: {  	v29 =	vld [tilespmem:s20+$0xA20];
	v34 =	vnsel vm9, $0x0, v57;
	v7 =	vperm.xlane v55, v37;
	vm14 =	veq.s32 v5, $0x3;
	[tilespmem:$0x1FAD0] =	vst v1  }
0xc3: {  	v63 =	vld [tilespmem:s20+$0x980];
	vm15 =	veq.s32 v5, $0x4;
	vm5 =	veq.s32 v5, $0x0;
	v48 =	vnsel vm14, $0x0, v59;
	[tilespmem:$0x1FAA0] =	vst v60  }
0xc4: {  	v19 =	vnsel vm10, $0x0, v57;
	v14 =	vnsel vm11, $0x0, v57;
	vm11 =	veq.s32 v7, $0x4;
	[tilespmem:$0x1F9C0] =	vst v4;
	v4 =	vld [tilespmem:s20+$0xAE0]  }
0xc5: {  	v27 =	vld [tilespmem:s20+$0x9E0];
	v40 =	vimm.s32 $0x1;
	v1 =	vnsel vm6, $0x0, v50;
	[tilespmem:$0x1FA90] =	vst v62;
	vm6 =	veq.s32 v5, $0x1  }
0xc6: {  	v30 =	vld [tilespmem:s20+$0xA40];
	[tilespmem:$0x1FA70] =	vst v18;
	v18 =	vnsel vm8, $0x0, v57;
	v5 =	vperm.xlane v55, v42;
	v62 =	vperm.xlane v54, v37  }
0xc7: {  	v32 =	vld [tilespmem:s20+$0xA60];
	[tilespmem:$0x1FA10] =	vst v29;
	v29 =	vnsel vm13, $0x0, v57;
	vm8 =	veq.s32 v7, $0x7;
	vm13 =	veq.s32 v7, $0x6  }
0xc8: {  	[tilespmem:$0x1FA80] =	vst v63;
	v42 =	vld [tilespmem:s20+$0xB20];
	v12 =	vperm.xlane v55, v40;
	v60 =	vnsel vm6, $0x0, v59;
	vm14 =	veq.s32 v5, $0x5  }
0xc9: {  	vm6 =	veq.s32 v5, $0x3;
	vm7 =	veq.s32 v5, $0x4;
	vm9 =	veq.s32 v5, $0x0;
	[tilespmem:$0x1F9B0] =	vst v4;
	v4 =	vld [tilespmem:s20+$0xB00]  }
0xca: {  	[tilespmem:$0x1FA40] =	vst v27;
	v63 =	vld [tilespmem:s20+$0xB80];
	vm10 =	veq.s32 v5, $0x1;
	v26 =	vnsel vm8, $0x0, v62;
	v22 =	vnsel vm11, $0x0, v62  }
0xcb: {  	[tilespmem:$0x1FA00] =	vst v30;
	vm8 =	veq.s32 v12, $0x7;
	vm11 =	veq.s32 v12, $0x4;
	v23 =	vnsel vm14, $0x0, v0  }
0xcc: {  	[tilespmem:$0x1F9F0] =	vst v32;
	v27 =	vnsel vm6, $0x0, v0;
	v30 =	vnsel vm7, $0x0, v0;
	v37 =	vnsel vm9, $0x0, v0  }
0xcd: {  	v58 =	vld [tilespmem:s20+$0x920];
	vm14 =	veq.s32 v7, $0x1;
	vm6 =	veq.s32 v12, $0x5;
	vm7 =	veq.s32 v12, $0x6;
	[tilespmem:$0x1F990] =	vst v42  }
0xce: {  	v25 =	vld [tilespmem:s20+$0x9C0];
	vm9 =	veq.s32 v12, $0x2;
	v32 =	vnsel vm14, $0x0, v62;
	[tilespmem:$0x1F9A0] =	vst v4;
	v4 =	vperm.xlane v54, v40  }
0xcf: {  	v28 =	vld [tilespmem:s20+$0xA00];
	vm14 =	veq.s32 v12, $0x1;
	v42 =	vnsel vm10, $0x0, v0;
	[tilespmem:$0x1F950] =	vst v63;
	v63 =	vnsel vm13, $0x0, v62  }
0xd0: {  	[tilespmem:s20+$0x4A40] =	vst v33;
	v33 =	vld [tilespmem:s20+$0xA80];
	vm10 =	veq.s32 v12, $0x3;
	vm13 =	veq.s32 v12, $0x0;
	v12 =	vnsel vm14, $0x0, v4  }
0xd1: {  	[tilespmem:s20+$0x4690] =	vst v12;
	v12 =	vld [tilespmem:$0x1F9A0];
	_ =	sdelay $0x4  }
0xd2: {  	v12 =	vmul.f32 v12, v41;
	_ =	sdelay $0x1  }
0xd3: {  	[tilespmem:$0x1FE00] =	vst v12;
	v12 =	vld [tilespmem:$0x1F9B0];
	_ =	sdelay $0x4  }
0xd4: {  	v12 =	vmul.f32 v12, v47;
	_ =	sdelay $0x1  }
0xd5: {  	[tilespmem:$0x1FE20] =	vst v12;
	v12 =	vld [tilespmem:$0x1F9C0];
	_ =	sdelay $0x4  }
0xd6: {  	v12 =	vmul.f32 v12, v47;
	_ =	sdelay $0x1  }
0xd7: {  	[tilespmem:$0x1FE40] =	vst v12;
	v12 =	vld [tilespmem:$0x1F9D0];
	_ =	sdelay $0x4  }
0xd8: {  	v12 =	vmul.f32 v12, v47  }
0xd9: {  	[tilespmem:$0x1F9E0] =	vst v33  }
0xda: {  	[tilespmem:$0x1FE60] =	vst v12;
	v12 =	vld [tilespmem:$0x1F9E0]  }
0xdb: {  	[tilespmem:s20+$0x4A10] =	vst v10  }
0xdc: {  	[tilespmem:s20+$0x4A00] =	vst v11  }
0xdd: {  	[tilespmem:s20+$0x49C0] =	vst v21  }
0xde: {  	[tilespmem:s20+$0x49B0] =	vst v20  }
0xdf: {  	[tilespmem:s20+$0x49A0] =	vst v15;
	v12 =	vmul.f32 v12, v47  }
0xe0: {  	[tilespmem:s20+$0x4970] =	vst v9  }
0xe1: {  	[tilespmem:$0x1FE80] =	vst v12;
	v12 =	vld [tilespmem:$0x1F9F0]  }
0xe2: {  	[tilespmem:s20+$0x4960] =	vst v24  }
0xe3: {  	[tilespmem:s20+$0x4940] =	vst v3  }
0xe4: {  	[tilespmem:s20+$0x4920] =	vst v16  }
0xe5: {  	v46 =	vnsel vm4, $0x0, v57;
	[tilespmem:s20+$0x4900] =	vst v31  }
0xe6: {  	[tilespmem:s20+$0x4870] =	vst v46;
	v12 =	vmul.f32 v12, v45  }
0xe7: {  	[tilespmem:s20+$0x4860] =	vst v34  }
0xe8: {  	[tilespmem:$0x1FEA0] =	vst v12;
	v12 =	vld [tilespmem:$0x1FA00]  }
0xe9: {  	[tilespmem:s20+$0x4840] =	vst v53  }
0xea: {  	[tilespmem:s20+$0x48F0] =	vst v44  }
0xeb: {  	v56 =	vnsel vm15, $0x0, v59;
	[tilespmem:s20+$0x48D0] =	vst v13  }
0xec: {  	[tilespmem:s20+$0x48C0] =	vst v56  }
0xed: {  	v49 =	vld [tilespmem:s20+$0xB40];
	[tilespmem:s20+$0x48B0] =	vst v48;
	v12 =	vmul.f32 v12, v45  }
0xee: {  	v51 =	vld [tilespmem:s20+$0xB60];
	[tilespmem:s20+$0x48A0] =	vst v2  }
0xef: {  	[tilespmem:$0x1FEC0] =	vst v12;
	v12 =	vld [tilespmem:$0x1FA10]  }
0xf0: {  	v20 =	vld [tilespmem:s20+$0xBA0];
	[tilespmem:$0x1FAB0] =	vst v58  }
0xf1: {  	[tilespmem:$0x1FA50] =	vst v25  }
0xf2: {  	v24 =	vld [tilespmem:s20+$0xBC0];
	[tilespmem:$0x1FA30] =	vst v28  }
0xf3: {  	v31 =	vld [tilespmem:s20+$0xBE0];
	[tilespmem:$0x1F970] =	vst v49  }
0xf4: {  	[tilespmem:$0x1F960] =	vst v51;
	v12 =	vmul.f32 v12, v45  }
0xf5: {  	[tilespmem:$0x1F940] =	vst v20  }
0xf6: {  	[tilespmem:$0x1FEE0] =	vst v12;
	v12 =	vld [tilespmem:$0x1FA30]  }
0xf7: {  	[tilespmem:$0x1F930] =	vst v24  }
0xf8: {  	v21 =	vnsel vm12, $0x0, v57;
	[tilespmem:$0x1F920] =	vst v31  }
0xf9: {  	[tilespmem:s20+$0x4830] =	vst v21  }
0xfa: {  	v11 =	vld [tilespmem:s20+$0xC60];
	[tilespmem:s20+$0x4820] =	vst v14  }
0xfb: {  	v10 =	vld [tilespmem:s20+$0xC80];
	[tilespmem:s20+$0x4810] =	vst v19;
	v12 =	vmul.f32 v12, v45  }
0xfc: {  	v9 =	vld [tilespmem:s20+$0xCC0];
	[tilespmem:s20+$0x4910] =	vst v1  }
0xfd: {  	v58 =	vnsel vm5, $0x0, v59;
	[tilespmem:$0x1FF00] =	vst v12;
	v12 =	vld [tilespmem:$0x1FA40]  }
0xfe: {  	v8 =	vld [tilespmem:s20+$0xCE0];
	[tilespmem:s20+$0x4880] =	vst v58  }
0xff: {  	v6 =	vld [tilespmem:s20+$0xD40];
	[tilespmem:s20+$0x4850] =	vst v18  }
0x100: {  	v3 =	vld [tilespmem:s20+$0xD10];
	[tilespmem:s20+$0x4800] =	vst v29  }
0x101: {  	v44 =	vld [tilespmem:s20+$0xC00];
	[tilespmem:s20+$0x4890] =	vst v60  }
0x102: {  	v13 =	vld [tilespmem:s20+$0xC40];
	[tilespmem:$0x1F900] =	vst v22;
	v12 =	vmul.f32 v12, v52  }
0x103: {  	vm12 =	veq.s32 v7, $0x5;
	v2 =	vld [tilespmem:s20+$0xCD0];
	[tilespmem:s20+$0x4770] =	vst v26  }
0x104: {  	vm4 =	veq.s32 v5, $0x7;
	v51 =	vnsel vm12, $0x0, v62;
	[tilespmem:$0x1FF20] =	vst v12;
	v12 =	vld [tilespmem:$0x1FA50]  }
0x105: {  	v20 =	vld [tilespmem:s20+$0xC20];
	vm15 =	veq.s32 v5, $0x6;
	v33 =	vnsel vm4, $0x0, v0;
	[tilespmem:s20+$0x4750] =	vst v51  }
0x106: {  	v19 =	vld [tilespmem:s20+$0xD30];
	v28 =	vnsel vm15, $0x0, v0;
	[tilespmem:s20+$0x47F0] =	vst v33  }
0x107: {  	v14 =	vld [tilespmem:s20+$0xCF0];
	[tilespmem:s20+$0x47E0] =	vst v28  }
0x108: {  	v58 =	vld [tilespmem:s20+$0xD20];
	vm5 =	veq.s32 v5, $0x2;
	[tilespmem:s20+$0x47D0] =	vst v23  }
0x109: {  	v1 =	vld [tilespmem:s20+$0xD70];
	v25 =	vnsel vm5, $0x0, v0;
	[tilespmem:s20+$0x47C0] =	vst v30;
	v12 =	vmul.f32 v12, v52  }
0x10a: {  	vm15 =	veq.s32 v7, $0x2;
	vm4 =	veq.s32 v7, $0x3;
	vm5 =	veq.s32 v7, $0x0;
	v7 =	vld [tilespmem:s20+$0xD00];
	[tilespmem:s20+$0x47B0] =	vst v27  }
0x10b: {  	v13 =	vmul.f32 v13, v35;
	[tilespmem:$0x1FF40] =	vst v12;
	v12 =	vld [tilespmem:$0x1FA70]  }
0x10c: {  	v51 =	vmul.f32 v10, v38;
	v10 =	vld [tilespmem:s20+$0xBD0];
	[tilespmem:s20+$0x4780] =	vst v37  }
0x10d: {  	v37 =	vmul.f32 v8, v38;
	v8 =	vld [tilespmem:s20+$0xC30];
	[tilespmem:$0x1FC40] =	vst v13;
	v13 =	vmul.f32 v20, v35  }
0x10e: {  	v6 =	vmul.f32 v6, v36;
	v5 =	vld [tilespmem:s20+$0xD50];
	[tilespmem:$0x1F910] =	vst v32  }
0x10f: {  	v3 =	vmul.f32 v3, v36;
	v26 =	vld [tilespmem:s20+$0xBF0];
	[tilespmem:$0x1FCA0] =	vst v13;
	v13 =	vmul.f32 v44, v35  }
0x110: {  	v24 =	vnsel vm15, $0x0, v62;
	[tilespmem:s20+$0x4790] =	vst v42;
	v42 =	vmul.f32 v7, v36;
	v7 =	vld [tilespmem:s20+$0xC50];
	v12 =	vmul.f32 v12, v52  }
0x111: {  	v56 =	vnsel vm5, $0x0, v62;
	v10 =	vmul.f32 v10, v43;
	[tilespmem:$0x1FD00] =	vst v13;
	v13 =	vld [tilespmem:$0x1F920];
	v40 =	vperm.xlane v55, v61  }
0x112: {  	v8 =	vmul.f32 v8, v35;
	v54 =	vperm.xlane v54, v61;
	v60 =	vnsel vm9, $0x0, v4;
	[tilespmem:$0x1FF60] =	vst v12;
	v12 =	vld [tilespmem:$0x1FA80]  }
0x113: {  	v22 =	vnsel vm10, $0x0, v4;
	v16 =	vnsel vm11, $0x0, v4;
	vm12 =	veq.s32 v40, $0x7;
	[tilespmem:$0x1F980] =	vst v60;
	v60 =	vld [tilespmem:s20+$0xD60]  }
0x114: {  	[tilespmem:$0x1FD30] =	vst v10;
	v10 =	vld [tilespmem:s20+$0xB10];
	v31 =	vnsel vm13, $0x0, v4;
	vm15 =	veq.s32 v40, $0x4;
	vm10 =	veq.s32 v39, $0x4  }
0x115: {  	[tilespmem:$0x1FC70] =	vst v8;
	v8 =	vld [tilespmem:$0x1F910];
	vm11 =	veq.s32 v39, $0x5;
	vm13 =	veq.s32 v39, $0x2;
	vm14 =	veq.s32 v39, $0x3  }
0x116: {  	[tilespmem:s20+$0x47A0] =	vst v25;
	v61 =	vld [tilespmem:s20+$0xCA0];
	v46 =	vnsel vm12, $0x0, v54;
	v53 =	vnsel vm15, $0x0, v54;
	vm12 =	veq.s32 v39, $0x1  }
0x117: {  	[tilespmem:s20+$0x4720] =	vst v24;
	vm15 =	veq.s32 v39, $0x0;
	v39 =	vmul.f32 v5, v36;
	v5 =	vld [tilespmem:s20+$0xC90];
	v12 =	vmul.f32 v12, v52  }
0x118: {  	[tilespmem:s20+$0x4700] =	vst v56;
	v30 =	vmul.f32 v60, v36;
	v60 =	vmul.f32 v1, v36;
	v1 =	vld [tilespmem:s20+$0xCB0]  }
0x119: {  	v2 =	vmul.f32 v2, v38;
	v25 =	vmul.f32 v19, v36;
	[tilespmem:$0x1FF80] =	vst v12;
	v12 =	vld [tilespmem:$0x1FA90]  }
0x11a: {  	v19 =	vld [tilespmem:s20+$0xC70];
	[tilespmem:s20+$0xD10] =	vst v3;
	v58 =	vmul.f32 v58, v36;
	v7 =	vmul.f32 v7, v35  }
0x11b: {  	v24 =	vld [tilespmem:s20+$0xA70];
	[tilespmem:s20+$0x4760] =	vst v63;
	v13 =	vmul.f32 v13, v43;
	v10 =	vmul.f32 v10, v41  }
0x11c: {  	v3 =	vld [tilespmem:s20+$0x750];
	[tilespmem:$0x1FC20] =	vst v7;
	v63 =	vmul.f32 v61, v38;
	v36 =	vmul.f32 v14, v38  }
0x11d: {  	[tilespmem:s20+$0x4710] =	vst v8;
	v14 =	vmul.f32 v9, v38;
	v9 =	vld [tilespmem:s20+$0xC10];
	v61 =	vmul.f32 v1, v38  }
0x11e: {  	[tilespmem:$0x1FD20] =	vst v13;
	v38 =	vmul.f32 v5, v38;
	v5 =	vld [tilespmem:$0x1F900];
	v12 =	vmul.f32 v12, v50  }
0x11f: {  	v20 =	vld [tilespmem:s20+$0xB30];
	[tilespmem:$0x1FDF0] =	vst v10  }
0x120: {  	v55 =	vnsel vm7, $0x0, v4;
	[tilespmem:$0x1FFA0] =	vst v12;
	v12 =	vld [tilespmem:$0x1FAA0]  }
0x121: {  	v7 =	vld [tilespmem:s20+$0xB90];
	v32 =	vnsel vm6, $0x0, v4;
	[tilespmem:s20+$0x46E0] =	vst v55  }
0x122: {  	v8 =	vld [tilespmem:s20+$0xB70];
	[tilespmem:s20+$0x46D0] =	vst v32;
	v9 =	vmul.f32 v9, v35  }
0x123: {  	[tilespmem:s20+$0x4740] =	vst v5;
	v5 =	vmul.f32 v11, v35;
	v11 =	vld [tilespmem:s20+$0xBB0]  }
0x124: {  	[tilespmem:$0x1FCD0] =	vst v9;
	v9 =	vld [tilespmem:s20+$0xB50]  }
0x125: {  	v13 =	vld [tilespmem:$0x1F930];
	[tilespmem:s20+$0x4680] =	vst v31;
	v12 =	vmul.f32 v12, v50  }
0x126: {  	v10 =	vld [tilespmem:s20+$0xA50];
	vm6 =	veq.s32 v40, $0x1;
	[tilespmem:s20+$0xD40] =	vst v6  }
0x127: {  	v7 =	vmul.f32 v7, v43;
	v21 =	vnsel vm6, $0x0, v54;
	[tilespmem:$0x1FFC0] =	vst v12;
	v12 =	vld [tilespmem:$0x1FAB0]  }
0x128: {  	v31 =	vld [tilespmem:s20+$0x8F0];
	[tilespmem:$0x1FA20] =	vst v21;
	v11 =	vmul.f32 v11, v43  }
0x129: {  	[tilespmem:$0x1FD70] =	vst v7;
	v7 =	vld [tilespmem:s20+$0xAD0];
	v9 =	vmul.f32 v9, v41  }
0x12a: {  	[tilespmem:$0x1FD50] =	vst v11;
	v11 =	vld [tilespmem:s20+$0xAF0]  }
0x12b: {  	v8 =	vmul.f32 v8, v41;
	[tilespmem:$0x1FDB0] =	vst v9;
	v9 =	vld [tilespmem:$0x1F980]  }
0x12c: {  	v32 =	vld [tilespmem:s20+$0x830];
	[tilespmem:s20+$0x4670] =	vst v46;
	v12 =	vmul.f32 v12, v50  }
0x12d: {  	v13 =	vmul.f32 v13, v43;
	[tilespmem:$0x1FD90] =	vst v8;
	v8 =	vld [tilespmem:s20+$0xAB0]  }
0x12e: {  	[tilespmem:$0x1FFD0] =	vst v12;
	v12 =	vld [tilespmem:$0x1FAD0]  }
0x12f: {  	[tilespmem:$0x1FD40] =	vst v13;
	v13 =	vld [tilespmem:$0x1F940];
	v11 =	vmul.f32 v11, v47  }
0x130: {  	v7 =	vmul.f32 v7, v47;
	[tilespmem:s20+$0x46A0] =	vst v9;
	v9 =	vld [tilespmem:s20+$0xA90]  }
0x131: {  	v10 =	vmul.f32 v10, v45;
	[tilespmem:$0x1FE10] =	vst v11;
	v11 =	vld [tilespmem:s20+$0xA30]  }
0x132: {  	v8 =	vmul.f32 v8, v47;
	[tilespmem:$0x1FE30] =	vst v7;
	v7 =	vld [tilespmem:s20+$0xA10]  }
0x133: {  	[tilespmem:$0x1FEB0] =	vst v10;
	v10 =	vld [tilespmem:s20+$0x990];
	v12 =	vmul.f32 v12, v50  }
0x134: {  	v13 =	vmul.f32 v13, v43;
	[tilespmem:$0x1FE50] =	vst v8;
	v8 =	vld [tilespmem:s20+$0x9F0]  }
0x135: {  	v9 =	vmul.f32 v9, v47;
	[tilespmem:$0x1FFE0] =	vst v12;
	v12 =	vld [tilespmem:$0x1FAE0]  }
0x136: {  	[tilespmem:$0x1FD60] =	vst v13;
	v13 =	vld [tilespmem:$0x1F950];
	v11 =	vmul.f32 v11, v45  }
0x137: {  	v7 =	vmul.f32 v7, v45;
	[tilespmem:$0x1FE70] =	vst v9;
	v9 =	vld [tilespmem:s20+$0x9D0]  }
0x138: {  	vm7 =	veq.s32 v40, $0x2;
	[tilespmem:$0x1FED0] =	vst v11;
	v11 =	vld [tilespmem:$0x1FA20]  }
0x139: {  	v48 =	vnsel vm7, $0x0, v54;
	v10 =	vmul.f32 v10, v52;
	[tilespmem:$0x1FEF0] =	vst v7;
	v7 =	vld [tilespmem:s20+$0x950]  }
0x13a: {  	[tilespmem:s20+$0x4620] =	vst v48;
	v1 =	vmul.f32 v26, v43;
	v26 =	vld [tilespmem:s20+$0x9B0];
	v12 =	vmul.f32 v12, v59  }
0x13b: {  	[tilespmem:$0x1FF70] =	vst v10;
	v10 =	vld [tilespmem:s20+$0x8D0]  }
0x13c: {  	v9 =	vmul.f32 v9, v52;
	[tilespmem:$0x1FFF0] =	vst v12;
	v12 =	vld [tilespmem:$0x1FAF0]  }
0x13d: {  	v8 =	vmul.f32 v8, v52;
	[tilespmem:s20+$0x4610] =	vst v11;
	v11 =	vld [tilespmem:s20+$0x970]  }
0x13e: {  	v7 =	vmul.f32 v7, v50;
	[tilespmem:$0x1FF30] =	vst v9;
	v9 =	vld [tilespmem:$0x1FA60]  }
0x13f: {  	[tilespmem:$0x1FF10] =	vst v8;
	v8 =	vld [tilespmem:s20+$0x930]  }
0x140: {  	v13 =	vmul.f32 v13, v43;
	[tilespmem:$0x1FFB0] =	vst v7;
	v7 =	vld [tilespmem:s20+$0x890]  }
0x141: {  	[tilespmem:$0x1FD10] =	vst v1;
	v46 =	vmul.f32 v12, v59;
	v12 =	vld [tilespmem:$0x1FB00]  }
0x142: {  	[tilespmem:$0x1FD80] =	vst v13;
	v13 =	vld [tilespmem:$0x1F960];
	v11 =	vmul.f32 v11, v50  }
0x143: {  	v1 =	vmul.f32 v20, v41;
	[tilespmem:s20+$0x4DE0] =	vst v9;
	v9 =	vld [tilespmem:s20+$0x910]  }
0x144: {  	v49 =	vnsel vm4, $0x0, v62;
	v15 =	vnsel vm8, $0x0, v4;
	[tilespmem:$0x1FF90] =	vst v11;
	v11 =	vld [tilespmem:s20+$0x8B0]  }
0x145: {  	vm4 =	veq.s32 v40, $0x5;
	[tilespmem:$0x1FDD0] =	vst v1;
	v1 =	vmul.f32 v24, v45;
	v45 =	vmul.f32 v7, v59;
	v7 =	vld [tilespmem:$0x1FB20]  }
0x146: {  	vm5 =	veq.s32 v40, $0x6;
	vm8 =	veq.s32 v40, $0x3;
	[tilespmem:s20+$0xD70] =	vst v60;
	v60 =	vmul.f32 v12, v59;
	v12 =	vld [tilespmem:$0x1FB10]  }
0x147: {  	vm9 =	veq.s32 v40, $0x0;
	v33 =	vnsel vm10, $0x0, v17;
	v6 =	vld [tilespmem:s20+$0x7D0];
	[tilespmem:$0x1FE90] =	vst v1;
	v1 =	vmul.f32 v26, v52  }
0x148: {  	v40 =	vnsel vm9, $0x0, v54;
	[tilespmem:s20+$0x4DC0] =	vst v33;
	v33 =	vld [tilespmem:$0x1FB50];
	v56 =	vmul.f32 v8, v50;
	v13 =	vmul.f32 v13, v41  }
0x149: {  	[tilespmem:s20+$0x4600] =	vst v40;
	v40 =	vld [tilespmem:s20+$0x6D0];
	v55 =	vmul.f32 v9, v50;
	v48 =	vmul.f32 v11, v59  }
0x14a: {  	[tilespmem:$0x1FDA0] =	vst v13;
	v13 =	vld [tilespmem:$0x1F970];
	v52 =	vmul.f32 v31, v59;
	v50 =	vmul.f32 v10, v59  }
0x14b: {  	v34 =	vnsel vm4, $0x0, v54;
	[tilespmem:s20+$0x4640] =	vst v53;
	v53 =	vmul.f32 v12, v59;
	v59 =	vmul.f32 v7, v57;
	v7 =	vld [tilespmem:s20+$0x7B0]  }
0x14c: {  	v28 =	vnsel vm13, $0x0, v17;
	[tilespmem:s20+$0x4650] =	vst v34;
	v34 =	vld [tilespmem:s20+$0x6F0]  }
0x14d: {  	[tilespmem:s20+$0x4DA0] =	vst v28;
	v28 =	vmul.f32 v6, v0;
	v6 =	vld [tilespmem:s20+$0x710]  }
0x14e: {  	v27 =	vnsel vm15, $0x0, v17;
	[tilespmem:s20+$0xCE0] =	vst v37;
	v37 =	vld [tilespmem:$0x1FBF0]  }
0x14f: {  	v23 =	vnsel vm12, $0x0, v17;
	[tilespmem:s20+$0x4D80] =	vst v27;
	v27 =	vmul.f32 v40, v4;
	v40 =	vld [tilespmem:$0x1FC10]  }
0x150: {  	[tilespmem:$0x1FAC0] =	vst v23;
	v13 =	vmul.f32 v13, v41;
	v24 =	vmul.f32 v7, v0;
	v7 =	vld [tilespmem:$0x1FB90]  }
0x151: {  	v8 =	vld [tilespmem:$0x1FAC0]  }
0x152: {  	[tilespmem:$0x1FDC0] =	vst v13;
	v13 =	vld [tilespmem:$0x1F990]  }
0x153: {  	[tilespmem:s20+$0x4730] =	vst v49;
	v9 =	vld [tilespmem:s20+$0x850]  }
0x154: {  	[tilespmem:s20+$0xD00] =	vst v42;
	v29 =	vnsel vm11, $0x0, v17;
	v42 =	vld [tilespmem:s20+$0x6B0]  }
0x155: {  	[tilespmem:s20+$0x4DD0] =	vst v29;
	v29 =	vmul.f32 v7, v0;
	v7 =	vld [tilespmem:$0x1FBA0]  }
0x156: {  	[tilespmem:s20+$0x4D90] =	vst v8;
	v8 =	vld [tilespmem:s20+$0x870]  }
0x157: {  	[tilespmem:s20+$0xD20] =	vst v58;
	v58 =	vld [tilespmem:s20+$0x690]  }
0x158: {  	v13 =	vmul.f32 v13, v41;
	v41 =	vmul.f32 v9, v57;
	v9 =	vld [tilespmem:$0x1FB40]  }
0x159: {  	[tilespmem:s20+$0xC80] =	vst v51;
	v51 =	vld [tilespmem:$0x1FC30]  }
0x15a: {  	v26 =	vmul.f32 v7, v62;
	v7 =	vld [tilespmem:$0x1FBB0]  }
0x15b: {  	v44 =	vmul.f32 v8, v57;
	v8 =	vld [tilespmem:$0x1FB30]  }
0x15c: {  	[tilespmem:s20+$0x46F0] =	vst v15;
	v11 =	vld [tilespmem:s20+$0x7F0]  }
0x15d: {  	[tilespmem:s20+$0x46C0] =	vst v16;
	v47 =	vmul.f32 v9, v57;
	v9 =	vld [tilespmem:$0x1FB60]  }
0x15e: {  	[tilespmem:s20+$0xD30] =	vst v25;
	v10 =	vld [tilespmem:s20+$0x810]  }
0x15f: {  	[tilespmem:s20+$0xD50] =	vst v39;
	v25 =	vmul.f32 v7, v62;
	v7 =	vld [tilespmem:$0x1FBC0]  }
0x160: {  	v39 =	vmul.f32 v32, v57;
	[tilespmem:s20+$0xCA0] =	vst v63;
	v63 =	vld [tilespmem:$0x1FC50]  }
0x161: {  	[tilespmem:$0x1FF50] =	vst v1;
	v1 =	vld [tilespmem:s20+$0x770];
	v43 =	vmul.f32 v33, v57;
	v49 =	vmul.f32 v8, v57  }
0x162: {  	[tilespmem:s20+$0xD60] =	vst v30;
	v30 =	vmul.f32 v11, v0;
	v11 =	vmul.f32 v58, v4;
	v58 =	vld [tilespmem:$0x1FC40]  }
0x163: {  	[tilespmem:s20+$0x46B0] =	vst v22;
	v21 =	vnsel vm8, $0x0, v54;
	v31 =	vmul.f32 v10, v57;
	v57 =	vmul.f32 v9, v0;
	v9 =	vld [tilespmem:s20+$0x730]  }
0x164: {  	v18 =	vnsel vm5, $0x0, v54;
	[tilespmem:s20+$0x4630] =	vst v21;
	v21 =	vmul.f32 v7, v62;
	v7 =	vld [tilespmem:$0x1FBD0]  }
0x165: {  	[tilespmem:s20+$0x4660] =	vst v18;
	v32 =	vmul.f32 v51, v4;
	v51 =	vld [tilespmem:$0x1FCA0]  }
0x166: {  	[tilespmem:$0x1FDE0] =	vst v13;
	v13 =	vmul.f32 v63, v54;
	v63 =	vld [tilespmem:$0x1FCC0]  }
0x167: {  	v16 =	vmul.f32 v3, v62;
	v23 =	vnsel vm14, $0x0, v17;
	[tilespmem:s20+$0xC40] =	vst v58;
	v58 =	vld [tilespmem:$0x1FCB0]  }
0x168: {  	[tilespmem:s20+$0x4DB0] =	vst v23;
	v18 =	vmul.f32 v1, v62;
	v10 =	vld [tilespmem:$0x1FB70];
	v15 =	vmul.f32 v9, v62  }
0x169: {  	[tilespmem:s20+$0xCC0] =	vst v14;
	v22 =	vmul.f32 v7, v62;
	v62 =	vmul.f32 v6, v62;
	v6 =	vld [tilespmem:$0x1FBE0]  }
0x16a: {  	v14 =	vmul.f32 v34, v4;
	[tilespmem:$0x1FC00] =	vst v5  }
0x16b: {  	v23 =	vmul.f32 v37, v4;
	v34 =	vmul.f32 v40, v4;
	[tilespmem:s20+$0xC90] =	vst v38;
	v38 =	vld [tilespmem:$0x1FC00]  }
0x16c: {  	v5 =	vmul.f32 v19, v35;
	[tilespmem:s20+$0xC20] =	vst v51;
	v51 =	vmul.f32 v58, v54;
	v58 =	vld [tilespmem:$0x1FCE0]  }
0x16d: {  	v35 =	vmul.f32 v10, v0;
	v10 =	vld [tilespmem:$0x1FB80];
	v12 =	vmul.f32 v42, v4  }
0x16e: {  	v19 =	vmul.f32 v6, v4;
	v4 =	vmul.f32 v63, v54;
	v63 =	vld [tilespmem:$0x1FCF0];
	_ =	sdelay $0x2  }
0x16f: {  	[tilespmem:s20+$0xC60] =	vst v38;
	v38 =	vld [tilespmem:$0x1FC70]  }
0x170: {  	[tilespmem:s20+$0xCD0] =	vst v2;
	v33 =	vmul.f32 v10, v0;
	v10 =	vmul.f32 v58, v54;
	v58 =	vld [tilespmem:$0x1FD20]  }
0x171: {  	[tilespmem:s20+$0xCF0] =	vst v36;
	v3 =	vmul.f32 v63, v54;
	v63 =	vld [tilespmem:$0x1FD30]  }
0x172: {  	[tilespmem:s20+$0xCB0] =	vst v61  }
0x173: {  	[tilespmem:s20+$0xC70] =	vst v5  }
0x174: {  	[tilespmem:s20+$0xC30] =	vst v38  }
0x175: {  	[tilespmem:s20+$0xBE0] =	vst v58;
	v58 =	vld [tilespmem:$0x1FD50]  }
0x176: {  	[tilespmem:s20+$0xBD0] =	vst v63;
	v63 =	vld [tilespmem:$0x1FD60]  }
0x177: {  	[tilespmem:s20+$0x930] =	vst v56  }
0x178: {  	[tilespmem:s20+$0x870] =	vst v44  }
0x179: {  	v8 =	vld [tilespmem:s20+$0x790];
	[tilespmem:s20+$0x840] =	vst v49  }
0x17a: {  	[tilespmem:s20+$0xBB0] =	vst v58;
	v58 =	vld [tilespmem:$0x1FD70]  }
0x17b: {  	[tilespmem:s20+$0xBA0] =	vst v63;
	v63 =	vld [tilespmem:$0x1FD80]  }
0x17c: {  	[tilespmem:s20+$0x830] =	vst v39  }
0x17d: {  	[tilespmem:s20+$0x800] =	vst v43  }
0x17e: {  	[tilespmem:s20+$0x7D0] =	vst v28  }
0x17f: {  	v20 =	vmul.f32 v8, v0;
	[tilespmem:s20+$0xB90] =	vst v58;
	v58 =	vld [tilespmem:$0x1FD90]  }
0x180: {  	[tilespmem:s20+$0xB80] =	vst v63;
	v63 =	vld [tilespmem:$0x1FDA0]  }
0x181: {  	[tilespmem:s20+$0x790] =	vst v20  }
0x182: {  	[tilespmem:s20+$0x770] =	vst v18  }
0x183: {  	[tilespmem:s20+$0x750] =	vst v16  }
0x184: {  	[tilespmem:s20+$0xB70] =	vst v58;
	v58 =	vld [tilespmem:$0x1FDB0]  }
0x185: {  	[tilespmem:s20+$0xB60] =	vst v63;
	v63 =	vld [tilespmem:$0x1FDC0]  }
0x186: {  	[tilespmem:s20+$0x6F0] =	vst v14  }
0x187: {  	v40 =	vld [tilespmem:$0x1FC80];
	[tilespmem:s20+$0x6D0] =	vst v27  }
0x188: {  	v2 =	vld [tilespmem:s20+$0xDF0];
	[tilespmem:s20+$0x6C0] =	vst v23  }
0x189: {  	[tilespmem:s20+$0xB50] =	vst v58;
	v58 =	vld [tilespmem:$0x1FDD0]  }
0x18a: {  	[tilespmem:s20+$0xB40] =	vst v63;
	v63 =	vld [tilespmem:$0x1FDE0]  }
0x18b: {  	v5 =	vld [tilespmem:s20+$0xDA0];
	[tilespmem:s20+$0x6A0] =	vst v34  }
0x18c: {  	[tilespmem:s20+$0x680] =	vst v32  }
0x18d: {  	[tilespmem:s20+$0x660] =	vst v13  }
0x18e: {  	v40 =	vmul.f32 v40, v54;
	[tilespmem:s20+$0xB30] =	vst v58;
	v58 =	vld [tilespmem:$0x1FDF0]  }
0x18f: {  	v2 =	vmul.f32 v2, v17;
	[tilespmem:s20+$0xB20] =	vst v63;
	v63 =	vld [tilespmem:$0x1FE00]  }
0x190: {  	v5 =	vmul.f32 v5, v17;
	[tilespmem:s20+$0x640] =	vst v40  }
0x191: {  	[tilespmem:s20+$0xDF0] =	vst v2  }
0x192: {  	[tilespmem:s20+$0xDA0] =	vst v5  }
0x193: {  	[tilespmem:s20+$0xB10] =	vst v58;
	v58 =	vld [tilespmem:$0x1FE10]  }
0x194: {  	[tilespmem:s20+$0xB00] =	vst v63;
	v63 =	vld [tilespmem:$0x1FE20]  }
0x195: {  	[tilespmem:s20+$0x910] =	vst v55  }
0x196: {  	[tilespmem:s20+$0x8B0] =	vst v48  }
0x197: {  	[tilespmem:s20+$0x850] =	vst v41  }
0x198: {  	[tilespmem:s20+$0xAF0] =	vst v58;
	v58 =	vld [tilespmem:$0x1FE30]  }
0x199: {  	[tilespmem:s20+$0xAE0] =	vst v63;
	v63 =	vld [tilespmem:$0x1FE40]  }
0x19a: {  	[tilespmem:s20+$0x820] =	vst v47  }
0x19b: {  	[tilespmem:s20+$0x7F0] =	vst v30  }
0x19c: {  	[tilespmem:s20+$0x690] =	vst v11  }
0x19d: {  	[tilespmem:s20+$0xAD0] =	vst v58;
	v58 =	vld [tilespmem:$0x1FE50]  }
0x19e: {  	[tilespmem:s20+$0xAC0] =	vst v63;
	v63 =	vld [tilespmem:$0x1FE60]  }
0x19f: {  	[tilespmem:s20+$0x890] =	vst v45;
	v56 =	vld [tilespmem:$0x1FFD0]  }
0x1a0: {  	[tilespmem:s20+$0x620] =	vst v51  }
0x1a1: {  	[tilespmem:s20+$0x8F0] =	vst v52  }
0x1a2: {  	[tilespmem:s20+$0xAB0] =	vst v58;
	v58 =	vld [tilespmem:$0x1FE70]  }
0x1a3: {  	[tilespmem:s20+$0xAA0] =	vst v63;
	v63 =	vld [tilespmem:$0x1FE80]  }
0x1a4: {  	[tilespmem:s20+$0x920] =	vst v56  }
0x1a5: {  	[tilespmem:s20+$0x8D0] =	vst v50  }
0x1a6: {  	[tilespmem:s20+$0x810] =	vst v31  }
0x1a7: {  	[tilespmem:s20+$0xA90] =	vst v58;
	v58 =	vld [tilespmem:$0x1FE90]  }
0x1a8: {  	[tilespmem:s20+$0xA80] =	vst v63;
	v63 =	vld [tilespmem:$0x1FEA0]  }
0x1a9: {  	[tilespmem:s20+$0x7C0] =	vst v35  }
0x1aa: {  	[tilespmem:s20+$0x8C0] =	vst v46  }
0x1ab: {  	[tilespmem:s20+$0x7A0] =	vst v33  }
0x1ac: {  	[tilespmem:s20+$0xA70] =	vst v58;
	v58 =	vld [tilespmem:$0x1FEB0]  }
0x1ad: {  	[tilespmem:s20+$0xA60] =	vst v63;
	v63 =	vld [tilespmem:$0x1FEC0]  }
0x1ae: {  	[tilespmem:s20+$0x600] =	vst v10  }
0x1af: {  	[tilespmem:s20+$0x8A0] =	vst v60  }
0x1b0: {  	[tilespmem:s20+$0x880] =	vst v53  }
0x1b1: {  	[tilespmem:s20+$0xA50] =	vst v58;
	v58 =	vld [tilespmem:$0x1FED0]  }
0x1b2: {  	[tilespmem:s20+$0xA40] =	vst v63;
	v63 =	vld [tilespmem:$0x1FEE0]  }
0x1b3: {  	v42 =	vld [tilespmem:$0x1FC20];
	[tilespmem:s20+$0x860] =	vst v59  }
0x1b4: {  	[tilespmem:s20+$0x7E0] =	vst v57  }
0x1b5: {  	v37 =	vld [tilespmem:$0x1FC60];
	[tilespmem:s20+$0x6B0] =	vst v12  }
0x1b6: {  	[tilespmem:s20+$0xA30] =	vst v58;
	v58 =	vld [tilespmem:$0x1FEF0]  }
0x1b7: {  	[tilespmem:s20+$0xA20] =	vst v63;
	v63 =	vld [tilespmem:$0x1FF00]  }
0x1b8: {  	[tilespmem:s20+$0xC50] =	vst v42;
	v42 =	vld [tilespmem:$0x1FC90]  }
0x1b9: {  	[tilespmem:s20+$0x7B0] =	vst v24  }
0x1ba: {  	[tilespmem:s20+$0x730] =	vst v15  }
0x1bb: {  	v9 =	vmul.f32 v37, v54;
	[tilespmem:s20+$0xA10] =	vst v58;
	v58 =	vld [tilespmem:$0x1FF10]  }
0x1bc: {  	[tilespmem:s20+$0xA00] =	vst v63;
	v63 =	vld [tilespmem:$0x1FF20]  }
0x1bd: {  	[tilespmem:s20+$0x670] =	vst v9;
	v8 =	vmul.f32 v42, v54;
	v42 =	vld [tilespmem:$0x1FCD0]  }
0x1be: {  	[tilespmem:s20+$0x780] =	vst v29  }
0x1bf: {  	[tilespmem:s20+$0x650] =	vst v8  }
0x1c0: {  	[tilespmem:s20+$0x9F0] =	vst v58;
	v58 =	vld [tilespmem:$0x1FF30]  }
0x1c1: {  	[tilespmem:s20+$0x9E0] =	vst v63;
	v63 =	vld [tilespmem:$0x1FF40]  }
0x1c2: {  	[tilespmem:s20+$0xC10] =	vst v42  }
0x1c3: {  	v1 =	vld [tilespmem:s20+$0xDE0];
	[tilespmem:s20+$0x760] =	vst v26  }
0x1c4: {  	v37 =	vld [tilespmem:s20+$0xDD0];
	[tilespmem:s20+$0x740] =	vst v25  }
0x1c5: {  	[tilespmem:s20+$0x9D0] =	vst v58;
	v58 =	vld [tilespmem:$0x1FF50]  }
0x1c6: {  	[tilespmem:s20+$0x9C0] =	vst v63;
	v63 =	vld [tilespmem:$0x1FF60]  }
0x1c7: {  	[tilespmem:s20+$0x720] =	vst v21  }
0x1c8: {  	[tilespmem:s20+$0x710] =	vst v62  }
0x1c9: {  	v36 =	vld [tilespmem:s20+$0xD80];
	[tilespmem:s20+$0x700] =	vst v22  }
0x1ca: {  	v7 =	vmul.f32 v1, v17;
	[tilespmem:s20+$0x9B0] =	vst v58;
	v58 =	vld [tilespmem:$0x1FF70]  }
0x1cb: {  	v1 =	vmul.f32 v37, v17;
	[tilespmem:s20+$0x9A0] =	vst v63;
	v63 =	vld [tilespmem:$0x1FF80]  }
0x1cc: {  	[tilespmem:s20+$0xDE0] =	vst v7;
	v6 =	vld [tilespmem:$0x1FD00]  }
0x1cd: {  	v38 =	vld [tilespmem:s20+$0xDB0];
	[tilespmem:s20+$0xDD0] =	vst v1  }
0x1ce: {  	v0 =	vld [tilespmem:s20+$0xDC0];
	[tilespmem:s20+$0x6E0] =	vst v19  }
0x1cf: {  	[tilespmem:s20+$0x990] =	vst v58;
	v58 =	vld [tilespmem:$0x1FF90]  }
0x1d0: {  	[tilespmem:s20+$0x980] =	vst v63;
	v63 =	vld [tilespmem:$0x1FFA0]  }
0x1d1: {  	[tilespmem:s20+$0xC00] =	vst v6;
	v6 =	vld [tilespmem:$0x1FD10]  }
0x1d2: {  	[tilespmem:s20+$0x630] =	vst v4;
	v54 =	vld [tilespmem:$0x1FD40]  }
0x1d3: {  	v42 =	vld [tilespmem:s20+$0xD90];
	[tilespmem:s20+$0x610] =	vst v3  }
0x1d4: {  	[tilespmem:s20+$0x970] =	vst v58;
	v58 =	vld [tilespmem:$0x1FFB0]  }
0x1d5: {  	[tilespmem:s20+$0x960] =	vst v63;
	v63 =	vld [tilespmem:$0x1FFC0]  }
0x1d6: {  	[tilespmem:s20+$0xBF0] =	vst v6;
	v6 =	vmul.f32 v0, v17  }
0x1d7: {  	[tilespmem:s20+$0xBC0] =	vst v54  }
0x1d8: {  	[tilespmem:s20+$0xDC0] =	vst v6  }
0x1d9: {  	v0 =	vmul.f32 v38, v17;
	[tilespmem:s20+$0x950] =	vst v58;
	v58 =	vld [tilespmem:$0x1FFE0]  }
0x1da: {  	p0 =	sne.s32 s2, $0x7;
	v54 =	vmul.f32 v36, v17;
	v17 =	vmul.f32 v42, v17;
	[tilespmem:s20+$0x940] =	vst v63;
	v63 =	vld [tilespmem:$0x1FFF0]  }
.Ltmp1:
0x1db: {  	v61 =	vimm.s32 $0x0;
	v44 =	vimm.s32 $0x5;
	v14 =	vimm.s32 $0x8;
	[tilespmem:s20+$0xDB0] =	vst v0;
	(pc) =	sbr.rel @p0 .LBB2_5-.Ltmp1, $4  }
0x1dc: {  	v34 =	vimm.s32 $0x7;
	v40 =	vimm.s32 $0x4;
	v11 =	vimm.s32 $0xB;
	[tilespmem:s20+$0xD90] =	vst v17  }
0x1dd: {  	v46 =	vimm.s32 $0x6;
	v10 =	vimm.s32 $0xA;
	v12 =	vimm.s32 $0xF;
	[tilespmem:s20+$0xD80] =	vst v54  }
0x1de: {  	s1 =	smov.u32 s2;
	v15 =	vimm.s32 $0x9;
	v9 =	vimm.s32 $0xE;
	v8 =	vimm.s32 $0xD;
	[tilespmem:s20+$0x900] =	vst v58  }
0x1df: {  	s2 =	sadd.s32 $0x1, s2;
	s21 =	sshll.u32 s1, $0x4;
	v37 =	vimm.s32 $0x2;
	v7 =	vimm.s32 $0xC;
	v42 =	vimm.s32 $0x3;
	[tilespmem:s20+$0x8E0] =	vst v63  }
0x1e0: {  	v1 =	vld [tilespmem:s21+$0x80];
	_ =	sdelay $0x1  }
0x1e1: {  	v0 =	vld [tilespmem:s21+$0x180];
	_ =	sdelay $0x2  }
0x1e2: {  	v1 =	vand.u32 $0x7, v1  }
0x1e3: {  	v29 =	vperm.xlane v1, v12  }
0x1e4: {  	v17 =	vperm.xlane v0, v12;
	v2 =	vperm.xlane v1, v9  }
0x1e5: {  	v18 =	vperm.xlane v0, v9;
	vm0 =	veq.s32 v29, $0x7  }
0x1e6: {  	s1 =	sshll.u32 s1, $0xB;
	vm1 =	veq.s32 v2, $0x7;
	v3 =	vnsel vm0, $0x0, v17  }
0x1e7: {  	vm10 =	veq.s32 v2, $0x6;
	v4 =	vnsel vm1, $0x0, v18;
	[tilespmem:s1+$0x4DF0] =	vst v3  }
0x1e8: {  	vm12 =	veq.s32 v2, $0x4;
	v36 =	vnsel vm10, $0x0, v18;
	[tilespmem:s1+$0x4D70] =	vst v4  }
0x1e9: {  	vm14 =	veq.s32 v2, $0x2;
	v38 =	vnsel vm12, $0x0, v18;
	[tilespmem:s1+$0x4D60] =	vst v36  }
0x1ea: {  	v5 =	vperm.xlane v1, v8;
	vm15 =	veq.s32 v2, $0x1;
	v39 =	vnsel vm14, $0x0, v18;
	[tilespmem:s1+$0x4D40] =	vst v38  }
0x1eb: {  	v19 =	vperm.xlane v0, v8;
	vm4 =	veq.s32 v2, $0x0;
	v41 =	vnsel vm15, $0x0, v18;
	[tilespmem:s1+$0x4D20] =	vst v39  }
0x1ec: {  	vm5 =	veq.s32 v5, $0x7;
	v43 =	vnsel vm4, $0x0, v18;
	[tilespmem:s1+$0x4D10] =	vst v41  }
0x1ed: {  	vm6 =	veq.s32 v5, $0x6;
	v45 =	vnsel vm5, $0x0, v19;
	[tilespmem:s1+$0x4D00] =	vst v43  }
0x1ee: {  	vm7 =	veq.s32 v5, $0x5;
	v47 =	vnsel vm6, $0x0, v19;
	[tilespmem:s1+$0x4CF0] =	vst v45  }
0x1ef: {  	vm8 =	veq.s32 v5, $0x4;
	v48 =	vnsel vm7, $0x0, v19;
	[tilespmem:s1+$0x4CE0] =	vst v47  }
0x1f0: {  	v51 =	vperm.xlane v1, v7;
	vm9 =	veq.s32 v5, $0x3;
	v49 =	vnsel vm8, $0x0, v19;
	[tilespmem:s1+$0x4CD0] =	vst v48  }
0x1f1: {  	v20 =	vperm.xlane v0, v7;
	vm11 =	veq.s32 v2, $0x5;
	v50 =	vnsel vm9, $0x0, v19;
	[tilespmem:s1+$0x4CC0] =	vst v49  }
0x1f2: {  	vm15 =	veq.s32 v51, $0x5;
	v4 =	vnsel vm11, $0x0, v18;
	[tilespmem:s1+$0x4CB0] =	vst v50  }
0x1f3: {  	vm5 =	veq.s32 v51, $0x3;
	v54 =	vnsel vm15, $0x0, v20;
	[tilespmem:s1+$0x4D50] =	vst v4  }
0x1f4: {  	vm7 =	veq.s32 v51, $0x1;
	v55 =	vnsel vm5, $0x0, v20;
	[tilespmem:s1+$0x4C50] =	vst v54  }
0x1f5: {  	vm8 =	veq.s32 v51, $0x0;
	v56 =	vnsel vm7, $0x0, v20;
	[tilespmem:s1+$0x4C30] =	vst v55  }
0x1f6: {  	v63 =	vperm.xlane v1, v10;
	vm13 =	veq.s32 v2, $0x3;
	v3 =	vnsel vm8, $0x0, v20;
	[tilespmem:s1+$0x4C10] =	vst v56  }
0x1f7: {  	v22 =	vperm.xlane v0, v10;
	vm11 =	veq.s32 v5, $0x1;
	v4 =	vnsel vm13, $0x0, v18;
	[tilespmem:s1+$0x4C00] =	vst v3  }
0x1f8: {  	vm5 =	veq.s32 v63, $0x7;
	v52 =	vnsel vm11, $0x0, v19;
	[tilespmem:s1+$0x4D30] =	vst v4  }
0x1f9: {  	vm7 =	veq.s32 v63, $0x5;
	v24 =	vnsel vm5, $0x0, v22;
	[tilespmem:s1+$0x4C90] =	vst v52  }
0x1fa: {  	vm10 =	veq.s32 v5, $0x2;
	vm12 =	veq.s32 v5, $0x0;
	v25 =	vnsel vm7, $0x0, v22;
	[tilespmem:s1+$0x4B70] =	vst v24  }
0x1fb: {  	v5 =	vperm.xlane v1, v11;
	vm13 =	veq.s32 v51, $0x7;
	v4 =	vnsel vm10, $0x0, v19;
	[tilespmem:s1+$0x4B50] =	vst v25  }
0x1fc: {  	v21 =	vperm.xlane v0, v11;
	v53 =	vnsel vm13, $0x0, v20;
	[tilespmem:s1+$0x4CA0] =	vst v4  }
0x1fd: {  	vm9 =	veq.s32 v5, $0x7;
	v4 =	vnsel vm12, $0x0, v19;
	[tilespmem:s1+$0x4C70] =	vst v53  }
0x1fe: {  	vm10 =	veq.s32 v5, $0x6;
	v57 =	vnsel vm9, $0x0, v21;
	[tilespmem:s1+$0x4C80] =	vst v4  }
0x1ff: {  	vm11 =	veq.s32 v5, $0x5;
	v58 =	vnsel vm10, $0x0, v21;
	[tilespmem:s1+$0x4BF0] =	vst v57  }
0x200: {  	vm13 =	veq.s32 v5, $0x3;
	v59 =	vnsel vm11, $0x0, v21;
	[tilespmem:s1+$0x4BE0] =	vst v58  }
0x201: {  	vm15 =	veq.s32 v5, $0x1;
	v62 =	vnsel vm13, $0x0, v21;
	[tilespmem:s1+$0x4BD0] =	vst v59  }
0x202: {  	vm14 =	veq.s32 v51, $0x6;
	v23 =	vnsel vm15, $0x0, v21;
	[tilespmem:s1+$0x4BB0] =	vst v62  }
0x203: {  	vm12 =	veq.s32 v5, $0x4;
	v4 =	vnsel vm14, $0x0, v20;
	[tilespmem:s1+$0x4B90] =	vst v23  }
0x204: {  	vm9 =	veq.s32 v63, $0x3;
	v60 =	vnsel vm12, $0x0, v21;
	[tilespmem:s1+$0x4C60] =	vst v4  }
0x205: {  	vm11 =	veq.s32 v63, $0x1;
	v26 =	vnsel vm9, $0x0, v22;
	[tilespmem:s1+$0x4BC0] =	vst v60  }
0x206: {  	v35 =	vperm.xlane v1, v14;
	vm4 =	veq.s32 v51, $0x4;
	v27 =	vnsel vm11, $0x0, v22;
	[tilespmem:s1+$0x4B30] =	vst v26  }
0x207: {  	v24 =	vperm.xlane v0, v14;
	vm12 =	veq.s32 v63, $0x0;
	v4 =	vnsel vm4, $0x0, v20;
	[tilespmem:s1+$0x4B10] =	vst v27  }
0x208: {  	vm9 =	veq.s32 v35, $0x7;
	v3 =	vnsel vm12, $0x0, v22;
	[tilespmem:s1+$0x4C40] =	vst v4  }
0x209: {  	vm11 =	veq.s32 v35, $0x5;
	v38 =	vnsel vm9, $0x0, v24;
	[tilespmem:s1+$0x4B00] =	vst v3  }
0x20a: {  	vm6 =	veq.s32 v51, $0x2;
	vm14 =	veq.s32 v5, $0x2;
	v39 =	vnsel vm11, $0x0, v24;
	[tilespmem:s1+$0x4A70] =	vst v38  }
0x20b: {  	vm4 =	veq.s32 v5, $0x0;
	v5 =	vperm.xlane v1, v15;
	v4 =	vnsel vm6, $0x0, v20;
	[tilespmem:s1+$0x4A50] =	vst v39  }
0x20c: {  	v23 =	vperm.xlane v0, v15;
	[tilespmem:s1+$0x4C20] =	vst v4;
	v4 =	vnsel vm14, $0x0, v21  }
0x20d: {  	vm13 =	veq.s32 v5, $0x7;
	[tilespmem:s1+$0x4BA0] =	vst v4;
	v4 =	vnsel vm4, $0x0, v21  }
0x20e: {  	vm14 =	veq.s32 v5, $0x6;
	v28 =	vnsel vm13, $0x0, v23;
	[tilespmem:s1+$0x4B80] =	vst v4  }
0x20f: {  	vm15 =	veq.s32 v5, $0x5;
	v30 =	vnsel vm14, $0x0, v23;
	[tilespmem:s1+$0x4AF0] =	vst v28  }
0x210: {  	vm5 =	veq.s32 v5, $0x3;
	v31 =	vnsel vm15, $0x0, v23;
	[tilespmem:s1+$0x4AE0] =	vst v30  }
0x211: {  	vm7 =	veq.s32 v5, $0x1;
	v33 =	vnsel vm5, $0x0, v23;
	[tilespmem:s1+$0x4AD0] =	vst v31  }
0x212: {  	vm6 =	veq.s32 v63, $0x6;
	v36 =	vnsel vm7, $0x0, v23;
	[tilespmem:s1+$0x4AB0] =	vst v33  }
0x213: {  	vm4 =	veq.s32 v5, $0x4;
	v4 =	vnsel vm6, $0x0, v22;
	[tilespmem:s1+$0x4A90] =	vst v36  }
0x214: {  	vm13 =	veq.s32 v35, $0x3;
	v32 =	vnsel vm4, $0x0, v23;
	[tilespmem:s1+$0x4B60] =	vst v4  }
0x215: {  	vm15 =	veq.s32 v35, $0x1;
	v41 =	vnsel vm13, $0x0, v24;
	[tilespmem:s1+$0x4AC0] =	vst v32  }
0x216: {  	vm8 =	veq.s32 v63, $0x4;
	v51 =	vperm.xlane v1, v46;
	v43 =	vnsel vm15, $0x0, v24;
	[tilespmem:s1+$0x4A30] =	vst v41  }
0x217: {  	v26 =	vperm.xlane v0, v46;
	vm4 =	veq.s32 v35, $0x0;
	v4 =	vnsel vm8, $0x0, v22;
	[tilespmem:s1+$0x4A10] =	vst v43  }
0x218: {  	vm13 =	veq.s32 v51, $0x7;
	v3 =	vnsel vm4, $0x0, v24;
	[tilespmem:s1+$0x4B40] =	vst v4  }
0x219: {  	vm15 =	veq.s32 v51, $0x5;
	v53 =	vnsel vm13, $0x0, v26;
	[tilespmem:s1+$0x4A00] =	vst v3  }
0x21a: {  	vm10 =	veq.s32 v63, $0x2;
	vm6 =	veq.s32 v5, $0x2;
	v54 =	vnsel vm15, $0x0, v26;
	[tilespmem:s1+$0x4970] =	vst v53  }
0x21b: {  	vm8 =	veq.s32 v5, $0x0;
	v5 =	vperm.xlane v1, v34;
	v4 =	vnsel vm10, $0x0, v22;
	[tilespmem:s1+$0x4950] =	vst v54  }
0x21c: {  	v25 =	vperm.xlane v0, v34;
	[tilespmem:s1+$0x4B20] =	vst v4;
	v4 =	vnsel vm6, $0x0, v23  }
0x21d: {  	vm5 =	veq.s32 v5, $0x7;
	[tilespmem:s1+$0x4AA0] =	vst v4;
	v4 =	vnsel vm8, $0x0, v23  }
0x21e: {  	vm6 =	veq.s32 v5, $0x6;
	v45 =	vnsel vm5, $0x0, v25;
	[tilespmem:s1+$0x4A80] =	vst v4  }
0x21f: {  	vm7 =	veq.s32 v5, $0x5;
	v47 =	vnsel vm6, $0x0, v25;
	[tilespmem:s1+$0x49F0] =	vst v45  }
0x220: {  	vm9 =	veq.s32 v5, $0x3;
	v48 =	vnsel vm7, $0x0, v25;
	[tilespmem:s1+$0x49E0] =	vst v47  }
0x221: {  	vm11 =	veq.s32 v5, $0x1;
	v50 =	vnsel vm9, $0x0, v25;
	[tilespmem:s1+$0x49D0] =	vst v48  }
0x222: {  	vm10 =	veq.s32 v35, $0x6;
	v52 =	vnsel vm11, $0x0, v25;
	[tilespmem:s1+$0x49B0] =	vst v50  }
0x223: {  	vm8 =	veq.s32 v5, $0x4;
	v4 =	vnsel vm10, $0x0, v24;
	[tilespmem:s1+$0x4990] =	vst v52  }
0x224: {  	vm5 =	veq.s32 v51, $0x3;
	v49 =	vnsel vm8, $0x0, v25;
	[tilespmem:s1+$0x4A60] =	vst v4  }
0x225: {  	vm7 =	veq.s32 v51, $0x1;
	v55 =	vnsel vm5, $0x0, v26;
	[tilespmem:s1+$0x49C0] =	vst v49  }
0x226: {  	vm12 =	veq.s32 v35, $0x4;
	v63 =	vperm.xlane v1, v40;
	v56 =	vnsel vm7, $0x0, v26;
	[tilespmem:s1+$0x4930] =	vst v55  }
0x227: {  	v28 =	vperm.xlane v0, v40;
	vm8 =	veq.s32 v51, $0x0;
	v4 =	vnsel vm12, $0x0, v24;
	[tilespmem:s1+$0x4910] =	vst v56  }
0x228: {  	vm5 =	veq.s32 v63, $0x7;
	v3 =	vnsel vm8, $0x0, v26;
	[tilespmem:s1+$0x4A40] =	vst v4  }
0x229: {  	vm7 =	veq.s32 v63, $0x5;
	v31 =	vnsel vm5, $0x0, v28;
	[tilespmem:s1+$0x4900] =	vst v3  }
0x22a: {  	vm14 =	veq.s32 v35, $0x2;
	vm10 =	veq.s32 v5, $0x2;
	v32 =	vnsel vm7, $0x0, v28;
	[tilespmem:s1+$0x4870] =	vst v31  }
0x22b: {  	vm12 =	veq.s32 v5, $0x0;
	v5 =	vperm.xlane v1, v44;
	v4 =	vnsel vm14, $0x0, v24;
	[tilespmem:s1+$0x4850] =	vst v32  }
0x22c: {  	v27 =	vperm.xlane v0, v44;
	[tilespmem:s1+$0x4A20] =	vst v4;
	v4 =	vnsel vm10, $0x0, v25  }
0x22d: {  	vm9 =	veq.s32 v5, $0x7;
	[tilespmem:s1+$0x49A0] =	vst v4;
	v4 =	vnsel vm12, $0x0, v25  }
0x22e: {  	vm10 =	veq.s32 v5, $0x6;
	v57 =	vnsel vm9, $0x0, v27;
	[tilespmem:s1+$0x4980] =	vst v4  }
0x22f: {  	vm11 =	veq.s32 v5, $0x5;
	v58 =	vnsel vm10, $0x0, v27;
	[tilespmem:s1+$0x48F0] =	vst v57  }
0x230: {  	vm13 =	veq.s32 v5, $0x3;
	v59 =	vnsel vm11, $0x0, v27;
	[tilespmem:s1+$0x48E0] =	vst v58  }
0x231: {  	vm15 =	veq.s32 v5, $0x1;
	v62 =	vnsel vm13, $0x0, v27;
	[tilespmem:s1+$0x48D0] =	vst v59  }
0x232: {  	vm14 =	veq.s32 v51, $0x6;
	v30 =	vnsel vm15, $0x0, v27;
	[tilespmem:s1+$0x48B0] =	vst v62  }
0x233: {  	vm12 =	veq.s32 v5, $0x4;
	v4 =	vnsel vm14, $0x0, v26;
	[tilespmem:s1+$0x4890] =	vst v30  }
0x234: {  	vm9 =	veq.s32 v63, $0x3;
	v60 =	vnsel vm12, $0x0, v27;
	[tilespmem:s1+$0x4960] =	vst v4  }
0x235: {  	vm11 =	veq.s32 v63, $0x1;
	v33 =	vnsel vm9, $0x0, v28;
	[tilespmem:s1+$0x48C0] =	vst v60  }
0x236: {  	vm4 =	veq.s32 v51, $0x4;
	v45 =	vperm.xlane v1, v37;
	v35 =	vnsel vm11, $0x0, v28;
	[tilespmem:s1+$0x4830] =	vst v33  }
0x237: {  	v31 =	vperm.xlane v0, v37;
	vm12 =	veq.s32 v63, $0x0;
	v4 =	vnsel vm4, $0x0, v26;
	[tilespmem:s1+$0x4810] =	vst v35  }
0x238: {  	vm9 =	veq.s32 v45, $0x7;
	v3 =	vnsel vm12, $0x0, v28;
	[tilespmem:s1+$0x4940] =	vst v4  }
0x239: {  	vm11 =	veq.s32 v45, $0x5;
	v48 =	vnsel vm9, $0x0, v31;
	[tilespmem:s1+$0x4800] =	vst v3  }
0x23a: {  	vm6 =	veq.s32 v51, $0x2;
	vm14 =	veq.s32 v5, $0x2;
	v49 =	vnsel vm11, $0x0, v31;
	[tilespmem:s1+$0x4770] =	vst v48  }
0x23b: {  	vm4 =	veq.s32 v5, $0x0;
	v5 =	vperm.xlane v1, v42;
	v4 =	vnsel vm6, $0x0, v26;
	[tilespmem:s1+$0x4750] =	vst v49  }
0x23c: {  	v30 =	vperm.xlane v0, v42;
	[tilespmem:s1+$0x4920] =	vst v4;
	v4 =	vnsel vm14, $0x0, v27  }
0x23d: {  	vm13 =	veq.s32 v5, $0x7;
	[tilespmem:s1+$0x48A0] =	vst v4;
	v4 =	vnsel vm4, $0x0, v27  }
0x23e: {  	vm14 =	veq.s32 v5, $0x6;
	v36 =	vnsel vm13, $0x0, v30;
	[tilespmem:s1+$0x4880] =	vst v4  }
0x23f: {  	vm15 =	veq.s32 v5, $0x5;
	v38 =	vnsel vm14, $0x0, v30;
	[tilespmem:s1+$0x47F0] =	vst v36  }
0x240: {  	vm5 =	veq.s32 v5, $0x3;
	v39 =	vnsel vm15, $0x0, v30;
	[tilespmem:s1+$0x47E0] =	vst v38  }
0x241: {  	vm7 =	veq.s32 v5, $0x1;
	v43 =	vnsel vm5, $0x0, v30;
	[tilespmem:s1+$0x47D0] =	vst v39  }
0x242: {  	vm6 =	veq.s32 v63, $0x6;
	v47 =	vnsel vm7, $0x0, v30;
	[tilespmem:s1+$0x47B0] =	vst v43  }
0x243: {  	vm4 =	veq.s32 v5, $0x4;
	v4 =	vnsel vm6, $0x0, v28;
	[tilespmem:s1+$0x4790] =	vst v47  }
0x244: {  	vm13 =	veq.s32 v45, $0x3;
	v41 =	vnsel vm4, $0x0, v30;
	[tilespmem:s1+$0x4860] =	vst v4  }
0x245: {  	v49 =	vld [tilespmem:s1+$0xD50];
	vm15 =	veq.s32 v45, $0x1;
	v50 =	vnsel vm13, $0x0, v31;
	[tilespmem:s1+$0x47C0] =	vst v41  }
0x246: {  	vm8 =	veq.s32 v63, $0x4;
	v51 =	vnsel vm15, $0x0, v31;
	[tilespmem:s1+$0x4730] =	vst v50  }
0x247: {  	vm4 =	veq.s32 v45, $0x0;
	v4 =	vnsel vm8, $0x0, v28;
	[tilespmem:s1+$0x4710] =	vst v51  }
0x248: {  	v6 =	vimm.s32 $0x1;
	vm10 =	veq.s32 v63, $0x2;
	v3 =	vnsel vm4, $0x0, v31;
	[tilespmem:s1+$0x4840] =	vst v4  }
0x249: {  	vm6 =	veq.s32 v5, $0x2;
	vm8 =	veq.s32 v5, $0x0;
	v4 =	vnsel vm10, $0x0, v28;
	[tilespmem:s1+$0x4700] =	vst v3  }
0x24a: {  	v5 =	vperm.xlane v1, v6;
	v2 =	vmul.f32 v49, v18;
	[tilespmem:s1+$0x4820] =	vst v4;
	v4 =	vnsel vm6, $0x0, v30  }
0x24b: {  	v32 =	vperm.xlane v0, v6;
	[tilespmem:s1+$0x47A0] =	vst v4  }
0x24c: {  	vm5 =	veq.s32 v5, $0x7;
	v4 =	vnsel vm8, $0x0, v30;
	[tilespmem:s1+$0xD50] =	vst v2  }
0x24d: {  	vm6 =	veq.s32 v5, $0x6;
	v52 =	vnsel vm5, $0x0, v32;
	[tilespmem:s1+$0x4780] =	vst v4  }
0x24e: {  	vm7 =	veq.s32 v5, $0x5;
	v53 =	vnsel vm6, $0x0, v32;
	[tilespmem:s1+$0x46F0] =	vst v52  }
0x24f: {  	v1 =	vperm.xlane v1, v61;
	vm9 =	veq.s32 v5, $0x3;
	v54 =	vnsel vm7, $0x0, v32;
	[tilespmem:s1+$0x46E0] =	vst v53  }
0x250: {  	v33 =	vperm.xlane v0, v61;
	vm11 =	veq.s32 v5, $0x1;
	v56 =	vnsel vm9, $0x0, v32;
	[tilespmem:s1+$0x46D0] =	vst v54  }
0x251: {  	vm13 =	veq.s32 v1, $0x7;
	v58 =	vnsel vm11, $0x0, v32;
	[tilespmem:s1+$0x46B0] =	vst v56  }
0x252: {  	vm15 =	veq.s32 v1, $0x5;
	v60 =	vnsel vm13, $0x0, v33;
	[tilespmem:s1+$0x4690] =	vst v58  }
0x253: {  	vm4 =	veq.s32 v1, $0x4;
	v63 =	vnsel vm15, $0x0, v33;
	[tilespmem:s1+$0x4670] =	vst v60  }
0x254: {  	vm10 =	veq.s32 v45, $0x6;
	v35 =	vnsel vm4, $0x0, v33;
	[tilespmem:s1+$0x4650] =	vst v63  }
0x255: {  	vm8 =	veq.s32 v5, $0x4;
	v4 =	vnsel vm10, $0x0, v31;
	[tilespmem:s1+$0x4640] =	vst v35  }
0x256: {  	vm5 =	veq.s32 v1, $0x3;
	v55 =	vnsel vm8, $0x0, v32;
	[tilespmem:s1+$0x4760] =	vst v4  }
0x257: {  	vm6 =	veq.s32 v1, $0x2;
	v36 =	vnsel vm5, $0x0, v33;
	[tilespmem:s1+$0x46C0] =	vst v55  }
0x258: {  	vm7 =	veq.s32 v1, $0x1;
	v38 =	vnsel vm6, $0x0, v33;
	[tilespmem:s1+$0x4630] =	vst v36  }
0x259: {  	v47 =	vld [tilespmem:s1+$0xD60];
	vm9 =	veq.s32 v29, $0x6;
	v39 =	vnsel vm7, $0x0, v33;
	[tilespmem:s1+$0x4620] =	vst v38  }
0x25a: {  	vm11 =	veq.s32 v29, $0x4;
	v41 =	vnsel vm9, $0x0, v17;
	[tilespmem:s1+$0x4610] =	vst v39  }
0x25b: {  	vm15 =	veq.s32 v29, $0x0;
	v48 =	vnsel vm11, $0x0, v17;
	[tilespmem:s1+$0x4DE0] =	vst v41  }
0x25c: {  	vm12 =	veq.s32 v45, $0x4;
	v6 =	vnsel vm15, $0x0, v17;
	[tilespmem:s1+$0x4DC0] =	vst v48  }
0x25d: {  	vm10 =	veq.s32 v5, $0x2;
	v4 =	vnsel vm12, $0x0, v31;
	[tilespmem:s1+$0x4D80] =	vst v6  }
0x25e: {  	v50 =	vld [tilespmem:s1+$0xD40];
	v0 =	vmul.f32 v47, v18;
	v57 =	vnsel vm10, $0x0, v32;
	[tilespmem:s1+$0x4740] =	vst v4  }
0x25f: {  	vm14 =	veq.s32 v45, $0x2;
	[tilespmem:s1+$0x46A0] =	vst v57  }
0x260: {  	vm12 =	veq.s32 v5, $0x0;
	v4 =	vnsel vm14, $0x0, v31;
	[tilespmem:s1+$0xD60] =	vst v0  }
0x261: {  	vm8 =	veq.s32 v1, $0x0;
	v59 =	vnsel vm12, $0x0, v32;
	[tilespmem:s1+$0x4720] =	vst v4  }
0x262: {  	v43 =	vld [tilespmem:s1+$0xD70];
	vm10 =	veq.s32 v29, $0x5;
	vm14 =	veq.s32 v1, $0x6;
	v1 =	vnsel vm8, $0x0, v33;
	[tilespmem:s1+$0x4680] =	vst v59  }
0x263: {  	v3 =	vmul.f32 v50, v18;
	v45 =	vnsel vm10, $0x0, v17;
	[tilespmem:s1+$0x4600] =	vst v1  }
0x264: {  	v51 =	vld [tilespmem:s1+$0xD00];
	vm12 =	veq.s32 v29, $0x3;
	[tilespmem:s1+$0x4DD0] =	vst v45  }
0x265: {  	vm13 =	veq.s32 v29, $0x2;
	v52 =	vld [tilespmem:s1+$0xCF0];
	v4 =	vnsel vm12, $0x0, v17;
	[tilespmem:s1+$0xD40] =	vst v3  }
0x266: {  	v6 =	vld [tilespmem:s1+$0xD10];
	v62 =	vnsel vm14, $0x0, v33;
	vm14 =	veq.s32 v29, $0x1;
	[tilespmem:s1+$0x4DB0] =	vst v4;
	v4 =	vnsel vm13, $0x0, v17  }
0x267: {  	v1 =	vmul.f32 v43, v18;
	v5 =	vnsel vm14, $0x0, v17;
	[tilespmem:s1+$0x4DA0] =	vst v4;
	v4 =	vld [tilespmem:s1+$0xD30]  }
0x268: {  	[tilespmem:s1+$0x4D90] =	vst v5;
	v5 =	vld [tilespmem:s1+$0xD20]  }
0x269: {  	v53 =	vld [tilespmem:s1+$0xCE0];
	[tilespmem:s1+$0xD70] =	vst v1;
	v1 =	vmul.f32 v51, v18  }
0x26a: {  	v54 =	vld [tilespmem:s1+$0xCD0];
	[tilespmem:s1+$0x4660] =	vst v62;
	v0 =	vmul.f32 v52, v19  }
0x26b: {  	v55 =	vld [tilespmem:s1+$0xC90];
	v6 =	vmul.f32 v6, v18;
	[tilespmem:s1+$0xD00] =	vst v1  }
0x26c: {  	v56 =	vld [tilespmem:s1+$0xC80];
	[tilespmem:s1+$0xCF0] =	vst v0;
	v4 =	vmul.f32 v4, v18  }
0x26d: {  	[tilespmem:s1+$0xD10] =	vst v6;
	v6 =	vld [tilespmem:s1+$0xCA0];
	v5 =	vmul.f32 v5, v18  }
0x26e: {  	v2 =	vmul.f32 v53, v19;
	[tilespmem:s1+$0xD30] =	vst v4;
	v4 =	vld [tilespmem:s1+$0xCC0]  }
0x26f: {  	v3 =	vmul.f32 v54, v19;
	[tilespmem:s1+$0xD20] =	vst v5;
	v5 =	vld [tilespmem:s1+$0xCB0]  }
0x270: {  	v57 =	vld [tilespmem:s1+$0xC70];
	[tilespmem:s1+$0xCE0] =	vst v2;
	v1 =	vmul.f32 v55, v19  }
0x271: {  	v58 =	vld [tilespmem:s1+$0xC60];
	[tilespmem:s1+$0xCD0] =	vst v3;
	v0 =	vmul.f32 v56, v19  }
0x272: {  	v59 =	vld [tilespmem:s1+$0xC20];
	[tilespmem:s1+$0xC90] =	vst v1;
	v6 =	vmul.f32 v6, v19  }
0x273: {  	v63 =	vld [tilespmem:s1+$0xBF0];
	[tilespmem:s1+$0xC80] =	vst v0;
	v4 =	vmul.f32 v4, v19  }
0x274: {  	[tilespmem:s1+$0xCA0] =	vst v6;
	v6 =	vld [tilespmem:s1+$0xC30];
	v5 =	vmul.f32 v5, v19  }
0x275: {  	v2 =	vmul.f32 v57, v20;
	[tilespmem:s1+$0xCC0] =	vst v4;
	v4 =	vld [tilespmem:s1+$0xC50]  }
0x276: {  	v3 =	vmul.f32 v58, v20;
	[tilespmem:s1+$0xCB0] =	vst v5;
	v5 =	vld [tilespmem:s1+$0xC40]  }
0x277: {  	v60 =	vld [tilespmem:s1+$0xC10];
	[tilespmem:s1+$0xC70] =	vst v2;
	v1 =	vmul.f32 v59, v20  }
0x278: {  	v29 =	vld [tilespmem:s1+$0xB80];
	[tilespmem:s1+$0xC60] =	vst v3;
	v3 =	vmul.f32 v63, v21  }
0x279: {  	v62 =	vld [tilespmem:s1+$0xC00];
	[tilespmem:s1+$0xC20] =	vst v1;
	v6 =	vmul.f32 v6, v20  }
0x27a: {  	v39 =	vld [tilespmem:s1+$0xB10];
	[tilespmem:s1+$0xBF0] =	vst v3;
	v4 =	vmul.f32 v4, v20  }
0x27b: {  	[tilespmem:s1+$0xC30] =	vst v6;
	v6 =	vld [tilespmem:s1+$0xBC0];
	v5 =	vmul.f32 v5, v20  }
0x27c: {  	v0 =	vmul.f32 v60, v20;
	[tilespmem:s1+$0xC50] =	vst v4;
	v4 =	vld [tilespmem:s1+$0xBE0]  }
0x27d: {  	v3 =	vmul.f32 v29, v21;
	[tilespmem:s1+$0xC40] =	vst v5;
	v5 =	vld [tilespmem:s1+$0xBD0]  }
0x27e: {  	v2 =	vmul.f32 v62, v20;
	v18 =	vld [tilespmem:s1+$0xBB0];
	[tilespmem:s1+$0xC10] =	vst v0  }
0x27f: {  	v47 =	vld [tilespmem:s1+$0xAA0];
	[tilespmem:s1+$0xB80] =	vst v3;
	v3 =	vmul.f32 v39, v22  }
0x280: {  	v35 =	vld [tilespmem:s1+$0xB40];
	[tilespmem:s1+$0xC00] =	vst v2;
	v6 =	vmul.f32 v6, v21  }
0x281: {  	v51 =	vld [tilespmem:s1+$0xA30];
	[tilespmem:s1+$0xB10] =	vst v3;
	v4 =	vmul.f32 v4, v21  }
0x282: {  	[tilespmem:s1+$0xBC0] =	vst v6;
	v6 =	vld [tilespmem:s1+$0xB50];
	v5 =	vmul.f32 v5, v21  }
0x283: {  	v1 =	vmul.f32 v18, v21;
	[tilespmem:s1+$0xBE0] =	vst v4;
	v4 =	vld [tilespmem:s1+$0xB70]  }
0x284: {  	v3 =	vmul.f32 v47, v23;
	[tilespmem:s1+$0xBD0] =	vst v5;
	v5 =	vld [tilespmem:s1+$0xB60]  }
0x285: {  	v41 =	vld [tilespmem:s1+$0xAD0];
	[tilespmem:s1+$0xBB0] =	vst v1;
	v1 =	vmul.f32 v35, v22  }
0x286: {  	v55 =	vld [tilespmem:s1+$0x9C0];
	[tilespmem:s1+$0xAA0] =	vst v3;
	v3 =	vmul.f32 v51, v24  }
0x287: {  	v48 =	vld [tilespmem:s1+$0xA60];
	[tilespmem:s1+$0xB40] =	vst v1;
	v6 =	vmul.f32 v6, v22  }
0x288: {  	v59 =	vld [tilespmem:s1+$0x950];
	[tilespmem:s1+$0xA30] =	vst v3;
	v4 =	vmul.f32 v4, v22  }
0x289: {  	[tilespmem:s1+$0xB50] =	vst v6;
	v6 =	vld [tilespmem:s1+$0xAE0];
	v5 =	vmul.f32 v5, v22  }
0x28a: {  	v1 =	vmul.f32 v41, v23;
	[tilespmem:s1+$0xB70] =	vst v4;
	v4 =	vld [tilespmem:s1+$0xB00]  }
0x28b: {  	v3 =	vmul.f32 v55, v25;
	[tilespmem:s1+$0xB60] =	vst v5;
	v5 =	vld [tilespmem:s1+$0xAF0]  }
0x28c: {  	v19 =	vld [tilespmem:s1+$0xBA0];
	[tilespmem:s1+$0xAD0] =	vst v1;
	v1 =	vmul.f32 v48, v24  }
0x28d: {  	v52 =	vld [tilespmem:s1+$0x9F0];
	[tilespmem:s1+$0x9C0] =	vst v3;
	v3 =	vmul.f32 v59, v26  }
0x28e: {  	v18 =	vld [tilespmem:s1+$0x8E0];
	[tilespmem:s1+$0xA60] =	vst v1;
	v6 =	vmul.f32 v6, v23  }
0x28f: {  	v36 =	vld [tilespmem:s1+$0xB30];
	[tilespmem:s1+$0x950] =	vst v3;
	v4 =	vmul.f32 v4, v22  }
0x290: {  	[tilespmem:s1+$0xAE0] =	vst v6;
	v6 =	vld [tilespmem:s1+$0xA70];
	v5 =	vmul.f32 v5, v23  }
0x291: {  	v0 =	vmul.f32 v19, v21;
	[tilespmem:s1+$0xB00] =	vst v4;
	v4 =	vld [tilespmem:s1+$0xA90]  }
0x292: {  	v1 =	vmul.f32 v52, v25;
	[tilespmem:s1+$0xAF0] =	vst v5;
	v5 =	vld [tilespmem:s1+$0xA80]  }
0x293: {  	v56 =	vld [tilespmem:s1+$0x980];
	v3 =	vmul.f32 v18, v27;
	[tilespmem:s1+$0xBA0] =	vst v0  }
0x294: {  	v43 =	vld [tilespmem:s1+$0xAC0];
	v0 =	vmul.f32 v36, v22;
	[tilespmem:s1+$0x9F0] =	vst v1  }
0x295: {  	v60 =	vld [tilespmem:s1+$0x910];
	[tilespmem:s1+$0x8E0] =	vst v3;
	v6 =	vmul.f32 v6, v24  }
0x296: {  	v20 =	vld [tilespmem:s1+$0xB90];
	[tilespmem:s1+$0xB30] =	vst v0;
	v4 =	vmul.f32 v4, v23  }
0x297: {  	[tilespmem:s1+$0xA70] =	vst v6;
	v6 =	vld [tilespmem:s1+$0xA00];
	v5 =	vmul.f32 v5, v23  }
0x298: {  	v1 =	vmul.f32 v56, v25;
	[tilespmem:s1+$0xA90] =	vst v4;
	v4 =	vld [tilespmem:s1+$0xA20]  }
0x299: {  	v0 =	vmul.f32 v43, v23;
	[tilespmem:s1+$0xA80] =	vst v5;
	v5 =	vld [tilespmem:s1+$0xA10]  }
0x29a: {  	v49 =	vld [tilespmem:s1+$0xA50];
	[tilespmem:s1+$0x980] =	vst v1;
	v1 =	vmul.f32 v60, v26  }
0x29b: {  	v38 =	vld [tilespmem:s1+$0xB20];
	[tilespmem:s1+$0xAC0] =	vst v0;
	v2 =	vmul.f32 v20, v21  }
0x29c: {  	v19 =	vld [tilespmem:s1+$0x8A0];
	[tilespmem:s1+$0x910] =	vst v1;
	v6 =	vmul.f32 v6, v24  }
0x29d: {  	v45 =	vld [tilespmem:s1+$0xAB0];
	[tilespmem:s1+$0xB90] =	vst v2;
	v4 =	vmul.f32 v4, v24  }
0x29e: {  	[tilespmem:s1+$0xA00] =	vst v6;
	v6 =	vld [tilespmem:s1+$0x990];
	v5 =	vmul.f32 v5, v24  }
0x29f: {  	v0 =	vmul.f32 v49, v24;
	[tilespmem:s1+$0xA20] =	vst v4;
	v4 =	vld [tilespmem:s1+$0x9B0]  }
0x2a0: {  	v2 =	vmul.f32 v38, v22;
	[tilespmem:s1+$0xA10] =	vst v5;
	v5 =	vld [tilespmem:s1+$0x9A0]  }
0x2a1: {  	v53 =	vld [tilespmem:s1+$0x9E0];
	v1 =	vmul.f32 v19, v27;
	[tilespmem:s1+$0xA50] =	vst v0  }
0x2a2: {  	v50 =	vld [tilespmem:s1+$0xA40];
	[tilespmem:s1+$0xB20] =	vst v2;
	v2 =	vmul.f32 v45, v23  }
0x2a3: {  	v57 =	vld [tilespmem:s1+$0x970];
	[tilespmem:s1+$0x8A0] =	vst v1;
	v6 =	vmul.f32 v6, v25  }
0x2a4: {  	v54 =	vld [tilespmem:s1+$0x9D0];
	[tilespmem:s1+$0xAB0] =	vst v2;
	v4 =	vmul.f32 v4, v25  }
0x2a5: {  	[tilespmem:s1+$0x990] =	vst v6;
	v6 =	vld [tilespmem:s1+$0x920];
	v5 =	vmul.f32 v5, v25  }
0x2a6: {  	v0 =	vmul.f32 v53, v25;
	[tilespmem:s1+$0x9B0] =	vst v4;
	v4 =	vld [tilespmem:s1+$0x940]  }
0x2a7: {  	v2 =	vmul.f32 v50, v24;
	[tilespmem:s1+$0x9A0] =	vst v5;
	v5 =	vld [tilespmem:s1+$0x930]  }
0x2a8: {  	v62 =	vld [tilespmem:s1+$0x900];
	[tilespmem:s1+$0x9E0] =	vst v0;
	v0 =	vmul.f32 v57, v26  }
0x2a9: {  	v58 =	vld [tilespmem:s1+$0x960];
	[tilespmem:s1+$0xA40] =	vst v2;
	v2 =	vmul.f32 v54, v25  }
0x2aa: {  	v20 =	vld [tilespmem:s1+$0x890];
	[tilespmem:s1+$0x970] =	vst v0;
	v6 =	vmul.f32 v6, v26  }
0x2ab: {  	v63 =	vld [tilespmem:s1+$0x8F0];
	[tilespmem:s1+$0x9D0] =	vst v2;
	v4 =	vmul.f32 v4, v26  }
0x2ac: {  	[tilespmem:s1+$0x920] =	vst v6;
	v6 =	vld [tilespmem:s1+$0x8B0];
	v5 =	vmul.f32 v5, v26  }
0x2ad: {  	v0 =	vmul.f32 v62, v26;
	[tilespmem:s1+$0x940] =	vst v4;
	v4 =	vld [tilespmem:s1+$0x8D0]  }
0x2ae: {  	v2 =	vmul.f32 v58, v26;
	[tilespmem:s1+$0x930] =	vst v5;
	v5 =	vld [tilespmem:s1+$0x8C0]  }
0x2af: {  	v21 =	vld [tilespmem:s1+$0x880];
	[tilespmem:s1+$0x900] =	vst v0;
	v0 =	vmul.f32 v20, v27  }
0x2b0: {  	[tilespmem:s1+$0x960] =	vst v2;
	v2 =	vmul.f32 v63, v27;
	v24 =	vld [tilespmem:s1+$0x820]  }
0x2b1: {  	[tilespmem:s1+$0x890] =	vst v0;
	v22 =	vld [tilespmem:s1+$0x870];
	v6 =	vmul.f32 v6, v27  }
0x2b2: {  	v29 =	vld [tilespmem:s1+$0x7B0];
	[tilespmem:s1+$0x8F0] =	vst v2;
	v4 =	vmul.f32 v4, v27  }
0x2b3: {  	[tilespmem:s1+$0x8B0] =	vst v6;
	v6 =	vld [tilespmem:s1+$0x840];
	v5 =	vmul.f32 v5, v27  }
0x2b4: {  	v2 =	vmul.f32 v21, v27;
	[tilespmem:s1+$0x8D0] =	vst v4;
	v4 =	vld [tilespmem:s1+$0x860]  }
0x2b5: {  	v0 =	vmul.f32 v24, v28;
	[tilespmem:s1+$0x8C0] =	vst v5;
	v5 =	vld [tilespmem:s1+$0x850]  }
0x2b6: {  	v39 =	vld [tilespmem:s1+$0x740];
	[tilespmem:s1+$0x880] =	vst v2;
	v3 =	vmul.f32 v22, v28  }
0x2b7: {  	v23 =	vld [tilespmem:s1+$0x830];
	[tilespmem:s1+$0x820] =	vst v0;
	v0 =	vmul.f32 v29, v30  }
0x2b8: {  	v47 =	vld [tilespmem:s1+$0x6D0];
	[tilespmem:s1+$0x870] =	vst v3;
	v6 =	vmul.f32 v6, v28  }
0x2b9: {  	v25 =	vld [tilespmem:s1+$0x810];
	[tilespmem:s1+$0x7B0] =	vst v0;
	v4 =	vmul.f32 v4, v28  }
0x2ba: {  	[tilespmem:s1+$0x840] =	vst v6;
	v6 =	vld [tilespmem:s1+$0x7D0];
	v5 =	vmul.f32 v5, v28  }
0x2bb: {  	v0 =	vmul.f32 v39, v31;
	[tilespmem:s1+$0x860] =	vst v4;
	v4 =	vld [tilespmem:s1+$0x7F0]  }
0x2bc: {  	v1 =	vmul.f32 v23, v28;
	[tilespmem:s1+$0x850] =	vst v5;
	v5 =	vld [tilespmem:s1+$0x7E0]  }
0x2bd: {  	v51 =	vld [tilespmem:s1+$0x660];
	[tilespmem:s1+$0x740] =	vst v0;
	v0 =	vmul.f32 v47, v32  }
0x2be: {  	v35 =	vld [tilespmem:s1+$0x7A0];
	[tilespmem:s1+$0x830] =	vst v1;
	v2 =	vmul.f32 v25, v28  }
0x2bf: {  	v55 =	vld [tilespmem:s1+$0xDF0];
	[tilespmem:s1+$0x6D0] =	vst v0;
	v6 =	vmul.f32 v6, v30  }
0x2c0: {  	v41 =	vld [tilespmem:s1+$0x730];
	[tilespmem:s1+$0x810] =	vst v2;
	v4 =	vmul.f32 v4, v30  }
0x2c1: {  	[tilespmem:s1+$0x7D0] =	vst v6;
	v6 =	vld [tilespmem:s1+$0x760];
	v5 =	vmul.f32 v5, v30  }
0x2c2: {  	v0 =	vmul.f32 v51, v33;
	[tilespmem:s1+$0x7F0] =	vst v4;
	v4 =	vld [tilespmem:s1+$0x780]  }
0x2c3: {  	v2 =	vmul.f32 v35, v30;
	[tilespmem:s1+$0x7E0] =	vst v5;
	v5 =	vld [tilespmem:s1+$0x770]  }
0x2c4: {  	v59 =	vld [tilespmem:s1+$0xD80];
	[tilespmem:s1+$0x660] =	vst v0;
	v0 =	vmul.f32 v55, v17  }
0x2c5: {  	v48 =	vld [tilespmem:s1+$0x6C0];
	[tilespmem:s1+$0x7A0] =	vst v2;
	v2 =	vmul.f32 v41, v31  }
0x2c6: {  	v26 =	vld [tilespmem:s1+$0x800];
	[tilespmem:s1+$0xDF0] =	vst v0;
	v6 =	vmul.f32 v6, v31  }
0x2c7: {  	v52 =	vld [tilespmem:s1+$0x650];
	[tilespmem:s1+$0x730] =	vst v2;
	v4 =	vmul.f32 v4, v30  }
0x2c8: {  	[tilespmem:s1+$0x760] =	vst v6;
	v6 =	vld [tilespmem:s1+$0x6F0];
	v5 =	vmul.f32 v5, v31  }
0x2c9: {  	v0 =	vmul.f32 v59, v17;
	[tilespmem:s1+$0x780] =	vst v4;
	v4 =	vld [tilespmem:s1+$0x710]  }
0x2ca: {  	v2 =	vmul.f32 v48, v32;
	[tilespmem:s1+$0x770] =	vst v5;
	v5 =	vld [tilespmem:s1+$0x700]  }
0x2cb: {  	v36 =	vld [tilespmem:s1+$0x790];
	v3 =	vmul.f32 v26, v28;
	[tilespmem:s1+$0xD80] =	vst v0  }
0x2cc: {  	[tilespmem:s1+$0x6C0] =	vst v2;
	v2 =	vmul.f32 v52, v33;
	v27 =	vld [tilespmem:s1+$0x7C0]  }
0x2cd: {  	v56 =	vld [tilespmem:s1+$0xDE0];
	[tilespmem:s1+$0x800] =	vst v3;
	v6 =	vmul.f32 v6, v32  }
0x2ce: {  	v38 =	vld [tilespmem:s1+$0x750];
	[tilespmem:s1+$0x650] =	vst v2;
	v4 =	vmul.f32 v4, v31  }
0x2cf: {  	[tilespmem:s1+$0x6F0] =	vst v6;
	v6 =	vld [tilespmem:s1+$0x680];
	v5 =	vmul.f32 v5, v31  }
0x2d0: {  	v3 =	vmul.f32 v36, v30;
	[tilespmem:s1+$0x710] =	vst v4;
	v4 =	vld [tilespmem:s1+$0x6A0]  }
0x2d1: {  	v1 =	vmul.f32 v27, v30;
	[tilespmem:s1+$0x700] =	vst v5;
	v5 =	vld [tilespmem:s1+$0x690]  }
0x2d2: {  	v43 =	vld [tilespmem:s1+$0x720];
	v2 =	vmul.f32 v56, v17;
	[tilespmem:s1+$0x790] =	vst v3  }
0x2d3: {  	v45 =	vld [tilespmem:s1+$0x6E0];
	[tilespmem:s1+$0x7C0] =	vst v1;
	v1 =	vmul.f32 v38, v31  }
0x2d4: {  	v49 =	vld [tilespmem:s1+$0x6B0];
	[tilespmem:s1+$0xDE0] =	vst v2;
	v6 =	vmul.f32 v6, v32  }
0x2d5: {  	v50 =	vld [tilespmem:s1+$0x670];
	[tilespmem:s1+$0x750] =	vst v1;
	v4 =	vmul.f32 v4, v32  }
0x2d6: {  	[tilespmem:s1+$0x680] =	vst v6;
	v6 =	vld [tilespmem:s1+$0x610];
	v5 =	vmul.f32 v5, v32  }
0x2d7: {  	v3 =	vmul.f32 v43, v31;
	[tilespmem:s1+$0x6A0] =	vst v4;
	v4 =	vld [tilespmem:s1+$0x630]  }
0x2d8: {  	v1 =	vmul.f32 v45, v32;
	[tilespmem:s1+$0x690] =	vst v5;
	v5 =	vld [tilespmem:s1+$0x620]  }
0x2d9: {  	v53 =	vld [tilespmem:s1+$0x640];
	[tilespmem:s1+$0x720] =	vst v3;
	v3 =	vmul.f32 v49, v32  }
0x2da: {  	v54 =	vld [tilespmem:s1+$0x600];
	[tilespmem:s1+$0x6E0] =	vst v1;
	v1 =	vmul.f32 v50, v33  }
0x2db: {  	v57 =	vld [tilespmem:s1+$0xDD0];
	[tilespmem:s1+$0x6B0] =	vst v3;
	v6 =	vmul.f32 v6, v33  }
0x2dc: {  	v58 =	vld [tilespmem:s1+$0xD90];
	[tilespmem:s1+$0x670] =	vst v1;
	v4 =	vmul.f32 v4, v33  }
0x2dd: {  	[tilespmem:s1+$0x610] =	vst v6;
	v6 =	vld [tilespmem:s1+$0xDA0];
	v5 =	vmul.f32 v5, v33  }
0x2de: {  	v3 =	vmul.f32 v53, v33;
	[tilespmem:s1+$0x630] =	vst v4;
	v4 =	vld [tilespmem:s1+$0xDC0]  }
0x2df: {  	v1 =	vmul.f32 v54, v33;
	[tilespmem:s1+$0x620] =	vst v5;
	v5 =	vld [tilespmem:s1+$0xDB0]  }
0x2e0: {  	[tilespmem:s1+$0x640] =	vst v3;
	v3 =	vmul.f32 v57, v17  }
0x2e1: {  	[tilespmem:s1+$0x600] =	vst v1;
	v1 =	vmul.f32 v58, v17  }
0x2e2: {  	[tilespmem:s1+$0xDD0] =	vst v3;
	v63 =	vmul.f32 v6, v17  }
0x2e3: {  	[tilespmem:s1+$0xD90] =	vst v1;
	v60 =	vmul.f32 v4, v17  }
0x2e4: {  	[tilespmem:s1+$0xDA0] =	vst v63;
	v62 =	vmul.f32 v5, v17  }
0x2e5: {  	[tilespmem:s1+$0xDC0] =	vst v60  }
0x2e6: {  	[tilespmem:s1+$0xDB0] =	vst v62  }
0x2e7: {  	[spmem:s3] =	stream.indirect.scatter.add.f32 [tilespmem:s19], [sflag:$0x2], $0x80, s18, s18, $0xb8;
	[tilespmem:$0x1EE00] =	vst v63  }
0x2e8: {  	s31 =	sadd.s32 $0x1, s31;
	_ =	swait.ge [sflag:s17], $0x4000  }
0x2e9: {  	p0 =	sne.s32 s31, $0x4F;
	[sflag:s17] =	ssyncset.done $0x0  }
.Ltmp2:
0x2ea: {  	[sflag:s17] =	ssyncadd.s32 $0xFFFFC000;
	(pc) =	sbr.rel @p0 .LBB2_4-.Ltmp2, $4  }
0x2eb: {  	[spmem:s4] =	stream.indirect.scatter.add.f32 [tilespmem:s25], [sflag:$0x2], $0x80, s28, s18, $0xb8;
	[tilespmem:$0x1EE00] =	vst v63  }
0x2ec: {  	_ =	swait.ge [sflag:s17], $0x4000  }
0x2ed: {  	[sflag:s17] =	ssyncset.done $0x0  }
0x2ee: {  	[sflag:s17] =	ssyncadd.s32 $0xFFFFC000  }
0x2ef: {  	[bflag:$0x0] =	sbarrier.arrive $0xFFFF  }
0x2f0: {  	[tilespmem:s19], [sflag:$0x1] =	stream.indirect.gather [spmem:s3], $0x80, s16, s18, $0xb8;
	[tilespmem:$0x1EE00] =	vst v63  }
0x2f1: {  	_ =	swait.ge [sflag:s26], $0x4000  }
0x2f2: {  	[sflag:s26] =	ssyncset.done $0x0  }
0x2f3: {  	[sflag:s26] =	ssyncadd.s32 $0xFFFFC000  }
0x2f4: {  	[hbm4b:s9+s5] =	stream.linear.scatter [tilespmem:s19], [sflag:$0x2], $0x4000, $0x38;
	[tilespmem:$0x1EE00] =	vst v63  }
0x2f5: {  	_ =	swait.ge [sflag:s17], $0x4000  }
0x2f6: {  	[sflag:s17] =	ssyncset.done $0x0  }
0x2f7: {  	s20 =	simm.s32 $0x280;
	[sflag:s17] =	ssyncadd.s32 $0xFFFFC000  }
0x2f8: {  	[tilespmem:s19], [sflag:$0x1] =	stream.indirect.gather [spmem:s3], $0x80, s20, s18, $0xb8;
	[tilespmem:$0x1EE00] =	vst v63  }
0x2f9: {  	_ =	swait.ge [sflag:s26], $0x4000  }
0x2fa: {  	[sflag:s26] =	ssyncset.done $0x0  }
0x2fb: {  	[sflag:s26] =	ssyncadd.s32 $0xFFFFC000  }
0x2fc: {  	[hbm4b:s10+s5] =	stream.linear.scatter [tilespmem:s19], [sflag:$0x2], $0x4000, $0x38;
	[tilespmem:$0x1EE00] =	vst v63  }
0x2fd: {  	_ =	swait.ge [sflag:s17], $0x4000  }
0x2fe: {  	[sflag:s17] =	ssyncset.done $0x0  }
0x2ff: {  	s21 =	simm.s32 $0x300;
	[sflag:s17] =	ssyncadd.s32 $0xFFFFC000  }
0x300: {  	[tilespmem:s19], [sflag:$0x1] =	stream.indirect.gather [spmem:s3], $0x80, s21, s18, $0xb8;
	[tilespmem:$0x1EE00] =	vst v63  }
0x301: {  	_ =	swait.ge [sflag:s26], $0x4000  }
0x302: {  	[sflag:s26] =	ssyncset.done $0x0  }
0x303: {  	[sflag:s26] =	ssyncadd.s32 $0xFFFFC000  }
0x304: {  	[hbm4b:s11+s5] =	stream.linear.scatter [tilespmem:s19], [sflag:$0x2], $0x4000, $0x38;
	[tilespmem:$0x1EE00] =	vst v63  }
0x305: {  	_ =	swait.ge [sflag:s17], $0x4000  }
0x306: {  	[sflag:s17] =	ssyncset.done $0x0  }
0x307: {  	[sflag:s17] =	ssyncadd.s32 $0xFFFFC000  }
0x308: {  	[tilespmem:s19], [sflag:$0x1] =	stream.indirect.gather [spmem:s3], $0x80, s22, s18, $0xb8;
	[tilespmem:$0x1EE00] =	vst v63  }
0x309: {  	_ =	swait.ge [sflag:s26], $0x4000  }
0x30a: {  	[sflag:s26] =	ssyncset.done $0x0  }
0x30b: {  	[sflag:s26] =	ssyncadd.s32 $0xFFFFC000  }
0x30c: {  	[hbm4b:s12+s5] =	stream.linear.scatter [tilespmem:s19], [sflag:$0x2], $0x4000, $0x38;
	[tilespmem:$0x1EE00] =	vst v63  }
0x30d: {  	_ =	swait.ge [sflag:s17], $0x4000  }
0x30e: {  	[sflag:s17] =	ssyncset.done $0x0  }
0x30f: {  	[sflag:s17] =	ssyncadd.s32 $0xFFFFC000  }
0x310: {  	[tilespmem:s19], [sflag:$0x1] =	stream.indirect.gather [spmem:s3], $0x80, s23, s18, $0xb8;
	[tilespmem:$0x1EE00] =	vst v63  }
0x311: {  	_ =	swait.ge [sflag:s26], $0x4000  }
0x312: {  	[sflag:s26] =	ssyncset.done $0x0  }
0x313: {  	[sflag:s26] =	ssyncadd.s32 $0xFFFFC000  }
0x314: {  	[hbm4b:s13+s5] =	stream.linear.scatter [tilespmem:s19], [sflag:$0x2], $0x4000, $0x38;
	[tilespmem:$0x1EE00] =	vst v63  }
0x315: {  	_ =	swait.ge [sflag:s17], $0x4000  }
0x316: {  	[sflag:s17] =	ssyncset.done $0x0  }
0x317: {  	[sflag:s17] =	ssyncadd.s32 $0xFFFFC000  }
0x318: {  	[tilespmem:s25], [sflag:$0x1] =	stream.indirect.gather [spmem:s4], $0x80, s24, s18, $0xb8;
	[tilespmem:$0x1EE00] =	vst v63  }
0x319: {  	s29 =	sadd.s32 $0x1, s29;
	_ =	swait.ge [sflag:s26], $0x4000  }
0x31a: {  	p0 =	sne.s32 s29, s15;
	[sflag:s26] =	ssyncset.done $0x0  }
.Ltmp3:
0x31b: {  	[sflag:s26] =	ssyncadd.s32 $0xFFFFC000;
	(pc) =	sbr.rel @p0 .LBB2_1-.Ltmp3, $4  }
0x31c: {  	[hbm4b:s14+s5] =	stream.linear.scatter [tilespmem:s25], [sflag:$0x2], $0x2800, $0x38;
	[tilespmem:$0x1EE00] =	vst v63  }
0x31d: {  	_ =	swait.ge [sflag:s17], $0x2800  }
0x31e: {  	[sflag:s17] =	ssyncset.done $0x0  }
0x31f: {  	v0 =	vimm.f32 $0.0e+00;
	[sflag:s17] =	ssyncadd.s32 $0xFFFFD800  }
0x320: {  	_ =	sfence.sel $0x180000  }
0x321: {  	[bflag:$0x0] =	sbarrier.arrive $0xFFFF  }
0x322: {  	_ =	strace $0x90000050  }
0x323: {  	s0 =	stileid.u32;
	[bflag:$0x2] =	sbarrier.arrive $0xFFFF  }
0x324: {  	p0 =	sne.s32 s0, $0x0;
	s0 =	rddreg [dreg:$0x5]  }
0x325: {  	s0 =	sadd.s32 @!p0 $0x100000, s0  }
0x326: {  	[sflag:s0] =	ssyncadd.tile.s32 @!p0 $0x1;
	_ =	shalt  }
.Lfunc_end2:
_tile_overlayer_lowered:
.L_overlay_start_2:
0x327: {  	(tag) =	ssettag $0x2  }
0x328: {  	s0 =	rddreg [dreg:$0x0];
	s2 =	stileid.u32  }
0x329: {  	s1 =	rddreg [dreg:$0x1];
	p0 =	sne.s32 s2, $0x0  }
0x32a: {  	s3 =	rddreg [dreg:$0x2];
	[bflag:$0x3] =	sbarrier.arrive $0xFFFF;
	s2 =	simm.s32 @!p0 $0x1C02  }
0x32b: {  	[timem:s3], [sflag:s2] =	dma.local @!p0 [hbm:s0], s1  }
0x32c: {  	s0 =	simm.s32 @!p0 $0x2  }
0x32d: {  	_ =	swait.ge @!p0 [sflag:s0], s1  }
0x32e: {  	s1 =	ssub.s32 @!p0 $0x0, s1;
	[sflag:s0] =	ssyncset.done @!p0 $0x0  }
0x32f: {  	[sflag:s0] =	ssyncadd.s32 @!p0 s1  }
0x330: {  	[bflag:$0x3] =	sbarrier.arrive $0xFFFF  }
0x331: {  	_ =	shalt  }

</sc_bundles>
